<compile_context>
chip_gen: v7x
topology: tpu7x:2x2x1
jax: 0.10.2.dev20260603
libtpu: 0.0.44.dev20260713+nightly
codegen_flags: <defaults>
</compile_context>

<pallas_src>
import functools

import jax
import jax.numpy as jnp
from jax import lax
from jax.experimental import pallas as pl
from jax.experimental.pallas import tpu as pltpu
from jax.experimental.pallas import tpu_sc as plsc

N = 10000
E = 320000
B = 128

NC = 2
NS = 16
NW = NC * NS
EPW = E // NW
CH = 128
NFULL = EPW // CH
REM = EPW - NFULL * CH
DEGW = 16
DRC = 80
NRC = N // DRC
MAXRC = (NRC + NS - 1) // NS

BN = 1000
NB = N // BN

_f32 = jnp.float32



@functools.lru_cache(maxsize=None)
def _sc_degree():
  dp = DEGW
  mesh = plsc.VectorSubcoreMesh(core_axis_name="c", subcore_axis_name="s")

  @functools.partial(
      pl.kernel,
      out_type=jax.ShapeDtypeStruct((NC, N, dp), _f32),
      mesh=mesh,
      scratch_types=[
          pltpu.VMEM((2, CH), jnp.int32),
          pltpu.VMEM((2, CH), jnp.int32),
          pltpu.VMEM((2, REM), jnp.int32),
          pltpu.VMEM((CH, dp), _f32),
          pltpu.SemaphoreType.DMA,
          pltpu.SemaphoreType.DMA,
          pltpu.VMEM_SHARED((N, dp), _f32),
      ],
      compiler_params=pltpu.CompilerParams(use_tc_tiling_on_sc=False),
  )
  def k(ew_hbm, ones_hbm, zeros_hbm, out_hbm,
        ib0, ib1, ibr, ones_v, si0, si1, acc_sh):
    cid = lax.axis_index("c")
    sid = lax.axis_index("s")
    wid = sid * NC + cid

    def idx_start(i, ib, sem):
      off = pl.multiple_of(i * CH, CH)
      pltpu.async_copy(ew_hbm.at[wid, :, pl.ds(off, CH)], ib, sem)

    def idx_wait(i, ib, sem):
      off = pl.multiple_of(i * CH, CH)
      pltpu.make_async_copy(ew_hbm.at[wid, :, pl.ds(off, CH)], ib, sem).wait()

    idx_start(0, ib0, si0)
    idx_start(1, ib1, si1)
    pltpu.sync_copy(ones_hbm, ones_v)

    def zbody(k, carry):
      c = sid + k * NS

      @pl.when(c < NRC)
      def _():
        r0 = pl.multiple_of(c * DRC, DRC)
        pltpu.sync_copy(zeros_hbm, acc_sh.at[pl.ds(r0, DRC)])

      return carry

    lax.fori_loop(0, MAXRC, zbody, 0)
    plsc.subcore_barrier()

    def ebody(j, carry):
      i0 = 2 * j
      idx_wait(i0, ib0, si0)
      pltpu.sync_copy(ones_v, acc_sh.at[ib0.at[1]], add=True)
      idx_start(i0 + 2, ib0, si0)
      idx_wait(i0 + 1, ib1, si1)
      pltpu.sync_copy(ones_v, acc_sh.at[ib1.at[1]], add=True)
      idx_start(jnp.minimum(i0 + 3, NFULL - 1), ib1, si1)
      return carry

    lax.fori_loop(0, (NFULL - 2) // 2, ebody, 0)
    idx_wait(NFULL - 2, ib0, si0)
    pltpu.sync_copy(ones_v, acc_sh.at[ib0.at[1]], add=True)
    idx_wait(NFULL - 1, ib1, si1)
    pltpu.sync_copy(ones_v, acc_sh.at[ib1.at[1]], add=True)
    pltpu.sync_copy(ew_hbm.at[wid, :, pl.ds(NFULL * CH, REM)], ibr)
    pltpu.sync_copy(ones_v.at[pl.ds(0, REM)], acc_sh.at[ibr.at[1]], add=True)
    plsc.subcore_barrier()

    def dbody(k, carry):
      c = sid + k * NS

      @pl.when(c < NRC)
      def _():
        r0 = pl.multiple_of(c * DRC, DRC)
        pltpu.sync_copy(acc_sh.at[pl.ds(r0, DRC)], out_hbm.at[cid, pl.ds(r0, DRC)])

      return carry

    lax.fori_loop(0, MAXRC, dbody, 0)

  return k


@functools.lru_cache(maxsize=None)
def _sc_scatter(dp: int):
  mesh = plsc.VectorSubcoreMesh(core_axis_name="c", subcore_axis_name="s")

  @functools.partial(
      pl.kernel,
      out_type=jax.ShapeDtypeStruct((NC, N, dp), _f32),
      mesh=mesh,
      scratch_types=[
          pltpu.VMEM((2, CH), jnp.int32),
          pltpu.VMEM((2, CH), jnp.int32),
          pltpu.VMEM((2, REM), jnp.int32),
          pltpu.VMEM((CH, dp), _f32),
          pltpu.VMEM((CH, dp), _f32),
          pltpu.VMEM((REM, dp), _f32),
          pltpu.SemaphoreType.DMA,
          pltpu.SemaphoreType.DMA,
          pltpu.SemaphoreType.DMA,
          pltpu.SemaphoreType.DMA,
          pltpu.VMEM_SHARED((N, dp), _f32),
      ],
      compiler_params=pltpu.CompilerParams(use_tc_tiling_on_sc=False),
  )
  def k(hs_hbm, ew_hbm, zeros_hbm, out_hbm,
        ib0, ib1, ibr, rows0, rows1, rowsr, si0, si1, sg0, sg1, acc_sh):
    cid = lax.axis_index("c")
    sid = lax.axis_index("s")
    wid = sid * NC + cid

    def idx_start(i, ib, sem):
      off = pl.multiple_of(i * CH, CH)
      pltpu.async_copy(ew_hbm.at[wid, :, pl.ds(off, CH)], ib, sem)

    def idx_wait(i, ib, sem):
      off = pl.multiple_of(i * CH, CH)
      pltpu.make_async_copy(ew_hbm.at[wid, :, pl.ds(off, CH)], ib, sem).wait()

    idx_start(0, ib0, si0)
    idx_start(1, ib1, si1)
    pltpu.sync_copy(zeros_hbm, rows0.at[pl.ds(0, DRC)])

    def zbody(k, carry):
      c = sid + k * NS

      @pl.when(c < NRC)
      def _():
        r0 = pl.multiple_of(c * DRC, DRC)
        pltpu.sync_copy(rows0.at[pl.ds(0, DRC)], acc_sh.at[pl.ds(r0, DRC)])

      return carry

    lax.fori_loop(0, MAXRC, zbody, 0)
    plsc.subcore_barrier()

    idx_wait(0, ib0, si0)
    pltpu.async_copy(hs_hbm.at[ib0.at[0]], rows0, sg0)

    def ebody(j, carry):
      i0 = 2 * j
      pltpu.make_async_copy(hs_hbm.at[ib0.at[0]], rows0, sg0).wait()
      idx_wait(i0 + 1, ib1, si1)
      pltpu.async_copy(hs_hbm.at[ib1.at[0]], rows1, sg1)
      pltpu.sync_copy(rows0, acc_sh.at[ib0.at[1]], add=True)
      idx_start(i0 + 2, ib0, si0)
      pltpu.make_async_copy(hs_hbm.at[ib1.at[0]], rows1, sg1).wait()
      idx_wait(i0 + 2, ib0, si0)
      pltpu.async_copy(hs_hbm.at[ib0.at[0]], rows0, sg0)
      pltpu.sync_copy(rows1, acc_sh.at[ib1.at[1]], add=True)
      idx_start(jnp.minimum(i0 + 3, NFULL - 1), ib1, si1)
      return carry

    lax.fori_loop(0, (NFULL - 2) // 2, ebody, 0)
    pltpu.make_async_copy(hs_hbm.at[ib0.at[0]], rows0, sg0).wait()
    idx_wait(NFULL - 1, ib1, si1)
    pltpu.async_copy(hs_hbm.at[ib1.at[0]], rows1, sg1)
    pltpu.sync_copy(rows0, acc_sh.at[ib0.at[1]], add=True)
    pltpu.sync_copy(ew_hbm.at[wid, :, pl.ds(NFULL * CH, REM)], ibr)
    pltpu.make_async_copy(hs_hbm.at[ib1.at[0]], rows1, sg1).wait()
    pltpu.async_copy(hs_hbm.at[ibr.at[0]], rowsr, sg0)
    pltpu.sync_copy(rows1, acc_sh.at[ib1.at[1]], add=True)
    pltpu.make_async_copy(hs_hbm.at[ibr.at[0]], rowsr, sg0).wait()
    pltpu.sync_copy(rowsr, acc_sh.at[ibr.at[1]], add=True)
    plsc.subcore_barrier()

    def dbody(k, carry):
      c = sid + k * NS

      @pl.when(c < NRC)
      def _():
        r0 = pl.multiple_of(c * DRC, DRC)
        pltpu.sync_copy(acc_sh.at[pl.ds(r0, DRC)], out_hbm.at[cid, pl.ds(r0, DRC)])

      return carry

    lax.fori_loop(0, MAXRC, dbody, 0)

  return k



def _prep_body(x_ref, w_ref, degp_ref, ts_ref, dinv_ref):
  deg = degp_ref[0][:, 0:1] + degp_ref[1][:, 0:1] + 1.0
  dinv = deg ** -0.5
  dinv_ref[...] = dinv
  t = jnp.dot(x_ref[...], w_ref[...], preferred_element_type=_f32)
  ts_ref[...] = t * dinv


def _prep_call(x, w0p, degp):
  return pl.pallas_call(
      _prep_body,
      grid=(NB,),
      in_specs=[
          pl.BlockSpec((BN, 128), lambda i: (i, 0)),
          pl.BlockSpec((128, 112), lambda i: (0, 0)),
          pl.BlockSpec((2, BN, 16), lambda i: (0, i, 0)),
      ],
      out_specs=[
          pl.BlockSpec((BN, 112), lambda i: (i, 0)),
          pl.BlockSpec((BN, 1), lambda i: (i, 0)),
      ],
      out_shape=[
          jax.ShapeDtypeStruct((N, 112), _f32),
          jax.ShapeDtypeStruct((N, 1), _f32),
      ],
  )(x, w0p, degp)


def _comb_body(acc_ref, ts_ref, dinv_ref, b_ref, out_ref):
  dinv = dinv_ref[...]
  h = jnp.maximum((acc_ref[0] + acc_ref[1] + ts_ref[...]) * dinv + b_ref[...],
                  0.0)
  out_ref[...] = h * dinv


def _comb_call(acc, ts, dinv, bp):
  d = ts.shape[1]
  return pl.pallas_call(
      _comb_body,
      grid=(NB,),
      in_specs=[
          pl.BlockSpec((2, BN, d), lambda i: (0, i, 0)),
          pl.BlockSpec((BN, d), lambda i: (i, 0)),
          pl.BlockSpec((BN, 1), lambda i: (i, 0)),
          pl.BlockSpec((1, d), lambda i: (0, 0)),
      ],
      out_specs=pl.BlockSpec((BN, d), lambda i: (i, 0)),
      out_shape=jax.ShapeDtypeStruct((N, d), _f32),
  )(acc, ts, dinv, bp)


def _mm2_body(acc_ref, ts_ref, dinv_ref, w1_ref, b1_ref, w2_ref, out_ref):
  dinv = dinv_ref[...]
  p = (acc_ref[0] + acc_ref[1] + ts_ref[...]) * dinv
  h = jnp.maximum(
      jnp.dot(p, w1_ref[...], preferred_element_type=_f32) + b1_ref[...], 0.0)
  t = jnp.dot(h, w2_ref[...], preferred_element_type=_f32)
  out_ref[...] = t * dinv


def _mm2_call(acc, ts, dinv, w1p, b1, w2p):
  din = ts.shape[1]
  dmid = w1p.shape[1]
  dout = w2p.shape[1]
  return pl.pallas_call(
      _mm2_body,
      grid=(NB,),
      in_specs=[
          pl.BlockSpec((2, BN, din), lambda i: (0, i, 0)),
          pl.BlockSpec((BN, din), lambda i: (i, 0)),
          pl.BlockSpec((BN, 1), lambda i: (i, 0)),
          pl.BlockSpec((din, dmid), lambda i: (0, 0)),
          pl.BlockSpec((1, dmid), lambda i: (0, 0)),
          pl.BlockSpec((dmid, dout), lambda i: (0, 0)),
      ],
      out_specs=pl.BlockSpec((BN, dout), lambda i: (i, 0)),
      out_shape=jax.ShapeDtypeStruct((N, dout), _f32),
  )(acc, ts, dinv, w1p, b1, w2p)


def _mm1_body(acc_ref, ts_ref, dinv_ref, b_ref, w_ref, out_ref):
  dinv = dinv_ref[...]
  h = jnp.maximum((acc_ref[0] + acc_ref[1] + ts_ref[...]) * dinv + b_ref[...],
                  0.0)
  t = jnp.dot(h, w_ref[...], preferred_element_type=_f32)
  out_ref[...] = t * dinv


def _mm1_call(acc, ts, dinv, bp, wp):
  din = ts.shape[1]
  dout = wp.shape[1]
  return pl.pallas_call(
      _mm1_body,
      grid=(NB,),
      in_specs=[
          pl.BlockSpec((2, BN, din), lambda i: (0, i, 0)),
          pl.BlockSpec((BN, din), lambda i: (i, 0)),
          pl.BlockSpec((BN, 1), lambda i: (i, 0)),
          pl.BlockSpec((1, din), lambda i: (0, 0)),
          pl.BlockSpec((din, dout), lambda i: (0, 0)),
      ],
      out_specs=pl.BlockSpec((BN, dout), lambda i: (i, 0)),
      out_shape=jax.ShapeDtypeStruct((N, dout), _f32),
  )(acc, ts, dinv, bp, wp)


def _final_body(acc_ref, ts_ref, dinv_ref, bm_ref, b3_ref,
                wd0_ref, bd0_ref, wd1_ref, bd1_ref, wd2_ref, bd2_ref,
                wd3_ref, bd3_ref, wn_ref, bnn_ref,
                t_ref, mfa_ref, mfw_ref,
                outa_ref, outw_ref, g_ref):
  i = pl.program_id(0)
  dinv = dinv_ref[...]
  h4 = jnp.maximum((acc_ref[0] + acc_ref[1] + ts_ref[...]) * dinv + b3_ref[...],
                   0.0)
  onehot = (bm_ref[...] == lax.broadcasted_iota(jnp.int32, (BN, B), 1)
            ).astype(_f32)
  contrib = lax.dot_general(onehot, h4, (((0,), (0,)), ((), ())),
                            preferred_element_type=_f32)

  @pl.when(i == 0)
  def _():
    g_ref[...] = contrib

  @pl.when(i > 0)
  def _():
    g_ref[...] = g_ref[...] + contrib

  @pl.when(i == pl.num_programs(0) - 1)
  def _():
    g = jnp.maximum(g_ref[...], 0.0)
    g = jnp.maximum(
        jnp.dot(g, wd0_ref[...], preferred_element_type=_f32) + bd0_ref[...],
        0.0)
    g = jnp.maximum(
        jnp.dot(g, wd1_ref[...], preferred_element_type=_f32) + bd1_ref[...],
        0.0)
    g = jnp.maximum(
        jnp.dot(g, wd2_ref[...], preferred_element_type=_f32) + bd2_ref[...],
        0.0)
    g = jnp.maximum(
        jnp.dot(g, wd3_ref[...], preferred_element_type=_f32) + bd3_ref[...],
        0.0)
    coef = jnp.dot(g, wn_ref[...], preferred_element_type=_f32) + bnn_ref[...]
    alpha = coef[:, 0:1]
    b12 = coef[:, 1:2]
    b21 = coef[:, 2:3]
    sig = 1.0 / (1.0 + jnp.exp(-alpha))
    alpha = 0.2 * (1.0 + sig / 10.0 * (0.47 / 0.2))
    r_t = 62.36367 * (t_ref[...] + 273.15)
    tau12 = b12 / r_t
    tau21 = b21 / r_t
    g12 = jnp.exp(-tau12 * alpha)
    g21 = jnp.exp(-tau21 * alpha)
    mfa = mfa_ref[...]
    mfw = mfw_ref[...]
    den12 = mfw + mfa * g12
    den21 = mfa + mfw * g21
    q12 = g12 / den12
    q21 = g21 / den21
    outa_ref[...] = mfw * mfw * (tau21 * q21 * q21 + tau12 * g12 / (den12 * den12))
    outw_ref[...] = mfa * mfa * (tau12 * q12 * q12 + tau21 * g21 / (den21 * den21))


def _final_call(acc, ts, dinv, bm2, b3p, wd0p, bd0, wd1, bd1, wd2, bd2,
                wd3, bd3, wn, bnn, temp, mfa, mfw):
  full = lambda shape: pl.BlockSpec(shape, lambda i: tuple(0 for _ in shape))
  return pl.pallas_call(
      _final_body,
      grid=(NB,),
      in_specs=[
          pl.BlockSpec((2, BN, 144), lambda i: (0, i, 0)),
          pl.BlockSpec((BN, 144), lambda i: (i, 0)),
          pl.BlockSpec((BN, 1), lambda i: (i, 0)),
          pl.BlockSpec((BN, 1), lambda i: (i, 0)),
          full((1, 144)),
          full((144, 260)), full((1, 260)),
          full((260, 60)), full((1, 60)),
          full((60, 180)), full((1, 180)),
          full((180, 100)), full((1, 100)),
          full((100, 3)), full((1, 3)),
          full((B, 1)), full((B, 1)), full((B, 1)),
      ],
      out_specs=[
          pl.BlockSpec((B, 1), lambda i: (0, 0)),
          pl.BlockSpec((B, 1), lambda i: (0, 0)),
      ],
      out_shape=[
          jax.ShapeDtypeStruct((B, 1), _f32),
          jax.ShapeDtypeStruct((B, 1), _f32),
      ],
      scratch_shapes=[pltpu.VMEM((B, 144), _f32)],
  )(acc, ts, dinv, bm2, b3p, wd0p, bd0, wd1, bd1, wd2, bd2, wd3, bd3,
    wn, bnn, temp, mfa, mfw)



def kernel(x, edge_indices, batch_mapping, temperature, mean, std,
           mole_frac_amine, mole_frac_water,
           Wg0, bg0, Wg1, bg1, Wg2, bg2, Wg3, bg3,
           Wd0, bd0, Wd1, bd1, Wd2, bd2, Wd3, bd3, Wn, bn):
  ew = edge_indices.reshape(2, NW, EPW).transpose(1, 0, 2)

  ones16 = jnp.ones((CH, DEGW), _f32)
  z16 = jnp.zeros((DRC, DEGW), _f32)
  z112 = jnp.zeros((DRC, 112), _f32)
  z144 = jnp.zeros((DRC, 144), _f32)

  degp = _sc_degree()(ew, ones16, z16)

  w0p = jnp.pad(Wg0, ((0, 0), (0, 12)))
  ts0, dinv = _prep_call(x, w0p, degp)
  acc0 = _sc_scatter(112)(ts0, ew, z112)

  b0p = jnp.pad(bg0, (0, 12)).reshape(1, 112)
  ts1 = _comb_call(acc0, ts0, dinv, b0p)
  acc1 = _sc_scatter(112)(ts1, ew, z112)

  w1p = jnp.pad(Wg1, ((0, 12), (0, 0)))
  w2p = jnp.pad(Wg2, ((0, 0), (0, 4)))
  ts2 = _mm2_call(acc1, ts1, dinv, w1p, bg1.reshape(1, 420), w2p)
  acc2 = _sc_scatter(144)(ts2, ew, z144)

  b2p = jnp.pad(bg2, (0, 4)).reshape(1, 144)
  w3p = jnp.pad(Wg3, ((0, 4), (0, 4)))
  ts3 = _mm1_call(acc2, ts2, dinv, b2p, w3p)
  acc3 = _sc_scatter(144)(ts3, ew, z144)

  b3p = jnp.pad(bg3, (0, 4)).reshape(1, 144)
  wd0p = jnp.pad(Wd0, ((0, 4), (0, 0)))
  ln_a, ln_w = _final_call(
      acc3, ts3, dinv, batch_mapping.reshape(N, 1).astype(jnp.int32), b3p,
      wd0p, bd0.reshape(1, -1), Wd1, bd1.reshape(1, -1),
      Wd2, bd2.reshape(1, -1), Wd3, bd3.reshape(1, -1),
      Wn, bn.reshape(1, -1), temperature.reshape(B, 1),
      mole_frac_amine.reshape(B, 1), mole_frac_water.reshape(B, 1))
  return ln_a.reshape(B), ln_w.reshape(B)

# --- scband reference (transcript-rebuilt; emitter-appended) ---
"""Pipeline reference for scband-gnn-activity-coeff-30451318129172 (READ-ONLY COPY).

The authoritative reference and input builder live on the scoring server;
editing this copy changes nothing except your own understanding.
"""

import jax, jax.numpy as jnp
import numpy as np

N = 10000
E = 320000
B = 128
GCN_DIMS = [128, 100, 420, 140, 140]
DENSE_DIMS = [140, 260, 60, 180, 100]


def setup_inputs(seed: int = 0) -> dict:
    key = jax.random.key(seed)
    ks = jax.random.split(key, 64)
    inp = {}
    inp["x"] = jax.random.normal(ks[0], (N, GCN_DIMS[0]), dtype=jnp.float32)
    inp["edge_indices"] = jax.random.randint(ks[1], (2, E), 0, N, dtype=jnp.int32)
    inp["batch_mapping"] = jnp.sort(jax.random.randint(ks[2], (N,), 0, B, dtype=jnp.int32))
    inp["temperature"] = jax.random.uniform(ks[3], (B,), dtype=jnp.float32) * 60.0 + 20.0
    inp["mean"] = jax.random.normal(ks[4], (B,), dtype=jnp.float32)
    inp["std"] = jax.random.uniform(ks[5], (B,), dtype=jnp.float32)
    mf = jax.random.uniform(ks[6], (B,), dtype=jnp.float32) * 0.8 + 0.1
    inp["mole_frac_amine"] = mf
    inp["mole_frac_water"] = 1.0 - mf
    ki = 7
    for i in range(4):
        inp["Wg%d" % i] = jax.random.normal(ks[ki], (GCN_DIMS[i], GCN_DIMS[i + 1]), dtype=jnp.float32) / np.sqrt(GCN_DIMS[i]).astype(np.float32)
        ki += 1
        inp["bg%d" % i] = jnp.zeros((GCN_DIMS[i + 1],), dtype=jnp.float32)
    for i in range(4):
        inp["Wd%d" % i] = jax.random.normal(ks[ki], (DENSE_DIMS[i], DENSE_DIMS[i + 1]), dtype=jnp.float32) / np.sqrt(DENSE_DIMS[i]).astype(np.float32)
        ki += 1
        inp["bd%d" % i] = jnp.zeros((DENSE_DIMS[i + 1],), dtype=jnp.float32)
    inp["Wn"] = jax.random.normal(ks[ki], (DENSE_DIMS[-1], 3), dtype=jnp.float32) / np.sqrt(DENSE_DIMS[-1]).astype(np.float32)
    inp["bn"] = jnp.zeros((3,), dtype=jnp.float32)
    return inp


def _gcn_conv(x, edge_index, W, b):
    n = x.shape[0]
    loops = jnp.arange(n, dtype=edge_index.dtype)
    row = jnp.concatenate([edge_index[0], loops])
    col = jnp.concatenate([edge_index[1], loops])
    deg = jax.ops.segment_sum(jnp.ones(row.shape[0], dtype=x.dtype), col, num_segments=n)
    dinv = jnp.where(deg > 0, deg ** -0.5, 0.0)
    norm = dinv[row] * dinv[col]
    h = x @ W
    out = jax.ops.segment_sum(h[row] * norm[:, None], col, num_segments=n)
    return out + b


def _forward(x, edge_indices, batch_mapping, temperature, mole_frac_amine, mole_frac_water, gcn_params, dense_params, Wn, bn):
    h = x
    for (W, b) in gcn_params:
        h = jax.nn.relu(_gcn_conv(h, edge_indices, W, b))
    g = jax.ops.segment_sum(h, batch_mapping, num_segments=B)
    g = jax.nn.relu(g)
    for (W, b) in dense_params:
        g = jax.nn.relu(g @ W + b)
    coef = g @ Wn + bn
    alpha = coef[:, 0]
    b12 = coef[:, 1]
    b21 = coef[:, 2]
    alpha_min = 0.2
    alpha_max = 0.47
    alpha = alpha_min * (1.0 + jax.nn.sigmoid(alpha) / 10.0 * (alpha_max / alpha_min))
    R = 62.36367
    T = temperature + 273.15
    tau12 = b12 / (R * T)
    tau21 = b21 / (R * T)
    G12 = jnp.exp(-tau12 * alpha)
    G21 = jnp.exp(-tau21 * alpha)
    ln_gamma_amine = mole_frac_water ** 2 * (tau21 * (G21 / (mole_frac_amine + mole_frac_water * G21)) ** 2 + tau12 * G12 / (mole_frac_water + mole_frac_amine * G12) ** 2)
    ln_gamma_water = mole_frac_amine ** 2 * (tau12 * (G12 / (mole_frac_water + mole_frac_amine * G12)) ** 2 + tau21 * G21 / (mole_frac_amine + mole_frac_water * G21) ** 2)
    return (ln_gamma_amine, ln_gamma_water)


def reference(x, edge_indices, batch_mapping, temperature, mean, std, mole_frac_amine, mole_frac_water, Wg0, bg0, Wg1, bg1, Wg2, bg2, Wg3, bg3, Wd0, bd0, Wd1, bd1, Wd2, bd2, Wd3, bd3, Wn, bn):
    gcn_params = [(Wg0, bg0), (Wg1, bg1), (Wg2, bg2), (Wg3, bg3)]
    dense_params = [(Wd0, bd0), (Wd1, bd1), (Wd2, bd2), (Wd3, bd3)]
    return _forward(x, edge_indices, batch_mapping, temperature, mole_frac_amine, mole_frac_water, gcn_params, dense_params, Wn, bn)

if __name__ == "__main__":
    import jax
    _d = setup_inputs()
    print(jax.jit(kernel)(*tuple(_d.values())))

</pallas_src>

<mosaic_0001>
#map = affine_map<(d0, d1) -> (0, 0, 0)>
#map1 = affine_map<(d0, d1) -> (0, 0)>
module attributes {stable_mosaic.version = 14 : i64} {
  func.func @k(%arg0: i32, %arg1: i32, %arg2: memref<32x2x10000xi32, #tpu.memory_space<hbm>>, %arg3: memref<128x16xf32, #tpu.memory_space<hbm>>, %arg4: memref<80x16xf32, #tpu.memory_space<hbm>>, %arg5: memref<2x10000x16xf32, #tpu.memory_space<hbm>>, %arg6: memref<2x128xi32, #tpu.memory_space<vmem>>, %arg7: memref<2x128xi32, #tpu.memory_space<vmem>>, %arg8: memref<2x16xi32, #tpu.memory_space<vmem>>, %arg9: memref<128x16xf32, #tpu.memory_space<vmem>>, %arg10: memref<!tpu.dma_semaphore, #tpu.memory_space<semaphore_mem>>, %arg11: memref<!tpu.dma_semaphore, #tpu.memory_space<semaphore_mem>>, %arg12: memref<10000x16xf32, #tpu.memory_space<vmem_shared>>) attributes {dimension_semantics = [#tpu.dimension_semantics<core_parallel>, #tpu.dimension_semantics<subcore_parallel>], iteration_bounds = array<i64: 2, 16>, scalar_prefetch = 0 : i64, scratch_operands = 7 : i64, tpu.core_type = #tpu.core_type<sc_vector_subcore>, window_params = [{transform_indices = #map}, {transform_indices = #map1}, {transform_indices = #map1}, {transform_indices = #map}]} {
    %mul3A = arith.constant 2 : i32
    %mul3A_0 = arith.muli %arg1, %mul3A : i32
    %add3A = arith.addi %mul3A_0, %arg0 : i32
    %multiple_of3A = arith.constant 0 : i32
    %multiple_of3A_1 = tpu.assume_multiple %multiple_of3A, 128 : i32
    %dma_start3A = arith.constant 0 : i32
    %dma_start3A_2 = tpu.memref_slice %arg2[%add3A, %dma_start3A, %multiple_of3A_1] : memref<32x2x10000xi32, #tpu.memory_space<hbm>> -> memref<1x2x128xi32, #tpu.memory_space<hbm>>
    %dma_start3A_3 = tpu.memref_squeeze %dma_start3A_2 : memref<1x2x128xi32, #tpu.memory_space<hbm>> -> memref<2x128xi32, #tpu.memory_space<hbm>>
    %dma_start3A_4 = arith.constant 0 : i32
    %dma_start3A_5 = tpu.memref_slice %arg2[%add3A, %dma_start3A_4, %multiple_of3A_1] : memref<32x2x10000xi32, #tpu.memory_space<hbm>> -> memref<1x2x128xi32, #tpu.memory_space<hbm>>
    %dma_start3A_6 = tpu.memref_squeeze %dma_start3A_5 : memref<1x2x128xi32, #tpu.memory_space<hbm>> -> memref<2x128xi32, #tpu.memory_space<hbm>>
    tpu.enqueue_dma source(%dma_start3A_6 : memref<2x128xi32, #tpu.memory_space<hbm>>) target(%arg6 : memref<2x128xi32, #tpu.memory_space<vmem>>) target_semaphore(%arg10 : memref<!tpu.dma_semaphore, #tpu.memory_space<semaphore_mem>>)
    %multiple_of3A_7 = arith.constant 128 : i32
    %multiple_of3A_8 = tpu.assume_multiple %multiple_of3A_7, 128 : i32
    %dma_start3A_9 = arith.constant 0 : i32
    %dma_start3A_10 = tpu.memref_slice %arg2[%add3A, %dma_start3A_9, %multiple_of3A_8] : memref<32x2x10000xi32, #tpu.memory_space<hbm>> -> memref<1x2x128xi32, #tpu.memory_space<hbm>>
    %dma_start3A_11 = tpu.memref_squeeze %dma_start3A_10 : memref<1x2x128xi32, #tpu.memory_space<hbm>> -> memref<2x128xi32, #tpu.memory_space<hbm>>
    %dma_start3A_12 = arith.constant 0 : i32
    %dma_start3A_13 = tpu.memref_slice %arg2[%add3A, %dma_start3A_12, %multiple_of3A_8] : memref<32x2x10000xi32, #tpu.memory_space<hbm>> -> memref<1x2x128xi32, #tpu.memory_space<hbm>>
    %dma_start3A_14 = tpu.memref_squeeze %dma_start3A_13 : memref<1x2x128xi32, #tpu.memory_space<hbm>> -> memref<2x128xi32, #tpu.memory_space<hbm>>
    tpu.enqueue_dma source(%dma_start3A_14 : memref<2x128xi32, #tpu.memory_space<hbm>>) target(%arg7 : memref<2x128xi32, #tpu.memory_space<vmem>>) target_semaphore(%arg11 : memref<!tpu.dma_semaphore, #tpu.memory_space<semaphore_mem>>)
    "tpu.region"() ({
      %run_scoped3A_50 = tpu.sem_alloc : memref<!tpu.dma_semaphore, #tpu.memory_space<semaphore_mem>>
      tpu.enqueue_dma source(%arg3 : memref<128x16xf32, #tpu.memory_space<hbm>>) target(%arg9 : memref<128x16xf32, #tpu.memory_space<vmem>>) target_semaphore(%run_scoped3A_50 : memref<!tpu.dma_semaphore, #tpu.memory_space<semaphore_mem>>)
      tpu.wait_dma2 semaphore(%run_scoped3A_50 : memref<!tpu.dma_semaphore, #tpu.memory_space<semaphore_mem>>) src(%arg3 : memref<128x16xf32, #tpu.memory_space<hbm>>) dst(%arg9 : memref<128x16xf32, #tpu.memory_space<vmem>>)
      tpu.yield
    }) : () -> ()
    %scan3A = arith.constant 0 : i32
    %scan3A_15 = arith.constant 0 : i32
    %scan3A_16 = arith.constant 8 : i32
    %scan3A_17 = arith.addi %scan3A_15, %scan3A_16 : i32
    %scan3A_18 = arith.constant 1 : i32
    scf.for %scan3A_50 = %scan3A_15 to %scan3A_17 step %scan3A_18  : i32 {
      %mul3A_51 = arith.constant 16 : i32
      %mul3A_52 = arith.muli %scan3A_50, %mul3A_51 : i32
      %add3A_53 = arith.addi %arg1, %mul3A_52 : i32
      %lt3A = arith.constant 125 : i32
      %lt3A_54 = arith.cmpi slt, %add3A_53, %lt3A : i32
      %convert_element_type3A = arith.extui %lt3A_54 : i1 to i32
      %cond3A = arith.constant 0 : i32
      %cond3A_55 = arith.cmpi ne, %convert_element_type3A, %cond3A : i32
      scf.if %cond3A_55 {
        %mul3A_56 = arith.constant 80 : i32
        %mul3A_57 = arith.muli %add3A_53, %mul3A_56 : i32
        %multiple_of3A_58 = tpu.assume_multiple %mul3A_57, 80 : i32
        "tpu.region"() ({
          %run_scoped3A_59 = tpu.sem_alloc : memref<!tpu.dma_semaphore, #tpu.memory_space<semaphore_mem>>
          %dma_start3A_60 = arith.constant 0 : i32
          %dma_start3A_61 = tpu.memref_slice %arg12[%multiple_of3A_58, %dma_start3A_60] : memref<10000x16xf32, #tpu.memory_space<vmem_shared>> -> memref<80x16xf32, #tpu.memory_space<vmem_shared>>
          tpu.enqueue_dma source(%arg4 : memref<80x16xf32, #tpu.memory_space<hbm>>) target(%dma_start3A_61 : memref<80x16xf32, #tpu.memory_space<vmem_shared>>) target_semaphore(%run_scoped3A_59 : memref<!tpu.dma_semaphore, #tpu.memory_space<semaphore_mem>>)
          %dma_wait3A_62 = arith.constant 0 : i32
          %dma_wait3A_63 = tpu.memref_slice %arg12[%multiple_of3A_58, %dma_wait3A_62] : memref<10000x16xf32, #tpu.memory_space<vmem_shared>> -> memref<80x16xf32, #tpu.memory_space<vmem_shared>>
          tpu.wait_dma2 semaphore(%run_scoped3A_59 : memref<!tpu.dma_semaphore, #tpu.memory_space<semaphore_mem>>) src(%arg4 : memref<80x16xf32, #tpu.memory_space<hbm>>) dst(%dma_wait3A_63 : memref<80x16xf32, #tpu.memory_space<vmem_shared>>)
          tpu.yield
        }) : () -> ()
      } else {
      }
    }
    %scan3A_19 = arith.constant 8 : i32
    %barrier3A = arith.constant 0 : index
    tpu.barrier barrier_id(%barrier3A)
    %scan3A_20 = arith.constant 0 : i32
    %scan3A_21 = arith.constant 0 : i32
    %scan3A_22 = arith.constant 38 : i32
    %scan3A_23 = arith.addi %scan3A_21, %scan3A_22 : i32
    %scan3A_24 = arith.constant 1 : i32
    scf.for %scan3A_50 = %scan3A_21 to %scan3A_23 step %scan3A_24  : i32 {
      %mul3A_51 = arith.constant 2 : i32
      %mul3A_52 = arith.muli %mul3A_51, %scan3A_50 : i32
      %mul3A_53 = arith.constant 128 : i32
      %mul3A_54 = arith.muli %mul3A_52, %mul3A_53 : i32
      %multiple_of3A_55 = tpu.assume_multiple %mul3A_54, 128 : i32
      %dma_wait3A_56 = arith.constant 0 : i32
      %dma_wait3A_57 = tpu.memref_slice %arg2[%add3A, %dma_wait3A_56, %multiple_of3A_55] : memref<32x2x10000xi32, #tpu.memory_space<hbm>> -> memref<1x2x128xi32, #tpu.memory_space<hbm>>
      %dma_wait3A_58 = tpu.memref_squeeze %dma_wait3A_57 : memref<1x2x128xi32, #tpu.memory_space<hbm>> -> memref<2x128xi32, #tpu.memory_space<hbm>>
      %dma_wait3A_59 = arith.constant 0 : i32
      %dma_wait3A_60 = tpu.memref_slice %arg2[%add3A, %dma_wait3A_59, %multiple_of3A_55] : memref<32x2x10000xi32, #tpu.memory_space<hbm>> -> memref<1x2x128xi32, #tpu.memory_space<hbm>>
      %dma_wait3A_61 = tpu.memref_squeeze %dma_wait3A_60 : memref<1x2x128xi32, #tpu.memory_space<hbm>> -> memref<2x128xi32, #tpu.memory_space<hbm>>
      tpu.wait_dma2 semaphore(%arg10 : memref<!tpu.dma_semaphore, #tpu.memory_space<semaphore_mem>>) src(%dma_wait3A_61 : memref<2x128xi32, #tpu.memory_space<hbm>>) dst(%arg6 : memref<2x128xi32, #tpu.memory_space<vmem>>)
      %run_scoped3A_62 = arith.constant 1 : i32
      "tpu.region"() ({
        %run_scoped3A_98 = tpu.sem_alloc : memref<!tpu.dma_semaphore, #tpu.memory_space<semaphore_mem>>
        %dma_start3A_99 = arith.constant 0 : i32
        %dma_start3A_100 = tpu.memref_slice %arg6[%run_scoped3A_62, %dma_start3A_99] : memref<2x128xi32, #tpu.memory_space<vmem>> -> memref<1x128xi32, #tpu.memory_space<vmem>>
        %dma_start3A_101 = tpu.memref_squeeze %dma_start3A_100 : memref<1x128xi32, #tpu.memory_space<vmem>> -> memref<128xi32, #tpu.memory_space<vmem>>
        %dma_start3A_102 = arith.constant 0 : i32
        %dma_start3A_103 = arith.constant 0 : i32
        %dma_start3A_104 = tpu.memref_slice %arg12[%dma_start3A_102, %dma_start3A_103] : memref<10000x16xf32, #tpu.memory_space<vmem_shared>> -> memref<10000x16xf32, #tpu.memory_space<vmem_shared>>
        tpu.enqueue_indirect_dma source(%arg9 : memref<128x16xf32, #tpu.memory_space<vmem>>) target(%dma_start3A_104 : memref<10000x16xf32, #tpu.memory_space<vmem_shared>>) offsets(%dma_start3A_101 : memref<128xi32, #tpu.memory_space<vmem>>) semaphore(%run_scoped3A_98 : memref<!tpu.dma_semaphore, #tpu.memory_space<semaphore_mem>>) {add = true}
        %dma_wait3A_105 = arith.constant 0 : i32
        %dma_wait3A_106 = tpu.memref_slice %arg6[%run_scoped3A_62, %dma_wait3A_105] : memref<2x128xi32, #tpu.memory_space<vmem>> -> memref<1x128xi32, #tpu.memory_space<vmem>>
        %dma_wait3A_107 = tpu.memref_squeeze %dma_wait3A_106 : memref<1x128xi32, #tpu.memory_space<vmem>> -> memref<128xi32, #tpu.memory_space<vmem>>
        %dma_wait3A_108 = arith.constant 0 : i32
        %dma_wait3A_109 = arith.constant 0 : i32
        %dma_wait3A_110 = tpu.memref_slice %arg12[%dma_wait3A_108, %dma_wait3A_109] : memref<10000x16xf32, #tpu.memory_space<vmem_shared>> -> memref<10000x16xf32, #tpu.memory_space<vmem_shared>>
        tpu.wait_indirect_dma semaphore(%run_scoped3A_98 : memref<!tpu.dma_semaphore, #tpu.memory_space<semaphore_mem>>) src(%arg9 : memref<128x16xf32, #tpu.memory_space<vmem>>) dst(%dma_wait3A_110 : memref<10000x16xf32, #tpu.memory_space<vmem_shared>>)
        tpu.yield
      }) : () -> ()
      %add3A_63 = arith.constant 2 : i32
      %add3A_64 = arith.addi %mul3A_52, %add3A_63 : i32
      %mul3A_65 = arith.constant 128 : i32
      %mul3A_66 = arith.muli %add3A_64, %mul3A_65 : i32
      %multiple_of3A_67 = tpu.assume_multiple %mul3A_66, 128 : i32
      %dma_start3A_68 = arith.constant 0 : i32
      %dma_start3A_69 = tpu.memref_slice %arg2[%add3A, %dma_start3A_68, %multiple_of3A_67] : memref<32x2x10000xi32, #tpu.memory_space<hbm>> -> memref<1x2x128xi32, #tpu.memory_space<hbm>>
      %dma_start3A_70 = tpu.memref_squeeze %dma_start3A_69 : memref<1x2x128xi32, #tpu.memory_space<hbm>> -> memref<2x128xi32, #tpu.memory_space<hbm>>
      %dma_start3A_71 = arith.constant 0 : i32
      %dma_start3A_72 = tpu.memref_slice %arg2[%add3A, %dma_start3A_71, %multiple_of3A_67] : memref<32x2x10000xi32, #tpu.memory_space<hbm>> -> memref<1x2x128xi32, #tpu.memory_space<hbm>>
      %dma_start3A_73 = tpu.memref_squeeze %dma_start3A_72 : memref<1x2x128xi32, #tpu.memory_space<hbm>> -> memref<2x128xi32, #tpu.memory_space<hbm>>
      tpu.enqueue_dma source(%dma_start3A_73 : memref<2x128xi32, #tpu.memory_space<hbm>>) target(%arg6 : memref<2x128xi32, #tpu.memory_space<vmem>>) target_semaphore(%arg10 : memref<!tpu.dma_semaphore, #tpu.memory_space<semaphore_mem>>)
      %add3A_74 = arith.constant 1 : i32
      %add3A_75 = arith.addi %mul3A_52, %add3A_74 : i32
      %mul3A_76 = arith.constant 128 : i32
      %mul3A_77 = arith.muli %add3A_75, %mul3A_76 : i32
      %multiple_of3A_78 = tpu.assume_multiple %mul3A_77, 128 : i32
      %dma_wait3A_79 = arith.constant 0 : i32
      %dma_wait3A_80 = tpu.memref_slice %arg2[%add3A, %dma_wait3A_79, %multiple_of3A_78] : memref<32x2x10000xi32, #tpu.memory_space<hbm>> -> memref<1x2x128xi32, #tpu.memory_space<hbm>>
      %dma_wait3A_81 = tpu.memref_squeeze %dma_wait3A_80 : memref<1x2x128xi32, #tpu.memory_space<hbm>> -> memref<2x128xi32, #tpu.memory_space<hbm>>
      %dma_wait3A_82 = arith.constant 0 : i32
      %dma_wait3A_83 = tpu.memref_slice %arg2[%add3A, %dma_wait3A_82, %multiple_of3A_78] : memref<32x2x10000xi32, #tpu.memory_space<hbm>> -> memref<1x2x128xi32, #tpu.memory_space<hbm>>
      %dma_wait3A_84 = tpu.memref_squeeze %dma_wait3A_83 : memref<1x2x128xi32, #tpu.memory_space<hbm>> -> memref<2x128xi32, #tpu.memory_space<hbm>>
      tpu.wait_dma2 semaphore(%arg11 : memref<!tpu.dma_semaphore, #tpu.memory_space<semaphore_mem>>) src(%dma_wait3A_84 : memref<2x128xi32, #tpu.memory_space<hbm>>) dst(%arg7 : memref<2x128xi32, #tpu.memory_space<vmem>>)
      %run_scoped3A_85 = arith.constant 1 : i32
      "tpu.region"() ({
        %run_scoped3A_98 = tpu.sem_alloc : memref<!tpu.dma_semaphore, #tpu.memory_space<semaphore_mem>>
        %dma_start3A_99 = arith.constant 0 : i32
        %dma_start3A_100 = tpu.memref_slice %arg7[%run_scoped3A_85, %dma_start3A_99] : memref<2x128xi32, #tpu.memory_space<vmem>> -> memref<1x128xi32, #tpu.memory_space<vmem>>
        %dma_start3A_101 = tpu.memref_squeeze %dma_start3A_100 : memref<1x128xi32, #tpu.memory_space<vmem>> -> memref<128xi32, #tpu.memory_space<vmem>>
        %dma_start3A_102 = arith.constant 0 : i32
        %dma_start3A_103 = arith.constant 0 : i32
        %dma_start3A_104 = tpu.memref_slice %arg12[%dma_start3A_102, %dma_start3A_103] : memref<10000x16xf32, #tpu.memory_space<vmem_shared>> -> memref<10000x16xf32, #tpu.memory_space<vmem_shared>>
        tpu.enqueue_indirect_dma source(%arg9 : memref<128x16xf32, #tpu.memory_space<vmem>>) target(%dma_start3A_104 : memref<10000x16xf32, #tpu.memory_space<vmem_shared>>) offsets(%dma_start3A_101 : memref<128xi32, #tpu.memory_space<vmem>>) semaphore(%run_scoped3A_98 : memref<!tpu.dma_semaphore, #tpu.memory_space<semaphore_mem>>) {add = true}
        %dma_wait3A_105 = arith.constant 0 : i32
        %dma_wait3A_106 = tpu.memref_slice %arg7[%run_scoped3A_85, %dma_wait3A_105] : memref<2x128xi32, #tpu.memory_space<vmem>> -> memref<1x128xi32, #tpu.memory_space<vmem>>
        %dma_wait3A_107 = tpu.memref_squeeze %dma_wait3A_106 : memref<1x128xi32, #tpu.memory_space<vmem>> -> memref<128xi32, #tpu.memory_space<vmem>>
        %dma_wait3A_108 = arith.constant 0 : i32
        %dma_wait3A_109 = arith.constant 0 : i32
        %dma_wait3A_110 = tpu.memref_slice %arg12[%dma_wait3A_108, %dma_wait3A_109] : memref<10000x16xf32, #tpu.memory_space<vmem_shared>> -> memref<10000x16xf32, #tpu.memory_space<vmem_shared>>
        tpu.wait_indirect_dma semaphore(%run_scoped3A_98 : memref<!tpu.dma_semaphore, #tpu.memory_space<semaphore_mem>>) src(%arg9 : memref<128x16xf32, #tpu.memory_space<vmem>>) dst(%dma_wait3A_110 : memref<10000x16xf32, #tpu.memory_space<vmem_shared>>)
        tpu.yield
      }) : () -> ()
      %add3A_86 = arith.constant 3 : i32
      %add3A_87 = arith.addi %mul3A_52, %add3A_86 : i32
      %min3A = arith.constant 77 : i32
      %min3A_88 = arith.minsi %add3A_87, %min3A : i32
      %mul3A_89 = arith.constant 128 : i32
      %mul3A_90 = arith.muli %min3A_88, %mul3A_89 : i32
      %multiple_of3A_91 = tpu.assume_multiple %mul3A_90, 128 : i32
      %dma_start3A_92 = arith.constant 0 : i32
      %dma_start3A_93 = tpu.memref_slice %arg2[%add3A, %dma_start3A_92, %multiple_of3A_91] : memref<32x2x10000xi32, #tpu.memory_space<hbm>> -> memref<1x2x128xi32, #tpu.memory_space<hbm>>
      %dma_start3A_94 = tpu.memref_squeeze %dma_start3A_93 : memref<1x2x128xi32, #tpu.memory_space<hbm>> -> memref<2x128xi32, #tpu.memory_space<hbm>>
      %dma_start3A_95 = arith.constant 0 : i32
      %dma_start3A_96 = tpu.memref_slice %arg2[%add3A, %dma_start3A_95, %multiple_of3A_91] : memref<32x2x10000xi32, #tpu.memory_space<hbm>> -> memref<1x2x128xi32, #tpu.memory_space<hbm>>
      %dma_start3A_97 = tpu.memref_squeeze %dma_start3A_96 : memref<1x2x128xi32, #tpu.memory_space<hbm>> -> memref<2x128xi32, #tpu.memory_space<hbm>>
      tpu.enqueue_dma source(%dma_start3A_97 : memref<2x128xi32, #tpu.memory_space<hbm>>) target(%arg7 : memref<2x128xi32, #tpu.memory_space<vmem>>) target_semaphore(%arg11 : memref<!tpu.dma_semaphore, #tpu.memory_space<semaphore_mem>>)
    }
    %scan3A_25 = arith.constant 38 : i32
    %multiple_of3A_26 = arith.constant 9728 : i32
    %multiple_of3A_27 = tpu.assume_multiple %multiple_of3A_26, 128 : i32
    %dma_wait3A = arith.constant 0 : i32
    %dma_wait3A_28 = tpu.memref_slice %arg2[%add3A, %dma_wait3A, %multiple_of3A_27] : memref<32x2x10000xi32, #tpu.memory_space<hbm>> -> memref<1x2x128xi32, #tpu.memory_space<hbm>>
    %dma_wait3A_29 = tpu.memref_squeeze %dma_wait3A_28 : memref<1x2x128xi32, #tpu.memory_space<hbm>> -> memref<2x128xi32, #tpu.memory_space<hbm>>
    %dma_wait3A_30 = arith.constant 0 : i32
    %dma_wait3A_31 = tpu.memref_slice %arg2[%add3A, %dma_wait3A_30, %multiple_of3A_27] : memref<32x2x10000xi32, #tpu.memory_space<hbm>> -> memref<1x2x128xi32, #tpu.memory_space<hbm>>
    %dma_wait3A_32 = tpu.memref_squeeze %dma_wait3A_31 : memref<1x2x128xi32, #tpu.memory_space<hbm>> -> memref<2x128xi32, #tpu.memory_space<hbm>>
    tpu.wait_dma2 semaphore(%arg10 : memref<!tpu.dma_semaphore, #tpu.memory_space<semaphore_mem>>) src(%dma_wait3A_32 : memref<2x128xi32, #tpu.memory_space<hbm>>) dst(%arg6 : memref<2x128xi32, #tpu.memory_space<vmem>>)
    %run_scoped3A = arith.constant 1 : i32
    "tpu.region"() ({
      %run_scoped3A_50 = tpu.sem_alloc : memref<!tpu.dma_semaphore, #tpu.memory_space<semaphore_mem>>
      %dma_start3A_51 = arith.constant 0 : i32
      %dma_start3A_52 = tpu.memref_slice %arg6[%run_scoped3A, %dma_start3A_51] : memref<2x128xi32, #tpu.memory_space<vmem>> -> memref<1x128xi32, #tpu.memory_space<vmem>>
      %dma_start3A_53 = tpu.memref_squeeze %dma_start3A_52 : memref<1x128xi32, #tpu.memory_space<vmem>> -> memref<128xi32, #tpu.memory_space<vmem>>
      %dma_start3A_54 = arith.constant 0 : i32
      %dma_start3A_55 = arith.constant 0 : i32
      %dma_start3A_56 = tpu.memref_slice %arg12[%dma_start3A_54, %dma_start3A_55] : memref<10000x16xf32, #tpu.memory_space<vmem_shared>> -> memref<10000x16xf32, #tpu.memory_space<vmem_shared>>
      tpu.enqueue_indirect_dma source(%arg9 : memref<128x16xf32, #tpu.memory_space<vmem>>) target(%dma_start3A_56 : memref<10000x16xf32, #tpu.memory_space<vmem_shared>>) offsets(%dma_start3A_53 : memref<128xi32, #tpu.memory_space<vmem>>) semaphore(%run_scoped3A_50 : memref<!tpu.dma_semaphore, #tpu.memory_space<semaphore_mem>>) {add = true}
      %dma_wait3A_57 = arith.constant 0 : i32
      %dma_wait3A_58 = tpu.memref_slice %arg6[%run_scoped3A, %dma_wait3A_57] : memref<2x128xi32, #tpu.memory_space<vmem>> -> memref<1x128xi32, #tpu.memory_space<vmem>>
      %dma_wait3A_59 = tpu.memref_squeeze %dma_wait3A_58 : memref<1x128xi32, #tpu.memory_space<vmem>> -> memref<128xi32, #tpu.memory_space<vmem>>
      %dma_wait3A_60 = arith.constant 0 : i32
      %dma_wait3A_61 = arith.constant 0 : i32
      %dma_wait3A_62 = tpu.memref_slice %arg12[%dma_wait3A_60, %dma_wait3A_61] : memref<10000x16xf32, #tpu.memory_space<vmem_shared>> -> memref<10000x16xf32, #tpu.memory_space<vmem_shared>>
      tpu.wait_indirect_dma semaphore(%run_scoped3A_50 : memref<!tpu.dma_semaphore, #tpu.memory_space<semaphore_mem>>) src(%arg9 : memref<128x16xf32, #tpu.memory_space<vmem>>) dst(%dma_wait3A_62 : memref<10000x16xf32, #tpu.memory_space<vmem_shared>>)
      tpu.yield
    }) : () -> ()
    %multiple_of3A_33 = arith.constant 9856 : i32
    %multiple_of3A_34 = tpu.assume_multiple %multiple_of3A_33, 128 : i32
    %dma_wait3A_35 = arith.constant 0 : i32
    %dma_wait3A_36 = tpu.memref_slice %arg2[%add3A, %dma_wait3A_35, %multiple_of3A_34] : memref<32x2x10000xi32, #tpu.memory_space<hbm>> -> memref<1x2x128xi32, #tpu.memory_space<hbm>>
    %dma_wait3A_37 = tpu.memref_squeeze %dma_wait3A_36 : memref<1x2x128xi32, #tpu.memory_space<hbm>> -> memref<2x128xi32, #tpu.memory_space<hbm>>
    %dma_wait3A_38 = arith.constant 0 : i32
    %dma_wait3A_39 = tpu.memref_slice %arg2[%add3A, %dma_wait3A_38, %multiple_of3A_34] : memref<32x2x10000xi32, #tpu.memory_space<hbm>> -> memref<1x2x128xi32, #tpu.memory_space<hbm>>
    %dma_wait3A_40 = tpu.memref_squeeze %dma_wait3A_39 : memref<1x2x128xi32, #tpu.memory_space<hbm>> -> memref<2x128xi32, #tpu.memory_space<hbm>>
    tpu.wait_dma2 semaphore(%arg11 : memref<!tpu.dma_semaphore, #tpu.memory_space<semaphore_mem>>) src(%dma_wait3A_40 : memref<2x128xi32, #tpu.memory_space<hbm>>) dst(%arg7 : memref<2x128xi32, #tpu.memory_space<vmem>>)
    %run_scoped3A_41 = arith.constant 1 : i32
    "tpu.region"() ({
      %run_scoped3A_50 = tpu.sem_alloc : memref<!tpu.dma_semaphore, #tpu.memory_space<semaphore_mem>>
      %dma_start3A_51 = arith.constant 0 : i32
      %dma_start3A_52 = tpu.memref_slice %arg7[%run_scoped3A_41, %dma_start3A_51] : memref<2x128xi32, #tpu.memory_space<vmem>> -> memref<1x128xi32, #tpu.memory_space<vmem>>
      %dma_start3A_53 = tpu.memref_squeeze %dma_start3A_52 : memref<1x128xi32, #tpu.memory_space<vmem>> -> memref<128xi32, #tpu.memory_space<vmem>>
      %dma_start3A_54 = arith.constant 0 : i32
      %dma_start3A_55 = arith.constant 0 : i32
      %dma_start3A_56 = tpu.memref_slice %arg12[%dma_start3A_54, %dma_start3A_55] : memref<10000x16xf32, #tpu.memory_space<vmem_shared>> -> memref<10000x16xf32, #tpu.memory_space<vmem_shared>>
      tpu.enqueue_indirect_dma source(%arg9 : memref<128x16xf32, #tpu.memory_space<vmem>>) target(%dma_start3A_56 : memref<10000x16xf32, #tpu.memory_space<vmem_shared>>) offsets(%dma_start3A_53 : memref<128xi32, #tpu.memory_space<vmem>>) semaphore(%run_scoped3A_50 : memref<!tpu.dma_semaphore, #tpu.memory_space<semaphore_mem>>) {add = true}
      %dma_wait3A_57 = arith.constant 0 : i32
      %dma_wait3A_58 = tpu.memref_slice %arg7[%run_scoped3A_41, %dma_wait3A_57] : memref<2x128xi32, #tpu.memory_space<vmem>> -> memref<1x128xi32, #tpu.memory_space<vmem>>
      %dma_wait3A_59 = tpu.memref_squeeze %dma_wait3A_58 : memref<1x128xi32, #tpu.memory_space<vmem>> -> memref<128xi32, #tpu.memory_space<vmem>>
      %dma_wait3A_60 = arith.constant 0 : i32
      %dma_wait3A_61 = arith.constant 0 : i32
      %dma_wait3A_62 = tpu.memref_slice %arg12[%dma_wait3A_60, %dma_wait3A_61] : memref<10000x16xf32, #tpu.memory_space<vmem_shared>> -> memref<10000x16xf32, #tpu.memory_space<vmem_shared>>
      tpu.wait_indirect_dma semaphore(%run_scoped3A_50 : memref<!tpu.dma_semaphore, #tpu.memory_space<semaphore_mem>>) src(%arg9 : memref<128x16xf32, #tpu.memory_space<vmem>>) dst(%dma_wait3A_62 : memref<10000x16xf32, #tpu.memory_space<vmem_shared>>)
      tpu.yield
    }) : () -> ()
    "tpu.region"() ({
      %run_scoped3A_50 = tpu.sem_alloc : memref<!tpu.dma_semaphore, #tpu.memory_space<semaphore_mem>>
      %dma_start3A_51 = arith.constant 0 : i32
      %dma_start3A_52 = arith.constant 9984 : i32
      %dma_start3A_53 = tpu.memref_slice %arg2[%add3A, %dma_start3A_51, %dma_start3A_52] : memref<32x2x10000xi32, #tpu.memory_space<hbm>> -> memref<1x2x16xi32, #tpu.memory_space<hbm>>
      %dma_start3A_54 = tpu.memref_squeeze %dma_start3A_53 : memref<1x2x16xi32, #tpu.memory_space<hbm>> -> memref<2x16xi32, #tpu.memory_space<hbm>>
      %dma_start3A_55 = arith.constant 0 : i32
      %dma_start3A_56 = arith.constant 9984 : i32
      %dma_start3A_57 = tpu.memref_slice %arg2[%add3A, %dma_start3A_55, %dma_start3A_56] : memref<32x2x10000xi32, #tpu.memory_space<hbm>> -> memref<1x2x16xi32, #tpu.memory_space<hbm>>
      %dma_start3A_58 = tpu.memref_squeeze %dma_start3A_57 : memref<1x2x16xi32, #tpu.memory_space<hbm>> -> memref<2x16xi32, #tpu.memory_space<hbm>>
      tpu.enqueue_dma source(%dma_start3A_58 : memref<2x16xi32, #tpu.memory_space<hbm>>) target(%arg8 : memref<2x16xi32, #tpu.memory_space<vmem>>) target_semaphore(%run_scoped3A_50 : memref<!tpu.dma_semaphore, #tpu.memory_space<semaphore_mem>>)
      %dma_wait3A_59 = arith.constant 0 : i32
      %dma_wait3A_60 = arith.constant 9984 : i32
      %dma_wait3A_61 = tpu.memref_slice %arg2[%add3A, %dma_wait3A_59, %dma_wait3A_60] : memref<32x2x10000xi32, #tpu.memory_space<hbm>> -> memref<1x2x16xi32, #tpu.memory_space<hbm>>
      %dma_wait3A_62 = tpu.memref_squeeze %dma_wait3A_61 : memref<1x2x16xi32, #tpu.memory_space<hbm>> -> memref<2x16xi32, #tpu.memory_space<hbm>>
      %dma_wait3A_63 = arith.constant 0 : i32
      %dma_wait3A_64 = arith.constant 9984 : i32
      %dma_wait3A_65 = tpu.memref_slice %arg2[%add3A, %dma_wait3A_63, %dma_wait3A_64] : memref<32x2x10000xi32, #tpu.memory_space<hbm>> -> memref<1x2x16xi32, #tpu.memory_space<hbm>>
      %dma_wait3A_66 = tpu.memref_squeeze %dma_wait3A_65 : memref<1x2x16xi32, #tpu.memory_space<hbm>> -> memref<2x16xi32, #tpu.memory_space<hbm>>
      tpu.wait_dma2 semaphore(%run_scoped3A_50 : memref<!tpu.dma_semaphore, #tpu.memory_space<semaphore_mem>>) src(%dma_wait3A_66 : memref<2x16xi32, #tpu.memory_space<hbm>>) dst(%arg8 : memref<2x16xi32, #tpu.memory_space<vmem>>)
      tpu.yield
    }) : () -> ()
    %run_scoped3A_42 = arith.constant 1 : i32
    "tpu.region"() ({
      %run_scoped3A_50 = tpu.sem_alloc : memref<!tpu.dma_semaphore, #tpu.memory_space<semaphore_mem>>
      %dma_start3A_51 = arith.constant 0 : i32
      %dma_start3A_52 = arith.constant 0 : i32
      %dma_start3A_53 = tpu.memref_slice %arg9[%dma_start3A_51, %dma_start3A_52] : memref<128x16xf32, #tpu.memory_space<vmem>> -> memref<16x16xf32, #tpu.memory_space<vmem>>
      %dma_start3A_54 = arith.constant 0 : i32
      %dma_start3A_55 = tpu.memref_slice %arg8[%run_scoped3A_42, %dma_start3A_54] : memref<2x16xi32, #tpu.memory_space<vmem>> -> memref<1x16xi32, #tpu.memory_space<vmem>>
      %dma_start3A_56 = tpu.memref_squeeze %dma_start3A_55 : memref<1x16xi32, #tpu.memory_space<vmem>> -> memref<16xi32, #tpu.memory_space<vmem>>
      %dma_start3A_57 = arith.constant 0 : i32
      %dma_start3A_58 = arith.constant 0 : i32
      %dma_start3A_59 = tpu.memref_slice %arg12[%dma_start3A_57, %dma_start3A_58] : memref<10000x16xf32, #tpu.memory_space<vmem_shared>> -> memref<10000x16xf32, #tpu.memory_space<vmem_shared>>
      tpu.enqueue_indirect_dma source(%dma_start3A_53 : memref<16x16xf32, #tpu.memory_space<vmem>>) target(%dma_start3A_59 : memref<10000x16xf32, #tpu.memory_space<vmem_shared>>) offsets(%dma_start3A_56 : memref<16xi32, #tpu.memory_space<vmem>>) semaphore(%run_scoped3A_50 : memref<!tpu.dma_semaphore, #tpu.memory_space<semaphore_mem>>) {add = true}
      %dma_wait3A_60 = arith.constant 0 : i32
      %dma_wait3A_61 = arith.constant 0 : i32
      %dma_wait3A_62 = tpu.memref_slice %arg9[%dma_wait3A_60, %dma_wait3A_61] : memref<128x16xf32, #tpu.memory_space<vmem>> -> memref<16x16xf32, #tpu.memory_space<vmem>>
      %dma_wait3A_63 = arith.constant 0 : i32
      %dma_wait3A_64 = tpu.memref_slice %arg8[%run_scoped3A_42, %dma_wait3A_63] : memref<2x16xi32, #tpu.memory_space<vmem>> -> memref<1x16xi32, #tpu.memory_space<vmem>>
      %dma_wait3A_65 = tpu.memref_squeeze %dma_wait3A_64 : memref<1x16xi32, #tpu.memory_space<vmem>> -> memref<16xi32, #tpu.memory_space<vmem>>
      %dma_wait3A_66 = arith.constant 0 : i32
      %dma_wait3A_67 = arith.constant 0 : i32
      %dma_wait3A_68 = tpu.memref_slice %arg12[%dma_wait3A_66, %dma_wait3A_67] : memref<10000x16xf32, #tpu.memory_space<vmem_shared>> -> memref<10000x16xf32, #tpu.memory_space<vmem_shared>>
      tpu.wait_indirect_dma semaphore(%run_scoped3A_50 : memref<!tpu.dma_semaphore, #tpu.memory_space<semaphore_mem>>) src(%dma_wait3A_62 : memref<16x16xf32, #tpu.memory_space<vmem>>) dst(%dma_wait3A_68 : memref<10000x16xf32, #tpu.memory_space<vmem_shared>>)
      tpu.yield
    }) : () -> ()
    %barrier3A_43 = arith.constant 0 : index
    tpu.barrier barrier_id(%barrier3A_43)
    %scan3A_44 = arith.constant 0 : i32
    %scan3A_45 = arith.constant 0 : i32
    %scan3A_46 = arith.constant 8 : i32
    %scan3A_47 = arith.addi %scan3A_45, %scan3A_46 : i32
    %scan3A_48 = arith.constant 1 : i32
    scf.for %scan3A_50 = %scan3A_45 to %scan3A_47 step %scan3A_48  : i32 {
      %mul3A_51 = arith.constant 16 : i32
      %mul3A_52 = arith.muli %scan3A_50, %mul3A_51 : i32
      %add3A_53 = arith.addi %arg1, %mul3A_52 : i32
      %lt3A = arith.constant 125 : i32
      %lt3A_54 = arith.cmpi slt, %add3A_53, %lt3A : i32
      %convert_element_type3A = arith.extui %lt3A_54 : i1 to i32
      %cond3A = arith.constant 0 : i32
      %cond3A_55 = arith.cmpi ne, %convert_element_type3A, %cond3A : i32
      scf.if %cond3A_55 {
        %mul3A_56 = arith.constant 80 : i32
        %mul3A_57 = arith.muli %add3A_53, %mul3A_56 : i32
        %multiple_of3A_58 = tpu.assume_multiple %mul3A_57, 80 : i32
        "tpu.region"() ({
          %run_scoped3A_59 = tpu.sem_alloc : memref<!tpu.dma_semaphore, #tpu.memory_space<semaphore_mem>>
          %dma_start3A_60 = arith.constant 0 : i32
          %dma_start3A_61 = tpu.memref_slice %arg5[%arg0, %multiple_of3A_58, %dma_start3A_60] : memref<2x10000x16xf32, #tpu.memory_space<hbm>> -> memref<1x80x16xf32, #tpu.memory_space<hbm>>
          %dma_start3A_62 = tpu.memref_squeeze %dma_start3A_61 : memref<1x80x16xf32, #tpu.memory_space<hbm>> -> memref<80x16xf32, #tpu.memory_space<hbm>>
          %dma_start3A_63 = arith.constant 0 : i32
          %dma_start3A_64 = tpu.memref_slice %arg12[%multiple_of3A_58, %dma_start3A_63] : memref<10000x16xf32, #tpu.memory_space<vmem_shared>> -> memref<80x16xf32, #tpu.memory_space<vmem_shared>>
          tpu.enqueue_dma source(%dma_start3A_64 : memref<80x16xf32, #tpu.memory_space<vmem_shared>>) target(%dma_start3A_62 : memref<80x16xf32, #tpu.memory_space<hbm>>) target_semaphore(%run_scoped3A_59 : memref<!tpu.dma_semaphore, #tpu.memory_space<semaphore_mem>>)
          %dma_wait3A_65 = arith.constant 0 : i32
          %dma_wait3A_66 = tpu.memref_slice %arg5[%arg0, %multiple_of3A_58, %dma_wait3A_65] : memref<2x10000x16xf32, #tpu.memory_space<hbm>> -> memref<1x80x16xf32, #tpu.memory_space<hbm>>
          %dma_wait3A_67 = tpu.memref_squeeze %dma_wait3A_66 : memref<1x80x16xf32, #tpu.memory_space<hbm>> -> memref<80x16xf32, #tpu.memory_space<hbm>>
          %dma_wait3A_68 = arith.constant 0 : i32
          %dma_wait3A_69 = tpu.memref_slice %arg12[%multiple_of3A_58, %dma_wait3A_68] : memref<10000x16xf32, #tpu.memory_space<vmem_shared>> -> memref<80x16xf32, #tpu.memory_space<vmem_shared>>
          tpu.wait_dma2 semaphore(%run_scoped3A_59 : memref<!tpu.dma_semaphore, #tpu.memory_space<semaphore_mem>>) src(%dma_wait3A_69 : memref<80x16xf32, #tpu.memory_space<vmem_shared>>) dst(%dma_wait3A_67 : memref<80x16xf32, #tpu.memory_space<hbm>>)
          tpu.yield
        }) : () -> ()
      } else {
      }
    }
    %scan3A_49 = arith.constant 8 : i32
    return
  }
}

#map = affine_map<(d0, d1) -> (0, 0)>
#map1 = affine_map<(d0, d1) -> (0, 0, 0)>
module attributes {stable_mosaic.version = 14 : i64} {
  func.func @k(%arg0: i32, %arg1: i32, %arg2: memref<10000x112xf32, #tpu.memory_space<hbm>>, %arg3: memref<32x2x10000xi32, #tpu.memory_space<hbm>>, %arg4: memref<80x112xf32, #tpu.memory_space<hbm>>, %arg5: memref<2x10000x112xf32, #tpu.memory_space<hbm>>, %arg6: memref<2x128xi32, #tpu.memory_space<vmem>>, %arg7: memref<2x128xi32, #tpu.memory_space<vmem>>, %arg8: memref<2x16xi32, #tpu.memory_space<vmem>>, %arg9: memref<128x112xf32, #tpu.memory_space<vmem>>, %arg10: memref<128x112xf32, #tpu.memory_space<vmem>>, %arg11: memref<16x112xf32, #tpu.memory_space<vmem>>, %arg12: memref<!tpu.dma_semaphore, #tpu.memory_space<semaphore_mem>>, %arg13: memref<!tpu.dma_semaphore, #tpu.memory_space<semaphore_mem>>, %arg14: memref<!tpu.dma_semaphore, #tpu.memory_space<semaphore_mem>>, %arg15: memref<!tpu.dma_semaphore, #tpu.memory_space<semaphore_mem>>, %arg16: memref<10000x112xf32, #tpu.memory_space<vmem_shared>>) attributes {dimension_semantics = [#tpu.dimension_semantics<core_parallel>, #tpu.dimension_semantics<subcore_parallel>], iteration_bounds = array<i64: 2, 16>, scalar_prefetch = 0 : i64, scratch_operands = 11 : i64, tpu.core_type = #tpu.core_type<sc_vector_subcore>, window_params = [{transform_indices = #map}, {transform_indices = #map1}, {transform_indices = #map}, {transform_indices = #map1}]} {
    %mul3A = arith.constant 2 : i32
    %mul3A_0 = arith.muli %arg1, %mul3A : i32
    %add3A = arith.addi %mul3A_0, %arg0 : i32
    %multiple_of3A = arith.constant 0 : i32
    %multiple_of3A_1 = tpu.assume_multiple %multiple_of3A, 128 : i32
    %dma_start3A = arith.constant 0 : i32
    %dma_start3A_2 = tpu.memref_slice %arg3[%add3A, %dma_start3A, %multiple_of3A_1] : memref<32x2x10000xi32, #tpu.memory_space<hbm>> -> memref<1x2x128xi32, #tpu.memory_space<hbm>>
    %dma_start3A_3 = tpu.memref_squeeze %dma_start3A_2 : memref<1x2x128xi32, #tpu.memory_space<hbm>> -> memref<2x128xi32, #tpu.memory_space<hbm>>
    %dma_start3A_4 = arith.constant 0 : i32
    %dma_start3A_5 = tpu.memref_slice %arg3[%add3A, %dma_start3A_4, %multiple_of3A_1] : memref<32x2x10000xi32, #tpu.memory_space<hbm>> -> memref<1x2x128xi32, #tpu.memory_space<hbm>>
    %dma_start3A_6 = tpu.memref_squeeze %dma_start3A_5 : memref<1x2x128xi32, #tpu.memory_space<hbm>> -> memref<2x128xi32, #tpu.memory_space<hbm>>
    tpu.enqueue_dma source(%dma_start3A_6 : memref<2x128xi32, #tpu.memory_space<hbm>>) target(%arg6 : memref<2x128xi32, #tpu.memory_space<vmem>>) target_semaphore(%arg12 : memref<!tpu.dma_semaphore, #tpu.memory_space<semaphore_mem>>)
    %multiple_of3A_7 = arith.constant 128 : i32
    %multiple_of3A_8 = tpu.assume_multiple %multiple_of3A_7, 128 : i32
    %dma_start3A_9 = arith.constant 0 : i32
    %dma_start3A_10 = tpu.memref_slice %arg3[%add3A, %dma_start3A_9, %multiple_of3A_8] : memref<32x2x10000xi32, #tpu.memory_space<hbm>> -> memref<1x2x128xi32, #tpu.memory_space<hbm>>
    %dma_start3A_11 = tpu.memref_squeeze %dma_start3A_10 : memref<1x2x128xi32, #tpu.memory_space<hbm>> -> memref<2x128xi32, #tpu.memory_space<hbm>>
    %dma_start3A_12 = arith.constant 0 : i32
    %dma_start3A_13 = tpu.memref_slice %arg3[%add3A, %dma_start3A_12, %multiple_of3A_8] : memref<32x2x10000xi32, #tpu.memory_space<hbm>> -> memref<1x2x128xi32, #tpu.memory_space<hbm>>
    %dma_start3A_14 = tpu.memref_squeeze %dma_start3A_13 : memref<1x2x128xi32, #tpu.memory_space<hbm>> -> memref<2x128xi32, #tpu.memory_space<hbm>>
    tpu.enqueue_dma source(%dma_start3A_14 : memref<2x128xi32, #tpu.memory_space<hbm>>) target(%arg7 : memref<2x128xi32, #tpu.memory_space<vmem>>) target_semaphore(%arg13 : memref<!tpu.dma_semaphore, #tpu.memory_space<semaphore_mem>>)
    "tpu.region"() ({
      %run_scoped3A_92 = tpu.sem_alloc : memref<!tpu.dma_semaphore, #tpu.memory_space<semaphore_mem>>
      %dma_start3A_93 = arith.constant 0 : i32
      %dma_start3A_94 = arith.constant 0 : i32
      %dma_start3A_95 = tpu.memref_slice %arg9[%dma_start3A_93, %dma_start3A_94] : memref<128x112xf32, #tpu.memory_space<vmem>> -> memref<80x112xf32, #tpu.memory_space<vmem>>
      %dma_start3A_96 = arith.constant 0 : i32
      %dma_start3A_97 = arith.constant 0 : i32
      %dma_start3A_98 = tpu.memref_slice %arg9[%dma_start3A_96, %dma_start3A_97] : memref<128x112xf32, #tpu.memory_space<vmem>> -> memref<80x112xf32, #tpu.memory_space<vmem>>
      tpu.enqueue_dma source(%arg4 : memref<80x112xf32, #tpu.memory_space<hbm>>) target(%dma_start3A_98 : memref<80x112xf32, #tpu.memory_space<vmem>>) target_semaphore(%run_scoped3A_92 : memref<!tpu.dma_semaphore, #tpu.memory_space<semaphore_mem>>)
      %dma_wait3A_99 = arith.constant 0 : i32
      %dma_wait3A_100 = arith.constant 0 : i32
      %dma_wait3A_101 = tpu.memref_slice %arg9[%dma_wait3A_99, %dma_wait3A_100] : memref<128x112xf32, #tpu.memory_space<vmem>> -> memref<80x112xf32, #tpu.memory_space<vmem>>
      %dma_wait3A_102 = arith.constant 0 : i32
      %dma_wait3A_103 = arith.constant 0 : i32
      %dma_wait3A_104 = tpu.memref_slice %arg9[%dma_wait3A_102, %dma_wait3A_103] : memref<128x112xf32, #tpu.memory_space<vmem>> -> memref<80x112xf32, #tpu.memory_space<vmem>>
      tpu.wait_dma2 semaphore(%run_scoped3A_92 : memref<!tpu.dma_semaphore, #tpu.memory_space<semaphore_mem>>) src(%arg4 : memref<80x112xf32, #tpu.memory_space<hbm>>) dst(%dma_wait3A_104 : memref<80x112xf32, #tpu.memory_space<vmem>>)
      tpu.yield
    }) : () -> ()
    %scan3A = arith.constant 0 : i32
    %scan3A_15 = arith.constant 0 : i32
    %scan3A_16 = arith.constant 8 : i32
    %scan3A_17 = arith.addi %scan3A_15, %scan3A_16 : i32
    %scan3A_18 = arith.constant 1 : i32
    scf.for %scan3A_92 = %scan3A_15 to %scan3A_17 step %scan3A_18  : i32 {
      %mul3A_93 = arith.constant 16 : i32
      %mul3A_94 = arith.muli %scan3A_92, %mul3A_93 : i32
      %add3A_95 = arith.addi %arg1, %mul3A_94 : i32
      %lt3A = arith.constant 125 : i32
      %lt3A_96 = arith.cmpi slt, %add3A_95, %lt3A : i32
      %convert_element_type3A = arith.extui %lt3A_96 : i1 to i32
      %cond3A = arith.constant 0 : i32
      %cond3A_97 = arith.cmpi ne, %convert_element_type3A, %cond3A : i32
      scf.if %cond3A_97 {
        %mul3A_98 = arith.constant 80 : i32
        %mul3A_99 = arith.muli %add3A_95, %mul3A_98 : i32
        %multiple_of3A_100 = tpu.assume_multiple %mul3A_99, 80 : i32
        "tpu.region"() ({
          %run_scoped3A_101 = tpu.sem_alloc : memref<!tpu.dma_semaphore, #tpu.memory_space<semaphore_mem>>
          %dma_start3A_102 = arith.constant 0 : i32
          %dma_start3A_103 = arith.constant 0 : i32
          %dma_start3A_104 = tpu.memref_slice %arg9[%dma_start3A_102, %dma_start3A_103] : memref<128x112xf32, #tpu.memory_space<vmem>> -> memref<80x112xf32, #tpu.memory_space<vmem>>
          %dma_start3A_105 = arith.constant 0 : i32
          %dma_start3A_106 = tpu.memref_slice %arg16[%multiple_of3A_100, %dma_start3A_105] : memref<10000x112xf32, #tpu.memory_space<vmem_shared>> -> memref<80x112xf32, #tpu.memory_space<vmem_shared>>
          %dma_start3A_107 = arith.constant 0 : i32
          %dma_start3A_108 = tpu.memref_slice %arg16[%multiple_of3A_100, %dma_start3A_107] : memref<10000x112xf32, #tpu.memory_space<vmem_shared>> -> memref<80x112xf32, #tpu.memory_space<vmem_shared>>
          %dma_start3A_109 = arith.constant 0 : i32
          %dma_start3A_110 = arith.constant 0 : i32
          %dma_start3A_111 = tpu.memref_slice %arg9[%dma_start3A_109, %dma_start3A_110] : memref<128x112xf32, #tpu.memory_space<vmem>> -> memref<80x112xf32, #tpu.memory_space<vmem>>
          tpu.enqueue_dma source(%dma_start3A_111 : memref<80x112xf32, #tpu.memory_space<vmem>>) target(%dma_start3A_108 : memref<80x112xf32, #tpu.memory_space<vmem_shared>>) target_semaphore(%run_scoped3A_101 : memref<!tpu.dma_semaphore, #tpu.memory_space<semaphore_mem>>)
          %dma_wait3A_112 = arith.constant 0 : i32
          %dma_wait3A_113 = arith.constant 0 : i32
          %dma_wait3A_114 = tpu.memref_slice %arg9[%dma_wait3A_112, %dma_wait3A_113] : memref<128x112xf32, #tpu.memory_space<vmem>> -> memref<80x112xf32, #tpu.memory_space<vmem>>
          %dma_wait3A_115 = arith.constant 0 : i32
          %dma_wait3A_116 = tpu.memref_slice %arg16[%multiple_of3A_100, %dma_wait3A_115] : memref<10000x112xf32, #tpu.memory_space<vmem_shared>> -> memref<80x112xf32, #tpu.memory_space<vmem_shared>>
          %dma_wait3A_117 = arith.constant 0 : i32
          %dma_wait3A_118 = tpu.memref_slice %arg16[%multiple_of3A_100, %dma_wait3A_117] : memref<10000x112xf32, #tpu.memory_space<vmem_shared>> -> memref<80x112xf32, #tpu.memory_space<vmem_shared>>
          %dma_wait3A_119 = arith.constant 0 : i32
          %dma_wait3A_120 = arith.constant 0 : i32
          %dma_wait3A_121 = tpu.memref_slice %arg9[%dma_wait3A_119, %dma_wait3A_120] : memref<128x112xf32, #tpu.memory_space<vmem>> -> memref<80x112xf32, #tpu.memory_space<vmem>>
          tpu.wait_dma2 semaphore(%run_scoped3A_101 : memref<!tpu.dma_semaphore, #tpu.memory_space<semaphore_mem>>) src(%dma_wait3A_121 : memref<80x112xf32, #tpu.memory_space<vmem>>) dst(%dma_wait3A_118 : memref<80x112xf32, #tpu.memory_space<vmem_shared>>)
          tpu.yield
        }) : () -> ()
      } else {
      }
    }
    %scan3A_19 = arith.constant 8 : i32
    %barrier3A = arith.constant 0 : index
    tpu.barrier barrier_id(%barrier3A)
    %multiple_of3A_20 = arith.constant 0 : i32
    %multiple_of3A_21 = tpu.assume_multiple %multiple_of3A_20, 128 : i32
    %dma_wait3A = arith.constant 0 : i32
    %dma_wait3A_22 = tpu.memref_slice %arg3[%add3A, %dma_wait3A, %multiple_of3A_21] : memref<32x2x10000xi32, #tpu.memory_space<hbm>> -> memref<1x2x128xi32, #tpu.memory_space<hbm>>
    %dma_wait3A_23 = tpu.memref_squeeze %dma_wait3A_22 : memref<1x2x128xi32, #tpu.memory_space<hbm>> -> memref<2x128xi32, #tpu.memory_space<hbm>>
    %dma_wait3A_24 = arith.constant 0 : i32
    %dma_wait3A_25 = tpu.memref_slice %arg3[%add3A, %dma_wait3A_24, %multiple_of3A_21] : memref<32x2x10000xi32, #tpu.memory_space<hbm>> -> memref<1x2x128xi32, #tpu.memory_space<hbm>>
    %dma_wait3A_26 = tpu.memref_squeeze %dma_wait3A_25 : memref<1x2x128xi32, #tpu.memory_space<hbm>> -> memref<2x128xi32, #tpu.memory_space<hbm>>
    tpu.wait_dma2 semaphore(%arg12 : memref<!tpu.dma_semaphore, #tpu.memory_space<semaphore_mem>>) src(%dma_wait3A_26 : memref<2x128xi32, #tpu.memory_space<hbm>>) dst(%arg6 : memref<2x128xi32, #tpu.memory_space<vmem>>)
    %dma_start3A_27 = arith.constant 0 : i32
    %dma_start3A_28 = arith.constant 0 : i32
    %dma_start3A_29 = tpu.memref_slice %arg6[%dma_start3A_27, %dma_start3A_28] : memref<2x128xi32, #tpu.memory_space<vmem>> -> memref<1x128xi32, #tpu.memory_space<vmem>>
    %dma_start3A_30 = tpu.memref_squeeze %dma_start3A_29 : memref<1x128xi32, #tpu.memory_space<vmem>> -> memref<128xi32, #tpu.memory_space<vmem>>
    %dma_start3A_31 = arith.constant 0 : i32
    %dma_start3A_32 = arith.constant 0 : i32
    %dma_start3A_33 = tpu.memref_slice %arg2[%dma_start3A_31, %dma_start3A_32] : memref<10000x112xf32, #tpu.memory_space<hbm>> -> memref<10000x112xf32, #tpu.memory_space<hbm>>
    tpu.enqueue_indirect_dma source(%dma_start3A_33 : memref<10000x112xf32, #tpu.memory_space<hbm>>) target(%arg9 : memref<128x112xf32, #tpu.memory_space<vmem>>) offsets(%dma_start3A_30 : memref<128xi32, #tpu.memory_space<vmem>>) semaphore(%arg14 : memref<!tpu.dma_semaphore, #tpu.memory_space<semaphore_mem>>)
    %scan3A_34 = arith.constant 0 : i32
    %scan3A_35 = arith.constant 0 : i32
    %scan3A_36 = arith.constant 38 : i32
    %scan3A_37 = arith.addi %scan3A_35, %scan3A_36 : i32
    %scan3A_38 = arith.constant 1 : i32
    scf.for %scan3A_92 = %scan3A_35 to %scan3A_37 step %scan3A_38  : i32 {
      %mul3A_93 = arith.constant 2 : i32
      %mul3A_94 = arith.muli %mul3A_93, %scan3A_92 : i32
      %dma_wait3A_95 = arith.constant 0 : i32
      %dma_wait3A_96 = arith.constant 0 : i32
      %dma_wait3A_97 = tpu.memref_slice %arg6[%dma_wait3A_95, %dma_wait3A_96] : memref<2x128xi32, #tpu.memory_space<vmem>> -> memref<1x128xi32, #tpu.memory_space<vmem>>
      %dma_wait3A_98 = tpu.memref_squeeze %dma_wait3A_97 : memref<1x128xi32, #tpu.memory_space<vmem>> -> memref<128xi32, #tpu.memory_space<vmem>>
      %dma_wait3A_99 = arith.constant 0 : i32
      %dma_wait3A_100 = arith.constant 0 : i32
      %dma_wait3A_101 = tpu.memref_slice %arg2[%dma_wait3A_99, %dma_wait3A_100] : memref<10000x112xf32, #tpu.memory_space<hbm>> -> memref<10000x112xf32, #tpu.memory_space<hbm>>
      tpu.wait_indirect_dma semaphore(%arg14 : memref<!tpu.dma_semaphore, #tpu.memory_space<semaphore_mem>>) src(%dma_wait3A_101 : memref<10000x112xf32, #tpu.memory_space<hbm>>) dst(%arg9 : memref<128x112xf32, #tpu.memory_space<vmem>>)
      %add3A_102 = arith.constant 1 : i32
      %add3A_103 = arith.addi %mul3A_94, %add3A_102 : i32
      %mul3A_104 = arith.constant 128 : i32
      %mul3A_105 = arith.muli %add3A_103, %mul3A_104 : i32
      %multiple_of3A_106 = tpu.assume_multiple %mul3A_105, 128 : i32
      %dma_wait3A_107 = arith.constant 0 : i32
      %dma_wait3A_108 = tpu.memref_slice %arg3[%add3A, %dma_wait3A_107, %multiple_of3A_106] : memref<32x2x10000xi32, #tpu.memory_space<hbm>> -> memref<1x2x128xi32, #tpu.memory_space<hbm>>
      %dma_wait3A_109 = tpu.memref_squeeze %dma_wait3A_108 : memref<1x2x128xi32, #tpu.memory_space<hbm>> -> memref<2x128xi32, #tpu.memory_space<hbm>>
      %dma_wait3A_110 = arith.constant 0 : i32
      %dma_wait3A_111 = tpu.memref_slice %arg3[%add3A, %dma_wait3A_110, %multiple_of3A_106] : memref<32x2x10000xi32, #tpu.memory_space<hbm>> -> memref<1x2x128xi32, #tpu.memory_space<hbm>>
      %dma_wait3A_112 = tpu.memref_squeeze %dma_wait3A_111 : memref<1x2x128xi32, #tpu.memory_space<hbm>> -> memref<2x128xi32, #tpu.memory_space<hbm>>
      tpu.wait_dma2 semaphore(%arg13 : memref<!tpu.dma_semaphore, #tpu.memory_space<semaphore_mem>>) src(%dma_wait3A_112 : memref<2x128xi32, #tpu.memory_space<hbm>>) dst(%arg7 : memref<2x128xi32, #tpu.memory_space<vmem>>)
      %dma_start3A_113 = arith.constant 0 : i32
      %dma_start3A_114 = arith.constant 0 : i32
      %dma_start3A_115 = tpu.memref_slice %arg7[%dma_start3A_113, %dma_start3A_114] : memref<2x128xi32, #tpu.memory_space<vmem>> -> memref<1x128xi32, #tpu.memory_space<vmem>>
      %dma_start3A_116 = tpu.memref_squeeze %dma_start3A_115 : memref<1x128xi32, #tpu.memory_space<vmem>> -> memref<128xi32, #tpu.memory_space<vmem>>
      %dma_start3A_117 = arith.constant 0 : i32
      %dma_start3A_118 = arith.constant 0 : i32
      %dma_start3A_119 = tpu.memref_slice %arg2[%dma_start3A_117, %dma_start3A_118] : memref<10000x112xf32, #tpu.memory_space<hbm>> -> memref<10000x112xf32, #tpu.memory_space<hbm>>
      tpu.enqueue_indirect_dma source(%dma_start3A_119 : memref<10000x112xf32, #tpu.memory_space<hbm>>) target(%arg10 : memref<128x112xf32, #tpu.memory_space<vmem>>) offsets(%dma_start3A_116 : memref<128xi32, #tpu.memory_space<vmem>>) semaphore(%arg15 : memref<!tpu.dma_semaphore, #tpu.memory_space<semaphore_mem>>)
      %run_scoped3A_120 = arith.constant 1 : i32
      "tpu.region"() ({
        %run_scoped3A_170 = tpu.sem_alloc : memref<!tpu.dma_semaphore, #tpu.memory_space<semaphore_mem>>
        %dma_start3A_171 = arith.constant 0 : i32
        %dma_start3A_172 = tpu.memref_slice %arg6[%run_scoped3A_120, %dma_start3A_171] : memref<2x128xi32, #tpu.memory_space<vmem>> -> memref<1x128xi32, #tpu.memory_space<vmem>>
        %dma_start3A_173 = tpu.memref_squeeze %dma_start3A_172 : memref<1x128xi32, #tpu.memory_space<vmem>> -> memref<128xi32, #tpu.memory_space<vmem>>
        %dma_start3A_174 = arith.constant 0 : i32
        %dma_start3A_175 = arith.constant 0 : i32
        %dma_start3A_176 = tpu.memref_slice %arg16[%dma_start3A_174, %dma_start3A_175] : memref<10000x112xf32, #tpu.memory_space<vmem_shared>> -> memref<10000x112xf32, #tpu.memory_space<vmem_shared>>
        tpu.enqueue_indirect_dma source(%arg9 : memref<128x112xf32, #tpu.memory_space<vmem>>) target(%dma_start3A_176 : memref<10000x112xf32, #tpu.memory_space<vmem_shared>>) offsets(%dma_start3A_173 : memref<128xi32, #tpu.memory_space<vmem>>) semaphore(%run_scoped3A_170 : memref<!tpu.dma_semaphore, #tpu.memory_space<semaphore_mem>>) {add = true}
        %dma_wait3A_177 = arith.constant 0 : i32
        %dma_wait3A_178 = tpu.memref_slice %arg6[%run_scoped3A_120, %dma_wait3A_177] : memref<2x128xi32, #tpu.memory_space<vmem>> -> memref<1x128xi32, #tpu.memory_space<vmem>>
        %dma_wait3A_179 = tpu.memref_squeeze %dma_wait3A_178 : memref<1x128xi32, #tpu.memory_space<vmem>> -> memref<128xi32, #tpu.memory_space<vmem>>
        %dma_wait3A_180 = arith.constant 0 : i32
        %dma_wait3A_181 = arith.constant 0 : i32
        %dma_wait3A_182 = tpu.memref_slice %arg16[%dma_wait3A_180, %dma_wait3A_181] : memref<10000x112xf32, #tpu.memory_space<vmem_shared>> -> memref<10000x112xf32, #tpu.memory_space<vmem_shared>>
        tpu.wait_indirect_dma semaphore(%run_scoped3A_170 : memref<!tpu.dma_semaphore, #tpu.memory_space<semaphore_mem>>) src(%arg9 : memref<128x112xf32, #tpu.memory_space<vmem>>) dst(%dma_wait3A_182 : memref<10000x112xf32, #tpu.memory_space<vmem_shared>>)
        tpu.yield
      }) : () -> ()
      %add3A_121 = arith.constant 2 : i32
      %add3A_122 = arith.addi %mul3A_94, %add3A_121 : i32
      %mul3A_123 = arith.constant 128 : i32
      %mul3A_124 = arith.muli %add3A_122, %mul3A_123 : i32
      %multiple_of3A_125 = tpu.assume_multiple %mul3A_124, 128 : i32
      %dma_start3A_126 = arith.constant 0 : i32
      %dma_start3A_127 = tpu.memref_slice %arg3[%add3A, %dma_start3A_126, %multiple_of3A_125] : memref<32x2x10000xi32, #tpu.memory_space<hbm>> -> memref<1x2x128xi32, #tpu.memory_space<hbm>>
      %dma_start3A_128 = tpu.memref_squeeze %dma_start3A_127 : memref<1x2x128xi32, #tpu.memory_space<hbm>> -> memref<2x128xi32, #tpu.memory_space<hbm>>
      %dma_start3A_129 = arith.constant 0 : i32
      %dma_start3A_130 = tpu.memref_slice %arg3[%add3A, %dma_start3A_129, %multiple_of3A_125] : memref<32x2x10000xi32, #tpu.memory_space<hbm>> -> memref<1x2x128xi32, #tpu.memory_space<hbm>>
      %dma_start3A_131 = tpu.memref_squeeze %dma_start3A_130 : memref<1x2x128xi32, #tpu.memory_space<hbm>> -> memref<2x128xi32, #tpu.memory_space<hbm>>
      tpu.enqueue_dma source(%dma_start3A_131 : memref<2x128xi32, #tpu.memory_space<hbm>>) target(%arg6 : memref<2x128xi32, #tpu.memory_space<vmem>>) target_semaphore(%arg12 : memref<!tpu.dma_semaphore, #tpu.memory_space<semaphore_mem>>)
      %dma_wait3A_132 = arith.constant 0 : i32
      %dma_wait3A_133 = arith.constant 0 : i32
      %dma_wait3A_134 = tpu.memref_slice %arg7[%dma_wait3A_132, %dma_wait3A_133] : memref<2x128xi32, #tpu.memory_space<vmem>> -> memref<1x128xi32, #tpu.memory_space<vmem>>
      %dma_wait3A_135 = tpu.memref_squeeze %dma_wait3A_134 : memref<1x128xi32, #tpu.memory_space<vmem>> -> memref<128xi32, #tpu.memory_space<vmem>>
      %dma_wait3A_136 = arith.constant 0 : i32
      %dma_wait3A_137 = arith.constant 0 : i32
      %dma_wait3A_138 = tpu.memref_slice %arg2[%dma_wait3A_136, %dma_wait3A_137] : memref<10000x112xf32, #tpu.memory_space<hbm>> -> memref<10000x112xf32, #tpu.memory_space<hbm>>
      tpu.wait_indirect_dma semaphore(%arg15 : memref<!tpu.dma_semaphore, #tpu.memory_space<semaphore_mem>>) src(%dma_wait3A_138 : memref<10000x112xf32, #tpu.memory_space<hbm>>) dst(%arg10 : memref<128x112xf32, #tpu.memory_space<vmem>>)
      %add3A_139 = arith.constant 2 : i32
      %add3A_140 = arith.addi %mul3A_94, %add3A_139 : i32
      %mul3A_141 = arith.constant 128 : i32
      %mul3A_142 = arith.muli %add3A_140, %mul3A_141 : i32
      %multiple_of3A_143 = tpu.assume_multiple %mul3A_142, 128 : i32
      %dma_wait3A_144 = arith.constant 0 : i32
      %dma_wait3A_145 = tpu.memref_slice %arg3[%add3A, %dma_wait3A_144, %multiple_of3A_143] : memref<32x2x10000xi32, #tpu.memory_space<hbm>> -> memref<1x2x128xi32, #tpu.memory_space<hbm>>
      %dma_wait3A_146 = tpu.memref_squeeze %dma_wait3A_145 : memref<1x2x128xi32, #tpu.memory_space<hbm>> -> memref<2x128xi32, #tpu.memory_space<hbm>>
      %dma_wait3A_147 = arith.constant 0 : i32
      %dma_wait3A_148 = tpu.memref_slice %arg3[%add3A, %dma_wait3A_147, %multiple_of3A_143] : memref<32x2x10000xi32, #tpu.memory_space<hbm>> -> memref<1x2x128xi32, #tpu.memory_space<hbm>>
      %dma_wait3A_149 = tpu.memref_squeeze %dma_wait3A_148 : memref<1x2x128xi32, #tpu.memory_space<hbm>> -> memref<2x128xi32, #tpu.memory_space<hbm>>
      tpu.wait_dma2 semaphore(%arg12 : memref<!tpu.dma_semaphore, #tpu.memory_space<semaphore_mem>>) src(%dma_wait3A_149 : memref<2x128xi32, #tpu.memory_space<hbm>>) dst(%arg6 : memref<2x128xi32, #tpu.memory_space<vmem>>)
      %dma_start3A_150 = arith.constant 0 : i32
      %dma_start3A_151 = arith.constant 0 : i32
      %dma_start3A_152 = tpu.memref_slice %arg6[%dma_start3A_150, %dma_start3A_151] : memref<2x128xi32, #tpu.memory_space<vmem>> -> memref<1x128xi32, #tpu.memory_space<vmem>>
      %dma_start3A_153 = tpu.memref_squeeze %dma_start3A_152 : memref<1x128xi32, #tpu.memory_space<vmem>> -> memref<128xi32, #tpu.memory_space<vmem>>
      %dma_start3A_154 = arith.constant 0 : i32
      %dma_start3A_155 = arith.constant 0 : i32
      %dma_start3A_156 = tpu.memref_slice %arg2[%dma_start3A_154, %dma_start3A_155] : memref<10000x112xf32, #tpu.memory_space<hbm>> -> memref<10000x112xf32, #tpu.memory_space<hbm>>
      tpu.enqueue_indirect_dma source(%dma_start3A_156 : memref<10000x112xf32, #tpu.memory_space<hbm>>) target(%arg9 : memref<128x112xf32, #tpu.memory_space<vmem>>) offsets(%dma_start3A_153 : memref<128xi32, #tpu.memory_space<vmem>>) semaphore(%arg14 : memref<!tpu.dma_semaphore, #tpu.memory_space<semaphore_mem>>)
      %run_scoped3A_157 = arith.constant 1 : i32
      "tpu.region"() ({
        %run_scoped3A_170 = tpu.sem_alloc : memref<!tpu.dma_semaphore, #tpu.memory_space<semaphore_mem>>
        %dma_start3A_171 = arith.constant 0 : i32
        %dma_start3A_172 = tpu.memref_slice %arg7[%run_scoped3A_157, %dma_start3A_171] : memref<2x128xi32, #tpu.memory_space<vmem>> -> memref<1x128xi32, #tpu.memory_space<vmem>>
        %dma_start3A_173 = tpu.memref_squeeze %dma_start3A_172 : memref<1x128xi32, #tpu.memory_space<vmem>> -> memref<128xi32, #tpu.memory_space<vmem>>
        %dma_start3A_174 = arith.constant 0 : i32
        %dma_start3A_175 = arith.constant 0 : i32
        %dma_start3A_176 = tpu.memref_slice %arg16[%dma_start3A_174, %dma_start3A_175] : memref<10000x112xf32, #tpu.memory_space<vmem_shared>> -> memref<10000x112xf32, #tpu.memory_space<vmem_shared>>
        tpu.enqueue_indirect_dma source(%arg10 : memref<128x112xf32, #tpu.memory_space<vmem>>) target(%dma_start3A_176 : memref<10000x112xf32, #tpu.memory_space<vmem_shared>>) offsets(%dma_start3A_173 : memref<128xi32, #tpu.memory_space<vmem>>) semaphore(%run_scoped3A_170 : memref<!tpu.dma_semaphore, #tpu.memory_space<semaphore_mem>>) {add = true}
        %dma_wait3A_177 = arith.constant 0 : i32
        %dma_wait3A_178 = tpu.memref_slice %arg7[%run_scoped3A_157, %dma_wait3A_177] : memref<2x128xi32, #tpu.memory_space<vmem>> -> memref<1x128xi32, #tpu.memory_space<vmem>>
        %dma_wait3A_179 = tpu.memref_squeeze %dma_wait3A_178 : memref<1x128xi32, #tpu.memory_space<vmem>> -> memref<128xi32, #tpu.memory_space<vmem>>
        %dma_wait3A_180 = arith.constant 0 : i32
        %dma_wait3A_181 = arith.constant 0 : i32
        %dma_wait3A_182 = tpu.memref_slice %arg16[%dma_wait3A_180, %dma_wait3A_181] : memref<10000x112xf32, #tpu.memory_space<vmem_shared>> -> memref<10000x112xf32, #tpu.memory_space<vmem_shared>>
        tpu.wait_indirect_dma semaphore(%run_scoped3A_170 : memref<!tpu.dma_semaphore, #tpu.memory_space<semaphore_mem>>) src(%arg10 : memref<128x112xf32, #tpu.memory_space<vmem>>) dst(%dma_wait3A_182 : memref<10000x112xf32, #tpu.memory_space<vmem_shared>>)
        tpu.yield
      }) : () -> ()
      %add3A_158 = arith.constant 3 : i32
      %add3A_159 = arith.addi %mul3A_94, %add3A_158 : i32
      %min3A = arith.constant 77 : i32
      %min3A_160 = arith.minsi %add3A_159, %min3A : i32
      %mul3A_161 = arith.constant 128 : i32
      %mul3A_162 = arith.muli %min3A_160, %mul3A_161 : i32
      %multiple_of3A_163 = tpu.assume_multiple %mul3A_162, 128 : i32
      %dma_start3A_164 = arith.constant 0 : i32
      %dma_start3A_165 = tpu.memref_slice %arg3[%add3A, %dma_start3A_164, %multiple_of3A_163] : memref<32x2x10000xi32, #tpu.memory_space<hbm>> -> memref<1x2x128xi32, #tpu.memory_space<hbm>>
      %dma_start3A_166 = tpu.memref_squeeze %dma_start3A_165 : memref<1x2x128xi32, #tpu.memory_space<hbm>> -> memref<2x128xi32, #tpu.memory_space<hbm>>
      %dma_start3A_167 = arith.constant 0 : i32
      %dma_start3A_168 = tpu.memref_slice %arg3[%add3A, %dma_start3A_167, %multiple_of3A_163] : memref<32x2x10000xi32, #tpu.memory_space<hbm>> -> memref<1x2x128xi32, #tpu.memory_space<hbm>>
      %dma_start3A_169 = tpu.memref_squeeze %dma_start3A_168 : memref<1x2x128xi32, #tpu.memory_space<hbm>> -> memref<2x128xi32, #tpu.memory_space<hbm>>
      tpu.enqueue_dma source(%dma_start3A_169 : memref<2x128xi32, #tpu.memory_space<hbm>>) target(%arg7 : memref<2x128xi32, #tpu.memory_space<vmem>>) target_semaphore(%arg13 : memref<!tpu.dma_semaphore, #tpu.memory_space<semaphore_mem>>)
    }
    %scan3A_39 = arith.constant 38 : i32
    %dma_wait3A_40 = arith.constant 0 : i32
    %dma_wait3A_41 = arith.constant 0 : i32
    %dma_wait3A_42 = tpu.memref_slice %arg6[%dma_wait3A_40, %dma_wait3A_41] : memref<2x128xi32, #tpu.memory_space<vmem>> -> memref<1x128xi32, #tpu.memory_space<vmem>>
    %dma_wait3A_43 = tpu.memref_squeeze %dma_wait3A_42 : memref<1x128xi32, #tpu.memory_space<vmem>> -> memref<128xi32, #tpu.memory_space<vmem>>
    %dma_wait3A_44 = arith.constant 0 : i32
    %dma_wait3A_45 = arith.constant 0 : i32
    %dma_wait3A_46 = tpu.memref_slice %arg2[%dma_wait3A_44, %dma_wait3A_45] : memref<10000x112xf32, #tpu.memory_space<hbm>> -> memref<10000x112xf32, #tpu.memory_space<hbm>>
    tpu.wait_indirect_dma semaphore(%arg14 : memref<!tpu.dma_semaphore, #tpu.memory_space<semaphore_mem>>) src(%dma_wait3A_46 : memref<10000x112xf32, #tpu.memory_space<hbm>>) dst(%arg9 : memref<128x112xf32, #tpu.memory_space<vmem>>)
    %multiple_of3A_47 = arith.constant 9856 : i32
    %multiple_of3A_48 = tpu.assume_multiple %multiple_of3A_47, 128 : i32
    %dma_wait3A_49 = arith.constant 0 : i32
    %dma_wait3A_50 = tpu.memref_slice %arg3[%add3A, %dma_wait3A_49, %multiple_of3A_48] : memref<32x2x10000xi32, #tpu.memory_space<hbm>> -> memref<1x2x128xi32, #tpu.memory_space<hbm>>
    %dma_wait3A_51 = tpu.memref_squeeze %dma_wait3A_50 : memref<1x2x128xi32, #tpu.memory_space<hbm>> -> memref<2x128xi32, #tpu.memory_space<hbm>>
    %dma_wait3A_52 = arith.constant 0 : i32
    %dma_wait3A_53 = tpu.memref_slice %arg3[%add3A, %dma_wait3A_52, %multiple_of3A_48] : memref<32x2x10000xi32, #tpu.memory_space<hbm>> -> memref<1x2x128xi32, #tpu.memory_space<hbm>>
    %dma_wait3A_54 = tpu.memref_squeeze %dma_wait3A_53 : memref<1x2x128xi32, #tpu.memory_space<hbm>> -> memref<2x128xi32, #tpu.memory_space<hbm>>
    tpu.wait_dma2 semaphore(%arg13 : memref<!tpu.dma_semaphore, #tpu.memory_space<semaphore_mem>>) src(%dma_wait3A_54 : memref<2x128xi32, #tpu.memory_space<hbm>>) dst(%arg7 : memref<2x128xi32, #tpu.memory_space<vmem>>)
    %dma_start3A_55 = arith.constant 0 : i32
    %dma_start3A_56 = arith.constant 0 : i32
    %dma_start3A_57 = tpu.memref_slice %arg7[%dma_start3A_55, %dma_start3A_56] : memref<2x128xi32, #tpu.memory_space<vmem>> -> memref<1x128xi32, #tpu.memory_space<vmem>>
    %dma_start3A_58 = tpu.memref_squeeze %dma_start3A_57 : memref<1x128xi32, #tpu.memory_space<vmem>> -> memref<128xi32, #tpu.memory_space<vmem>>
    %dma_start3A_59 = arith.constant 0 : i32
    %dma_start3A_60 = arith.constant 0 : i32
    %dma_start3A_61 = tpu.memref_slice %arg2[%dma_start3A_59, %dma_start3A_60] : memref<10000x112xf32, #tpu.memory_space<hbm>> -> memref<10000x112xf32, #tpu.memory_space<hbm>>
    tpu.enqueue_indirect_dma source(%dma_start3A_61 : memref<10000x112xf32, #tpu.memory_space<hbm>>) target(%arg10 : memref<128x112xf32, #tpu.memory_space<vmem>>) offsets(%dma_start3A_58 : memref<128xi32, #tpu.memory_space<vmem>>) semaphore(%arg15 : memref<!tpu.dma_semaphore, #tpu.memory_space<semaphore_mem>>)
    %run_scoped3A = arith.constant 1 : i32
    "tpu.region"() ({
      %run_scoped3A_92 = tpu.sem_alloc : memref<!tpu.dma_semaphore, #tpu.memory_space<semaphore_mem>>
      %dma_start3A_93 = arith.constant 0 : i32
      %dma_start3A_94 = tpu.memref_slice %arg6[%run_scoped3A, %dma_start3A_93] : memref<2x128xi32, #tpu.memory_space<vmem>> -> memref<1x128xi32, #tpu.memory_space<vmem>>
      %dma_start3A_95 = tpu.memref_squeeze %dma_start3A_94 : memref<1x128xi32, #tpu.memory_space<vmem>> -> memref<128xi32, #tpu.memory_space<vmem>>
      %dma_start3A_96 = arith.constant 0 : i32
      %dma_start3A_97 = arith.constant 0 : i32
      %dma_start3A_98 = tpu.memref_slice %arg16[%dma_start3A_96, %dma_start3A_97] : memref<10000x112xf32, #tpu.memory_space<vmem_shared>> -> memref<10000x112xf32, #tpu.memory_space<vmem_shared>>
      tpu.enqueue_indirect_dma source(%arg9 : memref<128x112xf32, #tpu.memory_space<vmem>>) target(%dma_start3A_98 : memref<10000x112xf32, #tpu.memory_space<vmem_shared>>) offsets(%dma_start3A_95 : memref<128xi32, #tpu.memory_space<vmem>>) semaphore(%run_scoped3A_92 : memref<!tpu.dma_semaphore, #tpu.memory_space<semaphore_mem>>) {add = true}
      %dma_wait3A_99 = arith.constant 0 : i32
      %dma_wait3A_100 = tpu.memref_slice %arg6[%run_scoped3A, %dma_wait3A_99] : memref<2x128xi32, #tpu.memory_space<vmem>> -> memref<1x128xi32, #tpu.memory_space<vmem>>
      %dma_wait3A_101 = tpu.memref_squeeze %dma_wait3A_100 : memref<1x128xi32, #tpu.memory_space<vmem>> -> memref<128xi32, #tpu.memory_space<vmem>>
      %dma_wait3A_102 = arith.constant 0 : i32
      %dma_wait3A_103 = arith.constant 0 : i32
      %dma_wait3A_104 = tpu.memref_slice %arg16[%dma_wait3A_102, %dma_wait3A_103] : memref<10000x112xf32, #tpu.memory_space<vmem_shared>> -> memref<10000x112xf32, #tpu.memory_space<vmem_shared>>
      tpu.wait_indirect_dma semaphore(%run_scoped3A_92 : memref<!tpu.dma_semaphore, #tpu.memory_space<semaphore_mem>>) src(%arg9 : memref<128x112xf32, #tpu.memory_space<vmem>>) dst(%dma_wait3A_104 : memref<10000x112xf32, #tpu.memory_space<vmem_shared>>)
      tpu.yield
    }) : () -> ()
    "tpu.region"() ({
      %run_scoped3A_92 = tpu.sem_alloc : memref<!tpu.dma_semaphore, #tpu.memory_space<semaphore_mem>>
      %dma_start3A_93 = arith.constant 0 : i32
      %dma_start3A_94 = arith.constant 9984 : i32
      %dma_start3A_95 = tpu.memref_slice %arg3[%add3A, %dma_start3A_93, %dma_start3A_94] : memref<32x2x10000xi32, #tpu.memory_space<hbm>> -> memref<1x2x16xi32, #tpu.memory_space<hbm>>
      %dma_start3A_96 = tpu.memref_squeeze %dma_start3A_95 : memref<1x2x16xi32, #tpu.memory_space<hbm>> -> memref<2x16xi32, #tpu.memory_space<hbm>>
      %dma_start3A_97 = arith.constant 0 : i32
      %dma_start3A_98 = arith.constant 9984 : i32
      %dma_start3A_99 = tpu.memref_slice %arg3[%add3A, %dma_start3A_97, %dma_start3A_98] : memref<32x2x10000xi32, #tpu.memory_space<hbm>> -> memref<1x2x16xi32, #tpu.memory_space<hbm>>
      %dma_start3A_100 = tpu.memref_squeeze %dma_start3A_99 : memref<1x2x16xi32, #tpu.memory_space<hbm>> -> memref<2x16xi32, #tpu.memory_space<hbm>>
      tpu.enqueue_dma source(%dma_start3A_100 : memref<2x16xi32, #tpu.memory_space<hbm>>) target(%arg8 : memref<2x16xi32, #tpu.memory_space<vmem>>) target_semaphore(%run_scoped3A_92 : memref<!tpu.dma_semaphore, #tpu.memory_space<semaphore_mem>>)
      %dma_wait3A_101 = arith.constant 0 : i32
      %dma_wait3A_102 = arith.constant 9984 : i32
      %dma_wait3A_103 = tpu.memref_slice %arg3[%add3A, %dma_wait3A_101, %dma_wait3A_102] : memref<32x2x10000xi32, #tpu.memory_space<hbm>> -> memref<1x2x16xi32, #tpu.memory_space<hbm>>
      %dma_wait3A_104 = tpu.memref_squeeze %dma_wait3A_103 : memref<1x2x16xi32, #tpu.memory_space<hbm>> -> memref<2x16xi32, #tpu.memory_space<hbm>>
      %dma_wait3A_105 = arith.constant 0 : i32
      %dma_wait3A_106 = arith.constant 9984 : i32
      %dma_wait3A_107 = tpu.memref_slice %arg3[%add3A, %dma_wait3A_105, %dma_wait3A_106] : memref<32x2x10000xi32, #tpu.memory_space<hbm>> -> memref<1x2x16xi32, #tpu.memory_space<hbm>>
      %dma_wait3A_108 = tpu.memref_squeeze %dma_wait3A_107 : memref<1x2x16xi32, #tpu.memory_space<hbm>> -> memref<2x16xi32, #tpu.memory_space<hbm>>
      tpu.wait_dma2 semaphore(%run_scoped3A_92 : memref<!tpu.dma_semaphore, #tpu.memory_space<semaphore_mem>>) src(%dma_wait3A_108 : memref<2x16xi32, #tpu.memory_space<hbm>>) dst(%arg8 : memref<2x16xi32, #tpu.memory_space<vmem>>)
      tpu.yield
    }) : () -> ()
    %dma_wait3A_62 = arith.constant 0 : i32
    %dma_wait3A_63 = arith.constant 0 : i32
    %dma_wait3A_64 = tpu.memref_slice %arg7[%dma_wait3A_62, %dma_wait3A_63] : memref<2x128xi32, #tpu.memory_space<vmem>> -> memref<1x128xi32, #tpu.memory_space<vmem>>
    %dma_wait3A_65 = tpu.memref_squeeze %dma_wait3A_64 : memref<1x128xi32, #tpu.memory_space<vmem>> -> memref<128xi32, #tpu.memory_space<vmem>>
    %dma_wait3A_66 = arith.constant 0 : i32
    %dma_wait3A_67 = arith.constant 0 : i32
    %dma_wait3A_68 = tpu.memref_slice %arg2[%dma_wait3A_66, %dma_wait3A_67] : memref<10000x112xf32, #tpu.memory_space<hbm>> -> memref<10000x112xf32, #tpu.memory_space<hbm>>
    tpu.wait_indirect_dma semaphore(%arg15 : memref<!tpu.dma_semaphore, #tpu.memory_space<semaphore_mem>>) src(%dma_wait3A_68 : memref<10000x112xf32, #tpu.memory_space<hbm>>) dst(%arg10 : memref<128x112xf32, #tpu.memory_space<vmem>>)
    %dma_start3A_69 = arith.constant 0 : i32
    %dma_start3A_70 = arith.constant 0 : i32
    %dma_start3A_71 = tpu.memref_slice %arg8[%dma_start3A_69, %dma_start3A_70] : memref<2x16xi32, #tpu.memory_space<vmem>> -> memref<1x16xi32, #tpu.memory_space<vmem>>
    %dma_start3A_72 = tpu.memref_squeeze %dma_start3A_71 : memref<1x16xi32, #tpu.memory_space<vmem>> -> memref<16xi32, #tpu.memory_space<vmem>>
    %dma_start3A_73 = arith.constant 0 : i32
    %dma_start3A_74 = arith.constant 0 : i32
    %dma_start3A_75 = tpu.memref_slice %arg2[%dma_start3A_73, %dma_start3A_74] : memref<10000x112xf32, #tpu.memory_space<hbm>> -> memref<10000x112xf32, #tpu.memory_space<hbm>>
    tpu.enqueue_indirect_dma source(%dma_start3A_75 : memref<10000x112xf32, #tpu.memory_space<hbm>>) target(%arg11 : memref<16x112xf32, #tpu.memory_space<vmem>>) offsets(%dma_start3A_72 : memref<16xi32, #tpu.memory_space<vmem>>) semaphore(%arg14 : memref<!tpu.dma_semaphore, #tpu.memory_space<semaphore_mem>>)
    %run_scoped3A_76 = arith.constant 1 : i32
    "tpu.region"() ({
      %run_scoped3A_92 = tpu.sem_alloc : memref<!tpu.dma_semaphore, #tpu.memory_space<semaphore_mem>>
      %dma_start3A_93 = arith.constant 0 : i32
      %dma_start3A_94 = tpu.memref_slice %arg7[%run_scoped3A_76, %dma_start3A_93] : memref<2x128xi32, #tpu.memory_space<vmem>> -> memref<1x128xi32, #tpu.memory_space<vmem>>
      %dma_start3A_95 = tpu.memref_squeeze %dma_start3A_94 : memref<1x128xi32, #tpu.memory_space<vmem>> -> memref<128xi32, #tpu.memory_space<vmem>>
      %dma_start3A_96 = arith.constant 0 : i32
      %dma_start3A_97 = arith.constant 0 : i32
      %dma_start3A_98 = tpu.memref_slice %arg16[%dma_start3A_96, %dma_start3A_97] : memref<10000x112xf32, #tpu.memory_space<vmem_shared>> -> memref<10000x112xf32, #tpu.memory_space<vmem_shared>>
      tpu.enqueue_indirect_dma source(%arg10 : memref<128x112xf32, #tpu.memory_space<vmem>>) target(%dma_start3A_98 : memref<10000x112xf32, #tpu.memory_space<vmem_shared>>) offsets(%dma_start3A_95 : memref<128xi32, #tpu.memory_space<vmem>>) semaphore(%run_scoped3A_92 : memref<!tpu.dma_semaphore, #tpu.memory_space<semaphore_mem>>) {add = true}
      %dma_wait3A_99 = arith.constant 0 : i32
      %dma_wait3A_100 = tpu.memref_slice %arg7[%run_scoped3A_76, %dma_wait3A_99] : memref<2x128xi32, #tpu.memory_space<vmem>> -> memref<1x128xi32, #tpu.memory_space<vmem>>
      %dma_wait3A_101 = tpu.memref_squeeze %dma_wait3A_100 : memref<1x128xi32, #tpu.memory_space<vmem>> -> memref<128xi32, #tpu.memory_space<vmem>>
      %dma_wait3A_102 = arith.constant 0 : i32
      %dma_wait3A_103 = arith.constant 0 : i32
      %dma_wait3A_104 = tpu.memref_slice %arg16[%dma_wait3A_102, %dma_wait3A_103] : memref<10000x112xf32, #tpu.memory_space<vmem_shared>> -> memref<10000x112xf32, #tpu.memory_space<vmem_shared>>
      tpu.wait_indirect_dma semaphore(%run_scoped3A_92 : memref<!tpu.dma_semaphore, #tpu.memory_space<semaphore_mem>>) src(%arg10 : memref<128x112xf32, #tpu.memory_space<vmem>>) dst(%dma_wait3A_104 : memref<10000x112xf32, #tpu.memory_space<vmem_shared>>)
      tpu.yield
    }) : () -> ()
    %dma_wait3A_77 = arith.constant 0 : i32
    %dma_wait3A_78 = arith.constant 0 : i32
    %dma_wait3A_79 = tpu.memref_slice %arg8[%dma_wait3A_77, %dma_wait3A_78] : memref<2x16xi32, #tpu.memory_space<vmem>> -> memref<1x16xi32, #tpu.memory_space<vmem>>
    %dma_wait3A_80 = tpu.memref_squeeze %dma_wait3A_79 : memref<1x16xi32, #tpu.memory_space<vmem>> -> memref<16xi32, #tpu.memory_space<vmem>>
    %dma_wait3A_81 = arith.constant 0 : i32
    %dma_wait3A_82 = arith.constant 0 : i32
    %dma_wait3A_83 = tpu.memref_slice %arg2[%dma_wait3A_81, %dma_wait3A_82] : memref<10000x112xf32, #tpu.memory_space<hbm>> -> memref<10000x112xf32, #tpu.memory_space<hbm>>
    tpu.wait_indirect_dma semaphore(%arg14 : memref<!tpu.dma_semaphore, #tpu.memory_space<semaphore_mem>>) src(%dma_wait3A_83 : memref<10000x112xf32, #tpu.memory_space<hbm>>) dst(%arg11 : memref<16x112xf32, #tpu.memory_space<vmem>>)
    %run_scoped3A_84 = arith.constant 1 : i32
    "tpu.region"() ({
      %run_scoped3A_92 = tpu.sem_alloc : memref<!tpu.dma_semaphore, #tpu.memory_space<semaphore_mem>>
      %dma_start3A_93 = arith.constant 0 : i32
      %dma_start3A_94 = tpu.memref_slice %arg8[%run_scoped3A_84, %dma_start3A_93] : memref<2x16xi32, #tpu.memory_space<vmem>> -> memref<1x16xi32, #tpu.memory_space<vmem>>
      %dma_start3A_95 = tpu.memref_squeeze %dma_start3A_94 : memref<1x16xi32, #tpu.memory_space<vmem>> -> memref<16xi32, #tpu.memory_space<vmem>>
      %dma_start3A_96 = arith.constant 0 : i32
      %dma_start3A_97 = arith.constant 0 : i32
      %dma_start3A_98 = tpu.memref_slice %arg16[%dma_start3A_96, %dma_start3A_97] : memref<10000x112xf32, #tpu.memory_space<vmem_shared>> -> memref<10000x112xf32, #tpu.memory_space<vmem_shared>>
      tpu.enqueue_indirect_dma source(%arg11 : memref<16x112xf32, #tpu.memory_space<vmem>>) target(%dma_start3A_98 : memref<10000x112xf32, #tpu.memory_space<vmem_shared>>) offsets(%dma_start3A_95 : memref<16xi32, #tpu.memory_space<vmem>>) semaphore(%run_scoped3A_92 : memref<!tpu.dma_semaphore, #tpu.memory_space<semaphore_mem>>) {add = true}
      %dma_wait3A_99 = arith.constant 0 : i32
      %dma_wait3A_100 = tpu.memref_slice %arg8[%run_scoped3A_84, %dma_wait3A_99] : memref<2x16xi32, #tpu.memory_space<vmem>> -> memref<1x16xi32, #tpu.memory_space<vmem>>
      %dma_wait3A_101 = tpu.memref_squeeze %dma_wait3A_100 : memref<1x16xi32, #tpu.memory_space<vmem>> -> memref<16xi32, #tpu.memory_space<vmem>>
      %dma_wait3A_102 = arith.constant 0 : i32
      %dma_wait3A_103 = arith.constant 0 : i32
      %dma_wait3A_104 = tpu.memref_slice %arg16[%dma_wait3A_102, %dma_wait3A_103] : memref<10000x112xf32, #tpu.memory_space<vmem_shared>> -> memref<10000x112xf32, #tpu.memory_space<vmem_shared>>
      tpu.wait_indirect_dma semaphore(%run_scoped3A_92 : memref<!tpu.dma_semaphore, #tpu.memory_space<semaphore_mem>>) src(%arg11 : memref<16x112xf32, #tpu.memory_space<vmem>>) dst(%dma_wait3A_104 : memref<10000x112xf32, #tpu.memory_space<vmem_shared>>)
      tpu.yield
    }) : () -> ()
    %barrier3A_85 = arith.constant 0 : index
    tpu.barrier barrier_id(%barrier3A_85)
    %scan3A_86 = arith.constant 0 : i32
    %scan3A_87 = arith.constant 0 : i32
    %scan3A_88 = arith.constant 8 : i32
    %scan3A_89 = arith.addi %scan3A_87, %scan3A_88 : i32
    %scan3A_90 = arith.constant 1 : i32
    scf.for %scan3A_92 = %scan3A_87 to %scan3A_89 step %scan3A_90  : i32 {
      %mul3A_93 = arith.constant 16 : i32
      %mul3A_94 = arith.muli %scan3A_92, %mul3A_93 : i32
      %add3A_95 = arith.addi %arg1, %mul3A_94 : i32
      %lt3A = arith.constant 125 : i32
      %lt3A_96 = arith.cmpi slt, %add3A_95, %lt3A : i32
      %convert_element_type3A = arith.extui %lt3A_96 : i1 to i32
      %cond3A = arith.constant 0 : i32
      %cond3A_97 = arith.cmpi ne, %convert_element_type3A, %cond3A : i32
      scf.if %cond3A_97 {
        %mul3A_98 = arith.constant 80 : i32
        %mul3A_99 = arith.muli %add3A_95, %mul3A_98 : i32
        %multiple_of3A_100 = tpu.assume_multiple %mul3A_99, 80 : i32
        "tpu.region"() ({
          %run_scoped3A_101 = tpu.sem_alloc : memref<!tpu.dma_semaphore, #tpu.memory_space<semaphore_mem>>
          %dma_start3A_102 = arith.constant 0 : i32
          %dma_start3A_103 = tpu.memref_slice %arg5[%arg0, %multiple_of3A_100, %dma_start3A_102] : memref<2x10000x112xf32, #tpu.memory_space<hbm>> -> memref<1x80x112xf32, #tpu.memory_space<hbm>>
          %dma_start3A_104 = tpu.memref_squeeze %dma_start3A_103 : memref<1x80x112xf32, #tpu.memory_space<hbm>> -> memref<80x112xf32, #tpu.memory_space<hbm>>
          %dma_start3A_105 = arith.constant 0 : i32
          %dma_start3A_106 = tpu.memref_slice %arg16[%multiple_of3A_100, %dma_start3A_105] : memref<10000x112xf32, #tpu.memory_space<vmem_shared>> -> memref<80x112xf32, #tpu.memory_space<vmem_shared>>
          tpu.enqueue_dma source(%dma_start3A_106 : memref<80x112xf32, #tpu.memory_space<vmem_shared>>) target(%dma_start3A_104 : memref<80x112xf32, #tpu.memory_space<hbm>>) target_semaphore(%run_scoped3A_101 : memref<!tpu.dma_semaphore, #tpu.memory_space<semaphore_mem>>)
          %dma_wait3A_107 = arith.constant 0 : i32
          %dma_wait3A_108 = tpu.memref_slice %arg5[%arg0, %multiple_of3A_100, %dma_wait3A_107] : memref<2x10000x112xf32, #tpu.memory_space<hbm>> -> memref<1x80x112xf32, #tpu.memory_space<hbm>>
          %dma_wait3A_109 = tpu.memref_squeeze %dma_wait3A_108 : memref<1x80x112xf32, #tpu.memory_space<hbm>> -> memref<80x112xf32, #tpu.memory_space<hbm>>
          %dma_wait3A_110 = arith.constant 0 : i32
          %dma_wait3A_111 = tpu.memref_slice %arg16[%multiple_of3A_100, %dma_wait3A_110] : memref<10000x112xf32, #tpu.memory_space<vmem_shared>> -> memref<80x112xf32, #tpu.memory_space<vmem_shared>>
          tpu.wait_dma2 semaphore(%run_scoped3A_101 : memref<!tpu.dma_semaphore, #tpu.memory_space<semaphore_mem>>) src(%dma_wait3A_111 : memref<80x112xf32, #tpu.memory_space<vmem_shared>>) dst(%dma_wait3A_109 : memref<80x112xf32, #tpu.memory_space<hbm>>)
          tpu.yield
        }) : () -> ()
      } else {
      }
    }
    %scan3A_91 = arith.constant 8 : i32
    return
  }
}

#map = affine_map<(d0, d1) -> (0, 0)>
#map1 = affine_map<(d0, d1) -> (0, 0, 0)>
module attributes {stable_mosaic.version = 14 : i64} {
  func.func @k(%arg0: i32, %arg1: i32, %arg2: memref<10000x144xf32, #tpu.memory_space<hbm>>, %arg3: memref<32x2x10000xi32, #tpu.memory_space<hbm>>, %arg4: memref<80x144xf32, #tpu.memory_space<hbm>>, %arg5: memref<2x10000x144xf32, #tpu.memory_space<hbm>>, %arg6: memref<2x128xi32, #tpu.memory_space<vmem>>, %arg7: memref<2x128xi32, #tpu.memory_space<vmem>>, %arg8: memref<2x16xi32, #tpu.memory_space<vmem>>, %arg9: memref<128x144xf32, #tpu.memory_space<vmem>>, %arg10: memref<128x144xf32, #tpu.memory_space<vmem>>, %arg11: memref<16x144xf32, #tpu.memory_space<vmem>>, %arg12: memref<!tpu.dma_semaphore, #tpu.memory_space<semaphore_mem>>, %arg13: memref<!tpu.dma_semaphore, #tpu.memory_space<semaphore_mem>>, %arg14: memref<!tpu.dma_semaphore, #tpu.memory_space<semaphore_mem>>, %arg15: memref<!tpu.dma_semaphore, #tpu.memory_space<semaphore_mem>>, %arg16: memref<10000x144xf32, #tpu.memory_space<vmem_shared>>) attributes {dimension_semantics = [#tpu.dimension_semantics<core_parallel>, #tpu.dimension_semantics<subcore_parallel>], iteration_bounds = array<i64: 2, 16>, scalar_prefetch = 0 : i64, scratch_operands = 11 : i64, tpu.core_type = #tpu.core_type<sc_vector_subcore>, window_params = [{transform_indices = #map}, {transform_indices = #map1}, {transform_indices = #map}, {transform_indices = #map1}]} {
    %mul3A = arith.constant 2 : i32
    %mul3A_0 = arith.muli %arg1, %mul3A : i32
    %add3A = arith.addi %mul3A_0, %arg0 : i32
    %multiple_of3A = arith.constant 0 : i32
    %multiple_of3A_1 = tpu.assume_multiple %multiple_of3A, 128 : i32
    %dma_start3A = arith.constant 0 : i32
    %dma_start3A_2 = tpu.memref_slice %arg3[%add3A, %dma_start3A, %multiple_of3A_1] : memref<32x2x10000xi32, #tpu.memory_space<hbm>> -> memref<1x2x128xi32, #tpu.memory_space<hbm>>
    %dma_start3A_3 = tpu.memref_squeeze %dma_start3A_2 : memref<1x2x128xi32, #tpu.memory_space<hbm>> -> memref<2x128xi32, #tpu.memory_space<hbm>>
    %dma_start3A_4 = arith.constant 0 : i32
    %dma_start3A_5 = tpu.memref_slice %arg3[%add3A, %dma_start3A_4, %multiple_of3A_1] : memref<32x2x10000xi32, #tpu.memory_space<hbm>> -> memref<1x2x128xi32, #tpu.memory_space<hbm>>
    %dma_start3A_6 = tpu.memref_squeeze %dma_start3A_5 : memref<1x2x128xi32, #tpu.memory_space<hbm>> -> memref<2x128xi32, #tpu.memory_space<hbm>>
    tpu.enqueue_dma source(%dma_start3A_6 : memref<2x128xi32, #tpu.memory_space<hbm>>) target(%arg6 : memref<2x128xi32, #tpu.memory_space<vmem>>) target_semaphore(%arg12 : memref<!tpu.dma_semaphore, #tpu.memory_space<semaphore_mem>>)
    %multiple_of3A_7 = arith.constant 128 : i32
    %multiple_of3A_8 = tpu.assume_multiple %multiple_of3A_7, 128 : i32
    %dma_start3A_9 = arith.constant 0 : i32
    %dma_start3A_10 = tpu.memref_slice %arg3[%add3A, %dma_start3A_9, %multiple_of3A_8] : memref<32x2x10000xi32, #tpu.memory_space<hbm>> -> memref<1x2x128xi32, #tpu.memory_space<hbm>>
    %dma_start3A_11 = tpu.memref_squeeze %dma_start3A_10 : memref<1x2x128xi32, #tpu.memory_space<hbm>> -> memref<2x128xi32, #tpu.memory_space<hbm>>
    %dma_start3A_12 = arith.constant 0 : i32
    %dma_start3A_13 = tpu.memref_slice %arg3[%add3A, %dma_start3A_12, %multiple_of3A_8] : memref<32x2x10000xi32, #tpu.memory_space<hbm>> -> memref<1x2x128xi32, #tpu.memory_space<hbm>>
    %dma_start3A_14 = tpu.memref_squeeze %dma_start3A_13 : memref<1x2x128xi32, #tpu.memory_space<hbm>> -> memref<2x128xi32, #tpu.memory_space<hbm>>
    tpu.enqueue_dma source(%dma_start3A_14 : memref<2x128xi32, #tpu.memory_space<hbm>>) target(%arg7 : memref<2x128xi32, #tpu.memory_space<vmem>>) target_semaphore(%arg13 : memref<!tpu.dma_semaphore, #tpu.memory_space<semaphore_mem>>)
    "tpu.region"() ({
      %run_scoped3A_92 = tpu.sem_alloc : memref<!tpu.dma_semaphore, #tpu.memory_space<semaphore_mem>>
      %dma_start3A_93 = arith.constant 0 : i32
      %dma_start3A_94 = arith.constant 0 : i32
      %dma_start3A_95 = tpu.memref_slice %arg9[%dma_start3A_93, %dma_start3A_94] : memref<128x144xf32, #tpu.memory_space<vmem>> -> memref<80x144xf32, #tpu.memory_space<vmem>>
      %dma_start3A_96 = arith.constant 0 : i32
      %dma_start3A_97 = arith.constant 0 : i32
      %dma_start3A_98 = tpu.memref_slice %arg9[%dma_start3A_96, %dma_start3A_97] : memref<128x144xf32, #tpu.memory_space<vmem>> -> memref<80x144xf32, #tpu.memory_space<vmem>>
      tpu.enqueue_dma source(%arg4 : memref<80x144xf32, #tpu.memory_space<hbm>>) target(%dma_start3A_98 : memref<80x144xf32, #tpu.memory_space<vmem>>) target_semaphore(%run_scoped3A_92 : memref<!tpu.dma_semaphore, #tpu.memory_space<semaphore_mem>>)
      %dma_wait3A_99 = arith.constant 0 : i32
      %dma_wait3A_100 = arith.constant 0 : i32
      %dma_wait3A_101 = tpu.memref_slice %arg9[%dma_wait3A_99, %dma_wait3A_100] : memref<128x144xf32, #tpu.memory_space<vmem>> -> memref<80x144xf32, #tpu.memory_space<vmem>>
      %dma_wait3A_102 = arith.constant 0 : i32
      %dma_wait3A_103 = arith.constant 0 : i32
      %dma_wait3A_104 = tpu.memref_slice %arg9[%dma_wait3A_102, %dma_wait3A_103] : memref<128x144xf32, #tpu.memory_space<vmem>> -> memref<80x144xf32, #tpu.memory_space<vmem>>
      tpu.wait_dma2 semaphore(%run_scoped3A_92 : memref<!tpu.dma_semaphore, #tpu.memory_space<semaphore_mem>>) src(%arg4 : memref<80x144xf32, #tpu.memory_space<hbm>>) dst(%dma_wait3A_104 : memref<80x144xf32, #tpu.memory_space<vmem>>)
      tpu.yield
    }) : () -> ()
    %scan3A = arith.constant 0 : i32
    %scan3A_15 = arith.constant 0 : i32
    %scan3A_16 = arith.constant 8 : i32
    %scan3A_17 = arith.addi %scan3A_15, %scan3A_16 : i32
    %scan3A_18 = arith.constant 1 : i32
    scf.for %scan3A_92 = %scan3A_15 to %scan3A_17 step %scan3A_18  : i32 {
      %mul3A_93 = arith.constant 16 : i32
      %mul3A_94 = arith.muli %scan3A_92, %mul3A_93 : i32
      %add3A_95 = arith.addi %arg1, %mul3A_94 : i32
      %lt3A = arith.constant 125 : i32
      %lt3A_96 = arith.cmpi slt, %add3A_95, %lt3A : i32
      %convert_element_type3A = arith.extui %lt3A_96 : i1 to i32
      %cond3A = arith.constant 0 : i32
      %cond3A_97 = arith.cmpi ne, %convert_element_type3A, %cond3A : i32
      scf.if %cond3A_97 {
        %mul3A_98 = arith.constant 80 : i32
        %mul3A_99 = arith.muli %add3A_95, %mul3A_98 : i32
        %multiple_of3A_100 = tpu.assume_multiple %mul3A_99, 80 : i32
        "tpu.region"() ({
          %run_scoped3A_101 = tpu.sem_alloc : memref<!tpu.dma_semaphore, #tpu.memory_space<semaphore_mem>>
          %dma_start3A_102 = arith.constant 0 : i32
          %dma_start3A_103 = arith.constant 0 : i32
          %dma_start3A_104 = tpu.memref_slice %arg9[%dma_start3A_102, %dma_start3A_103] : memref<128x144xf32, #tpu.memory_space<vmem>> -> memref<80x144xf32, #tpu.memory_space<vmem>>
          %dma_start3A_105 = arith.constant 0 : i32
          %dma_start3A_106 = tpu.memref_slice %arg16[%multiple_of3A_100, %dma_start3A_105] : memref<10000x144xf32, #tpu.memory_space<vmem_shared>> -> memref<80x144xf32, #tpu.memory_space<vmem_shared>>
          %dma_start3A_107 = arith.constant 0 : i32
          %dma_start3A_108 = tpu.memref_slice %arg16[%multiple_of3A_100, %dma_start3A_107] : memref<10000x144xf32, #tpu.memory_space<vmem_shared>> -> memref<80x144xf32, #tpu.memory_space<vmem_shared>>
          %dma_start3A_109 = arith.constant 0 : i32
          %dma_start3A_110 = arith.constant 0 : i32
          %dma_start3A_111 = tpu.memref_slice %arg9[%dma_start3A_109, %dma_start3A_110] : memref<128x144xf32, #tpu.memory_space<vmem>> -> memref<80x144xf32, #tpu.memory_space<vmem>>
          tpu.enqueue_dma source(%dma_start3A_111 : memref<80x144xf32, #tpu.memory_space<vmem>>) target(%dma_start3A_108 : memref<80x144xf32, #tpu.memory_space<vmem_shared>>) target_semaphore(%run_scoped3A_101 : memref<!tpu.dma_semaphore, #tpu.memory_space<semaphore_mem>>)
          %dma_wait3A_112 = arith.constant 0 : i32
          %dma_wait3A_113 = arith.constant 0 : i32
          %dma_wait3A_114 = tpu.memref_slice %arg9[%dma_wait3A_112, %dma_wait3A_113] : memref<128x144xf32, #tpu.memory_space<vmem>> -> memref<80x144xf32, #tpu.memory_space<vmem>>
          %dma_wait3A_115 = arith.constant 0 : i32
          %dma_wait3A_116 = tpu.memref_slice %arg16[%multiple_of3A_100, %dma_wait3A_115] : memref<10000x144xf32, #tpu.memory_space<vmem_shared>> -> memref<80x144xf32, #tpu.memory_space<vmem_shared>>
          %dma_wait3A_117 = arith.constant 0 : i32
          %dma_wait3A_118 = tpu.memref_slice %arg16[%multiple_of3A_100, %dma_wait3A_117] : memref<10000x144xf32, #tpu.memory_space<vmem_shared>> -> memref<80x144xf32, #tpu.memory_space<vmem_shared>>
          %dma_wait3A_119 = arith.constant 0 : i32
          %dma_wait3A_120 = arith.constant 0 : i32
          %dma_wait3A_121 = tpu.memref_slice %arg9[%dma_wait3A_119, %dma_wait3A_120] : memref<128x144xf32, #tpu.memory_space<vmem>> -> memref<80x144xf32, #tpu.memory_space<vmem>>
          tpu.wait_dma2 semaphore(%run_scoped3A_101 : memref<!tpu.dma_semaphore, #tpu.memory_space<semaphore_mem>>) src(%dma_wait3A_121 : memref<80x144xf32, #tpu.memory_space<vmem>>) dst(%dma_wait3A_118 : memref<80x144xf32, #tpu.memory_space<vmem_shared>>)
          tpu.yield
        }) : () -> ()
      } else {
      }
    }
    %scan3A_19 = arith.constant 8 : i32
    %barrier3A = arith.constant 0 : index
    tpu.barrier barrier_id(%barrier3A)
    %multiple_of3A_20 = arith.constant 0 : i32
    %multiple_of3A_21 = tpu.assume_multiple %multiple_of3A_20, 128 : i32
    %dma_wait3A = arith.constant 0 : i32
    %dma_wait3A_22 = tpu.memref_slice %arg3[%add3A, %dma_wait3A, %multiple_of3A_21] : memref<32x2x10000xi32, #tpu.memory_space<hbm>> -> memref<1x2x128xi32, #tpu.memory_space<hbm>>
    %dma_wait3A_23 = tpu.memref_squeeze %dma_wait3A_22 : memref<1x2x128xi32, #tpu.memory_space<hbm>> -> memref<2x128xi32, #tpu.memory_space<hbm>>
    %dma_wait3A_24 = arith.constant 0 : i32
    %dma_wait3A_25 = tpu.memref_slice %arg3[%add3A, %dma_wait3A_24, %multiple_of3A_21] : memref<32x2x10000xi32, #tpu.memory_space<hbm>> -> memref<1x2x128xi32, #tpu.memory_space<hbm>>
    %dma_wait3A_26 = tpu.memref_squeeze %dma_wait3A_25 : memref<1x2x128xi32, #tpu.memory_space<hbm>> -> memref<2x128xi32, #tpu.memory_space<hbm>>
    tpu.wait_dma2 semaphore(%arg12 : memref<!tpu.dma_semaphore, #tpu.memory_space<semaphore_mem>>) src(%dma_wait3A_26 : memref<2x128xi32, #tpu.memory_space<hbm>>) dst(%arg6 : memref<2x128xi32, #tpu.memory_space<vmem>>)
    %dma_start3A_27 = arith.constant 0 : i32
    %dma_start3A_28 = arith.constant 0 : i32
    %dma_start3A_29 = tpu.memref_slice %arg6[%dma_start3A_27, %dma_start3A_28] : memref<2x128xi32, #tpu.memory_space<vmem>> -> memref<1x128xi32, #tpu.memory_space<vmem>>
    %dma_start3A_30 = tpu.memref_squeeze %dma_start3A_29 : memref<1x128xi32, #tpu.memory_space<vmem>> -> memref<128xi32, #tpu.memory_space<vmem>>
    %dma_start3A_31 = arith.constant 0 : i32
    %dma_start3A_32 = arith.constant 0 : i32
    %dma_start3A_33 = tpu.memref_slice %arg2[%dma_start3A_31, %dma_start3A_32] : memref<10000x144xf32, #tpu.memory_space<hbm>> -> memref<10000x144xf32, #tpu.memory_space<hbm>>
    tpu.enqueue_indirect_dma source(%dma_start3A_33 : memref<10000x144xf32, #tpu.memory_space<hbm>>) target(%arg9 : memref<128x144xf32, #tpu.memory_space<vmem>>) offsets(%dma_start3A_30 : memref<128xi32, #tpu.memory_space<vmem>>) semaphore(%arg14 : memref<!tpu.dma_semaphore, #tpu.memory_space<semaphore_mem>>)
    %scan3A_34 = arith.constant 0 : i32
    %scan3A_35 = arith.constant 0 : i32
    %scan3A_36 = arith.constant 38 : i32
    %scan3A_37 = arith.addi %scan3A_35, %scan3A_36 : i32
    %scan3A_38 = arith.constant 1 : i32
    scf.for %scan3A_92 = %scan3A_35 to %scan3A_37 step %scan3A_38  : i32 {
      %mul3A_93 = arith.constant 2 : i32
      %mul3A_94 = arith.muli %mul3A_93, %scan3A_92 : i32
      %dma_wait3A_95 = arith.constant 0 : i32
      %dma_wait3A_96 = arith.constant 0 : i32
      %dma_wait3A_97 = tpu.memref_slice %arg6[%dma_wait3A_95, %dma_wait3A_96] : memref<2x128xi32, #tpu.memory_space<vmem>> -> memref<1x128xi32, #tpu.memory_space<vmem>>
      %dma_wait3A_98 = tpu.memref_squeeze %dma_wait3A_97 : memref<1x128xi32, #tpu.memory_space<vmem>> -> memref<128xi32, #tpu.memory_space<vmem>>
      %dma_wait3A_99 = arith.constant 0 : i32
      %dma_wait3A_100 = arith.constant 0 : i32
      %dma_wait3A_101 = tpu.memref_slice %arg2[%dma_wait3A_99, %dma_wait3A_100] : memref<10000x144xf32, #tpu.memory_space<hbm>> -> memref<10000x144xf32, #tpu.memory_space<hbm>>
      tpu.wait_indirect_dma semaphore(%arg14 : memref<!tpu.dma_semaphore, #tpu.memory_space<semaphore_mem>>) src(%dma_wait3A_101 : memref<10000x144xf32, #tpu.memory_space<hbm>>) dst(%arg9 : memref<128x144xf32, #tpu.memory_space<vmem>>)
      %add3A_102 = arith.constant 1 : i32
      %add3A_103 = arith.addi %mul3A_94, %add3A_102 : i32
      %mul3A_104 = arith.constant 128 : i32
      %mul3A_105 = arith.muli %add3A_103, %mul3A_104 : i32
      %multiple_of3A_106 = tpu.assume_multiple %mul3A_105, 128 : i32
      %dma_wait3A_107 = arith.constant 0 : i32
      %dma_wait3A_108 = tpu.memref_slice %arg3[%add3A, %dma_wait3A_107, %multiple_of3A_106] : memref<32x2x10000xi32, #tpu.memory_space<hbm>> -> memref<1x2x128xi32, #tpu.memory_space<hbm>>
      %dma_wait3A_109 = tpu.memref_squeeze %dma_wait3A_108 : memref<1x2x128xi32, #tpu.memory_space<hbm>> -> memref<2x128xi32, #tpu.memory_space<hbm>>
      %dma_wait3A_110 = arith.constant 0 : i32
      %dma_wait3A_111 = tpu.memref_slice %arg3[%add3A, %dma_wait3A_110, %multiple_of3A_106] : memref<32x2x10000xi32, #tpu.memory_space<hbm>> -> memref<1x2x128xi32, #tpu.memory_space<hbm>>
      %dma_wait3A_112 = tpu.memref_squeeze %dma_wait3A_111 : memref<1x2x128xi32, #tpu.memory_space<hbm>> -> memref<2x128xi32, #tpu.memory_space<hbm>>
      tpu.wait_dma2 semaphore(%arg13 : memref<!tpu.dma_semaphore, #tpu.memory_space<semaphore_mem>>) src(%dma_wait3A_112 : memref<2x128xi32, #tpu.memory_space<hbm>>) dst(%arg7 : memref<2x128xi32, #tpu.memory_space<vmem>>)
      %dma_start3A_113 = arith.constant 0 : i32
      %dma_start3A_114 = arith.constant 0 : i32
      %dma_start3A_115 = tpu.memref_slice %arg7[%dma_start3A_113, %dma_start3A_114] : memref<2x128xi32, #tpu.memory_space<vmem>> -> memref<1x128xi32, #tpu.memory_space<vmem>>
      %dma_start3A_116 = tpu.memref_squeeze %dma_start3A_115 : memref<1x128xi32, #tpu.memory_space<vmem>> -> memref<128xi32, #tpu.memory_space<vmem>>
      %dma_start3A_117 = arith.constant 0 : i32
      %dma_start3A_118 = arith.constant 0 : i32
      %dma_start3A_119 = tpu.memref_slice %arg2[%dma_start3A_117, %dma_start3A_118] : memref<10000x144xf32, #tpu.memory_space<hbm>> -> memref<10000x144xf32, #tpu.memory_space<hbm>>
      tpu.enqueue_indirect_dma source(%dma_start3A_119 : memref<10000x144xf32, #tpu.memory_space<hbm>>) target(%arg10 : memref<128x144xf32, #tpu.memory_space<vmem>>) offsets(%dma_start3A_116 : memref<128xi32, #tpu.memory_space<vmem>>) semaphore(%arg15 : memref<!tpu.dma_semaphore, #tpu.memory_space<semaphore_mem>>)
      %run_scoped3A_120 = arith.constant 1 : i32
      "tpu.region"() ({
        %run_scoped3A_170 = tpu.sem_alloc : memref<!tpu.dma_semaphore, #tpu.memory_space<semaphore_mem>>
        %dma_start3A_171 = arith.constant 0 : i32
        %dma_start3A_172 = tpu.memref_slice %arg6[%run_scoped3A_120, %dma_start3A_171] : memref<2x128xi32, #tpu.memory_space<vmem>> -> memref<1x128xi32, #tpu.memory_space<vmem>>
        %dma_start3A_173 = tpu.memref_squeeze %dma_start3A_172 : memref<1x128xi32, #tpu.memory_space<vmem>> -> memref<128xi32, #tpu.memory_space<vmem>>
        %dma_start3A_174 = arith.constant 0 : i32
        %dma_start3A_175 = arith.constant 0 : i32
        %dma_start3A_176 = tpu.memref_slice %arg16[%dma_start3A_174, %dma_start3A_175] : memref<10000x144xf32, #tpu.memory_space<vmem_shared>> -> memref<10000x144xf32, #tpu.memory_space<vmem_shared>>
        tpu.enqueue_indirect_dma source(%arg9 : memref<128x144xf32, #tpu.memory_space<vmem>>) target(%dma_start3A_176 : memref<10000x144xf32, #tpu.memory_space<vmem_shared>>) offsets(%dma_start3A_173 : memref<128xi32, #tpu.memory_space<vmem>>) semaphore(%run_scoped3A_170 : memref<!tpu.dma_semaphore, #tpu.memory_space<semaphore_mem>>) {add = true}
        %dma_wait3A_177 = arith.constant 0 : i32
        %dma_wait3A_178 = tpu.memref_slice %arg6[%run_scoped3A_120, %dma_wait3A_177] : memref<2x128xi32, #tpu.memory_space<vmem>> -> memref<1x128xi32, #tpu.memory_space<vmem>>
        %dma_wait3A_179 = tpu.memref_squeeze %dma_wait3A_178 : memref<1x128xi32, #tpu.memory_space<vmem>> -> memref<128xi32, #tpu.memory_space<vmem>>
        %dma_wait3A_180 = arith.constant 0 : i32
        %dma_wait3A_181 = arith.constant 0 : i32
        %dma_wait3A_182 = tpu.memref_slice %arg16[%dma_wait3A_180, %dma_wait3A_181] : memref<10000x144xf32, #tpu.memory_space<vmem_shared>> -> memref<10000x144xf32, #tpu.memory_space<vmem_shared>>
        tpu.wait_indirect_dma semaphore(%run_scoped3A_170 : memref<!tpu.dma_semaphore, #tpu.memory_space<semaphore_mem>>) src(%arg9 : memref<128x144xf32, #tpu.memory_space<vmem>>) dst(%dma_wait3A_182 : memref<10000x144xf32, #tpu.memory_space<vmem_shared>>)
        tpu.yield
      }) : () -> ()
      %add3A_121 = arith.constant 2 : i32
      %add3A_122 = arith.addi %mul3A_94, %add3A_121 : i32
      %mul3A_123 = arith.constant 128 : i32
      %mul3A_124 = arith.muli %add3A_122, %mul3A_123 : i32
      %multiple_of3A_125 = tpu.assume_multiple %mul3A_124, 128 : i32
      %dma_start3A_126 = arith.constant 0 : i32
      %dma_start3A_127 = tpu.memref_slice %arg3[%add3A, %dma_start3A_126, %multiple_of3A_125] : memref<32x2x10000xi32, #tpu.memory_space<hbm>> -> memref<1x2x128xi32, #tpu.memory_space<hbm>>
      %dma_start3A_128 = tpu.memref_squeeze %dma_start3A_127 : memref<1x2x128xi32, #tpu.memory_space<hbm>> -> memref<2x128xi32, #tpu.memory_space<hbm>>
      %dma_start3A_129 = arith.constant 0 : i32
      %dma_start3A_130 = tpu.memref_slice %arg3[%add3A, %dma_start3A_129, %multiple_of3A_125] : memref<32x2x10000xi32, #tpu.memory_space<hbm>> -> memref<1x2x128xi32, #tpu.memory_space<hbm>>
      %dma_start3A_131 = tpu.memref_squeeze %dma_start3A_130 : memref<1x2x128xi32, #tpu.memory_space<hbm>> -> memref<2x128xi32, #tpu.memory_space<hbm>>
      tpu.enqueue_dma source(%dma_start3A_131 : memref<2x128xi32, #tpu.memory_space<hbm>>) target(%arg6 : memref<2x128xi32, #tpu.memory_space<vmem>>) target_semaphore(%arg12 : memref<!tpu.dma_semaphore, #tpu.memory_space<semaphore_mem>>)
      %dma_wait3A_132 = arith.constant 0 : i32
      %dma_wait3A_133 = arith.constant 0 : i32
      %dma_wait3A_134 = tpu.memref_slice %arg7[%dma_wait3A_132, %dma_wait3A_133] : memref<2x128xi32, #tpu.memory_space<vmem>> -> memref<1x128xi32, #tpu.memory_space<vmem>>
      %dma_wait3A_135 = tpu.memref_squeeze %dma_wait3A_134 : memref<1x128xi32, #tpu.memory_space<vmem>> -> memref<128xi32, #tpu.memory_space<vmem>>
      %dma_wait3A_136 = arith.constant 0 : i32
      %dma_wait3A_137 = arith.constant 0 : i32
      %dma_wait3A_138 = tpu.memref_slice %arg2[%dma_wait3A_136, %dma_wait3A_137] : memref<10000x144xf32, #tpu.memory_space<hbm>> -> memref<10000x144xf32, #tpu.memory_space<hbm>>
      tpu.wait_indirect_dma semaphore(%arg15 : memref<!tpu.dma_semaphore, #tpu.memory_space<semaphore_mem>>) src(%dma_wait3A_138 : memref<10000x144xf32, #tpu.memory_space<hbm>>) dst(%arg10 : memref<128x144xf32, #tpu.memory_space<vmem>>)
      %add3A_139 = arith.constant 2 : i32
      %add3A_140 = arith.addi %mul3A_94, %add3A_139 : i32
      %mul3A_141 = arith.constant 128 : i32
      %mul3A_142 = arith.muli %add3A_140, %mul3A_141 : i32
      %multiple_of3A_143 = tpu.assume_multiple %mul3A_142, 128 : i32
      %dma_wait3A_144 = arith.constant 0 : i32
      %dma_wait3A_145 = tpu.memref_slice %arg3[%add3A, %dma_wait3A_144, %multiple_of3A_143] : memref<32x2x10000xi32, #tpu.memory_space<hbm>> -> memref<1x2x128xi32, #tpu.memory_space<hbm>>
      %dma_wait3A_146 = tpu.memref_squeeze %dma_wait3A_145 : memref<1x2x128xi32, #tpu.memory_space<hbm>> -> memref<2x128xi32, #tpu.memory_space<hbm>>
      %dma_wait3A_147 = arith.constant 0 : i32
      %dma_wait3A_148 = tpu.memref_slice %arg3[%add3A, %dma_wait3A_147, %multiple_of3A_143] : memref<32x2x10000xi32, #tpu.memory_space<hbm>> -> memref<1x2x128xi32, #tpu.memory_space<hbm>>
      %dma_wait3A_149 = tpu.memref_squeeze %dma_wait3A_148 : memref<1x2x128xi32, #tpu.memory_space<hbm>> -> memref<2x128xi32, #tpu.memory_space<hbm>>
      tpu.wait_dma2 semaphore(%arg12 : memref<!tpu.dma_semaphore, #tpu.memory_space<semaphore_mem>>) src(%dma_wait3A_149 : memref<2x128xi32, #tpu.memory_space<hbm>>) dst(%arg6 : memref<2x128xi32, #tpu.memory_space<vmem>>)
      %dma_start3A_150 = arith.constant 0 : i32
      %dma_start3A_151 = arith.constant 0 : i32
      %dma_start3A_152 = tpu.memref_slice %arg6[%dma_start3A_150, %dma_start3A_151] : memref<2x128xi32, #tpu.memory_space<vmem>> -> memref<1x128xi32, #tpu.memory_space<vmem>>
      %dma_start3A_153 = tpu.memref_squeeze %dma_start3A_152 : memref<1x128xi32, #tpu.memory_space<vmem>> -> memref<128xi32, #tpu.memory_space<vmem>>
      %dma_start3A_154 = arith.constant 0 : i32
      %dma_start3A_155 = arith.constant 0 : i32
      %dma_start3A_156 = tpu.memref_slice %arg2[%dma_start3A_154, %dma_start3A_155] : memref<10000x144xf32, #tpu.memory_space<hbm>> -> memref<10000x144xf32, #tpu.memory_space<hbm>>
      tpu.enqueue_indirect_dma source(%dma_start3A_156 : memref<10000x144xf32, #tpu.memory_space<hbm>>) target(%arg9 : memref<128x144xf32, #tpu.memory_space<vmem>>) offsets(%dma_start3A_153 : memref<128xi32, #tpu.memory_space<vmem>>) semaphore(%arg14 : memref<!tpu.dma_semaphore, #tpu.memory_space<semaphore_mem>>)
      %run_scoped3A_157 = arith.constant 1 : i32
      "tpu.region"() ({
        %run_scoped3A_170 = tpu.sem_alloc : memref<!tpu.dma_semaphore, #tpu.memory_space<semaphore_mem>>
        %dma_start3A_171 = arith.constant 0 : i32
        %dma_start3A_172 = tpu.memref_slice %arg7[%run_scoped3A_157, %dma_start3A_171] : memref<2x128xi32, #tpu.memory_space<vmem>> -> memref<1x128xi32, #tpu.memory_space<vmem>>
        %dma_start3A_173 = tpu.memref_squeeze %dma_start3A_172 : memref<1x128xi32, #tpu.memory_space<vmem>> -> memref<128xi32, #tpu.memory_space<vmem>>
        %dma_start3A_174 = arith.constant 0 : i32
        %dma_start3A_175 = arith.constant 0 : i32
        %dma_start3A_176 = tpu.memref_slice %arg16[%dma_start3A_174, %dma_start3A_175] : memref<10000x144xf32, #tpu.memory_space<vmem_shared>> -> memref<10000x144xf32, #tpu.memory_space<vmem_shared>>
        tpu.enqueue_indirect_dma source(%arg10 : memref<128x144xf32, #tpu.memory_space<vmem>>) target(%dma_start3A_176 : memref<10000x144xf32, #tpu.memory_space<vmem_shared>>) offsets(%dma_start3A_173 : memref<128xi32, #tpu.memory_space<vmem>>) semaphore(%run_scoped3A_170 : memref<!tpu.dma_semaphore, #tpu.memory_space<semaphore_mem>>) {add = true}
        %dma_wait3A_177 = arith.constant 0 : i32
        %dma_wait3A_178 = tpu.memref_slice %arg7[%run_scoped3A_157, %dma_wait3A_177] : memref<2x128xi32, #tpu.memory_space<vmem>> -> memref<1x128xi32, #tpu.memory_space<vmem>>
        %dma_wait3A_179 = tpu.memref_squeeze %dma_wait3A_178 : memref<1x128xi32, #tpu.memory_space<vmem>> -> memref<128xi32, #tpu.memory_space<vmem>>
        %dma_wait3A_180 = arith.constant 0 : i32
        %dma_wait3A_181 = arith.constant 0 : i32
        %dma_wait3A_182 = tpu.memref_slice %arg16[%dma_wait3A_180, %dma_wait3A_181] : memref<10000x144xf32, #tpu.memory_space<vmem_shared>> -> memref<10000x144xf32, #tpu.memory_space<vmem_shared>>
        tpu.wait_indirect_dma semaphore(%run_scoped3A_170 : memref<!tpu.dma_semaphore, #tpu.memory_space<semaphore_mem>>) src(%arg10 : memref<128x144xf32, #tpu.memory_space<vmem>>) dst(%dma_wait3A_182 : memref<10000x144xf32, #tpu.memory_space<vmem_shared>>)
        tpu.yield
      }) : () -> ()
      %add3A_158 = arith.constant 3 : i32
      %add3A_159 = arith.addi %mul3A_94, %add3A_158 : i32
      %min3A = arith.constant 77 : i32
      %min3A_160 = arith.minsi %add3A_159, %min3A : i32
      %mul3A_161 = arith.constant 128 : i32
      %mul3A_162 = arith.muli %min3A_160, %mul3A_161 : i32
      %multiple_of3A_163 = tpu.assume_multiple %mul3A_162, 128 : i32
      %dma_start3A_164 = arith.constant 0 : i32
      %dma_start3A_165 = tpu.memref_slice %arg3[%add3A, %dma_start3A_164, %multiple_of3A_163] : memref<32x2x10000xi32, #tpu.memory_space<hbm>> -> memref<1x2x128xi32, #tpu.memory_space<hbm>>
      %dma_start3A_166 = tpu.memref_squeeze %dma_start3A_165 : memref<1x2x128xi32, #tpu.memory_space<hbm>> -> memref<2x128xi32, #tpu.memory_space<hbm>>
      %dma_start3A_167 = arith.constant 0 : i32
      %dma_start3A_168 = tpu.memref_slice %arg3[%add3A, %dma_start3A_167, %multiple_of3A_163] : memref<32x2x10000xi32, #tpu.memory_space<hbm>> -> memref<1x2x128xi32, #tpu.memory_space<hbm>>
      %dma_start3A_169 = tpu.memref_squeeze %dma_start3A_168 : memref<1x2x128xi32, #tpu.memory_space<hbm>> -> memref<2x128xi32, #tpu.memory_space<hbm>>
      tpu.enqueue_dma source(%dma_start3A_169 : memref<2x128xi32, #tpu.memory_space<hbm>>) target(%arg7 : memref<2x128xi32, #tpu.memory_space<vmem>>) target_semaphore(%arg13 : memref<!tpu.dma_semaphore, #tpu.memory_space<semaphore_mem>>)
    }
    %scan3A_39 = arith.constant 38 : i32
    %dma_wait3A_40 = arith.constant 0 : i32
    %dma_wait3A_41 = arith.constant 0 : i32
    %dma_wait3A_42 = tpu.memref_slice %arg6[%dma_wait3A_40, %dma_wait3A_41] : memref<2x128xi32, #tpu.memory_space<vmem>> -> memref<1x128xi32, #tpu.memory_space<vmem>>
    %dma_wait3A_43 = tpu.memref_squeeze %dma_wait3A_42 : memref<1x128xi32, #tpu.memory_space<vmem>> -> memref<128xi32, #tpu.memory_space<vmem>>
    %dma_wait3A_44 = arith.constant 0 : i32
    %dma_wait3A_45 = arith.constant 0 : i32
    %dma_wait3A_46 = tpu.memref_slice %arg2[%dma_wait3A_44, %dma_wait3A_45] : memref<10000x144xf32, #tpu.memory_space<hbm>> -> memref<10000x144xf32, #tpu.memory_space<hbm>>
    tpu.wait_indirect_dma semaphore(%arg14 : memref<!tpu.dma_semaphore, #tpu.memory_space<semaphore_mem>>) src(%dma_wait3A_46 : memref<10000x144xf32, #tpu.memory_space<hbm>>) dst(%arg9 : memref<128x144xf32, #tpu.memory_space<vmem>>)
    %multiple_of3A_47 = arith.constant 9856 : i32
    %multiple_of3A_48 = tpu.assume_multiple %multiple_of3A_47, 128 : i32
    %dma_wait3A_49 = arith.constant 0 : i32
    %dma_wait3A_50 = tpu.memref_slice %arg3[%add3A, %dma_wait3A_49, %multiple_of3A_48] : memref<32x2x10000xi32, #tpu.memory_space<hbm>> -> memref<1x2x128xi32, #tpu.memory_space<hbm>>
    %dma_wait3A_51 = tpu.memref_squeeze %dma_wait3A_50 : memref<1x2x128xi32, #tpu.memory_space<hbm>> -> memref<2x128xi32, #tpu.memory_space<hbm>>
    %dma_wait3A_52 = arith.constant 0 : i32
    %dma_wait3A_53 = tpu.memref_slice %arg3[%add3A, %dma_wait3A_52, %multiple_of3A_48] : memref<32x2x10000xi32, #tpu.memory_space<hbm>> -> memref<1x2x128xi32, #tpu.memory_space<hbm>>
    %dma_wait3A_54 = tpu.memref_squeeze %dma_wait3A_53 : memref<1x2x128xi32, #tpu.memory_space<hbm>> -> memref<2x128xi32, #tpu.memory_space<hbm>>
    tpu.wait_dma2 semaphore(%arg13 : memref<!tpu.dma_semaphore, #tpu.memory_space<semaphore_mem>>) src(%dma_wait3A_54 : memref<2x128xi32, #tpu.memory_space<hbm>>) dst(%arg7 : memref<2x128xi32, #tpu.memory_space<vmem>>)
    %dma_start3A_55 = arith.constant 0 : i32
    %dma_start3A_56 = arith.constant 0 : i32
    %dma_start3A_57 = tpu.memref_slice %arg7[%dma_start3A_55, %dma_start3A_56] : memref<2x128xi32, #tpu.memory_space<vmem>> -> memref<1x128xi32, #tpu.memory_space<vmem>>
    %dma_start3A_58 = tpu.memref_squeeze %dma_start3A_57 : memref<1x128xi32, #tpu.memory_space<vmem>> -> memref<128xi32, #tpu.memory_space<vmem>>
    %dma_start3A_59 = arith.constant 0 : i32
    %dma_start3A_60 = arith.constant 0 : i32
    %dma_start3A_61 = tpu.memref_slice %arg2[%dma_start3A_59, %dma_start3A_60] : memref<10000x144xf32, #tpu.memory_space<hbm>> -> memref<10000x144xf32, #tpu.memory_space<hbm>>
    tpu.enqueue_indirect_dma source(%dma_start3A_61 : memref<10000x144xf32, #tpu.memory_space<hbm>>) target(%arg10 : memref<128x144xf32, #tpu.memory_space<vmem>>) offsets(%dma_start3A_58 : memref<128xi32, #tpu.memory_space<vmem>>) semaphore(%arg15 : memref<!tpu.dma_semaphore, #tpu.memory_space<semaphore_mem>>)
    %run_scoped3A = arith.constant 1 : i32
    "tpu.region"() ({
      %run_scoped3A_92 = tpu.sem_alloc : memref<!tpu.dma_semaphore, #tpu.memory_space<semaphore_mem>>
      %dma_start3A_93 = arith.constant 0 : i32
      %dma_start3A_94 = tpu.memref_slice %arg6[%run_scoped3A, %dma_start3A_93] : memref<2x128xi32, #tpu.memory_space<vmem>> -> memref<1x128xi32, #tpu.memory_space<vmem>>
      %dma_start3A_95 = tpu.memref_squeeze %dma_start3A_94 : memref<1x128xi32, #tpu.memory_space<vmem>> -> memref<128xi32, #tpu.memory_space<vmem>>
      %dma_start3A_96 = arith.constant 0 : i32
      %dma_start3A_97 = arith.constant 0 : i32
      %dma_start3A_98 = tpu.memref_slice %arg16[%dma_start3A_96, %dma_start3A_97] : memref<10000x144xf32, #tpu.memory_space<vmem_shared>> -> memref<10000x144xf32, #tpu.memory_space<vmem_shared>>
      tpu.enqueue_indirect_dma source(%arg9 : memref<128x144xf32, #tpu.memory_space<vmem>>) target(%dma_start3A_98 : memref<10000x144xf32, #tpu.memory_space<vmem_shared>>) offsets(%dma_start3A_95 : memref<128xi32, #tpu.memory_space<vmem>>) semaphore(%run_scoped3A_92 : memref<!tpu.dma_semaphore, #tpu.memory_space<semaphore_mem>>) {add = true}
      %dma_wait3A_99 = arith.constant 0 : i32
      %dma_wait3A_100 = tpu.memref_slice %arg6[%run_scoped3A, %dma_wait3A_99] : memref<2x128xi32, #tpu.memory_space<vmem>> -> memref<1x128xi32, #tpu.memory_space<vmem>>
      %dma_wait3A_101 = tpu.memref_squeeze %dma_wait3A_100 : memref<1x128xi32, #tpu.memory_space<vmem>> -> memref<128xi32, #tpu.memory_space<vmem>>
      %dma_wait3A_102 = arith.constant 0 : i32
      %dma_wait3A_103 = arith.constant 0 : i32
      %dma_wait3A_104 = tpu.memref_slice %arg16[%dma_wait3A_102, %dma_wait3A_103] : memref<10000x144xf32, #tpu.memory_space<vmem_shared>> -> memref<10000x144xf32, #tpu.memory_space<vmem_shared>>
      tpu.wait_indirect_dma semaphore(%run_scoped3A_92 : memref<!tpu.dma_semaphore, #tpu.memory_space<semaphore_mem>>) src(%arg9 : memref<128x144xf32, #tpu.memory_space<vmem>>) dst(%dma_wait3A_104 : memref<10000x144xf32, #tpu.memory_space<vmem_shared>>)
      tpu.yield
    }) : () -> ()
    "tpu.region"() ({
      %run_scoped3A_92 = tpu.sem_alloc : memref<!tpu.dma_semaphore, #tpu.memory_space<semaphore_mem>>
      %dma_start3A_93 = arith.constant 0 : i32
      %dma_start3A_94 = arith.constant 9984 : i32
      %dma_start3A_95 = tpu.memref_slice %arg3[%add3A, %dma_start3A_93, %dma_start3A_94] : memref<32x2x10000xi32, #tpu.memory_space<hbm>> -> memref<1x2x16xi32, #tpu.memory_space<hbm>>
      %dma_start3A_96 = tpu.memref_squeeze %dma_start3A_95 : memref<1x2x16xi32, #tpu.memory_space<hbm>> -> memref<2x16xi32, #tpu.memory_space<hbm>>
      %dma_start3A_97 = arith.constant 0 : i32
      %dma_start3A_98 = arith.constant 9984 : i32
      %dma_start3A_99 = tpu.memref_slice %arg3[%add3A, %dma_start3A_97, %dma_start3A_98] : memref<32x2x10000xi32, #tpu.memory_space<hbm>> -> memref<1x2x16xi32, #tpu.memory_space<hbm>>
      %dma_start3A_100 = tpu.memref_squeeze %dma_start3A_99 : memref<1x2x16xi32, #tpu.memory_space<hbm>> -> memref<2x16xi32, #tpu.memory_space<hbm>>
      tpu.enqueue_dma source(%dma_start3A_100 : memref<2x16xi32, #tpu.memory_space<hbm>>) target(%arg8 : memref<2x16xi32, #tpu.memory_space<vmem>>) target_semaphore(%run_scoped3A_92 : memref<!tpu.dma_semaphore, #tpu.memory_space<semaphore_mem>>)
      %dma_wait3A_101 = arith.constant 0 : i32
      %dma_wait3A_102 = arith.constant 9984 : i32
      %dma_wait3A_103 = tpu.memref_slice %arg3[%add3A, %dma_wait3A_101, %dma_wait3A_102] : memref<32x2x10000xi32, #tpu.memory_space<hbm>> -> memref<1x2x16xi32, #tpu.memory_space<hbm>>
      %dma_wait3A_104 = tpu.memref_squeeze %dma_wait3A_103 : memref<1x2x16xi32, #tpu.memory_space<hbm>> -> memref<2x16xi32, #tpu.memory_space<hbm>>
      %dma_wait3A_105 = arith.constant 0 : i32
      %dma_wait3A_106 = arith.constant 9984 : i32
      %dma_wait3A_107 = tpu.memref_slice %arg3[%add3A, %dma_wait3A_105, %dma_wait3A_106] : memref<32x2x10000xi32, #tpu.memory_space<hbm>> -> memref<1x2x16xi32, #tpu.memory_space<hbm>>
      %dma_wait3A_108 = tpu.memref_squeeze %dma_wait3A_107 : memref<1x2x16xi32, #tpu.memory_space<hbm>> -> memref<2x16xi32, #tpu.memory_space<hbm>>
      tpu.wait_dma2 semaphore(%run_scoped3A_92 : memref<!tpu.dma_semaphore, #tpu.memory_space<semaphore_mem>>) src(%dma_wait3A_108 : memref<2x16xi32, #tpu.memory_space<hbm>>) dst(%arg8 : memref<2x16xi32, #tpu.memory_space<vmem>>)
      tpu.yield
    }) : () -> ()
    %dma_wait3A_62 = arith.constant 0 : i32
    %dma_wait3A_63 = arith.constant 0 : i32
    %dma_wait3A_64 = tpu.memref_slice %arg7[%dma_wait3A_62, %dma_wait3A_63] : memref<2x128xi32, #tpu.memory_space<vmem>> -> memref<1x128xi32, #tpu.memory_space<vmem>>
    %dma_wait3A_65 = tpu.memref_squeeze %dma_wait3A_64 : memref<1x128xi32, #tpu.memory_space<vmem>> -> memref<128xi32, #tpu.memory_space<vmem>>
    %dma_wait3A_66 = arith.constant 0 : i32
    %dma_wait3A_67 = arith.constant 0 : i32
    %dma_wait3A_68 = tpu.memref_slice %arg2[%dma_wait3A_66, %dma_wait3A_67] : memref<10000x144xf32, #tpu.memory_space<hbm>> -> memref<10000x144xf32, #tpu.memory_space<hbm>>
    tpu.wait_indirect_dma semaphore(%arg15 : memref<!tpu.dma_semaphore, #tpu.memory_space<semaphore_mem>>) src(%dma_wait3A_68 : memref<10000x144xf32, #tpu.memory_space<hbm>>) dst(%arg10 : memref<128x144xf32, #tpu.memory_space<vmem>>)
    %dma_start3A_69 = arith.constant 0 : i32
    %dma_start3A_70 = arith.constant 0 : i32
    %dma_start3A_71 = tpu.memref_slice %arg8[%dma_start3A_69, %dma_start3A_70] : memref<2x16xi32, #tpu.memory_space<vmem>> -> memref<1x16xi32, #tpu.memory_space<vmem>>
    %dma_start3A_72 = tpu.memref_squeeze %dma_start3A_71 : memref<1x16xi32, #tpu.memory_space<vmem>> -> memref<16xi32, #tpu.memory_space<vmem>>
    %dma_start3A_73 = arith.constant 0 : i32
    %dma_start3A_74 = arith.constant 0 : i32
    %dma_start3A_75 = tpu.memref_slice %arg2[%dma_start3A_73, %dma_start3A_74] : memref<10000x144xf32, #tpu.memory_space<hbm>> -> memref<10000x144xf32, #tpu.memory_space<hbm>>
    tpu.enqueue_indirect_dma source(%dma_start3A_75 : memref<10000x144xf32, #tpu.memory_space<hbm>>) target(%arg11 : memref<16x144xf32, #tpu.memory_space<vmem>>) offsets(%dma_start3A_72 : memref<16xi32, #tpu.memory_space<vmem>>) semaphore(%arg14 : memref<!tpu.dma_semaphore, #tpu.memory_space<semaphore_mem>>)
    %run_scoped3A_76 = arith.constant 1 : i32
    "tpu.region"() ({
      %run_scoped3A_92 = tpu.sem_alloc : memref<!tpu.dma_semaphore, #tpu.memory_space<semaphore_mem>>
      %dma_start3A_93 = arith.constant 0 : i32
      %dma_start3A_94 = tpu.memref_slice %arg7[%run_scoped3A_76, %dma_start3A_93] : memref<2x128xi32, #tpu.memory_space<vmem>> -> memref<1x128xi32, #tpu.memory_space<vmem>>
      %dma_start3A_95 = tpu.memref_squeeze %dma_start3A_94 : memref<1x128xi32, #tpu.memory_space<vmem>> -> memref<128xi32, #tpu.memory_space<vmem>>
      %dma_start3A_96 = arith.constant 0 : i32
      %dma_start3A_97 = arith.constant 0 : i32
      %dma_start3A_98 = tpu.memref_slice %arg16[%dma_start3A_96, %dma_start3A_97] : memref<10000x144xf32, #tpu.memory_space<vmem_shared>> -> memref<10000x144xf32, #tpu.memory_space<vmem_shared>>
      tpu.enqueue_indirect_dma source(%arg10 : memref<128x144xf32, #tpu.memory_space<vmem>>) target(%dma_start3A_98 : memref<10000x144xf32, #tpu.memory_space<vmem_shared>>) offsets(%dma_start3A_95 : memref<128xi32, #tpu.memory_space<vmem>>) semaphore(%run_scoped3A_92 : memref<!tpu.dma_semaphore, #tpu.memory_space<semaphore_mem>>) {add = true}
      %dma_wait3A_99 = arith.constant 0 : i32
      %dma_wait3A_100 = tpu.memref_slice %arg7[%run_scoped3A_76, %dma_wait3A_99] : memref<2x128xi32, #tpu.memory_space<vmem>> -> memref<1x128xi32, #tpu.memory_space<vmem>>
      %dma_wait3A_101 = tpu.memref_squeeze %dma_wait3A_100 : memref<1x128xi32, #tpu.memory_space<vmem>> -> memref<128xi32, #tpu.memory_space<vmem>>
      %dma_wait3A_102 = arith.constant 0 : i32
      %dma_wait3A_103 = arith.constant 0 : i32
      %dma_wait3A_104 = tpu.memref_slice %arg16[%dma_wait3A_102, %dma_wait3A_103] : memref<10000x144xf32, #tpu.memory_space<vmem_shared>> -> memref<10000x144xf32, #tpu.memory_space<vmem_shared>>
      tpu.wait_indirect_dma semaphore(%run_scoped3A_92 : memref<!tpu.dma_semaphore, #tpu.memory_space<semaphore_mem>>) src(%arg10 : memref<128x144xf32, #tpu.memory_space<vmem>>) dst(%dma_wait3A_104 : memref<10000x144xf32, #tpu.memory_space<vmem_shared>>)
      tpu.yield
    }) : () -> ()
    %dma_wait3A_77 = arith.constant 0 : i32
    %dma_wait3A_78 = arith.constant 0 : i32
    %dma_wait3A_79 = tpu.memref_slice %arg8[%dma_wait3A_77, %dma_wait3A_78] : memref<2x16xi32, #tpu.memory_space<vmem>> -> memref<1x16xi32, #tpu.memory_space<vmem>>
    %dma_wait3A_80 = tpu.memref_squeeze %dma_wait3A_79 : memref<1x16xi32, #tpu.memory_space<vmem>> -> memref<16xi32, #tpu.memory_space<vmem>>
    %dma_wait3A_81 = arith.constant 0 : i32
    %dma_wait3A_82 = arith.constant 0 : i32
    %dma_wait3A_83 = tpu.memref_slice %arg2[%dma_wait3A_81, %dma_wait3A_82] : memref<10000x144xf32, #tpu.memory_space<hbm>> -> memref<10000x144xf32, #tpu.memory_space<hbm>>
    tpu.wait_indirect_dma semaphore(%arg14 : memref<!tpu.dma_semaphore, #tpu.memory_space<semaphore_mem>>) src(%dma_wait3A_83 : memref<10000x144xf32, #tpu.memory_space<hbm>>) dst(%arg11 : memref<16x144xf32, #tpu.memory_space<vmem>>)
    %run_scoped3A_84 = arith.constant 1 : i32
    "tpu.region"() ({
      %run_scoped3A_92 = tpu.sem_alloc : memref<!tpu.dma_semaphore, #tpu.memory_space<semaphore_mem>>
      %dma_start3A_93 = arith.constant 0 : i32
      %dma_start3A_94 = tpu.memref_slice %arg8[%run_scoped3A_84, %dma_start3A_93] : memref<2x16xi32, #tpu.memory_space<vmem>> -> memref<1x16xi32, #tpu.memory_space<vmem>>
      %dma_start3A_95 = tpu.memref_squeeze %dma_start3A_94 : memref<1x16xi32, #tpu.memory_space<vmem>> -> memref<16xi32, #tpu.memory_space<vmem>>
      %dma_start3A_96 = arith.constant 0 : i32
      %dma_start3A_97 = arith.constant 0 : i32
      %dma_start3A_98 = tpu.memref_slice %arg16[%dma_start3A_96, %dma_start3A_97] : memref<10000x144xf32, #tpu.memory_space<vmem_shared>> -> memref<10000x144xf32, #tpu.memory_space<vmem_shared>>
      tpu.enqueue_indirect_dma source(%arg11 : memref<16x144xf32, #tpu.memory_space<vmem>>) target(%dma_start3A_98 : memref<10000x144xf32, #tpu.memory_space<vmem_shared>>) offsets(%dma_start3A_95 : memref<16xi32, #tpu.memory_space<vmem>>) semaphore(%run_scoped3A_92 : memref<!tpu.dma_semaphore, #tpu.memory_space<semaphore_mem>>) {add = true}
      %dma_wait3A_99 = arith.constant 0 : i32
      %dma_wait3A_100 = tpu.memref_slice %arg8[%run_scoped3A_84, %dma_wait3A_99] : memref<2x16xi32, #tpu.memory_space<vmem>> -> memref<1x16xi32, #tpu.memory_space<vmem>>
      %dma_wait3A_101 = tpu.memref_squeeze %dma_wait3A_100 : memref<1x16xi32, #tpu.memory_space<vmem>> -> memref<16xi32, #tpu.memory_space<vmem>>
      %dma_wait3A_102 = arith.constant 0 : i32
      %dma_wait3A_103 = arith.constant 0 : i32
      %dma_wait3A_104 = tpu.memref_slice %arg16[%dma_wait3A_102, %dma_wait3A_103] : memref<10000x144xf32, #tpu.memory_space<vmem_shared>> -> memref<10000x144xf32, #tpu.memory_space<vmem_shared>>
      tpu.wait_indirect_dma semaphore(%run_scoped3A_92 : memref<!tpu.dma_semaphore, #tpu.memory_space<semaphore_mem>>) src(%arg11 : memref<16x144xf32, #tpu.memory_space<vmem>>) dst(%dma_wait3A_104 : memref<10000x144xf32, #tpu.memory_space<vmem_shared>>)
      tpu.yield
    }) : () -> ()
    %barrier3A_85 = arith.constant 0 : index
    tpu.barrier barrier_id(%barrier3A_85)
    %scan3A_86 = arith.constant 0 : i32
    %scan3A_87 = arith.constant 0 : i32
    %scan3A_88 = arith.constant 8 : i32
    %scan3A_89 = arith.addi %scan3A_87, %scan3A_88 : i32
    %scan3A_90 = arith.constant 1 : i32
    scf.for %scan3A_92 = %scan3A_87 to %scan3A_89 step %scan3A_90  : i32 {
      %mul3A_93 = arith.constant 16 : i32
      %mul3A_94 = arith.muli %scan3A_92, %mul3A_93 : i32
      %add3A_95 = arith.addi %arg1, %mul3A_94 : i32
      %lt3A = arith.constant 125 : i32
      %lt3A_96 = arith.cmpi slt, %add3A_95, %lt3A : i32
      %convert_element_type3A = arith.extui %lt3A_96 : i1 to i32
      %cond3A = arith.constant 0 : i32
      %cond3A_97 = arith.cmpi ne, %convert_element_type3A, %cond3A : i32
      scf.if %cond3A_97 {
        %mul3A_98 = arith.constant 80 : i32
        %mul3A_99 = arith.muli %add3A_95, %mul3A_98 : i32
        %multiple_of3A_100 = tpu.assume_multiple %mul3A_99, 80 : i32
        "tpu.region"() ({
          %run_scoped3A_101 = tpu.sem_alloc : memref<!tpu.dma_semaphore, #tpu.memory_space<semaphore_mem>>
          %dma_start3A_102 = arith.constant 0 : i32
          %dma_start3A_103 = tpu.memref_slice %arg5[%arg0, %multiple_of3A_100, %dma_start3A_102] : memref<2x10000x144xf32, #tpu.memory_space<hbm>> -> memref<1x80x144xf32, #tpu.memory_space<hbm>>
          %dma_start3A_104 = tpu.memref_squeeze %dma_start3A_103 : memref<1x80x144xf32, #tpu.memory_space<hbm>> -> memref<80x144xf32, #tpu.memory_space<hbm>>
          %dma_start3A_105 = arith.constant 0 : i32
          %dma_start3A_106 = tpu.memref_slice %arg16[%multiple_of3A_100, %dma_start3A_105] : memref<10000x144xf32, #tpu.memory_space<vmem_shared>> -> memref<80x144xf32, #tpu.memory_space<vmem_shared>>
          tpu.enqueue_dma source(%dma_start3A_106 : memref<80x144xf32, #tpu.memory_space<vmem_shared>>) target(%dma_start3A_104 : memref<80x144xf32, #tpu.memory_space<hbm>>) target_semaphore(%run_scoped3A_101 : memref<!tpu.dma_semaphore, #tpu.memory_space<semaphore_mem>>)
          %dma_wait3A_107 = arith.constant 0 : i32
          %dma_wait3A_108 = tpu.memref_slice %arg5[%arg0, %multiple_of3A_100, %dma_wait3A_107] : memref<2x10000x144xf32, #tpu.memory_space<hbm>> -> memref<1x80x144xf32, #tpu.memory_space<hbm>>
          %dma_wait3A_109 = tpu.memref_squeeze %dma_wait3A_108 : memref<1x80x144xf32, #tpu.memory_space<hbm>> -> memref<80x144xf32, #tpu.memory_space<hbm>>
          %dma_wait3A_110 = arith.constant 0 : i32
          %dma_wait3A_111 = tpu.memref_slice %arg16[%multiple_of3A_100, %dma_wait3A_110] : memref<10000x144xf32, #tpu.memory_space<vmem_shared>> -> memref<80x144xf32, #tpu.memory_space<vmem_shared>>
          tpu.wait_dma2 semaphore(%run_scoped3A_101 : memref<!tpu.dma_semaphore, #tpu.memory_space<semaphore_mem>>) src(%dma_wait3A_111 : memref<80x144xf32, #tpu.memory_space<vmem_shared>>) dst(%dma_wait3A_109 : memref<80x144xf32, #tpu.memory_space<hbm>>)
          tpu.yield
        }) : () -> ()
      } else {
      }
    }
    %scan3A_91 = arith.constant 8 : i32
    return
  }
}

#map = affine_map<(d0, d1) -> (0, 0)>
#map1 = affine_map<(d0, d1) -> (0, 0, 0)>
module attributes {stable_mosaic.version = 14 : i64} {
  func.func @k(%arg0: i32, %arg1: i32, %arg2: memref<10000x112xf32, #tpu.memory_space<hbm>>, %arg3: memref<32x2x10000xi32, #tpu.memory_space<hbm>>, %arg4: memref<80x112xf32, #tpu.memory_space<hbm>>, %arg5: memref<2x10000x112xf32, #tpu.memory_space<hbm>>, %arg6: memref<2x128xi32, #tpu.memory_space<vmem>>, %arg7: memref<2x128xi32, #tpu.memory_space<vmem>>, %arg8: memref<2x16xi32, #tpu.memory_space<vmem>>, %arg9: memref<128x112xf32, #tpu.memory_space<vmem>>, %arg10: memref<128x112xf32, #tpu.memory_space<vmem>>, %arg11: memref<16x112xf32, #tpu.memory_space<vmem>>, %arg12: memref<!tpu.dma_semaphore, #tpu.memory_space<semaphore_mem>>, %arg13: memref<!tpu.dma_semaphore, #tpu.memory_space<semaphore_mem>>, %arg14: memref<!tpu.dma_semaphore, #tpu.memory_space<semaphore_mem>>, %arg15: memref<!tpu.dma_semaphore, #tpu.memory_space<semaphore_mem>>, %arg16: memref<10000x112xf32, #tpu.memory_space<vmem_shared>>) attributes {dimension_semantics = [#tpu.dimension_semantics<core_parallel>, #tpu.dimension_semantics<subcore_parallel>], iteration_bounds = array<i64: 2, 16>, scalar_prefetch = 0 : i64, scratch_operands = 11 : i64, tpu.core_type = #tpu.core_type<sc_vector_subcore>, window_params = [{transform_indices = #map}, {transform_indices = #map1}, {transform_indices = #map}, {transform_indices = #map1}]} {
    %mul3A = arith.constant 2 : i32
    %mul3A_0 = arith.muli %arg1, %mul3A : i32
    %add3A = arith.addi %mul3A_0, %arg0 : i32
    %multiple_of3A = arith.constant 0 : i32
    %multiple_of3A_1 = tpu.assume_multiple %multiple_of3A, 128 : i32
    %dma_start3A = arith.constant 0 : i32
    %dma_start3A_2 = tpu.memref_slice %arg3[%add3A, %dma_start3A, %multiple_of3A_1] : memref<32x2x10000xi32, #tpu.memory_space<hbm>> -> memref<1x2x128xi32, #tpu.memory_space<hbm>>
    %dma_start3A_3 = tpu.memref_squeeze %dma_start3A_2 : memref<1x2x128xi32, #tpu.memory_space<hbm>> -> memref<2x128xi32, #tpu.memory_space<hbm>>
    %dma_start3A_4 = arith.constant 0 : i32
    %dma_start3A_5 = tpu.memref_slice %arg3[%add3A, %dma_start3A_4, %multiple_of3A_1] : memref<32x2x10000xi32, #tpu.memory_space<hbm>> -> memref<1x2x128xi32, #tpu.memory_space<hbm>>
    %dma_start3A_6 = tpu.memref_squeeze %dma_start3A_5 : memref<1x2x128xi32, #tpu.memory_space<hbm>> -> memref<2x128xi32, #tpu.memory_space<hbm>>
    tpu.enqueue_dma source(%dma_start3A_6 : memref<2x128xi32, #tpu.memory_space<hbm>>) target(%arg6 : memref<2x128xi32, #tpu.memory_space<vmem>>) target_semaphore(%arg12 : memref<!tpu.dma_semaphore, #tpu.memory_space<semaphore_mem>>)
    %multiple_of3A_7 = arith.constant 128 : i32
    %multiple_of3A_8 = tpu.assume_multiple %multiple_of3A_7, 128 : i32
    %dma_start3A_9 = arith.constant 0 : i32
    %dma_start3A_10 = tpu.memref_slice %arg3[%add3A, %dma_start3A_9, %multiple_of3A_8] : memref<32x2x10000xi32, #tpu.memory_space<hbm>> -> memref<1x2x128xi32, #tpu.memory_space<hbm>>
    %dma_start3A_11 = tpu.memref_squeeze %dma_start3A_10 : memref<1x2x128xi32, #tpu.memory_space<hbm>> -> memref<2x128xi32, #tpu.memory_space<hbm>>
    %dma_start3A_12 = arith.constant 0 : i32
    %dma_start3A_13 = tpu.memref_slice %arg3[%add3A, %dma_start3A_12, %multiple_of3A_8] : memref<32x2x10000xi32, #tpu.memory_space<hbm>> -> memref<1x2x128xi32, #tpu.memory_space<hbm>>
    %dma_start3A_14 = tpu.memref_squeeze %dma_start3A_13 : memref<1x2x128xi32, #tpu.memory_space<hbm>> -> memref<2x128xi32, #tpu.memory_space<hbm>>
    tpu.enqueue_dma source(%dma_start3A_14 : memref<2x128xi32, #tpu.memory_space<hbm>>) target(%arg7 : memref<2x128xi32, #tpu.memory_space<vmem>>) target_semaphore(%arg13 : memref<!tpu.dma_semaphore, #tpu.memory_space<semaphore_mem>>)
    "tpu.region"() ({
      %run_scoped3A_92 = tpu.sem_alloc : memref<!tpu.dma_semaphore, #tpu.memory_space<semaphore_mem>>
      %dma_start3A_93 = arith.constant 0 : i32
      %dma_start3A_94 = arith.constant 0 : i32
      %dma_start3A_95 = tpu.memref_slice %arg9[%dma_start3A_93, %dma_start3A_94] : memref<128x112xf32, #tpu.memory_space<vmem>> -> memref<80x112xf32, #tpu.memory_space<vmem>>
      %dma_start3A_96 = arith.constant 0 : i32
      %dma_start3A_97 = arith.constant 0 : i32
      %dma_start3A_98 = tpu.memref_slice %arg9[%dma_start3A_96, %dma_start3A_97] : memref<128x112xf32, #tpu.memory_space<vmem>> -> memref<80x112xf32, #tpu.memory_space<vmem>>
      tpu.enqueue_dma source(%arg4 : memref<80x112xf32, #tpu.memory_space<hbm>>) target(%dma_start3A_98 : memref<80x112xf32, #tpu.memory_space<vmem>>) target_semaphore(%run_scoped3A_92 : memref<!tpu.dma_semaphore, #tpu.memory_space<semaphore_mem>>)
      %dma_wait3A_99 = arith.constant 0 : i32
      %dma_wait3A_100 = arith.constant 0 : i32
      %dma_wait3A_101 = tpu.memref_slice %arg9[%dma_wait3A_99, %dma_wait3A_100] : memref<128x112xf32, #tpu.memory_space<vmem>> -> memref<80x112xf32, #tpu.memory_space<vmem>>
      %dma_wait3A_102 = arith.constant 0 : i32
      %dma_wait3A_103 = arith.constant 0 : i32
      %dma_wait3A_104 = tpu.memref_slice %arg9[%dma_wait3A_102, %dma_wait3A_103] : memref<128x112xf32, #tpu.memory_space<vmem>> -> memref<80x112xf32, #tpu.memory_space<vmem>>
      tpu.wait_dma2 semaphore(%run_scoped3A_92 : memref<!tpu.dma_semaphore, #tpu.memory_space<semaphore_mem>>) src(%arg4 : memref<80x112xf32, #tpu.memory_space<hbm>>) dst(%dma_wait3A_104 : memref<80x112xf32, #tpu.memory_space<vmem>>)
      tpu.yield
    }) : () -> ()
    %scan3A = arith.constant 0 : i32
    %scan3A_15 = arith.constant 0 : i32
    %scan3A_16 = arith.constant 8 : i32
    %scan3A_17 = arith.addi %scan3A_15, %scan3A_16 : i32
    %scan3A_18 = arith.constant 1 : i32
    scf.for %scan3A_92 = %scan3A_15 to %scan3A_17 step %scan3A_18  : i32 {
      %mul3A_93 = arith.constant 16 : i32
      %mul3A_94 = arith.muli %scan3A_92, %mul3A_93 : i32
      %add3A_95 = arith.addi %arg1, %mul3A_94 : i32
      %lt3A = arith.constant 125 : i32
      %lt3A_96 = arith.cmpi slt, %add3A_95, %lt3A : i32
      %convert_element_type3A = arith.extui %lt3A_96 : i1 to i32
      %cond3A = arith.constant 0 : i32
      %cond3A_97 = arith.cmpi ne, %convert_element_type3A, %cond3A : i32
      scf.if %cond3A_97 {
        %mul3A_98 = arith.constant 80 : i32
        %mul3A_99 = arith.muli %add3A_95, %mul3A_98 : i32
        %multiple_of3A_100 = tpu.assume_multiple %mul3A_99, 80 : i32
        "tpu.region"() ({
          %run_scoped3A_101 = tpu.sem_alloc : memref<!tpu.dma_semaphore, #tpu.memory_space<semaphore_mem>>
          %dma_start3A_102 = arith.constant 0 : i32
          %dma_start3A_103 = arith.constant 0 : i32
          %dma_start3A_104 = tpu.memref_slice %arg9[%dma_start3A_102, %dma_start3A_103] : memref<128x112xf32, #tpu.memory_space<vmem>> -> memref<80x112xf32, #tpu.memory_space<vmem>>
          %dma_start3A_105 = arith.constant 0 : i32
          %dma_start3A_106 = tpu.memref_slice %arg16[%multiple_of3A_100, %dma_start3A_105] : memref<10000x112xf32, #tpu.memory_space<vmem_shared>> -> memref<80x112xf32, #tpu.memory_space<vmem_shared>>
          %dma_start3A_107 = arith.constant 0 : i32
          %dma_start3A_108 = tpu.memref_slice %arg16[%multiple_of3A_100, %dma_start3A_107] : memref<10000x112xf32, #tpu.memory_space<vmem_shared>> -> memref<80x112xf32, #tpu.memory_space<vmem_shared>>
          %dma_start3A_109 = arith.constant 0 : i32
          %dma_start3A_110 = arith.constant 0 : i32
          %dma_start3A_111 = tpu.memref_slice %arg9[%dma_start3A_109, %dma_start3A_110] : memref<128x112xf32, #tpu.memory_space<vmem>> -> memref<80x112xf32, #tpu.memory_space<vmem>>
          tpu.enqueue_dma source(%dma_start3A_111 : memref<80x112xf32, #tpu.memory_space<vmem>>) target(%dma_start3A_108 : memref<80x112xf32, #tpu.memory_space<vmem_shared>>) target_semaphore(%run_scoped3A_101 : memref<!tpu.dma_semaphore, #tpu.memory_space<semaphore_mem>>)
          %dma_wait3A_112 = arith.constant 0 : i32
          %dma_wait3A_113 = arith.constant 0 : i32
          %dma_wait3A_114 = tpu.memref_slice %arg9[%dma_wait3A_112, %dma_wait3A_113] : memref<128x112xf32, #tpu.memory_space<vmem>> -> memref<80x112xf32, #tpu.memory_space<vmem>>
          %dma_wait3A_115 = arith.constant 0 : i32
          %dma_wait3A_116 = tpu.memref_slice %arg16[%multiple_of3A_100, %dma_wait3A_115] : memref<10000x112xf32, #tpu.memory_space<vmem_shared>> -> memref<80x112xf32, #tpu.memory_space<vmem_shared>>
          %dma_wait3A_117 = arith.constant 0 : i32
          %dma_wait3A_118 = tpu.memref_slice %arg16[%multiple_of3A_100, %dma_wait3A_117] : memref<10000x112xf32, #tpu.memory_space<vmem_shared>> -> memref<80x112xf32, #tpu.memory_space<vmem_shared>>
          %dma_wait3A_119 = arith.constant 0 : i32
          %dma_wait3A_120 = arith.constant 0 : i32
          %dma_wait3A_121 = tpu.memref_slice %arg9[%dma_wait3A_119, %dma_wait3A_120] : memref<128x112xf32, #tpu.memory_space<vmem>> -> memref<80x112xf32, #tpu.memory_space<vmem>>
          tpu.wait_dma2 semaphore(%run_scoped3A_101 : memref<!tpu.dma_semaphore, #tpu.memory_space<semaphore_mem>>) src(%dma_wait3A_121 : memref<80x112xf32, #tpu.memory_space<vmem>>) dst(%dma_wait3A_118 : memref<80x112xf32, #tpu.memory_space<vmem_shared>>)
          tpu.yield
        }) : () -> ()
      } else {
      }
    }
    %scan3A_19 = arith.constant 8 : i32
    %barrier3A = arith.constant 0 : index
    tpu.barrier barrier_id(%barrier3A)
    %multiple_of3A_20 = arith.constant 0 : i32
    %multiple_of3A_21 = tpu.assume_multiple %multiple_of3A_20, 128 : i32
    %dma_wait3A = arith.constant 0 : i32
    %dma_wait3A_22 = tpu.memref_slice %arg3[%add3A, %dma_wait3A, %multiple_of3A_21] : memref<32x2x10000xi32, #tpu.memory_space<hbm>> -> memref<1x2x128xi32, #tpu.memory_space<hbm>>
    %dma_wait3A_23 = tpu.memref_squeeze %dma_wait3A_22 : memref<1x2x128xi32, #tpu.memory_space<hbm>> -> memref<2x128xi32, #tpu.memory_space<hbm>>
    %dma_wait3A_24 = arith.constant 0 : i32
    %dma_wait3A_25 = tpu.memref_slice %arg3[%add3A, %dma_wait3A_24, %multiple_of3A_21] : memref<32x2x10000xi32, #tpu.memory_space<hbm>> -> memref<1x2x128xi32, #tpu.memory_space<hbm>>
    %dma_wait3A_26 = tpu.memref_squeeze %dma_wait3A_25 : memref<1x2x128xi32, #tpu.memory_space<hbm>> -> memref<2x128xi32, #tpu.memory_space<hbm>>
    tpu.wait_dma2 semaphore(%arg12 : memref<!tpu.dma_semaphore, #tpu.memory_space<semaphore_mem>>) src(%dma_wait3A_26 : memref<2x128xi32, #tpu.memory_space<hbm>>) dst(%arg6 : memref<2x128xi32, #tpu.memory_space<vmem>>)
    %dma_start3A_27 = arith.constant 0 : i32
    %dma_start3A_28 = arith.constant 0 : i32
    %dma_start3A_29 = tpu.memref_slice %arg6[%dma_start3A_27, %dma_start3A_28] : memref<2x128xi32, #tpu.memory_space<vmem>> -> memref<1x128xi32, #tpu.memory_space<vmem>>
    %dma_start3A_30 = tpu.memref_squeeze %dma_start3A_29 : memref<1x128xi32, #tpu.memory_space<vmem>> -> memref<128xi32, #tpu.memory_space<vmem>>
    %dma_start3A_31 = arith.constant 0 : i32
    %dma_start3A_32 = arith.constant 0 : i32
    %dma_start3A_33 = tpu.memref_slice %arg2[%dma_start3A_31, %dma_start3A_32] : memref<10000x112xf32, #tpu.memory_space<hbm>> -> memref<10000x112xf32, #tpu.memory_space<hbm>>
    tpu.enqueue_indirect_dma source(%dma_start3A_33 : memref<10000x112xf32, #tpu.memory_space<hbm>>) target(%arg9 : memref<128x112xf32, #tpu.memory_space<vmem>>) offsets(%dma_start3A_30 : memref<128xi32, #tpu.memory_space<vmem>>) semaphore(%arg14 : memref<!tpu.dma_semaphore, #tpu.memory_space<semaphore_mem>>)
    %scan3A_34 = arith.constant 0 : i32
    %scan3A_35 = arith.constant 0 : i32
    %scan3A_36 = arith.constant 38 : i32
    %scan3A_37 = arith.addi %scan3A_35, %scan3A_36 : i32
    %scan3A_38 = arith.constant 1 : i32
    scf.for %scan3A_92 = %scan3A_35 to %scan3A_37 step %scan3A_38  : i32 {
      %mul3A_93 = arith.constant 2 : i32
      %mul3A_94 = arith.muli %mul3A_93, %scan3A_92 : i32
      %dma_wait3A_95 = arith.constant 0 : i32
      %dma_wait3A_96 = arith.constant 0 : i32
      %dma_wait3A_97 = tpu.memref_slice %arg6[%dma_wait3A_95, %dma_wait3A_96] : memref<2x128xi32, #tpu.memory_space<vmem>> -> memref<1x128xi32, #tpu.memory_space<vmem>>
      %dma_wait3A_98 = tpu.memref_squeeze %dma_wait3A_97 : memref<1x128xi32, #tpu.memory_space<vmem>> -> memref<128xi32, #tpu.memory_space<vmem>>
      %dma_wait3A_99 = arith.constant 0 : i32
      %dma_wait3A_100 = arith.constant 0 : i32
      %dma_wait3A_101 = tpu.memref_slice %arg2[%dma_wait3A_99, %dma_wait3A_100] : memref<10000x112xf32, #tpu.memory_space<hbm>> -> memref<10000x112xf32, #tpu.memory_space<hbm>>
      tpu.wait_indirect_dma semaphore(%arg14 : memref<!tpu.dma_semaphore, #tpu.memory_space<semaphore_mem>>) src(%dma_wait3A_101 : memref<10000x112xf32, #tpu.memory_space<hbm>>) dst(%arg9 : memref<128x112xf32, #tpu.memory_space<vmem>>)
      %add3A_102 = arith.constant 1 : i32
      %add3A_103 = arith.addi %mul3A_94, %add3A_102 : i32
      %mul3A_104 = arith.constant 128 : i32
      %mul3A_105 = arith.muli %add3A_103, %mul3A_104 : i32
      %multiple_of3A_106 = tpu.assume_multiple %mul3A_105, 128 : i32
      %dma_wait3A_107 = arith.constant 0 : i32
      %dma_wait3A_108 = tpu.memref_slice %arg3[%add3A, %dma_wait3A_107, %multiple_of3A_106] : memref<32x2x10000xi32, #tpu.memory_space<hbm>> -> memref<1x2x128xi32, #tpu.memory_space<hbm>>
      %dma_wait3A_109 = tpu.memref_squeeze %dma_wait3A_108 : memref<1x2x128xi32, #tpu.memory_space<hbm>> -> memref<2x128xi32, #tpu.memory_space<hbm>>
      %dma_wait3A_110 = arith.constant 0 : i32
      %dma_wait3A_111 = tpu.memref_slice %arg3[%add3A, %dma_wait3A_110, %multiple_of3A_106] : memref<32x2x10000xi32, #tpu.memory_space<hbm>> -> memref<1x2x128xi32, #tpu.memory_space<hbm>>
      %dma_wait3A_112 = tpu.memref_squeeze %dma_wait3A_111 : memref<1x2x128xi32, #tpu.memory_space<hbm>> -> memref<2x128xi32, #tpu.memory_space<hbm>>
      tpu.wait_dma2 semaphore(%arg13 : memref<!tpu.dma_semaphore, #tpu.memory_space<semaphore_mem>>) src(%dma_wait3A_112 : memref<2x128xi32, #tpu.memory_space<hbm>>) dst(%arg7 : memref<2x128xi32, #tpu.memory_space<vmem>>)
      %dma_start3A_113 = arith.constant 0 : i32
      %dma_start3A_114 = arith.constant 0 : i32
      %dma_start3A_115 = tpu.memref_slice %arg7[%dma_start3A_113, %dma_start3A_114] : memref<2x128xi32, #tpu.memory_space<vmem>> -> memref<1x128xi32, #tpu.memory_space<vmem>>
      %dma_start3A_116 = tpu.memref_squeeze %dma_start3A_115 : memref<1x128xi32, #tpu.memory_space<vmem>> -> memref<128xi32, #tpu.memory_space<vmem>>
      %dma_start3A_117 = arith.constant 0 : i32
      %dma_start3A_118 = arith.constant 0 : i32
      %dma_start3A_119 = tpu.memref_slice %arg2[%dma_start3A_117, %dma_start3A_118] : memref<10000x112xf32, #tpu.memory_space<hbm>> -> memref<10000x112xf32, #tpu.memory_space<hbm>>
      tpu.enqueue_indirect_dma source(%dma_start3A_119 : memref<10000x112xf32, #tpu.memory_space<hbm>>) target(%arg10 : memref<128x112xf32, #tpu.memory_space<vmem>>) offsets(%dma_start3A_116 : memref<128xi32, #tpu.memory_space<vmem>>) semaphore(%arg15 : memref<!tpu.dma_semaphore, #tpu.memory_space<semaphore_mem>>)
      %run_scoped3A_120 = arith.constant 1 : i32
      "tpu.region"() ({
        %run_scoped3A_170 = tpu.sem_alloc : memref<!tpu.dma_semaphore, #tpu.memory_space<semaphore_mem>>
        %dma_start3A_171 = arith.constant 0 : i32
        %dma_start3A_172 = tpu.memref_slice %arg6[%run_scoped3A_120, %dma_start3A_171] : memref<2x128xi32, #tpu.memory_space<vmem>> -> memref<1x128xi32, #tpu.memory_space<vmem>>
        %dma_start3A_173 = tpu.memref_squeeze %dma_start3A_172 : memref<1x128xi32, #tpu.memory_space<vmem>> -> memref<128xi32, #tpu.memory_space<vmem>>
        %dma_start3A_174 = arith.constant 0 : i32
        %dma_start3A_175 = arith.constant 0 : i32
        %dma_start3A_176 = tpu.memref_slice %arg16[%dma_start3A_174, %dma_start3A_175] : memref<10000x112xf32, #tpu.memory_space<vmem_shared>> -> memref<10000x112xf32, #tpu.memory_space<vmem_shared>>
        tpu.enqueue_indirect_dma source(%arg9 : memref<128x112xf32, #tpu.memory_space<vmem>>) target(%dma_start3A_176 : memref<10000x112xf32, #tpu.memory_space<vmem_shared>>) offsets(%dma_start3A_173 : memref<128xi32, #tpu.memory_space<vmem>>) semaphore(%run_scoped3A_170 : memref<!tpu.dma_semaphore, #tpu.memory_space<semaphore_mem>>) {add = true}
        %dma_wait3A_177 = arith.constant 0 : i32
        %dma_wait3A_178 = tpu.memref_slice %arg6[%run_scoped3A_120, %dma_wait3A_177] : memref<2x128xi32, #tpu.memory_space<vmem>> -> memref<1x128xi32, #tpu.memory_space<vmem>>
        %dma_wait3A_179 = tpu.memref_squeeze %dma_wait3A_178 : memref<1x128xi32, #tpu.memory_space<vmem>> -> memref<128xi32, #tpu.memory_space<vmem>>
        %dma_wait3A_180 = arith.constant 0 : i32
        %dma_wait3A_181 = arith.constant 0 : i32
        %dma_wait3A_182 = tpu.memref_slice %arg16[%dma_wait3A_180, %dma_wait3A_181] : memref<10000x112xf32, #tpu.memory_space<vmem_shared>> -> memref<10000x112xf32, #tpu.memory_space<vmem_shared>>
        tpu.wait_indirect_dma semaphore(%run_scoped3A_170 : memref<!tpu.dma_semaphore, #tpu.memory_space<semaphore_mem>>) src(%arg9 : memref<128x112xf32, #tpu.memory_space<vmem>>) dst(%dma_wait3A_182 : memref<10000x112xf32, #tpu.memory_space<vmem_shared>>)
        tpu.yield
      }) : () -> ()
      %add3A_121 = arith.constant 2 : i32
      %add3A_122 = arith.addi %mul3A_94, %add3A_121 : i32
      %mul3A_123 = arith.constant 128 : i32
      %mul3A_124 = arith.muli %add3A_122, %mul3A_123 : i32
      %multiple_of3A_125 = tpu.assume_multiple %mul3A_124, 128 : i32
      %dma_start3A_126 = arith.constant 0 : i32
      %dma_start3A_127 = tpu.memref_slice %arg3[%add3A, %dma_start3A_126, %multiple_of3A_125] : memref<32x2x10000xi32, #tpu.memory_space<hbm>> -> memref<1x2x128xi32, #tpu.memory_space<hbm>>
      %dma_start3A_128 = tpu.memref_squeeze %dma_start3A_127 : memref<1x2x128xi32, #tpu.memory_space<hbm>> -> memref<2x128xi32, #tpu.memory_space<hbm>>
      %dma_start3A_129 = arith.constant 0 : i32
      %dma_start3A_130 = tpu.memref_slice %arg3[%add3A, %dma_start3A_129, %multiple_of3A_125] : memref<32x2x10000xi32, #tpu.memory_space<hbm>> -> memref<1x2x128xi32, #tpu.memory_space<hbm>>
      %dma_start3A_131 = tpu.memref_squeeze %dma_start3A_130 : memref<1x2x128xi32, #tpu.memory_space<hbm>> -> memref<2x128xi32, #tpu.memory_space<hbm>>
      tpu.enqueue_dma source(%dma_start3A_131 : memref<2x128xi32, #tpu.memory_space<hbm>>) target(%arg6 : memref<2x128xi32, #tpu.memory_space<vmem>>) target_semaphore(%arg12 : memref<!tpu.dma_semaphore, #tpu.memory_space<semaphore_mem>>)
      %dma_wait3A_132 = arith.constant 0 : i32
      %dma_wait3A_133 = arith.constant 0 : i32
      %dma_wait3A_134 = tpu.memref_slice %arg7[%dma_wait3A_132, %dma_wait3A_133] : memref<2x128xi32, #tpu.memory_space<vmem>> -> memref<1x128xi32, #tpu.memory_space<vmem>>
      %dma_wait3A_135 = tpu.memref_squeeze %dma_wait3A_134 : memref<1x128xi32, #tpu.memory_space<vmem>> -> memref<128xi32, #tpu.memory_space<vmem>>
      %dma_wait3A_136 = arith.constant 0 : i32
      %dma_wait3A_137 = arith.constant 0 : i32
      %dma_wait3A_138 = tpu.memref_slice %arg2[%dma_wait3A_136, %dma_wait3A_137] : memref<10000x112xf32, #tpu.memory_space<hbm>> -> memref<10000x112xf32, #tpu.memory_space<hbm>>
      tpu.wait_indirect_dma semaphore(%arg15 : memref<!tpu.dma_semaphore, #tpu.memory_space<semaphore_mem>>) src(%dma_wait3A_138 : memref<10000x112xf32, #tpu.memory_space<hbm>>) dst(%arg10 : memref<128x112xf32, #tpu.memory_space<vmem>>)
      %add3A_139 = arith.constant 2 : i32
      %add3A_140 = arith.addi %mul3A_94, %add3A_139 : i32
      %mul3A_141 = arith.constant 128 : i32
      %mul3A_142 = arith.muli %add3A_140, %mul3A_141 : i32
      %multiple_of3A_143 = tpu.assume_multiple %mul3A_142, 128 : i32
      %dma_wait3A_144 = arith.constant 0 : i32
      %dma_wait3A_145 = tpu.memref_slice %arg3[%add3A, %dma_wait3A_144, %multiple_of3A_143] : memref<32x2x10000xi32, #tpu.memory_space<hbm>> -> memref<1x2x128xi32, #tpu.memory_space<hbm>>
      %dma_wait3A_146 = tpu.memref_squeeze %dma_wait3A_145 : memref<1x2x128xi32, #tpu.memory_space<hbm>> -> memref<2x128xi32, #tpu.memory_space<hbm>>
      %dma_wait3A_147 = arith.constant 0 : i32
      %dma_wait3A_148 = tpu.memref_slice %arg3[%add3A, %dma_wait3A_147, %multiple_of3A_143] : memref<32x2x10000xi32, #tpu.memory_space<hbm>> -> memref<1x2x128xi32, #tpu.memory_space<hbm>>
      %dma_wait3A_149 = tpu.memref_squeeze %dma_wait3A_148 : memref<1x2x128xi32, #tpu.memory_space<hbm>> -> memref<2x128xi32, #tpu.memory_space<hbm>>
      tpu.wait_dma2 semaphore(%arg12 : memref<!tpu.dma_semaphore, #tpu.memory_space<semaphore_mem>>) src(%dma_wait3A_149 : memref<2x128xi32, #tpu.memory_space<hbm>>) dst(%arg6 : memref<2x128xi32, #tpu.memory_space<vmem>>)
      %dma_start3A_150 = arith.constant 0 : i32
      %dma_start3A_151 = arith.constant 0 : i32
      %dma_start3A_152 = tpu.memref_slice %arg6[%dma_start3A_150, %dma_start3A_151] : memref<2x128xi32, #tpu.memory_space<vmem>> -> memref<1x128xi32, #tpu.memory_space<vmem>>
      %dma_start3A_153 = tpu.memref_squeeze %dma_start3A_152 : memref<1x128xi32, #tpu.memory_space<vmem>> -> memref<128xi32, #tpu.memory_space<vmem>>
      %dma_start3A_154 = arith.constant 0 : i32
      %dma_start3A_155 = arith.constant 0 : i32
      %dma_start3A_156 = tpu.memref_slice %arg2[%dma_start3A_154, %dma_start3A_155] : memref<10000x112xf32, #tpu.memory_space<hbm>> -> memref<10000x112xf32, #tpu.memory_space<hbm>>
      tpu.enqueue_indirect_dma source(%dma_start3A_156 : memref<10000x112xf32, #tpu.memory_space<hbm>>) target(%arg9 : memref<128x112xf32, #tpu.memory_space<vmem>>) offsets(%dma_start3A_153 : memref<128xi32, #tpu.memory_space<vmem>>) semaphore(%arg14 : memref<!tpu.dma_semaphore, #tpu.memory_space<semaphore_mem>>)
      %run_scoped3A_157 = arith.constant 1 : i32
      "tpu.region"() ({
        %run_scoped3A_170 = tpu.sem_alloc : memref<!tpu.dma_semaphore, #tpu.memory_space<semaphore_mem>>
        %dma_start3A_171 = arith.constant 0 : i32
        %dma_start3A_172 = tpu.memref_slice %arg7[%run_scoped3A_157, %dma_start3A_171] : memref<2x128xi32, #tpu.memory_space<vmem>> -> memref<1x128xi32, #tpu.memory_space<vmem>>
        %dma_start3A_173 = tpu.memref_squeeze %dma_start3A_172 : memref<1x128xi32, #tpu.memory_space<vmem>> -> memref<128xi32, #tpu.memory_space<vmem>>
        %dma_start3A_174 = arith.constant 0 : i32
        %dma_start3A_175 = arith.constant 0 : i32
        %dma_start3A_176 = tpu.memref_slice %arg16[%dma_start3A_174, %dma_start3A_175] : memref<10000x112xf32, #tpu.memory_space<vmem_shared>> -> memref<10000x112xf32, #tpu.memory_space<vmem_shared>>
        tpu.enqueue_indirect_dma source(%arg10 : memref<128x112xf32, #tpu.memory_space<vmem>>) target(%dma_start3A_176 : memref<10000x112xf32, #tpu.memory_space<vmem_shared>>) offsets(%dma_start3A_173 : memref<128xi32, #tpu.memory_space<vmem>>) semaphore(%run_scoped3A_170 : memref<!tpu.dma_semaphore, #tpu.memory_space<semaphore_mem>>) {add = true}
        %dma_wait3A_177 = arith.constant 0 : i32
        %dma_wait3A_178 = tpu.memref_slice %arg7[%run_scoped3A_157, %dma_wait3A_177] : memref<2x128xi32, #tpu.memory_space<vmem>> -> memref<1x128xi32, #tpu.memory_space<vmem>>
        %dma_wait3A_179 = tpu.memref_squeeze %dma_wait3A_178 : memref<1x128xi32, #tpu.memory_space<vmem>> -> memref<128xi32, #tpu.memory_space<vmem>>
        %dma_wait3A_180 = arith.constant 0 : i32
        %dma_wait3A_181 = arith.constant 0 : i32
        %dma_wait3A_182 = tpu.memref_slice %arg16[%dma_wait3A_180, %dma_wait3A_181] : memref<10000x112xf32, #tpu.memory_space<vmem_shared>> -> memref<10000x112xf32, #tpu.memory_space<vmem_shared>>
        tpu.wait_indirect_dma semaphore(%run_scoped3A_170 : memref<!tpu.dma_semaphore, #tpu.memory_space<semaphore_mem>>) src(%arg10 : memref<128x112xf32, #tpu.memory_space<vmem>>) dst(%dma_wait3A_182 : memref<10000x112xf32, #tpu.memory_space<vmem_shared>>)
        tpu.yield
      }) : () -> ()
      %add3A_158 = arith.constant 3 : i32
      %add3A_159 = arith.addi %mul3A_94, %add3A_158 : i32
      %min3A = arith.constant 77 : i32
      %min3A_160 = arith.minsi %add3A_159, %min3A : i32
      %mul3A_161 = arith.constant 128 : i32
      %mul3A_162 = arith.muli %min3A_160, %mul3A_161 : i32
      %multiple_of3A_163 = tpu.assume_multiple %mul3A_162, 128 : i32
      %dma_start3A_164 = arith.constant 0 : i32
      %dma_start3A_165 = tpu.memref_slice %arg3[%add3A, %dma_start3A_164, %multiple_of3A_163] : memref<32x2x10000xi32, #tpu.memory_space<hbm>> -> memref<1x2x128xi32, #tpu.memory_space<hbm>>
      %dma_start3A_166 = tpu.memref_squeeze %dma_start3A_165 : memref<1x2x128xi32, #tpu.memory_space<hbm>> -> memref<2x128xi32, #tpu.memory_space<hbm>>
      %dma_start3A_167 = arith.constant 0 : i32
      %dma_start3A_168 = tpu.memref_slice %arg3[%add3A, %dma_start3A_167, %multiple_of3A_163] : memref<32x2x10000xi32, #tpu.memory_space<hbm>> -> memref<1x2x128xi32, #tpu.memory_space<hbm>>
      %dma_start3A_169 = tpu.memref_squeeze %dma_start3A_168 : memref<1x2x128xi32, #tpu.memory_space<hbm>> -> memref<2x128xi32, #tpu.memory_space<hbm>>
      tpu.enqueue_dma source(%dma_start3A_169 : memref<2x128xi32, #tpu.memory_space<hbm>>) target(%arg7 : memref<2x128xi32, #tpu.memory_space<vmem>>) target_semaphore(%arg13 : memref<!tpu.dma_semaphore, #tpu.memory_space<semaphore_mem>>)
    }
    %scan3A_39 = arith.constant 38 : i32
    %dma_wait3A_40 = arith.constant 0 : i32
    %dma_wait3A_41 = arith.constant 0 : i32
    %dma_wait3A_42 = tpu.memref_slice %arg6[%dma_wait3A_40, %dma_wait3A_41] : memref<2x128xi32, #tpu.memory_space<vmem>> -> memref<1x128xi32, #tpu.memory_space<vmem>>
    %dma_wait3A_43 = tpu.memref_squeeze %dma_wait3A_42 : memref<1x128xi32, #tpu.memory_space<vmem>> -> memref<128xi32, #tpu.memory_space<vmem>>
    %dma_wait3A_44 = arith.constant 0 : i32
    %dma_wait3A_45 = arith.constant 0 : i32
    %dma_wait3A_46 = tpu.memref_slice %arg2[%dma_wait3A_44, %dma_wait3A_45] : memref<10000x112xf32, #tpu.memory_space<hbm>> -> memref<10000x112xf32, #tpu.memory_space<hbm>>
    tpu.wait_indirect_dma semaphore(%arg14 : memref<!tpu.dma_semaphore, #tpu.memory_space<semaphore_mem>>) src(%dma_wait3A_46 : memref<10000x112xf32, #tpu.memory_space<hbm>>) dst(%arg9 : memref<128x112xf32, #tpu.memory_space<vmem>>)
    %multiple_of3A_47 = arith.constant 9856 : i32
    %multiple_of3A_48 = tpu.assume_multiple %multiple_of3A_47, 128 : i32
    %dma_wait3A_49 = arith.constant 0 : i32
    %dma_wait3A_50 = tpu.memref_slice %arg3[%add3A, %dma_wait3A_49, %multiple_of3A_48] : memref<32x2x10000xi32, #tpu.memory_space<hbm>> -> memref<1x2x128xi32, #tpu.memory_space<hbm>>
    %dma_wait3A_51 = tpu.memref_squeeze %dma_wait3A_50 : memref<1x2x128xi32, #tpu.memory_space<hbm>> -> memref<2x128xi32, #tpu.memory_space<hbm>>
    %dma_wait3A_52 = arith.constant 0 : i32
    %dma_wait3A_53 = tpu.memref_slice %arg3[%add3A, %dma_wait3A_52, %multiple_of3A_48] : memref<32x2x10000xi32, #tpu.memory_space<hbm>> -> memref<1x2x128xi32, #tpu.memory_space<hbm>>
    %dma_wait3A_54 = tpu.memref_squeeze %dma_wait3A_53 : memref<1x2x128xi32, #tpu.memory_space<hbm>> -> memref<2x128xi32, #tpu.memory_space<hbm>>
    tpu.wait_dma2 semaphore(%arg13 : memref<!tpu.dma_semaphore, #tpu.memory_space<semaphore_mem>>) src(%dma_wait3A_54 : memref<2x128xi32, #tpu.memory_space<hbm>>) dst(%arg7 : memref<2x128xi32, #tpu.memory_space<vmem>>)
    %dma_start3A_55 = arith.constant 0 : i32
    %dma_start3A_56 = arith.constant 0 : i32
    %dma_start3A_57 = tpu.memref_slice %arg7[%dma_start3A_55, %dma_start3A_56] : memref<2x128xi32, #tpu.memory_space<vmem>> -> memref<1x128xi32, #tpu.memory_space<vmem>>
    %dma_start3A_58 = tpu.memref_squeeze %dma_start3A_57 : memref<1x128xi32, #tpu.memory_space<vmem>> -> memref<128xi32, #tpu.memory_space<vmem>>
    %dma_start3A_59 = arith.constant 0 : i32
    %dma_start3A_60 = arith.constant 0 : i32
    %dma_start3A_61 = tpu.memref_slice %arg2[%dma_start3A_59, %dma_start3A_60] : memref<10000x112xf32, #tpu.memory_space<hbm>> -> memref<10000x112xf32, #tpu.memory_space<hbm>>
    tpu.enqueue_indirect_dma source(%dma_start3A_61 : memref<10000x112xf32, #tpu.memory_space<hbm>>) target(%arg10 : memref<128x112xf32, #tpu.memory_space<vmem>>) offsets(%dma_start3A_58 : memref<128xi32, #tpu.memory_space<vmem>>) semaphore(%arg15 : memref<!tpu.dma_semaphore, #tpu.memory_space<semaphore_mem>>)
    %run_scoped3A = arith.constant 1 : i32
    "tpu.region"() ({
      %run_scoped3A_92 = tpu.sem_alloc : memref<!tpu.dma_semaphore, #tpu.memory_space<semaphore_mem>>
      %dma_start3A_93 = arith.constant 0 : i32
      %dma_start3A_94 = tpu.memref_slice %arg6[%run_scoped3A, %dma_start3A_93] : memref<2x128xi32, #tpu.memory_space<vmem>> -> memref<1x128xi32, #tpu.memory_space<vmem>>
      %dma_start3A_95 = tpu.memref_squeeze %dma_start3A_94 : memref<1x128xi32, #tpu.memory_space<vmem>> -> memref<128xi32, #tpu.memory_space<vmem>>
      %dma_start3A_96 = arith.constant 0 : i32
      %dma_start3A_97 = arith.constant 0 : i32
      %dma_start3A_98 = tpu.memref_slice %arg16[%dma_start3A_96, %dma_start3A_97] : memref<10000x112xf32, #tpu.memory_space<vmem_shared>> -> memref<10000x112xf32, #tpu.memory_space<vmem_shared>>
      tpu.enqueue_indirect_dma source(%arg9 : memref<128x112xf32, #tpu.memory_space<vmem>>) target(%dma_start3A_98 : memref<10000x112xf32, #tpu.memory_space<vmem_shared>>) offsets(%dma_start3A_95 : memref<128xi32, #tpu.memory_space<vmem>>) semaphore(%run_scoped3A_92 : memref<!tpu.dma_semaphore, #tpu.memory_space<semaphore_mem>>) {add = true}
      %dma_wait3A_99 = arith.constant 0 : i32
      %dma_wait3A_100 = tpu.memref_slice %arg6[%run_scoped3A, %dma_wait3A_99] : memref<2x128xi32, #tpu.memory_space<vmem>> -> memref<1x128xi32, #tpu.memory_space<vmem>>
      %dma_wait3A_101 = tpu.memref_squeeze %dma_wait3A_100 : memref<1x128xi32, #tpu.memory_space<vmem>> -> memref<128xi32, #tpu.memory_space<vmem>>
      %dma_wait3A_102 = arith.constant 0 : i32
      %dma_wait3A_103 = arith.constant 0 : i32
      %dma_wait3A_104 = tpu.memref_slice %arg16[%dma_wait3A_102, %dma_wait3A_103] : memref<10000x112xf32, #tpu.memory_space<vmem_shared>> -> memref<10000x112xf32, #tpu.memory_space<vmem_shared>>
      tpu.wait_indirect_dma semaphore(%run_scoped3A_92 : memref<!tpu.dma_semaphore, #tpu.memory_space<semaphore_mem>>) src(%arg9 : memref<128x112xf32, #tpu.memory_space<vmem>>) dst(%dma_wait3A_104 : memref<10000x112xf32, #tpu.memory_space<vmem_shared>>)
      tpu.yield
    }) : () -> ()
    "tpu.region"() ({
      %run_scoped3A_92 = tpu.sem_alloc : memref<!tpu.dma_semaphore, #tpu.memory_space<semaphore_mem>>
      %dma_start3A_93 = arith.constant 0 : i32
      %dma_start3A_94 = arith.constant 9984 : i32
      %dma_start3A_95 = tpu.memref_slice %arg3[%add3A, %dma_start3A_93, %dma_start3A_94] : memref<32x2x10000xi32, #tpu.memory_space<hbm>> -> memref<1x2x16xi32, #tpu.memory_space<hbm>>
      %dma_start3A_96 = tpu.memref_squeeze %dma_start3A_95 : memref<1x2x16xi32, #tpu.memory_space<hbm>> -> memref<2x16xi32, #tpu.memory_space<hbm>>
      %dma_start3A_97 = arith.constant 0 : i32
      %dma_start3A_98 = arith.constant 9984 : i32
      %dma_start3A_99 = tpu.memref_slice %arg3[%add3A, %dma_start3A_97, %dma_start3A_98] : memref<32x2x10000xi32, #tpu.memory_space<hbm>> -> memref<1x2x16xi32, #tpu.memory_space<hbm>>
      %dma_start3A_100 = tpu.memref_squeeze %dma_start3A_99 : memref<1x2x16xi32, #tpu.memory_space<hbm>> -> memref<2x16xi32, #tpu.memory_space<hbm>>
      tpu.enqueue_dma source(%dma_start3A_100 : memref<2x16xi32, #tpu.memory_space<hbm>>) target(%arg8 : memref<2x16xi32, #tpu.memory_space<vmem>>) target_semaphore(%run_scoped3A_92 : memref<!tpu.dma_semaphore, #tpu.memory_space<semaphore_mem>>)
      %dma_wait3A_101 = arith.constant 0 : i32
      %dma_wait3A_102 = arith.constant 9984 : i32
      %dma_wait3A_103 = tpu.memref_slice %arg3[%add3A, %dma_wait3A_101, %dma_wait3A_102] : memref<32x2x10000xi32, #tpu.memory_space<hbm>> -> memref<1x2x16xi32, #tpu.memory_space<hbm>>
      %dma_wait3A_104 = tpu.memref_squeeze %dma_wait3A_103 : memref<1x2x16xi32, #tpu.memory_space<hbm>> -> memref<2x16xi32, #tpu.memory_space<hbm>>
      %dma_wait3A_105 = arith.constant 0 : i32
      %dma_wait3A_106 = arith.constant 9984 : i32
      %dma_wait3A_107 = tpu.memref_slice %arg3[%add3A, %dma_wait3A_105, %dma_wait3A_106] : memref<32x2x10000xi32, #tpu.memory_space<hbm>> -> memref<1x2x16xi32, #tpu.memory_space<hbm>>
      %dma_wait3A_108 = tpu.memref_squeeze %dma_wait3A_107 : memref<1x2x16xi32, #tpu.memory_space<hbm>> -> memref<2x16xi32, #tpu.memory_space<hbm>>
      tpu.wait_dma2 semaphore(%run_scoped3A_92 : memref<!tpu.dma_semaphore, #tpu.memory_space<semaphore_mem>>) src(%dma_wait3A_108 : memref<2x16xi32, #tpu.memory_space<hbm>>) dst(%arg8 : memref<2x16xi32, #tpu.memory_space<vmem>>)
      tpu.yield
    }) : () -> ()
    %dma_wait3A_62 = arith.constant 0 : i32
    %dma_wait3A_63 = arith.constant 0 : i32
    %dma_wait3A_64 = tpu.memref_slice %arg7[%dma_wait3A_62, %dma_wait3A_63] : memref<2x128xi32, #tpu.memory_space<vmem>> -> memref<1x128xi32, #tpu.memory_space<vmem>>
    %dma_wait3A_65 = tpu.memref_squeeze %dma_wait3A_64 : memref<1x128xi32, #tpu.memory_space<vmem>> -> memref<128xi32, #tpu.memory_space<vmem>>
    %dma_wait3A_66 = arith.constant 0 : i32
    %dma_wait3A_67 = arith.constant 0 : i32
    %dma_wait3A_68 = tpu.memref_slice %arg2[%dma_wait3A_66, %dma_wait3A_67] : memref<10000x112xf32, #tpu.memory_space<hbm>> -> memref<10000x112xf32, #tpu.memory_space<hbm>>
    tpu.wait_indirect_dma semaphore(%arg15 : memref<!tpu.dma_semaphore, #tpu.memory_space<semaphore_mem>>) src(%dma_wait3A_68 : memref<10000x112xf32, #tpu.memory_space<hbm>>) dst(%arg10 : memref<128x112xf32, #tpu.memory_space<vmem>>)
    %dma_start3A_69 = arith.constant 0 : i32
    %dma_start3A_70 = arith.constant 0 : i32
    %dma_start3A_71 = tpu.memref_slice %arg8[%dma_start3A_69, %dma_start3A_70] : memref<2x16xi32, #tpu.memory_space<vmem>> -> memref<1x16xi32, #tpu.memory_space<vmem>>
    %dma_start3A_72 = tpu.memref_squeeze %dma_start3A_71 : memref<1x16xi32, #tpu.memory_space<vmem>> -> memref<16xi32, #tpu.memory_space<vmem>>
    %dma_start3A_73 = arith.constant 0 : i32
    %dma_start3A_74 = arith.constant 0 : i32
    %dma_start3A_75 = tpu.memref_slice %arg2[%dma_start3A_73, %dma_start3A_74] : memref<10000x112xf32, #tpu.memory_space<hbm>> -> memref<10000x112xf32, #tpu.memory_space<hbm>>
    tpu.enqueue_indirect_dma source(%dma_start3A_75 : memref<10000x112xf32, #tpu.memory_space<hbm>>) target(%arg11 : memref<16x112xf32, #tpu.memory_space<vmem>>) offsets(%dma_start3A_72 : memref<16xi32, #tpu.memory_space<vmem>>) semaphore(%arg14 : memref<!tpu.dma_semaphore, #tpu.memory_space<semaphore_mem>>)
    %run_scoped3A_76 = arith.constant 1 : i32
    "tpu.region"() ({
      %run_scoped3A_92 = tpu.sem_alloc : memref<!tpu.dma_semaphore, #tpu.memory_space<semaphore_mem>>
      %dma_start3A_93 = arith.constant 0 : i32
      %dma_start3A_94 = tpu.memref_slice %arg7[%run_scoped3A_76, %dma_start3A_93] : memref<2x128xi32, #tpu.memory_space<vmem>> -> memref<1x128xi32, #tpu.memory_space<vmem>>
      %dma_start3A_95 = tpu.memref_squeeze %dma_start3A_94 : memref<1x128xi32, #tpu.memory_space<vmem>> -> memref<128xi32, #tpu.memory_space<vmem>>
      %dma_start3A_96 = arith.constant 0 : i32
      %dma_start3A_97 = arith.constant 0 : i32
      %dma_start3A_98 = tpu.memref_slice %arg16[%dma_start3A_96, %dma_start3A_97] : memref<10000x112xf32, #tpu.memory_space<vmem_shared>> -> memref<10000x112xf32, #tpu.memory_space<vmem_shared>>
      tpu.enqueue_indirect_dma source(%arg10 : memref<128x112xf32, #tpu.memory_space<vmem>>) target(%dma_start3A_98 : memref<10000x112xf32, #tpu.memory_space<vmem_shared>>) offsets(%dma_start3A_95 : memref<128xi32, #tpu.memory_space<vmem>>) semaphore(%run_scoped3A_92 : memref<!tpu.dma_semaphore, #tpu.memory_space<semaphore_mem>>) {add = true}
      %dma_wait3A_99 = arith.constant 0 : i32
      %dma_wait3A_100 = tpu.memref_slice %arg7[%run_scoped3A_76, %dma_wait3A_99] : memref<2x128xi32, #tpu.memory_space<vmem>> -> memref<1x128xi32, #tpu.memory_space<vmem>>
      %dma_wait3A_101 = tpu.memref_squeeze %dma_wait3A_100 : memref<1x128xi32, #tpu.memory_space<vmem>> -> memref<128xi32, #tpu.memory_space<vmem>>
      %dma_wait3A_102 = arith.constant 0 : i32
      %dma_wait3A_103 = arith.constant 0 : i32
      %dma_wait3A_104 = tpu.memref_slice %arg16[%dma_wait3A_102, %dma_wait3A_103] : memref<10000x112xf32, #tpu.memory_space<vmem_shared>> -> memref<10000x112xf32, #tpu.memory_space<vmem_shared>>
      tpu.wait_indirect_dma semaphore(%run_scoped3A_92 : memref<!tpu.dma_semaphore, #tpu.memory_space<semaphore_mem>>) src(%arg10 : memref<128x112xf32, #tpu.memory_space<vmem>>) dst(%dma_wait3A_104 : memref<10000x112xf32, #tpu.memory_space<vmem_shared>>)
      tpu.yield
    }) : () -> ()
    %dma_wait3A_77 = arith.constant 0 : i32
    %dma_wait3A_78 = arith.constant 0 : i32
    %dma_wait3A_79 = tpu.memref_slice %arg8[%dma_wait3A_77, %dma_wait3A_78] : memref<2x16xi32, #tpu.memory_space<vmem>> -> memref<1x16xi32, #tpu.memory_space<vmem>>
    %dma_wait3A_80 = tpu.memref_squeeze %dma_wait3A_79 : memref<1x16xi32, #tpu.memory_space<vmem>> -> memref<16xi32, #tpu.memory_space<vmem>>
    %dma_wait3A_81 = arith.constant 0 : i32
    %dma_wait3A_82 = arith.constant 0 : i32
    %dma_wait3A_83 = tpu.memref_slice %arg2[%dma_wait3A_81, %dma_wait3A_82] : memref<10000x112xf32, #tpu.memory_space<hbm>> -> memref<10000x112xf32, #tpu.memory_space<hbm>>
    tpu.wait_indirect_dma semaphore(%arg14 : memref<!tpu.dma_semaphore, #tpu.memory_space<semaphore_mem>>) src(%dma_wait3A_83 : memref<10000x112xf32, #tpu.memory_space<hbm>>) dst(%arg11 : memref<16x112xf32, #tpu.memory_space<vmem>>)
    %run_scoped3A_84 = arith.constant 1 : i32
    "tpu.region"() ({
      %run_scoped3A_92 = tpu.sem_alloc : memref<!tpu.dma_semaphore, #tpu.memory_space<semaphore_mem>>
      %dma_start3A_93 = arith.constant 0 : i32
      %dma_start3A_94 = tpu.memref_slice %arg8[%run_scoped3A_84, %dma_start3A_93] : memref<2x16xi32, #tpu.memory_space<vmem>> -> memref<1x16xi32, #tpu.memory_space<vmem>>
      %dma_start3A_95 = tpu.memref_squeeze %dma_start3A_94 : memref<1x16xi32, #tpu.memory_space<vmem>> -> memref<16xi32, #tpu.memory_space<vmem>>
      %dma_start3A_96 = arith.constant 0 : i32
      %dma_start3A_97 = arith.constant 0 : i32
      %dma_start3A_98 = tpu.memref_slice %arg16[%dma_start3A_96, %dma_start3A_97] : memref<10000x112xf32, #tpu.memory_space<vmem_shared>> -> memref<10000x112xf32, #tpu.memory_space<vmem_shared>>
      tpu.enqueue_indirect_dma source(%arg11 : memref<16x112xf32, #tpu.memory_space<vmem>>) target(%dma_start3A_98 : memref<10000x112xf32, #tpu.memory_space<vmem_shared>>) offsets(%dma_start3A_95 : memref<16xi32, #tpu.memory_space<vmem>>) semaphore(%run_scoped3A_92 : memref<!tpu.dma_semaphore, #tpu.memory_space<semaphore_mem>>) {add = true}
      %dma_wait3A_99 = arith.constant 0 : i32
      %dma_wait3A_100 = tpu.memref_slice %arg8[%run_scoped3A_84, %dma_wait3A_99] : memref<2x16xi32, #tpu.memory_space<vmem>> -> memref<1x16xi32, #tpu.memory_space<vmem>>
      %dma_wait3A_101 = tpu.memref_squeeze %dma_wait3A_100 : memref<1x16xi32, #tpu.memory_space<vmem>> -> memref<16xi32, #tpu.memory_space<vmem>>
      %dma_wait3A_102 = arith.constant 0 : i32
      %dma_wait3A_103 = arith.constant 0 : i32
      %dma_wait3A_104 = tpu.memref_slice %arg16[%dma_wait3A_102, %dma_wait3A_103] : memref<10000x112xf32, #tpu.memory_space<vmem_shared>> -> memref<10000x112xf32, #tpu.memory_space<vmem_shared>>
      tpu.wait_indirect_dma semaphore(%run_scoped3A_92 : memref<!tpu.dma_semaphore, #tpu.memory_space<semaphore_mem>>) src(%arg11 : memref<16x112xf32, #tpu.memory_space<vmem>>) dst(%dma_wait3A_104 : memref<10000x112xf32, #tpu.memory_space<vmem_shared>>)
      tpu.yield
    }) : () -> ()
    %barrier3A_85 = arith.constant 0 : index
    tpu.barrier barrier_id(%barrier3A_85)
    %scan3A_86 = arith.constant 0 : i32
    %scan3A_87 = arith.constant 0 : i32
    %scan3A_88 = arith.constant 8 : i32
    %scan3A_89 = arith.addi %scan3A_87, %scan3A_88 : i32
    %scan3A_90 = arith.constant 1 : i32
    scf.for %scan3A_92 = %scan3A_87 to %scan3A_89 step %scan3A_90  : i32 {
      %mul3A_93 = arith.constant 16 : i32
      %mul3A_94 = arith.muli %scan3A_92, %mul3A_93 : i32
      %add3A_95 = arith.addi %arg1, %mul3A_94 : i32
      %lt3A = arith.constant 125 : i32
      %lt3A_96 = arith.cmpi slt, %add3A_95, %lt3A : i32
      %convert_element_type3A = arith.extui %lt3A_96 : i1 to i32
      %cond3A = arith.constant 0 : i32
      %cond3A_97 = arith.cmpi ne, %convert_element_type3A, %cond3A : i32
      scf.if %cond3A_97 {
        %mul3A_98 = arith.constant 80 : i32
        %mul3A_99 = arith.muli %add3A_95, %mul3A_98 : i32
        %multiple_of3A_100 = tpu.assume_multiple %mul3A_99, 80 : i32
        "tpu.region"() ({
          %run_scoped3A_101 = tpu.sem_alloc : memref<!tpu.dma_semaphore, #tpu.memory_space<semaphore_mem>>
          %dma_start3A_102 = arith.constant 0 : i32
          %dma_start3A_103 = tpu.memref_slice %arg5[%arg0, %multiple_of3A_100, %dma_start3A_102] : memref<2x10000x112xf32, #tpu.memory_space<hbm>> -> memref<1x80x112xf32, #tpu.memory_space<hbm>>
          %dma_start3A_104 = tpu.memref_squeeze %dma_start3A_103 : memref<1x80x112xf32, #tpu.memory_space<hbm>> -> memref<80x112xf32, #tpu.memory_space<hbm>>
          %dma_start3A_105 = arith.constant 0 : i32
          %dma_start3A_106 = tpu.memref_slice %arg16[%multiple_of3A_100, %dma_start3A_105] : memref<10000x112xf32, #tpu.memory_space<vmem_shared>> -> memref<80x112xf32, #tpu.memory_space<vmem_shared>>
          tpu.enqueue_dma source(%dma_start3A_106 : memref<80x112xf32, #tpu.memory_space<vmem_shared>>) target(%dma_start3A_104 : memref<80x112xf32, #tpu.memory_space<hbm>>) target_semaphore(%run_scoped3A_101 : memref<!tpu.dma_semaphore, #tpu.memory_space<semaphore_mem>>)
          %dma_wait3A_107 = arith.constant 0 : i32
          %dma_wait3A_108 = tpu.memref_slice %arg5[%arg0, %multiple_of3A_100, %dma_wait3A_107] : memref<2x10000x112xf32, #tpu.memory_space<hbm>> -> memref<1x80x112xf32, #tpu.memory_space<hbm>>
          %dma_wait3A_109 = tpu.memref_squeeze %dma_wait3A_108 : memref<1x80x112xf32, #tpu.memory_space<hbm>> -> memref<80x112xf32, #tpu.memory_space<hbm>>
          %dma_wait3A_110 = arith.constant 0 : i32
          %dma_wait3A_111 = tpu.memref_slice %arg16[%multiple_of3A_100, %dma_wait3A_110] : memref<10000x112xf32, #tpu.memory_space<vmem_shared>> -> memref<80x112xf32, #tpu.memory_space<vmem_shared>>
          tpu.wait_dma2 semaphore(%run_scoped3A_101 : memref<!tpu.dma_semaphore, #tpu.memory_space<semaphore_mem>>) src(%dma_wait3A_111 : memref<80x112xf32, #tpu.memory_space<vmem_shared>>) dst(%dma_wait3A_109 : memref<80x112xf32, #tpu.memory_space<hbm>>)
          tpu.yield
        }) : () -> ()
      } else {
      }
    }
    %scan3A_91 = arith.constant 8 : i32
    return
  }
}

#map = affine_map<(d0, d1) -> (0, 0)>
#map1 = affine_map<(d0, d1) -> (0, 0, 0)>
module attributes {stable_mosaic.version = 14 : i64} {
  func.func @k(%arg0: i32, %arg1: i32, %arg2: memref<10000x144xf32, #tpu.memory_space<hbm>>, %arg3: memref<32x2x10000xi32, #tpu.memory_space<hbm>>, %arg4: memref<80x144xf32, #tpu.memory_space<hbm>>, %arg5: memref<2x10000x144xf32, #tpu.memory_space<hbm>>, %arg6: memref<2x128xi32, #tpu.memory_space<vmem>>, %arg7: memref<2x128xi32, #tpu.memory_space<vmem>>, %arg8: memref<2x16xi32, #tpu.memory_space<vmem>>, %arg9: memref<128x144xf32, #tpu.memory_space<vmem>>, %arg10: memref<128x144xf32, #tpu.memory_space<vmem>>, %arg11: memref<16x144xf32, #tpu.memory_space<vmem>>, %arg12: memref<!tpu.dma_semaphore, #tpu.memory_space<semaphore_mem>>, %arg13: memref<!tpu.dma_semaphore, #tpu.memory_space<semaphore_mem>>, %arg14: memref<!tpu.dma_semaphore, #tpu.memory_space<semaphore_mem>>, %arg15: memref<!tpu.dma_semaphore, #tpu.memory_space<semaphore_mem>>, %arg16: memref<10000x144xf32, #tpu.memory_space<vmem_shared>>) attributes {dimension_semantics = [#tpu.dimension_semantics<core_parallel>, #tpu.dimension_semantics<subcore_parallel>], iteration_bounds = array<i64: 2, 16>, scalar_prefetch = 0 : i64, scratch_operands = 11 : i64, tpu.core_type = #tpu.core_type<sc_vector_subcore>, window_params = [{transform_indices = #map}, {transform_indices = #map1}, {transform_indices = #map}, {transform_indices = #map1}]} {
    %mul3A = arith.constant 2 : i32
    %mul3A_0 = arith.muli %arg1, %mul3A : i32
    %add3A = arith.addi %mul3A_0, %arg0 : i32
    %multiple_of3A = arith.constant 0 : i32
    %multiple_of3A_1 = tpu.assume_multiple %multiple_of3A, 128 : i32
    %dma_start3A = arith.constant 0 : i32
    %dma_start3A_2 = tpu.memref_slice %arg3[%add3A, %dma_start3A, %multiple_of3A_1] : memref<32x2x10000xi32, #tpu.memory_space<hbm>> -> memref<1x2x128xi32, #tpu.memory_space<hbm>>
    %dma_start3A_3 = tpu.memref_squeeze %dma_start3A_2 : memref<1x2x128xi32, #tpu.memory_space<hbm>> -> memref<2x128xi32, #tpu.memory_space<hbm>>
    %dma_start3A_4 = arith.constant 0 : i32
    %dma_start3A_5 = tpu.memref_slice %arg3[%add3A, %dma_start3A_4, %multiple_of3A_1] : memref<32x2x10000xi32, #tpu.memory_space<hbm>> -> memref<1x2x128xi32, #tpu.memory_space<hbm>>
    %dma_start3A_6 = tpu.memref_squeeze %dma_start3A_5 : memref<1x2x128xi32, #tpu.memory_space<hbm>> -> memref<2x128xi32, #tpu.memory_space<hbm>>
    tpu.enqueue_dma source(%dma_start3A_6 : memref<2x128xi32, #tpu.memory_space<hbm>>) target(%arg6 : memref<2x128xi32, #tpu.memory_space<vmem>>) target_semaphore(%arg12 : memref<!tpu.dma_semaphore, #tpu.memory_space<semaphore_mem>>)
    %multiple_of3A_7 = arith.constant 128 : i32
    %multiple_of3A_8 = tpu.assume_multiple %multiple_of3A_7, 128 : i32
    %dma_start3A_9 = arith.constant 0 : i32
    %dma_start3A_10 = tpu.memref_slice %arg3[%add3A, %dma_start3A_9, %multiple_of3A_8] : memref<32x2x10000xi32, #tpu.memory_space<hbm>> -> memref<1x2x128xi32, #tpu.memory_space<hbm>>
    %dma_start3A_11 = tpu.memref_squeeze %dma_start3A_10 : memref<1x2x128xi32, #tpu.memory_space<hbm>> -> memref<2x128xi32, #tpu.memory_space<hbm>>
    %dma_start3A_12 = arith.constant 0 : i32
    %dma_start3A_13 = tpu.memref_slice %arg3[%add3A, %dma_start3A_12, %multiple_of3A_8] : memref<32x2x10000xi32, #tpu.memory_space<hbm>> -> memref<1x2x128xi32, #tpu.memory_space<hbm>>
    %dma_start3A_14 = tpu.memref_squeeze %dma_start3A_13 : memref<1x2x128xi32, #tpu.memory_space<hbm>> -> memref<2x128xi32, #tpu.memory_space<hbm>>
    tpu.enqueue_dma source(%dma_start3A_14 : memref<2x128xi32, #tpu.memory_space<hbm>>) target(%arg7 : memref<2x128xi32, #tpu.memory_space<vmem>>) target_semaphore(%arg13 : memref<!tpu.dma_semaphore, #tpu.memory_space<semaphore_mem>>)
    "tpu.region"() ({
      %run_scoped3A_92 = tpu.sem_alloc : memref<!tpu.dma_semaphore, #tpu.memory_space<semaphore_mem>>
      %dma_start3A_93 = arith.constant 0 : i32
      %dma_start3A_94 = arith.constant 0 : i32
      %dma_start3A_95 = tpu.memref_slice %arg9[%dma_start3A_93, %dma_start3A_94] : memref<128x144xf32, #tpu.memory_space<vmem>> -> memref<80x144xf32, #tpu.memory_space<vmem>>
      %dma_start3A_96 = arith.constant 0 : i32
      %dma_start3A_97 = arith.constant 0 : i32
      %dma_start3A_98 = tpu.memref_slice %arg9[%dma_start3A_96, %dma_start3A_97] : memref<128x144xf32, #tpu.memory_space<vmem>> -> memref<80x144xf32, #tpu.memory_space<vmem>>
      tpu.enqueue_dma source(%arg4 : memref<80x144xf32, #tpu.memory_space<hbm>>) target(%dma_start3A_98 : memref<80x144xf32, #tpu.memory_space<vmem>>) target_semaphore(%run_scoped3A_92 : memref<!tpu.dma_semaphore, #tpu.memory_space<semaphore_mem>>)
      %dma_wait3A_99 = arith.constant 0 : i32
      %dma_wait3A_100 = arith.constant 0 : i32
      %dma_wait3A_101 = tpu.memref_slice %arg9[%dma_wait3A_99, %dma_wait3A_100] : memref<128x144xf32, #tpu.memory_space<vmem>> -> memref<80x144xf32, #tpu.memory_space<vmem>>
      %dma_wait3A_102 = arith.constant 0 : i32
      %dma_wait3A_103 = arith.constant 0 : i32
      %dma_wait3A_104 = tpu.memref_slice %arg9[%dma_wait3A_102, %dma_wait3A_103] : memref<128x144xf32, #tpu.memory_space<vmem>> -> memref<80x144xf32, #tpu.memory_space<vmem>>
      tpu.wait_dma2 semaphore(%run_scoped3A_92 : memref<!tpu.dma_semaphore, #tpu.memory_space<semaphore_mem>>) src(%arg4 : memref<80x144xf32, #tpu.memory_space<hbm>>) dst(%dma_wait3A_104 : memref<80x144xf32, #tpu.memory_space<vmem>>)
      tpu.yield
    }) : () -> ()
    %scan3A = arith.constant 0 : i32
    %scan3A_15 = arith.constant 0 : i32
    %scan3A_16 = arith.constant 8 : i32
    %scan3A_17 = arith.addi %scan3A_15, %scan3A_16 : i32
    %scan3A_18 = arith.constant 1 : i32
    scf.for %scan3A_92 = %scan3A_15 to %scan3A_17 step %scan3A_18  : i32 {
      %mul3A_93 = arith.constant 16 : i32
      %mul3A_94 = arith.muli %scan3A_92, %mul3A_93 : i32
      %add3A_95 = arith.addi %arg1, %mul3A_94 : i32
      %lt3A = arith.constant 125 : i32
      %lt3A_96 = arith.cmpi slt, %add3A_95, %lt3A : i32
      %convert_element_type3A = arith.extui %lt3A_96 : i1 to i32
      %cond3A = arith.constant 0 : i32
      %cond3A_97 = arith.cmpi ne, %convert_element_type3A, %cond3A : i32
      scf.if %cond3A_97 {
        %mul3A_98 = arith.constant 80 : i32
        %mul3A_99 = arith.muli %add3A_95, %mul3A_98 : i32
        %multiple_of3A_100 = tpu.assume_multiple %mul3A_99, 80 : i32
        "tpu.region"() ({
          %run_scoped3A_101 = tpu.sem_alloc : memref<!tpu.dma_semaphore, #tpu.memory_space<semaphore_mem>>
          %dma_start3A_102 = arith.constant 0 : i32
          %dma_start3A_103 = arith.constant 0 : i32
          %dma_start3A_104 = tpu.memref_slice %arg9[%dma_start3A_102, %dma_start3A_103] : memref<128x144xf32, #tpu.memory_space<vmem>> -> memref<80x144xf32, #tpu.memory_space<vmem>>
          %dma_start3A_105 = arith.constant 0 : i32
          %dma_start3A_106 = tpu.memref_slice %arg16[%multiple_of3A_100, %dma_start3A_105] : memref<10000x144xf32, #tpu.memory_space<vmem_shared>> -> memref<80x144xf32, #tpu.memory_space<vmem_shared>>
          %dma_start3A_107 = arith.constant 0 : i32
          %dma_start3A_108 = tpu.memref_slice %arg16[%multiple_of3A_100, %dma_start3A_107] : memref<10000x144xf32, #tpu.memory_space<vmem_shared>> -> memref<80x144xf32, #tpu.memory_space<vmem_shared>>
          %dma_start3A_109 = arith.constant 0 : i32
          %dma_start3A_110 = arith.constant 0 : i32
          %dma_start3A_111 = tpu.memref_slice %arg9[%dma_start3A_109, %dma_start3A_110] : memref<128x144xf32, #tpu.memory_space<vmem>> -> memref<80x144xf32, #tpu.memory_space<vmem>>
          tpu.enqueue_dma source(%dma_start3A_111 : memref<80x144xf32, #tpu.memory_space<vmem>>) target(%dma_start3A_108 : memref<80x144xf32, #tpu.memory_space<vmem_shared>>) target_semaphore(%run_scoped3A_101 : memref<!tpu.dma_semaphore, #tpu.memory_space<semaphore_mem>>)
          %dma_wait3A_112 = arith.constant 0 : i32
          %dma_wait3A_113 = arith.constant 0 : i32
          %dma_wait3A_114 = tpu.memref_slice %arg9[%dma_wait3A_112, %dma_wait3A_113] : memref<128x144xf32, #tpu.memory_space<vmem>> -> memref<80x144xf32, #tpu.memory_space<vmem>>
          %dma_wait3A_115 = arith.constant 0 : i32
          %dma_wait3A_116 = tpu.memref_slice %arg16[%multiple_of3A_100, %dma_wait3A_115] : memref<10000x144xf32, #tpu.memory_space<vmem_shared>> -> memref<80x144xf32, #tpu.memory_space<vmem_shared>>
          %dma_wait3A_117 = arith.constant 0 : i32
          %dma_wait3A_118 = tpu.memref_slice %arg16[%multiple_of3A_100, %dma_wait3A_117] : memref<10000x144xf32, #tpu.memory_space<vmem_shared>> -> memref<80x144xf32, #tpu.memory_space<vmem_shared>>
          %dma_wait3A_119 = arith.constant 0 : i32
          %dma_wait3A_120 = arith.constant 0 : i32
          %dma_wait3A_121 = tpu.memref_slice %arg9[%dma_wait3A_119, %dma_wait3A_120] : memref<128x144xf32, #tpu.memory_space<vmem>> -> memref<80x144xf32, #tpu.memory_space<vmem>>
          tpu.wait_dma2 semaphore(%run_scoped3A_101 : memref<!tpu.dma_semaphore, #tpu.memory_space<semaphore_mem>>) src(%dma_wait3A_121 : memref<80x144xf32, #tpu.memory_space<vmem>>) dst(%dma_wait3A_118 : memref<80x144xf32, #tpu.memory_space<vmem_shared>>)
          tpu.yield
        }) : () -> ()
      } else {
      }
    }
    %scan3A_19 = arith.constant 8 : i32
    %barrier3A = arith.constant 0 : index
    tpu.barrier barrier_id(%barrier3A)
    %multiple_of3A_20 = arith.constant 0 : i32
    %multiple_of3A_21 = tpu.assume_multiple %multiple_of3A_20, 128 : i32
    %dma_wait3A = arith.constant 0 : i32
    %dma_wait3A_22 = tpu.memref_slice %arg3[%add3A, %dma_wait3A, %multiple_of3A_21] : memref<32x2x10000xi32, #tpu.memory_space<hbm>> -> memref<1x2x128xi32, #tpu.memory_space<hbm>>
    %dma_wait3A_23 = tpu.memref_squeeze %dma_wait3A_22 : memref<1x2x128xi32, #tpu.memory_space<hbm>> -> memref<2x128xi32, #tpu.memory_space<hbm>>
    %dma_wait3A_24 = arith.constant 0 : i32
    %dma_wait3A_25 = tpu.memref_slice %arg3[%add3A, %dma_wait3A_24, %multiple_of3A_21] : memref<32x2x10000xi32, #tpu.memory_space<hbm>> -> memref<1x2x128xi32, #tpu.memory_space<hbm>>
    %dma_wait3A_26 = tpu.memref_squeeze %dma_wait3A_25 : memref<1x2x128xi32, #tpu.memory_space<hbm>> -> memref<2x128xi32, #tpu.memory_space<hbm>>
    tpu.wait_dma2 semaphore(%arg12 : memref<!tpu.dma_semaphore, #tpu.memory_space<semaphore_mem>>) src(%dma_wait3A_26 : memref<2x128xi32, #tpu.memory_space<hbm>>) dst(%arg6 : memref<2x128xi32, #tpu.memory_space<vmem>>)
    %dma_start3A_27 = arith.constant 0 : i32
    %dma_start3A_28 = arith.constant 0 : i32
    %dma_start3A_29 = tpu.memref_slice %arg6[%dma_start3A_27, %dma_start3A_28] : memref<2x128xi32, #tpu.memory_space<vmem>> -> memref<1x128xi32, #tpu.memory_space<vmem>>
    %dma_start3A_30 = tpu.memref_squeeze %dma_start3A_29 : memref<1x128xi32, #tpu.memory_space<vmem>> -> memref<128xi32, #tpu.memory_space<vmem>>
    %dma_start3A_31 = arith.constant 0 : i32
    %dma_start3A_32 = arith.constant 0 : i32
    %dma_start3A_33 = tpu.memref_slice %arg2[%dma_start3A_31, %dma_start3A_32] : memref<10000x144xf32, #tpu.memory_space<hbm>> -> memref<10000x144xf32, #tpu.memory_space<hbm>>
    tpu.enqueue_indirect_dma source(%dma_start3A_33 : memref<10000x144xf32, #tpu.memory_space<hbm>>) target(%arg9 : memref<128x144xf32, #tpu.memory_space<vmem>>) offsets(%dma_start3A_30 : memref<128xi32, #tpu.memory_space<vmem>>) semaphore(%arg14 : memref<!tpu.dma_semaphore, #tpu.memory_space<semaphore_mem>>)
    %scan3A_34 = arith.constant 0 : i32
    %scan3A_35 = arith.constant 0 : i32
    %scan3A_36 = arith.constant 38 : i32
    %scan3A_37 = arith.addi %scan3A_35, %scan3A_36 : i32
    %scan3A_38 = arith.constant 1 : i32
    scf.for %scan3A_92 = %scan3A_35 to %scan3A_37 step %scan3A_38  : i32 {
      %mul3A_93 = arith.constant 2 : i32
      %mul3A_94 = arith.muli %mul3A_93, %scan3A_92 : i32
      %dma_wait3A_95 = arith.constant 0 : i32
      %dma_wait3A_96 = arith.constant 0 : i32
      %dma_wait3A_97 = tpu.memref_slice %arg6[%dma_wait3A_95, %dma_wait3A_96] : memref<2x128xi32, #tpu.memory_space<vmem>> -> memref<1x128xi32, #tpu.memory_space<vmem>>
      %dma_wait3A_98 = tpu.memref_squeeze %dma_wait3A_97 : memref<1x128xi32, #tpu.memory_space<vmem>> -> memref<128xi32, #tpu.memory_space<vmem>>
      %dma_wait3A_99 = arith.constant 0 : i32
      %dma_wait3A_100 = arith.constant 0 : i32
      %dma_wait3A_101 = tpu.memref_slice %arg2[%dma_wait3A_99, %dma_wait3A_100] : memref<10000x144xf32, #tpu.memory_space<hbm>> -> memref<10000x144xf32, #tpu.memory_space<hbm>>
      tpu.wait_indirect_dma semaphore(%arg14 : memref<!tpu.dma_semaphore, #tpu.memory_space<semaphore_mem>>) src(%dma_wait3A_101 : memref<10000x144xf32, #tpu.memory_space<hbm>>) dst(%arg9 : memref<128x144xf32, #tpu.memory_space<vmem>>)
      %add3A_102 = arith.constant 1 : i32
      %add3A_103 = arith.addi %mul3A_94, %add3A_102 : i32
      %mul3A_104 = arith.constant 128 : i32
      %mul3A_105 = arith.muli %add3A_103, %mul3A_104 : i32
      %multiple_of3A_106 = tpu.assume_multiple %mul3A_105, 128 : i32
      %dma_wait3A_107 = arith.constant 0 : i32
      %dma_wait3A_108 = tpu.memref_slice %arg3[%add3A, %dma_wait3A_107, %multiple_of3A_106] : memref<32x2x10000xi32, #tpu.memory_space<hbm>> -> memref<1x2x128xi32, #tpu.memory_space<hbm>>
      %dma_wait3A_109 = tpu.memref_squeeze %dma_wait3A_108 : memref<1x2x128xi32, #tpu.memory_space<hbm>> -> memref<2x128xi32, #tpu.memory_space<hbm>>
      %dma_wait3A_110 = arith.constant 0 : i32
      %dma_wait3A_111 = tpu.memref_slice %arg3[%add3A, %dma_wait3A_110, %multiple_of3A_106] : memref<32x2x10000xi32, #tpu.memory_space<hbm>> -> memref<1x2x128xi32, #tpu.memory_space<hbm>>
      %dma_wait3A_112 = tpu.memref_squeeze %dma_wait3A_111 : memref<1x2x128xi32, #tpu.memory_space<hbm>> -> memref<2x128xi32, #tpu.memory_space<hbm>>
      tpu.wait_dma2 semaphore(%arg13 : memref<!tpu.dma_semaphore, #tpu.memory_space<semaphore_mem>>) src(%dma_wait3A_112 : memref<2x128xi32, #tpu.memory_space<hbm>>) dst(%arg7 : memref<2x128xi32, #tpu.memory_space<vmem>>)
      %dma_start3A_113 = arith.constant 0 : i32
      %dma_start3A_114 = arith.constant 0 : i32
      %dma_start3A_115 = tpu.memref_slice %arg7[%dma_start3A_113, %dma_start3A_114] : memref<2x128xi32, #tpu.memory_space<vmem>> -> memref<1x128xi32, #tpu.memory_space<vmem>>
      %dma_start3A_116 = tpu.memref_squeeze %dma_start3A_115 : memref<1x128xi32, #tpu.memory_space<vmem>> -> memref<128xi32, #tpu.memory_space<vmem>>
      %dma_start3A_117 = arith.constant 0 : i32
      %dma_start3A_118 = arith.constant 0 : i32
      %dma_start3A_119 = tpu.memref_slice %arg2[%dma_start3A_117, %dma_start3A_118] : memref<10000x144xf32, #tpu.memory_space<hbm>> -> memref<10000x144xf32, #tpu.memory_space<hbm>>
      tpu.enqueue_indirect_dma source(%dma_start3A_119 : memref<10000x144xf32, #tpu.memory_space<hbm>>) target(%arg10 : memref<128x144xf32, #tpu.memory_space<vmem>>) offsets(%dma_start3A_116 : memref<128xi32, #tpu.memory_space<vmem>>) semaphore(%arg15 : memref<!tpu.dma_semaphore, #tpu.memory_space<semaphore_mem>>)
      %run_scoped3A_120 = arith.constant 1 : i32
      "tpu.region"() ({
        %run_scoped3A_170 = tpu.sem_alloc : memref<!tpu.dma_semaphore, #tpu.memory_space<semaphore_mem>>
        %dma_start3A_171 = arith.constant 0 : i32
        %dma_start3A_172 = tpu.memref_slice %arg6[%run_scoped3A_120, %dma_start3A_171] : memref<2x128xi32, #tpu.memory_space<vmem>> -> memref<1x128xi32, #tpu.memory_space<vmem>>
        %dma_start3A_173 = tpu.memref_squeeze %dma_start3A_172 : memref<1x128xi32, #tpu.memory_space<vmem>> -> memref<128xi32, #tpu.memory_space<vmem>>
        %dma_start3A_174 = arith.constant 0 : i32
        %dma_start3A_175 = arith.constant 0 : i32
        %dma_start3A_176 = tpu.memref_slice %arg16[%dma_start3A_174, %dma_start3A_175] : memref<10000x144xf32, #tpu.memory_space<vmem_shared>> -> memref<10000x144xf32, #tpu.memory_space<vmem_shared>>
        tpu.enqueue_indirect_dma source(%arg9 : memref<128x144xf32, #tpu.memory_space<vmem>>) target(%dma_start3A_176 : memref<10000x144xf32, #tpu.memory_space<vmem_shared>>) offsets(%dma_start3A_173 : memref<128xi32, #tpu.memory_space<vmem>>) semaphore(%run_scoped3A_170 : memref<!tpu.dma_semaphore, #tpu.memory_space<semaphore_mem>>) {add = true}
        %dma_wait3A_177 = arith.constant 0 : i32
        %dma_wait3A_178 = tpu.memref_slice %arg6[%run_scoped3A_120, %dma_wait3A_177] : memref<2x128xi32, #tpu.memory_space<vmem>> -> memref<1x128xi32, #tpu.memory_space<vmem>>
        %dma_wait3A_179 = tpu.memref_squeeze %dma_wait3A_178 : memref<1x128xi32, #tpu.memory_space<vmem>> -> memref<128xi32, #tpu.memory_space<vmem>>
        %dma_wait3A_180 = arith.constant 0 : i32
        %dma_wait3A_181 = arith.constant 0 : i32
        %dma_wait3A_182 = tpu.memref_slice %arg16[%dma_wait3A_180, %dma_wait3A_181] : memref<10000x144xf32, #tpu.memory_space<vmem_shared>> -> memref<10000x144xf32, #tpu.memory_space<vmem_shared>>
        tpu.wait_indirect_dma semaphore(%run_scoped3A_170 : memref<!tpu.dma_semaphore, #tpu.memory_space<semaphore_mem>>) src(%arg9 : memref<128x144xf32, #tpu.memory_space<vmem>>) dst(%dma_wait3A_182 : memref<10000x144xf32, #tpu.memory_space<vmem_shared>>)
        tpu.yield
      }) : () -> ()
      %add3A_121 = arith.constant 2 : i32
      %add3A_122 = arith.addi %mul3A_94, %add3A_121 : i32
      %mul3A_123 = arith.constant 128 : i32
      %mul3A_124 = arith.muli %add3A_122, %mul3A_123 : i32
      %multiple_of3A_125 = tpu.assume_multiple %mul3A_124, 128 : i32
      %dma_start3A_126 = arith.constant 0 : i32
      %dma_start3A_127 = tpu.memref_slice %arg3[%add3A, %dma_start3A_126, %multiple_of3A_125] : memref<32x2x10000xi32, #tpu.memory_space<hbm>> -> memref<1x2x128xi32, #tpu.memory_space<hbm>>
      %dma_start3A_128 = tpu.memref_squeeze %dma_start3A_127 : memref<1x2x128xi32, #tpu.memory_space<hbm>> -> memref<2x128xi32, #tpu.memory_space<hbm>>
      %dma_start3A_129 = arith.constant 0 : i32
      %dma_start3A_130 = tpu.memref_slice %arg3[%add3A, %dma_start3A_129, %multiple_of3A_125] : memref<32x2x10000xi32, #tpu.memory_space<hbm>> -> memref<1x2x128xi32, #tpu.memory_space<hbm>>
      %dma_start3A_131 = tpu.memref_squeeze %dma_start3A_130 : memref<1x2x128xi32, #tpu.memory_space<hbm>> -> memref<2x128xi32, #tpu.memory_space<hbm>>
      tpu.enqueue_dma source(%dma_start3A_131 : memref<2x128xi32, #tpu.memory_space<hbm>>) target(%arg6 : memref<2x128xi32, #tpu.memory_space<vmem>>) target_semaphore(%arg12 : memref<!tpu.dma_semaphore, #tpu.memory_space<semaphore_mem>>)
      %dma_wait3A_132 = arith.constant 0 : i32
      %dma_wait3A_133 = arith.constant 0 : i32
      %dma_wait3A_134 = tpu.memref_slice %arg7[%dma_wait3A_132, %dma_wait3A_133] : memref<2x128xi32, #tpu.memory_space<vmem>> -> memref<1x128xi32, #tpu.memory_space<vmem>>
      %dma_wait3A_135 = tpu.memref_squeeze %dma_wait3A_134 : memref<1x128xi32, #tpu.memory_space<vmem>> -> memref<128xi32, #tpu.memory_space<vmem>>
      %dma_wait3A_136 = arith.constant 0 : i32
      %dma_wait3A_137 = arith.constant 0 : i32
      %dma_wait3A_138 = tpu.memref_slice %arg2[%dma_wait3A_136, %dma_wait3A_137] : memref<10000x144xf32, #tpu.memory_space<hbm>> -> memref<10000x144xf32, #tpu.memory_space<hbm>>
      tpu.wait_indirect_dma semaphore(%arg15 : memref<!tpu.dma_semaphore, #tpu.memory_space<semaphore_mem>>) src(%dma_wait3A_138 : memref<10000x144xf32, #tpu.memory_space<hbm>>) dst(%arg10 : memref<128x144xf32, #tpu.memory_space<vmem>>)
      %add3A_139 = arith.constant 2 : i32
      %add3A_140 = arith.addi %mul3A_94, %add3A_139 : i32
      %mul3A_141 = arith.constant 128 : i32
      %mul3A_142 = arith.muli %add3A_140, %mul3A_141 : i32
      %multiple_of3A_143 = tpu.assume_multiple %mul3A_142, 128 : i32
      %dma_wait3A_144 = arith.constant 0 : i32
      %dma_wait3A_145 = tpu.memref_slice %arg3[%add3A, %dma_wait3A_144, %multiple_of3A_143] : memref<32x2x10000xi32, #tpu.memory_space<hbm>> -> memref<1x2x128xi32, #tpu.memory_space<hbm>>
      %dma_wait3A_146 = tpu.memref_squeeze %dma_wait3A_145 : memref<1x2x128xi32, #tpu.memory_space<hbm>> -> memref<2x128xi32, #tpu.memory_space<hbm>>
      %dma_wait3A_147 = arith.constant 0 : i32
      %dma_wait3A_148 = tpu.memref_slice %arg3[%add3A, %dma_wait3A_147, %multiple_of3A_143] : memref<32x2x10000xi32, #tpu.memory_space<hbm>> -> memref<1x2x128xi32, #tpu.memory_space<hbm>>
      %dma_wait3A_149 = tpu.memref_squeeze %dma_wait3A_148 : memref<1x2x128xi32, #tpu.memory_space<hbm>> -> memref<2x128xi32, #tpu.memory_space<hbm>>
      tpu.wait_dma2 semaphore(%arg12 : memref<!tpu.dma_semaphore, #tpu.memory_space<semaphore_mem>>) src(%dma_wait3A_149 : memref<2x128xi32, #tpu.memory_space<hbm>>) dst(%arg6 : memref<2x128xi32, #tpu.memory_space<vmem>>)
      %dma_start3A_150 = arith.constant 0 : i32
      %dma_start3A_151 = arith.constant 0 : i32
      %dma_start3A_152 = tpu.memref_slice %arg6[%dma_start3A_150, %dma_start3A_151] : memref<2x128xi32, #tpu.memory_space<vmem>> -> memref<1x128xi32, #tpu.memory_space<vmem>>
      %dma_start3A_153 = tpu.memref_squeeze %dma_start3A_152 : memref<1x128xi32, #tpu.memory_space<vmem>> -> memref<128xi32, #tpu.memory_space<vmem>>
      %dma_start3A_154 = arith.constant 0 : i32
      %dma_start3A_155 = arith.constant 0 : i32
      %dma_start3A_156 = tpu.memref_slice %arg2[%dma_start3A_154, %dma_start3A_155] : memref<10000x144xf32, #tpu.memory_space<hbm>> -> memref<10000x144xf32, #tpu.memory_space<hbm>>
      tpu.enqueue_indirect_dma source(%dma_start3A_156 : memref<10000x144xf32, #tpu.memory_space<hbm>>) target(%arg9 : memref<128x144xf32, #tpu.memory_space<vmem>>) offsets(%dma_start3A_153 : memref<128xi32, #tpu.memory_space<vmem>>) semaphore(%arg14 : memref<!tpu.dma_semaphore, #tpu.memory_space<semaphore_mem>>)
      %run_scoped3A_157 = arith.constant 1 : i32
      "tpu.region"() ({
        %run_scoped3A_170 = tpu.sem_alloc : memref<!tpu.dma_semaphore, #tpu.memory_space<semaphore_mem>>
        %dma_start3A_171 = arith.constant 0 : i32
        %dma_start3A_172 = tpu.memref_slice %arg7[%run_scoped3A_157, %dma_start3A_171] : memref<2x128xi32, #tpu.memory_space<vmem>> -> memref<1x128xi32, #tpu.memory_space<vmem>>
        %dma_start3A_173 = tpu.memref_squeeze %dma_start3A_172 : memref<1x128xi32, #tpu.memory_space<vmem>> -> memref<128xi32, #tpu.memory_space<vmem>>
        %dma_start3A_174 = arith.constant 0 : i32
        %dma_start3A_175 = arith.constant 0 : i32
        %dma_start3A_176 = tpu.memref_slice %arg16[%dma_start3A_174, %dma_start3A_175] : memref<10000x144xf32, #tpu.memory_space<vmem_shared>> -> memref<10000x144xf32, #tpu.memory_space<vmem_shared>>
        tpu.enqueue_indirect_dma source(%arg10 : memref<128x144xf32, #tpu.memory_space<vmem>>) target(%dma_start3A_176 : memref<10000x144xf32, #tpu.memory_space<vmem_shared>>) offsets(%dma_start3A_173 : memref<128xi32, #tpu.memory_space<vmem>>) semaphore(%run_scoped3A_170 : memref<!tpu.dma_semaphore, #tpu.memory_space<semaphore_mem>>) {add = true}
        %dma_wait3A_177 = arith.constant 0 : i32
        %dma_wait3A_178 = tpu.memref_slice %arg7[%run_scoped3A_157, %dma_wait3A_177] : memref<2x128xi32, #tpu.memory_space<vmem>> -> memref<1x128xi32, #tpu.memory_space<vmem>>
        %dma_wait3A_179 = tpu.memref_squeeze %dma_wait3A_178 : memref<1x128xi32, #tpu.memory_space<vmem>> -> memref<128xi32, #tpu.memory_space<vmem>>
        %dma_wait3A_180 = arith.constant 0 : i32
        %dma_wait3A_181 = arith.constant 0 : i32
        %dma_wait3A_182 = tpu.memref_slice %arg16[%dma_wait3A_180, %dma_wait3A_181] : memref<10000x144xf32, #tpu.memory_space<vmem_shared>> -> memref<10000x144xf32, #tpu.memory_space<vmem_shared>>
        tpu.wait_indirect_dma semaphore(%run_scoped3A_170 : memref<!tpu.dma_semaphore, #tpu.memory_space<semaphore_mem>>) src(%arg10 : memref<128x144xf32, #tpu.memory_space<vmem>>) dst(%dma_wait3A_182 : memref<10000x144xf32, #tpu.memory_space<vmem_shared>>)
        tpu.yield
      }) : () -> ()
      %add3A_158 = arith.constant 3 : i32
      %add3A_159 = arith.addi %mul3A_94, %add3A_158 : i32
      %min3A = arith.constant 77 : i32
      %min3A_160 = arith.minsi %add3A_159, %min3A : i32
      %mul3A_161 = arith.constant 128 : i32
      %mul3A_162 = arith.muli %min3A_160, %mul3A_161 : i32
      %multiple_of3A_163 = tpu.assume_multiple %mul3A_162, 128 : i32
      %dma_start3A_164 = arith.constant 0 : i32
      %dma_start3A_165 = tpu.memref_slice %arg3[%add3A, %dma_start3A_164, %multiple_of3A_163] : memref<32x2x10000xi32, #tpu.memory_space<hbm>> -> memref<1x2x128xi32, #tpu.memory_space<hbm>>
      %dma_start3A_166 = tpu.memref_squeeze %dma_start3A_165 : memref<1x2x128xi32, #tpu.memory_space<hbm>> -> memref<2x128xi32, #tpu.memory_space<hbm>>
      %dma_start3A_167 = arith.constant 0 : i32
      %dma_start3A_168 = tpu.memref_slice %arg3[%add3A, %dma_start3A_167, %multiple_of3A_163] : memref<32x2x10000xi32, #tpu.memory_space<hbm>> -> memref<1x2x128xi32, #tpu.memory_space<hbm>>
      %dma_start3A_169 = tpu.memref_squeeze %dma_start3A_168 : memref<1x2x128xi32, #tpu.memory_space<hbm>> -> memref<2x128xi32, #tpu.memory_space<hbm>>
      tpu.enqueue_dma source(%dma_start3A_169 : memref<2x128xi32, #tpu.memory_space<hbm>>) target(%arg7 : memref<2x128xi32, #tpu.memory_space<vmem>>) target_semaphore(%arg13 : memref<!tpu.dma_semaphore, #tpu.memory_space<semaphore_mem>>)
    }
    %scan3A_39 = arith.constant 38 : i32
    %dma_wait3A_40 = arith.constant 0 : i32
    %dma_wait3A_41 = arith.constant 0 : i32
    %dma_wait3A_42 = tpu.memref_slice %arg6[%dma_wait3A_40, %dma_wait3A_41] : memref<2x128xi32, #tpu.memory_space<vmem>> -> memref<1x128xi32, #tpu.memory_space<vmem>>
    %dma_wait3A_43 = tpu.memref_squeeze %dma_wait3A_42 : memref<1x128xi32, #tpu.memory_space<vmem>> -> memref<128xi32, #tpu.memory_space<vmem>>
    %dma_wait3A_44 = arith.constant 0 : i32
    %dma_wait3A_45 = arith.constant 0 : i32
    %dma_wait3A_46 = tpu.memref_slice %arg2[%dma_wait3A_44, %dma_wait3A_45] : memref<10000x144xf32, #tpu.memory_space<hbm>> -> memref<10000x144xf32, #tpu.memory_space<hbm>>
    tpu.wait_indirect_dma semaphore(%arg14 : memref<!tpu.dma_semaphore, #tpu.memory_space<semaphore_mem>>) src(%dma_wait3A_46 : memref<10000x144xf32, #tpu.memory_space<hbm>>) dst(%arg9 : memref<128x144xf32, #tpu.memory_space<vmem>>)
    %multiple_of3A_47 = arith.constant 9856 : i32
    %multiple_of3A_48 = tpu.assume_multiple %multiple_of3A_47, 128 : i32
    %dma_wait3A_49 = arith.constant 0 : i32
    %dma_wait3A_50 = tpu.memref_slice %arg3[%add3A, %dma_wait3A_49, %multiple_of3A_48] : memref<32x2x10000xi32, #tpu.memory_space<hbm>> -> memref<1x2x128xi32, #tpu.memory_space<hbm>>
    %dma_wait3A_51 = tpu.memref_squeeze %dma_wait3A_50 : memref<1x2x128xi32, #tpu.memory_space<hbm>> -> memref<2x128xi32, #tpu.memory_space<hbm>>
    %dma_wait3A_52 = arith.constant 0 : i32
    %dma_wait3A_53 = tpu.memref_slice %arg3[%add3A, %dma_wait3A_52, %multiple_of3A_48] : memref<32x2x10000xi32, #tpu.memory_space<hbm>> -> memref<1x2x128xi32, #tpu.memory_space<hbm>>
    %dma_wait3A_54 = tpu.memref_squeeze %dma_wait3A_53 : memref<1x2x128xi32, #tpu.memory_space<hbm>> -> memref<2x128xi32, #tpu.memory_space<hbm>>
    tpu.wait_dma2 semaphore(%arg13 : memref<!tpu.dma_semaphore, #tpu.memory_space<semaphore_mem>>) src(%dma_wait3A_54 : memref<2x128xi32, #tpu.memory_space<hbm>>) dst(%arg7 : memref<2x128xi32, #tpu.memory_space<vmem>>)
    %dma_start3A_55 = arith.constant 0 : i32
    %dma_start3A_56 = arith.constant 0 : i32
    %dma_start3A_57 = tpu.memref_slice %arg7[%dma_start3A_55, %dma_start3A_56] : memref<2x128xi32, #tpu.memory_space<vmem>> -> memref<1x128xi32, #tpu.memory_space<vmem>>
    %dma_start3A_58 = tpu.memref_squeeze %dma_start3A_57 : memref<1x128xi32, #tpu.memory_space<vmem>> -> memref<128xi32, #tpu.memory_space<vmem>>
    %dma_start3A_59 = arith.constant 0 : i32
    %dma_start3A_60 = arith.constant 0 : i32
    %dma_start3A_61 = tpu.memref_slice %arg2[%dma_start3A_59, %dma_start3A_60] : memref<10000x144xf32, #tpu.memory_space<hbm>> -> memref<10000x144xf32, #tpu.memory_space<hbm>>
    tpu.enqueue_indirect_dma source(%dma_start3A_61 : memref<10000x144xf32, #tpu.memory_space<hbm>>) target(%arg10 : memref<128x144xf32, #tpu.memory_space<vmem>>) offsets(%dma_start3A_58 : memref<128xi32, #tpu.memory_space<vmem>>) semaphore(%arg15 : memref<!tpu.dma_semaphore, #tpu.memory_space<semaphore_mem>>)
    %run_scoped3A = arith.constant 1 : i32
    "tpu.region"() ({
      %run_scoped3A_92 = tpu.sem_alloc : memref<!tpu.dma_semaphore, #tpu.memory_space<semaphore_mem>>
      %dma_start3A_93 = arith.constant 0 : i32
      %dma_start3A_94 = tpu.memref_slice %arg6[%run_scoped3A, %dma_start3A_93] : memref<2x128xi32, #tpu.memory_space<vmem>> -> memref<1x128xi32, #tpu.memory_space<vmem>>
      %dma_start3A_95 = tpu.memref_squeeze %dma_start3A_94 : memref<1x128xi32, #tpu.memory_space<vmem>> -> memref<128xi32, #tpu.memory_space<vmem>>
      %dma_start3A_96 = arith.constant 0 : i32
      %dma_start3A_97 = arith.constant 0 : i32
      %dma_start3A_98 = tpu.memref_slice %arg16[%dma_start3A_96, %dma_start3A_97] : memref<10000x144xf32, #tpu.memory_space<vmem_shared>> -> memref<10000x144xf32, #tpu.memory_space<vmem_shared>>
      tpu.enqueue_indirect_dma source(%arg9 : memref<128x144xf32, #tpu.memory_space<vmem>>) target(%dma_start3A_98 : memref<10000x144xf32, #tpu.memory_space<vmem_shared>>) offsets(%dma_start3A_95 : memref<128xi32, #tpu.memory_space<vmem>>) semaphore(%run_scoped3A_92 : memref<!tpu.dma_semaphore, #tpu.memory_space<semaphore_mem>>) {add = true}
      %dma_wait3A_99 = arith.constant 0 : i32
      %dma_wait3A_100 = tpu.memref_slice %arg6[%run_scoped3A, %dma_wait3A_99] : memref<2x128xi32, #tpu.memory_space<vmem>> -> memref<1x128xi32, #tpu.memory_space<vmem>>
      %dma_wait3A_101 = tpu.memref_squeeze %dma_wait3A_100 : memref<1x128xi32, #tpu.memory_space<vmem>> -> memref<128xi32, #tpu.memory_space<vmem>>
      %dma_wait3A_102 = arith.constant 0 : i32
      %dma_wait3A_103 = arith.constant 0 : i32
      %dma_wait3A_104 = tpu.memref_slice %arg16[%dma_wait3A_102, %dma_wait3A_103] : memref<10000x144xf32, #tpu.memory_space<vmem_shared>> -> memref<10000x144xf32, #tpu.memory_space<vmem_shared>>
      tpu.wait_indirect_dma semaphore(%run_scoped3A_92 : memref<!tpu.dma_semaphore, #tpu.memory_space<semaphore_mem>>) src(%arg9 : memref<128x144xf32, #tpu.memory_space<vmem>>) dst(%dma_wait3A_104 : memref<10000x144xf32, #tpu.memory_space<vmem_shared>>)
      tpu.yield
    }) : () -> ()
    "tpu.region"() ({
      %run_scoped3A_92 = tpu.sem_alloc : memref<!tpu.dma_semaphore, #tpu.memory_space<semaphore_mem>>
      %dma_start3A_93 = arith.constant 0 : i32
      %dma_start3A_94 = arith.constant 9984 : i32
      %dma_start3A_95 = tpu.memref_slice %arg3[%add3A, %dma_start3A_93, %dma_start3A_94] : memref<32x2x10000xi32, #tpu.memory_space<hbm>> -> memref<1x2x16xi32, #tpu.memory_space<hbm>>
      %dma_start3A_96 = tpu.memref_squeeze %dma_start3A_95 : memref<1x2x16xi32, #tpu.memory_space<hbm>> -> memref<2x16xi32, #tpu.memory_space<hbm>>
      %dma_start3A_97 = arith.constant 0 : i32
      %dma_start3A_98 = arith.constant 9984 : i32
      %dma_start3A_99 = tpu.memref_slice %arg3[%add3A, %dma_start3A_97, %dma_start3A_98] : memref<32x2x10000xi32, #tpu.memory_space<hbm>> -> memref<1x2x16xi32, #tpu.memory_space<hbm>>
      %dma_start3A_100 = tpu.memref_squeeze %dma_start3A_99 : memref<1x2x16xi32, #tpu.memory_space<hbm>> -> memref<2x16xi32, #tpu.memory_space<hbm>>
      tpu.enqueue_dma source(%dma_start3A_100 : memref<2x16xi32, #tpu.memory_space<hbm>>) target(%arg8 : memref<2x16xi32, #tpu.memory_space<vmem>>) target_semaphore(%run_scoped3A_92 : memref<!tpu.dma_semaphore, #tpu.memory_space<semaphore_mem>>)
      %dma_wait3A_101 = arith.constant 0 : i32
      %dma_wait3A_102 = arith.constant 9984 : i32
      %dma_wait3A_103 = tpu.memref_slice %arg3[%add3A, %dma_wait3A_101, %dma_wait3A_102] : memref<32x2x10000xi32, #tpu.memory_space<hbm>> -> memref<1x2x16xi32, #tpu.memory_space<hbm>>
      %dma_wait3A_104 = tpu.memref_squeeze %dma_wait3A_103 : memref<1x2x16xi32, #tpu.memory_space<hbm>> -> memref<2x16xi32, #tpu.memory_space<hbm>>
      %dma_wait3A_105 = arith.constant 0 : i32
      %dma_wait3A_106 = arith.constant 9984 : i32
      %dma_wait3A_107 = tpu.memref_slice %arg3[%add3A, %dma_wait3A_105, %dma_wait3A_106] : memref<32x2x10000xi32, #tpu.memory_space<hbm>> -> memref<1x2x16xi32, #tpu.memory_space<hbm>>
      %dma_wait3A_108 = tpu.memref_squeeze %dma_wait3A_107 : memref<1x2x16xi32, #tpu.memory_space<hbm>> -> memref<2x16xi32, #tpu.memory_space<hbm>>
      tpu.wait_dma2 semaphore(%run_scoped3A_92 : memref<!tpu.dma_semaphore, #tpu.memory_space<semaphore_mem>>) src(%dma_wait3A_108 : memref<2x16xi32, #tpu.memory_space<hbm>>) dst(%arg8 : memref<2x16xi32, #tpu.memory_space<vmem>>)
      tpu.yield
    }) : () -> ()
    %dma_wait3A_62 = arith.constant 0 : i32
    %dma_wait3A_63 = arith.constant 0 : i32
    %dma_wait3A_64 = tpu.memref_slice %arg7[%dma_wait3A_62, %dma_wait3A_63] : memref<2x128xi32, #tpu.memory_space<vmem>> -> memref<1x128xi32, #tpu.memory_space<vmem>>
    %dma_wait3A_65 = tpu.memref_squeeze %dma_wait3A_64 : memref<1x128xi32, #tpu.memory_space<vmem>> -> memref<128xi32, #tpu.memory_space<vmem>>
    %dma_wait3A_66 = arith.constant 0 : i32
    %dma_wait3A_67 = arith.constant 0 : i32
    %dma_wait3A_68 = tpu.memref_slice %arg2[%dma_wait3A_66, %dma_wait3A_67] : memref<10000x144xf32, #tpu.memory_space<hbm>> -> memref<10000x144xf32, #tpu.memory_space<hbm>>
    tpu.wait_indirect_dma semaphore(%arg15 : memref<!tpu.dma_semaphore, #tpu.memory_space<semaphore_mem>>) src(%dma_wait3A_68 : memref<10000x144xf32, #tpu.memory_space<hbm>>) dst(%arg10 : memref<128x144xf32, #tpu.memory_space<vmem>>)
    %dma_start3A_69 = arith.constant 0 : i32
    %dma_start3A_70 = arith.constant 0 : i32
    %dma_start3A_71 = tpu.memref_slice %arg8[%dma_start3A_69, %dma_start3A_70] : memref<2x16xi32, #tpu.memory_space<vmem>> -> memref<1x16xi32, #tpu.memory_space<vmem>>
    %dma_start3A_72 = tpu.memref_squeeze %dma_start3A_71 : memref<1x16xi32, #tpu.memory_space<vmem>> -> memref<16xi32, #tpu.memory_space<vmem>>
    %dma_start3A_73 = arith.constant 0 : i32
    %dma_start3A_74 = arith.constant 0 : i32
    %dma_start3A_75 = tpu.memref_slice %arg2[%dma_start3A_73, %dma_start3A_74] : memref<10000x144xf32, #tpu.memory_space<hbm>> -> memref<10000x144xf32, #tpu.memory_space<hbm>>
    tpu.enqueue_indirect_dma source(%dma_start3A_75 : memref<10000x144xf32, #tpu.memory_space<hbm>>) target(%arg11 : memref<16x144xf32, #tpu.memory_space<vmem>>) offsets(%dma_start3A_72 : memref<16xi32, #tpu.memory_space<vmem>>) semaphore(%arg14 : memref<!tpu.dma_semaphore, #tpu.memory_space<semaphore_mem>>)
    %run_scoped3A_76 = arith.constant 1 : i32
    "tpu.region"() ({
      %run_scoped3A_92 = tpu.sem_alloc : memref<!tpu.dma_semaphore, #tpu.memory_space<semaphore_mem>>
      %dma_start3A_93 = arith.constant 0 : i32
      %dma_start3A_94 = tpu.memref_slice %arg7[%run_scoped3A_76, %dma_start3A_93] : memref<2x128xi32, #tpu.memory_space<vmem>> -> memref<1x128xi32, #tpu.memory_space<vmem>>
      %dma_start3A_95 = tpu.memref_squeeze %dma_start3A_94 : memref<1x128xi32, #tpu.memory_space<vmem>> -> memref<128xi32, #tpu.memory_space<vmem>>
      %dma_start3A_96 = arith.constant 0 : i32
      %dma_start3A_97 = arith.constant 0 : i32
      %dma_start3A_98 = tpu.memref_slice %arg16[%dma_start3A_96, %dma_start3A_97] : memref<10000x144xf32, #tpu.memory_space<vmem_shared>> -> memref<10000x144xf32, #tpu.memory_space<vmem_shared>>
      tpu.enqueue_indirect_dma source(%arg10 : memref<128x144xf32, #tpu.memory_space<vmem>>) target(%dma_start3A_98 : memref<10000x144xf32, #tpu.memory_space<vmem_shared>>) offsets(%dma_start3A_95 : memref<128xi32, #tpu.memory_space<vmem>>) semaphore(%run_scoped3A_92 : memref<!tpu.dma_semaphore, #tpu.memory_space<semaphore_mem>>) {add = true}
      %dma_wait3A_99 = arith.constant 0 : i32
      %dma_wait3A_100 = tpu.memref_slice %arg7[%run_scoped3A_76, %dma_wait3A_99] : memref<2x128xi32, #tpu.memory_space<vmem>> -> memref<1x128xi32, #tpu.memory_space<vmem>>
      %dma_wait3A_101 = tpu.memref_squeeze %dma_wait3A_100 : memref<1x128xi32, #tpu.memory_space<vmem>> -> memref<128xi32, #tpu.memory_space<vmem>>
      %dma_wait3A_102 = arith.constant 0 : i32
      %dma_wait3A_103 = arith.constant 0 : i32
      %dma_wait3A_104 = tpu.memref_slice %arg16[%dma_wait3A_102, %dma_wait3A_103] : memref<10000x144xf32, #tpu.memory_space<vmem_shared>> -> memref<10000x144xf32, #tpu.memory_space<vmem_shared>>
      tpu.wait_indirect_dma semaphore(%run_scoped3A_92 : memref<!tpu.dma_semaphore, #tpu.memory_space<semaphore_mem>>) src(%arg10 : memref<128x144xf32, #tpu.memory_space<vmem>>) dst(%dma_wait3A_104 : memref<10000x144xf32, #tpu.memory_space<vmem_shared>>)
      tpu.yield
    }) : () -> ()
    %dma_wait3A_77 = arith.constant 0 : i32
    %dma_wait3A_78 = arith.constant 0 : i32
    %dma_wait3A_79 = tpu.memref_slice %arg8[%dma_wait3A_77, %dma_wait3A_78] : memref<2x16xi32, #tpu.memory_space<vmem>> -> memref<1x16xi32, #tpu.memory_space<vmem>>
    %dma_wait3A_80 = tpu.memref_squeeze %dma_wait3A_79 : memref<1x16xi32, #tpu.memory_space<vmem>> -> memref<16xi32, #tpu.memory_space<vmem>>
    %dma_wait3A_81 = arith.constant 0 : i32
    %dma_wait3A_82 = arith.constant 0 : i32
    %dma_wait3A_83 = tpu.memref_slice %arg2[%dma_wait3A_81, %dma_wait3A_82] : memref<10000x144xf32, #tpu.memory_space<hbm>> -> memref<10000x144xf32, #tpu.memory_space<hbm>>
    tpu.wait_indirect_dma semaphore(%arg14 : memref<!tpu.dma_semaphore, #tpu.memory_space<semaphore_mem>>) src(%dma_wait3A_83 : memref<10000x144xf32, #tpu.memory_space<hbm>>) dst(%arg11 : memref<16x144xf32, #tpu.memory_space<vmem>>)
    %run_scoped3A_84 = arith.constant 1 : i32
    "tpu.region"() ({
      %run_scoped3A_92 = tpu.sem_alloc : memref<!tpu.dma_semaphore, #tpu.memory_space<semaphore_mem>>
      %dma_start3A_93 = arith.constant 0 : i32
      %dma_start3A_94 = tpu.memref_slice %arg8[%run_scoped3A_84, %dma_start3A_93] : memref<2x16xi32, #tpu.memory_space<vmem>> -> memref<1x16xi32, #tpu.memory_space<vmem>>
      %dma_start3A_95 = tpu.memref_squeeze %dma_start3A_94 : memref<1x16xi32, #tpu.memory_space<vmem>> -> memref<16xi32, #tpu.memory_space<vmem>>
      %dma_start3A_96 = arith.constant 0 : i32
      %dma_start3A_97 = arith.constant 0 : i32
      %dma_start3A_98 = tpu.memref_slice %arg16[%dma_start3A_96, %dma_start3A_97] : memref<10000x144xf32, #tpu.memory_space<vmem_shared>> -> memref<10000x144xf32, #tpu.memory_space<vmem_shared>>
      tpu.enqueue_indirect_dma source(%arg11 : memref<16x144xf32, #tpu.memory_space<vmem>>) target(%dma_start3A_98 : memref<10000x144xf32, #tpu.memory_space<vmem_shared>>) offsets(%dma_start3A_95 : memref<16xi32, #tpu.memory_space<vmem>>) semaphore(%run_scoped3A_92 : memref<!tpu.dma_semaphore, #tpu.memory_space<semaphore_mem>>) {add = true}
      %dma_wait3A_99 = arith.constant 0 : i32
      %dma_wait3A_100 = tpu.memref_slice %arg8[%run_scoped3A_84, %dma_wait3A_99] : memref<2x16xi32, #tpu.memory_space<vmem>> -> memref<1x16xi32, #tpu.memory_space<vmem>>
      %dma_wait3A_101 = tpu.memref_squeeze %dma_wait3A_100 : memref<1x16xi32, #tpu.memory_space<vmem>> -> memref<16xi32, #tpu.memory_space<vmem>>
      %dma_wait3A_102 = arith.constant 0 : i32
      %dma_wait3A_103 = arith.constant 0 : i32
      %dma_wait3A_104 = tpu.memref_slice %arg16[%dma_wait3A_102, %dma_wait3A_103] : memref<10000x144xf32, #tpu.memory_space<vmem_shared>> -> memref<10000x144xf32, #tpu.memory_space<vmem_shared>>
      tpu.wait_indirect_dma semaphore(%run_scoped3A_92 : memref<!tpu.dma_semaphore, #tpu.memory_space<semaphore_mem>>) src(%arg11 : memref<16x144xf32, #tpu.memory_space<vmem>>) dst(%dma_wait3A_104 : memref<10000x144xf32, #tpu.memory_space<vmem_shared>>)
      tpu.yield
    }) : () -> ()
    %barrier3A_85 = arith.constant 0 : index
    tpu.barrier barrier_id(%barrier3A_85)
    %scan3A_86 = arith.constant 0 : i32
    %scan3A_87 = arith.constant 0 : i32
    %scan3A_88 = arith.constant 8 : i32
    %scan3A_89 = arith.addi %scan3A_87, %scan3A_88 : i32
    %scan3A_90 = arith.constant 1 : i32
    scf.for %scan3A_92 = %scan3A_87 to %scan3A_89 step %scan3A_90  : i32 {
      %mul3A_93 = arith.constant 16 : i32
      %mul3A_94 = arith.muli %scan3A_92, %mul3A_93 : i32
      %add3A_95 = arith.addi %arg1, %mul3A_94 : i32
      %lt3A = arith.constant 125 : i32
      %lt3A_96 = arith.cmpi slt, %add3A_95, %lt3A : i32
      %convert_element_type3A = arith.extui %lt3A_96 : i1 to i32
      %cond3A = arith.constant 0 : i32
      %cond3A_97 = arith.cmpi ne, %convert_element_type3A, %cond3A : i32
      scf.if %cond3A_97 {
        %mul3A_98 = arith.constant 80 : i32
        %mul3A_99 = arith.muli %add3A_95, %mul3A_98 : i32
        %multiple_of3A_100 = tpu.assume_multiple %mul3A_99, 80 : i32
        "tpu.region"() ({
          %run_scoped3A_101 = tpu.sem_alloc : memref<!tpu.dma_semaphore, #tpu.memory_space<semaphore_mem>>
          %dma_start3A_102 = arith.constant 0 : i32
          %dma_start3A_103 = tpu.memref_slice %arg5[%arg0, %multiple_of3A_100, %dma_start3A_102] : memref<2x10000x144xf32, #tpu.memory_space<hbm>> -> memref<1x80x144xf32, #tpu.memory_space<hbm>>
          %dma_start3A_104 = tpu.memref_squeeze %dma_start3A_103 : memref<1x80x144xf32, #tpu.memory_space<hbm>> -> memref<80x144xf32, #tpu.memory_space<hbm>>
          %dma_start3A_105 = arith.constant 0 : i32
          %dma_start3A_106 = tpu.memref_slice %arg16[%multiple_of3A_100, %dma_start3A_105] : memref<10000x144xf32, #tpu.memory_space<vmem_shared>> -> memref<80x144xf32, #tpu.memory_space<vmem_shared>>
          tpu.enqueue_dma source(%dma_start3A_106 : memref<80x144xf32, #tpu.memory_space<vmem_shared>>) target(%dma_start3A_104 : memref<80x144xf32, #tpu.memory_space<hbm>>) target_semaphore(%run_scoped3A_101 : memref<!tpu.dma_semaphore, #tpu.memory_space<semaphore_mem>>)
          %dma_wait3A_107 = arith.constant 0 : i32
          %dma_wait3A_108 = tpu.memref_slice %arg5[%arg0, %multiple_of3A_100, %dma_wait3A_107] : memref<2x10000x144xf32, #tpu.memory_space<hbm>> -> memref<1x80x144xf32, #tpu.memory_space<hbm>>
          %dma_wait3A_109 = tpu.memref_squeeze %dma_wait3A_108 : memref<1x80x144xf32, #tpu.memory_space<hbm>> -> memref<80x144xf32, #tpu.memory_space<hbm>>
          %dma_wait3A_110 = arith.constant 0 : i32
          %dma_wait3A_111 = tpu.memref_slice %arg16[%multiple_of3A_100, %dma_wait3A_110] : memref<10000x144xf32, #tpu.memory_space<vmem_shared>> -> memref<80x144xf32, #tpu.memory_space<vmem_shared>>
          tpu.wait_dma2 semaphore(%run_scoped3A_101 : memref<!tpu.dma_semaphore, #tpu.memory_space<semaphore_mem>>) src(%dma_wait3A_111 : memref<80x144xf32, #tpu.memory_space<vmem_shared>>) dst(%dma_wait3A_109 : memref<80x144xf32, #tpu.memory_space<hbm>>)
          tpu.yield
        }) : () -> ()
      } else {
      }
    }
    %scan3A_91 = arith.constant 8 : i32
    return
  }
}

module attributes {stable_mosaic.version = 14 : i64} {
  func.func @_prep_body(%arg0: i32, %arg1: memref<1000x128xf32, #tpu.memory_space<vmem>>, %arg2: memref<128x112xf32, #tpu.memory_space<vmem>>, %arg3: memref<2x1000x16xf32, #tpu.memory_space<vmem>>, %arg4: memref<1000x112xf32, #tpu.memory_space<vmem>>, %arg5: memref<1000x1xf32, #tpu.memory_space<vmem>>) attributes {dimension_semantics = [#tpu.dimension_semantics<arbitrary>], iteration_bounds = array<i64: 10>, scalar_prefetch = 0 : i64, scratch_operands = 0 : i64, tpu.core_type = #tpu.core_type<tc>, window_params = [{transform_indices = @transform_0, window_bounds = array<i64: 1000, 128>}, {pipeline_mode = #tpu.pipeline_mode<synchronous>, transform_indices = @transform_1, window_bounds = array<i64: 128, 112>}, {transform_indices = @transform_2, window_bounds = array<i64: 2, 1000, 16>}, {transform_indices = @transform_3, window_bounds = array<i64: 1000, 112>}, {transform_indices = @transform_4, window_bounds = array<i64: 1000, 1>}]} {
    %get3A = arith.constant 0 : index
    %get3A_0 = arith.constant 0 : index
    %get3A_1 = arith.constant 0 : index
    %get3A_2 = vector.load %arg3[%get3A, %get3A_0, %get3A_1] : memref<2x1000x16xf32, #tpu.memory_space<vmem>>, vector<1x1000x16xf32>
    %get3A_3 = vector.shape_cast %get3A_2 : vector<1x1000x16xf32> to vector<1000x16xf32>
    %slice3A = vector.extract_strided_slice %get3A_3 {offsets = [0, 0], sizes = [1000, 1], strides = [1, 1]} : vector<1000x16xf32> to vector<1000x1xf32>
    %get3A_4 = arith.constant 1 : index
    %get3A_5 = arith.constant 0 : index
    %get3A_6 = arith.constant 0 : index
    %get3A_7 = vector.load %arg3[%get3A_4, %get3A_5, %get3A_6] : memref<2x1000x16xf32, #tpu.memory_space<vmem>>, vector<1x1000x16xf32>
    %get3A_8 = vector.shape_cast %get3A_7 : vector<1x1000x16xf32> to vector<1000x16xf32>
    %slice3A_9 = vector.extract_strided_slice %get3A_8 {offsets = [0, 0], sizes = [1000, 1], strides = [1, 1]} : vector<1000x16xf32> to vector<1000x1xf32>
    %add3A = arith.addf %slice3A, %slice3A_9 : vector<1000x1xf32>
    %add3A_10 = arith.constant 1.000000e+00 : f32
    %add3A_11 = vector.broadcast %add3A_10 : f32 to vector<1000x1xf32>
    %add3A_12 = arith.addf %add3A, %add3A_11 : vector<1000x1xf32>
    %pow3A = arith.constant -5.000000e-01 : f32
    %pow3A_13 = vector.broadcast %pow3A : f32 to vector<1000x1xf32>
    %pow3A_14 = math.powf %add3A_12, %pow3A_13 : vector<1000x1xf32>
    %swap3A = arith.constant 0 : index
    %swap3A_15 = arith.constant 0 : index
    %swap3A_16 = vector.load %arg5[%swap3A, %swap3A_15] : memref<1000x1xf32, #tpu.memory_space<vmem>>, vector<1000x1xf32>
    tpu.vector_store %arg5[%swap3A, %swap3A_15], %pow3A_14 {strides = array<i32>} : memref<1000x1xf32, #tpu.memory_space<vmem>>, vector<1000x1xf32>,
    %get3A_17 = arith.constant 0 : index
    %get3A_18 = arith.constant 0 : index
    %get3A_19 = vector.load %arg1[%get3A_17, %get3A_18] : memref<1000x128xf32, #tpu.memory_space<vmem>>, vector<1000x128xf32>
    %get3A_20 = arith.constant 0 : index
    %get3A_21 = arith.constant 0 : index
    %get3A_22 = vector.load %arg2[%get3A_20, %get3A_21] : memref<128x112xf32, #tpu.memory_space<vmem>>, vector<128x112xf32>
    %dot_general3A = arith.constant dense<0.000000e+00> : vector<1000x112xf32>
    %dot_general3A_23 = tpu.matmul %get3A_19, %get3A_22, %dot_general3A {dimension_numbers = #tpu.dot_dimension_numbers<[1], [0], [0], [1], [0, 0, 1, 1], [], []>, transpose_lhs_hint = false} : vector<1000x128xf32>, vector<128x112xf32>, vector<1000x112xf32> -> vector<1000x112xf32>
    %mul3A = vector.broadcast %pow3A_14 : vector<1000x1xf32> to vector<1000x112xf32>
    %mul3A_24 = arith.mulf %dot_general3A_23, %mul3A : vector<1000x112xf32>
    %swap3A_25 = arith.constant 0 : index
    %swap3A_26 = arith.constant 0 : index
    %swap3A_27 = vector.load %arg4[%swap3A_25, %swap3A_26] : memref<1000x112xf32, #tpu.memory_space<vmem>>, vector<1000x112xf32>
    tpu.vector_store %arg4[%swap3A_25, %swap3A_26], %mul3A_24 {strides = array<i32>} : memref<1000x112xf32, #tpu.memory_space<vmem>>, vector<1000x112xf32>,
    return
  }
  func.func @transform_0(%arg0: i32) -> (i32, i32) {
    %c0_i32 = arith.constant 0 : i32
    %c0_i32_0 = arith.constant 0 : i32
    return %arg0, %c0_i32 : i32, i32
  }
  func.func @transform_1(%arg0: i32) -> (i32, i32) {
    %c0_i32 = arith.constant 0 : i32
    %c0_i32_0 = arith.constant 0 : i32
    %c0_i32_1 = arith.constant 0 : i32
    return %c0_i32, %c0_i32_0 : i32, i32
  }
  func.func @transform_2(%arg0: i32) -> (i32, i32, i32) {
    %c0_i32 = arith.constant 0 : i32
    %c0_i32_0 = arith.constant 0 : i32
    %c0_i32_1 = arith.constant 0 : i32
    return %c0_i32, %arg0, %c0_i32_0 : i32, i32, i32
  }
  func.func @transform_3(%arg0: i32) -> (i32, i32) {
    %c0_i32 = arith.constant 0 : i32
    %c0_i32_0 = arith.constant 0 : i32
    return %arg0, %c0_i32 : i32, i32
  }
  func.func @transform_4(%arg0: i32) -> (i32, i32) {
    %c0_i32 = arith.constant 0 : i32
    %c0_i32_0 = arith.constant 0 : i32
    return %arg0, %c0_i32 : i32, i32
  }
}

module attributes {stable_mosaic.version = 14 : i64} {
  func.func @_comb_body(%arg0: i32, %arg1: memref<2x1000x112xf32, #tpu.memory_space<vmem>>, %arg2: memref<1000x112xf32, #tpu.memory_space<vmem>>, %arg3: memref<1000x1xf32, #tpu.memory_space<vmem>>, %arg4: memref<1x112xf32, #tpu.memory_space<vmem>>, %arg5: memref<1000x112xf32, #tpu.memory_space<vmem>>) attributes {dimension_semantics = [#tpu.dimension_semantics<arbitrary>], iteration_bounds = array<i64: 10>, scalar_prefetch = 0 : i64, scratch_operands = 0 : i64, tpu.core_type = #tpu.core_type<tc>, window_params = [{transform_indices = @transform_0, window_bounds = array<i64: 2, 1000, 112>}, {transform_indices = @transform_1, window_bounds = array<i64: 1000, 112>}, {transform_indices = @transform_2, window_bounds = array<i64: 1000, 1>}, {pipeline_mode = #tpu.pipeline_mode<synchronous>, transform_indices = @transform_3, window_bounds = array<i64: 1, 112>}, {transform_indices = @transform_4, window_bounds = array<i64: 1000, 112>}]} {
    %get3A = arith.constant 0 : index
    %get3A_0 = arith.constant 0 : index
    %get3A_1 = vector.load %arg3[%get3A, %get3A_0] : memref<1000x1xf32, #tpu.memory_space<vmem>>, vector<1000x1xf32>
    %get3A_2 = arith.constant 0 : index
    %get3A_3 = arith.constant 0 : index
    %get3A_4 = arith.constant 0 : index
    %get3A_5 = vector.load %arg1[%get3A_2, %get3A_3, %get3A_4] : memref<2x1000x112xf32, #tpu.memory_space<vmem>>, vector<1x1000x112xf32>
    %get3A_6 = vector.shape_cast %get3A_5 : vector<1x1000x112xf32> to vector<1000x112xf32>
    %get3A_7 = arith.constant 1 : index
    %get3A_8 = arith.constant 0 : index
    %get3A_9 = arith.constant 0 : index
    %get3A_10 = vector.load %arg1[%get3A_7, %get3A_8, %get3A_9] : memref<2x1000x112xf32, #tpu.memory_space<vmem>>, vector<1x1000x112xf32>
    %get3A_11 = vector.shape_cast %get3A_10 : vector<1x1000x112xf32> to vector<1000x112xf32>
    %add3A = arith.addf %get3A_6, %get3A_11 : vector<1000x112xf32>
    %get3A_12 = arith.constant 0 : index
    %get3A_13 = arith.constant 0 : index
    %get3A_14 = vector.load %arg2[%get3A_12, %get3A_13] : memref<1000x112xf32, #tpu.memory_space<vmem>>, vector<1000x112xf32>
    %add3A_15 = arith.addf %add3A, %get3A_14 : vector<1000x112xf32>
    %mul3A = vector.broadcast %get3A_1 : vector<1000x1xf32> to vector<1000x112xf32>
    %mul3A_16 = arith.mulf %add3A_15, %mul3A : vector<1000x112xf32>
    %get3A_17 = arith.constant 0 : index
    %get3A_18 = arith.constant 0 : index
    %get3A_19 = vector.load %arg4[%get3A_17, %get3A_18] : memref<1x112xf32, #tpu.memory_space<vmem>>, vector<1x112xf32>
    %add3A_20 = vector.broadcast %get3A_19 : vector<1x112xf32> to vector<1000x112xf32>
    %add3A_21 = arith.addf %mul3A_16, %add3A_20 : vector<1000x112xf32>
    %max3A = arith.constant 0.000000e+00 : f32
    %max3A_22 = vector.broadcast %max3A : f32 to vector<1000x112xf32>
    %max3A_23 = arith.maximumf %add3A_21, %max3A_22 : vector<1000x112xf32>
    %mul3A_24 = vector.broadcast %get3A_1 : vector<1000x1xf32> to vector<1000x112xf32>
    %mul3A_25 = arith.mulf %max3A_23, %mul3A_24 : vector<1000x112xf32>
    %swap3A = arith.constant 0 : index
    %swap3A_26 = arith.constant 0 : index
    %swap3A_27 = vector.load %arg5[%swap3A, %swap3A_26] : memref<1000x112xf32, #tpu.memory_space<vmem>>, vector<1000x112xf32>
    tpu.vector_store %arg5[%swap3A, %swap3A_26], %mul3A_25 {strides = array<i32>} : memref<1000x112xf32, #tpu.memory_space<vmem>>, vector<1000x112xf32>,
    return
  }
  func.func @transform_0(%arg0: i32) -> (i32, i32, i32) {
    %c0_i32 = arith.constant 0 : i32
    %c0_i32_0 = arith.constant 0 : i32
    %c0_i32_1 = arith.constant 0 : i32
    return %c0_i32, %arg0, %c0_i32_0 : i32, i32, i32
  }
  func.func @transform_1(%arg0: i32) -> (i32, i32) {
    %c0_i32 = arith.constant 0 : i32
    %c0_i32_0 = arith.constant 0 : i32
    return %arg0, %c0_i32 : i32, i32
  }
  func.func @transform_2(%arg0: i32) -> (i32, i32) {
    %c0_i32 = arith.constant 0 : i32
    %c0_i32_0 = arith.constant 0 : i32
    return %arg0, %c0_i32 : i32, i32
  }
  func.func @transform_3(%arg0: i32) -> (i32, i32) {
    %c0_i32 = arith.constant 0 : i32
    %c0_i32_0 = arith.constant 0 : i32
    %c0_i32_1 = arith.constant 0 : i32
    return %c0_i32, %c0_i32_0 : i32, i32
  }
  func.func @transform_4(%arg0: i32) -> (i32, i32) {
    %c0_i32 = arith.constant 0 : i32
    %c0_i32_0 = arith.constant 0 : i32
    return %arg0, %c0_i32 : i32, i32
  }
}

module attributes {stable_mosaic.version = 14 : i64} {
  func.func @_mm2_body(%arg0: i32, %arg1: memref<2x1000x112xf32, #tpu.memory_space<vmem>>, %arg2: memref<1000x112xf32, #tpu.memory_space<vmem>>, %arg3: memref<1000x1xf32, #tpu.memory_space<vmem>>, %arg4: memref<112x420xf32, #tpu.memory_space<vmem>>, %arg5: memref<1x420xf32, #tpu.memory_space<vmem>>, %arg6: memref<420x144xf32, #tpu.memory_space<vmem>>, %arg7: memref<1000x144xf32, #tpu.memory_space<vmem>>) attributes {dimension_semantics = [#tpu.dimension_semantics<arbitrary>], iteration_bounds = array<i64: 10>, scalar_prefetch = 0 : i64, scratch_operands = 0 : i64, tpu.core_type = #tpu.core_type<tc>, window_params = [{transform_indices = @transform_0, window_bounds = array<i64: 2, 1000, 112>}, {transform_indices = @transform_1, window_bounds = array<i64: 1000, 112>}, {transform_indices = @transform_2, window_bounds = array<i64: 1000, 1>}, {pipeline_mode = #tpu.pipeline_mode<synchronous>, transform_indices = @transform_3, window_bounds = array<i64: 112, 420>}, {pipeline_mode = #tpu.pipeline_mode<synchronous>, transform_indices = @transform_4, window_bounds = array<i64: 1, 420>}, {pipeline_mode = #tpu.pipeline_mode<synchronous>, transform_indices = @transform_5, window_bounds = array<i64: 420, 144>}, {transform_indices = @transform_6, window_bounds = array<i64: 1000, 144>}]} {
    %get3A = arith.constant 0 : index
    %get3A_0 = arith.constant 0 : index
    %get3A_1 = vector.load %arg3[%get3A, %get3A_0] : memref<1000x1xf32, #tpu.memory_space<vmem>>, vector<1000x1xf32>
    %get3A_2 = arith.constant 0 : index
    %get3A_3 = arith.constant 0 : index
    %get3A_4 = arith.constant 0 : index
    %get3A_5 = vector.load %arg1[%get3A_2, %get3A_3, %get3A_4] : memref<2x1000x112xf32, #tpu.memory_space<vmem>>, vector<1x1000x112xf32>
    %get3A_6 = vector.shape_cast %get3A_5 : vector<1x1000x112xf32> to vector<1000x112xf32>
    %get3A_7 = arith.constant 1 : index
    %get3A_8 = arith.constant 0 : index
    %get3A_9 = arith.constant 0 : index
    %get3A_10 = vector.load %arg1[%get3A_7, %get3A_8, %get3A_9] : memref<2x1000x112xf32, #tpu.memory_space<vmem>>, vector<1x1000x112xf32>
    %get3A_11 = vector.shape_cast %get3A_10 : vector<1x1000x112xf32> to vector<1000x112xf32>
    %add3A = arith.addf %get3A_6, %get3A_11 : vector<1000x112xf32>
    %get3A_12 = arith.constant 0 : index
    %get3A_13 = arith.constant 0 : index
    %get3A_14 = vector.load %arg2[%get3A_12, %get3A_13] : memref<1000x112xf32, #tpu.memory_space<vmem>>, vector<1000x112xf32>
    %add3A_15 = arith.addf %add3A, %get3A_14 : vector<1000x112xf32>
    %mul3A = vector.broadcast %get3A_1 : vector<1000x1xf32> to vector<1000x112xf32>
    %mul3A_16 = arith.mulf %add3A_15, %mul3A : vector<1000x112xf32>
    %get3A_17 = arith.constant 0 : index
    %get3A_18 = arith.constant 0 : index
    %get3A_19 = vector.load %arg4[%get3A_17, %get3A_18] : memref<112x420xf32, #tpu.memory_space<vmem>>, vector<112x420xf32>
    %dot_general3A = arith.constant dense<0.000000e+00> : vector<1000x420xf32>
    %dot_general3A_20 = tpu.matmul %mul3A_16, %get3A_19, %dot_general3A {dimension_numbers = #tpu.dot_dimension_numbers<[1], [0], [0], [1], [0, 0, 1, 1], [], []>, transpose_lhs_hint = false} : vector<1000x112xf32>, vector<112x420xf32>, vector<1000x420xf32> -> vector<1000x420xf32>
    %get3A_21 = arith.constant 0 : index
    %get3A_22 = arith.constant 0 : index
    %get3A_23 = vector.load %arg5[%get3A_21, %get3A_22] : memref<1x420xf32, #tpu.memory_space<vmem>>, vector<1x420xf32>
    %add3A_24 = vector.broadcast %get3A_23 : vector<1x420xf32> to vector<1000x420xf32>
    %add3A_25 = arith.addf %dot_general3A_20, %add3A_24 : vector<1000x420xf32>
    %max3A = arith.constant 0.000000e+00 : f32
    %max3A_26 = vector.broadcast %max3A : f32 to vector<1000x420xf32>
    %max3A_27 = arith.maximumf %add3A_25, %max3A_26 : vector<1000x420xf32>
    %get3A_28 = arith.constant 0 : index
    %get3A_29 = arith.constant 0 : index
    %get3A_30 = vector.load %arg6[%get3A_28, %get3A_29] : memref<420x144xf32, #tpu.memory_space<vmem>>, vector<420x144xf32>
    %dot_general3A_31 = arith.constant dense<0.000000e+00> : vector<1000x144xf32>
    %dot_general3A_32 = tpu.matmul %max3A_27, %get3A_30, %dot_general3A_31 {dimension_numbers = #tpu.dot_dimension_numbers<[1], [0], [0], [1], [0, 0, 1, 1], [], []>, transpose_lhs_hint = false} : vector<1000x420xf32>, vector<420x144xf32>, vector<1000x144xf32> -> vector<1000x144xf32>
    %mul3A_33 = vector.broadcast %get3A_1 : vector<1000x1xf32> to vector<1000x144xf32>
    %mul3A_34 = arith.mulf %dot_general3A_32, %mul3A_33 : vector<1000x144xf32>
    %swap3A = arith.constant 0 : index
    %swap3A_35 = arith.constant 0 : index
    %swap3A_36 = vector.load %arg7[%swap3A, %swap3A_35] : memref<1000x144xf32, #tpu.memory_space<vmem>>, vector<1000x144xf32>
    tpu.vector_store %arg7[%swap3A, %swap3A_35], %mul3A_34 {strides = array<i32>} : memref<1000x144xf32, #tpu.memory_space<vmem>>, vector<1000x144xf32>,
    return
  }
  func.func @transform_0(%arg0: i32) -> (i32, i32, i32) {
    %c0_i32 = arith.constant 0 : i32
    %c0_i32_0 = arith.constant 0 : i32
    %c0_i32_1 = arith.constant 0 : i32
    return %c0_i32, %arg0, %c0_i32_0 : i32, i32, i32
  }
  func.func @transform_1(%arg0: i32) -> (i32, i32) {
    %c0_i32 = arith.constant 0 : i32
    %c0_i32_0 = arith.constant 0 : i32
    return %arg0, %c0_i32 : i32, i32
  }
  func.func @transform_2(%arg0: i32) -> (i32, i32) {
    %c0_i32 = arith.constant 0 : i32
    %c0_i32_0 = arith.constant 0 : i32
    return %arg0, %c0_i32 : i32, i32
  }
  func.func @transform_3(%arg0: i32) -> (i32, i32) {
    %c0_i32 = arith.constant 0 : i32
    %c0_i32_0 = arith.constant 0 : i32
    %c0_i32_1 = arith.constant 0 : i32
    return %c0_i32, %c0_i32_0 : i32, i32
  }
  func.func @transform_4(%arg0: i32) -> (i32, i32) {
    %c0_i32 = arith.constant 0 : i32
    %c0_i32_0 = arith.constant 0 : i32
    %c0_i32_1 = arith.constant 0 : i32
    return %c0_i32, %c0_i32_0 : i32, i32
  }
  func.func @transform_5(%arg0: i32) -> (i32, i32) {
    %c0_i32 = arith.constant 0 : i32
    %c0_i32_0 = arith.constant 0 : i32
    %c0_i32_1 = arith.constant 0 : i32
    return %c0_i32, %c0_i32_0 : i32, i32
  }
  func.func @transform_6(%arg0: i32) -> (i32, i32) {
    %c0_i32 = arith.constant 0 : i32
    %c0_i32_0 = arith.constant 0 : i32
    return %arg0, %c0_i32 : i32, i32
  }
}

module attributes {stable_mosaic.version = 14 : i64} {
  func.func @_mm1_body(%arg0: i32, %arg1: memref<2x1000x144xf32, #tpu.memory_space<vmem>>, %arg2: memref<1000x144xf32, #tpu.memory_space<vmem>>, %arg3: memref<1000x1xf32, #tpu.memory_space<vmem>>, %arg4: memref<1x144xf32, #tpu.memory_space<vmem>>, %arg5: memref<144x144xf32, #tpu.memory_space<vmem>>, %arg6: memref<1000x144xf32, #tpu.memory_space<vmem>>) attributes {dimension_semantics = [#tpu.dimension_semantics<arbitrary>], iteration_bounds = array<i64: 10>, scalar_prefetch = 0 : i64, scratch_operands = 0 : i64, tpu.core_type = #tpu.core_type<tc>, window_params = [{transform_indices = @transform_0, window_bounds = array<i64: 2, 1000, 144>}, {transform_indices = @transform_1, window_bounds = array<i64: 1000, 144>}, {transform_indices = @transform_2, window_bounds = array<i64: 1000, 1>}, {pipeline_mode = #tpu.pipeline_mode<synchronous>, transform_indices = @transform_3, window_bounds = array<i64: 1, 144>}, {pipeline_mode = #tpu.pipeline_mode<synchronous>, transform_indices = @transform_4, window_bounds = array<i64: 144, 144>}, {transform_indices = @transform_5, window_bounds = array<i64: 1000, 144>}]} {
    %get3A = arith.constant 0 : index
    %get3A_0 = arith.constant 0 : index
    %get3A_1 = vector.load %arg3[%get3A, %get3A_0] : memref<1000x1xf32, #tpu.memory_space<vmem>>, vector<1000x1xf32>
    %get3A_2 = arith.constant 0 : index
    %get3A_3 = arith.constant 0 : index
    %get3A_4 = arith.constant 0 : index
    %get3A_5 = vector.load %arg1[%get3A_2, %get3A_3, %get3A_4] : memref<2x1000x144xf32, #tpu.memory_space<vmem>>, vector<1x1000x144xf32>
    %get3A_6 = vector.shape_cast %get3A_5 : vector<1x1000x144xf32> to vector<1000x144xf32>
    %get3A_7 = arith.constant 1 : index
    %get3A_8 = arith.constant 0 : index
    %get3A_9 = arith.constant 0 : index
    %get3A_10 = vector.load %arg1[%get3A_7, %get3A_8, %get3A_9] : memref<2x1000x144xf32, #tpu.memory_space<vmem>>, vector<1x1000x144xf32>
    %get3A_11 = vector.shape_cast %get3A_10 : vector<1x1000x144xf32> to vector<1000x144xf32>
    %add3A = arith.addf %get3A_6, %get3A_11 : vector<1000x144xf32>
    %get3A_12 = arith.constant 0 : index
    %get3A_13 = arith.constant 0 : index
    %get3A_14 = vector.load %arg2[%get3A_12, %get3A_13] : memref<1000x144xf32, #tpu.memory_space<vmem>>, vector<1000x144xf32>
    %add3A_15 = arith.addf %add3A, %get3A_14 : vector<1000x144xf32>
    %mul3A = vector.broadcast %get3A_1 : vector<1000x1xf32> to vector<1000x144xf32>
    %mul3A_16 = arith.mulf %add3A_15, %mul3A : vector<1000x144xf32>
    %get3A_17 = arith.constant 0 : index
    %get3A_18 = arith.constant 0 : index
    %get3A_19 = vector.load %arg4[%get3A_17, %get3A_18] : memref<1x144xf32, #tpu.memory_space<vmem>>, vector<1x144xf32>
    %add3A_20 = vector.broadcast %get3A_19 : vector<1x144xf32> to vector<1000x144xf32>
    %add3A_21 = arith.addf %mul3A_16, %add3A_20 : vector<1000x144xf32>
    %max3A = arith.constant 0.000000e+00 : f32
    %max3A_22 = vector.broadcast %max3A : f32 to vector<1000x144xf32>
    %max3A_23 = arith.maximumf %add3A_21, %max3A_22 : vector<1000x144xf32>
    %get3A_24 = arith.constant 0 : index
    %get3A_25 = arith.constant 0 : index
    %get3A_26 = vector.load %arg5[%get3A_24, %get3A_25] : memref<144x144xf32, #tpu.memory_space<vmem>>, vector<144x144xf32>
    %dot_general3A = arith.constant dense<0.000000e+00> : vector<1000x144xf32>
    %dot_general3A_27 = tpu.matmul %max3A_23, %get3A_26, %dot_general3A {dimension_numbers = #tpu.dot_dimension_numbers<[1], [0], [0], [1], [0, 0, 1, 1], [], []>, transpose_lhs_hint = false} : vector<1000x144xf32>, vector<144x144xf32>, vector<1000x144xf32> -> vector<1000x144xf32>
    %mul3A_28 = vector.broadcast %get3A_1 : vector<1000x1xf32> to vector<1000x144xf32>
    %mul3A_29 = arith.mulf %dot_general3A_27, %mul3A_28 : vector<1000x144xf32>
    %swap3A = arith.constant 0 : index
    %swap3A_30 = arith.constant 0 : index
    %swap3A_31 = vector.load %arg6[%swap3A, %swap3A_30] : memref<1000x144xf32, #tpu.memory_space<vmem>>, vector<1000x144xf32>
    tpu.vector_store %arg6[%swap3A, %swap3A_30], %mul3A_29 {strides = array<i32>} : memref<1000x144xf32, #tpu.memory_space<vmem>>, vector<1000x144xf32>,
    return
  }
  func.func @transform_0(%arg0: i32) -> (i32, i32, i32) {
    %c0_i32 = arith.constant 0 : i32
    %c0_i32_0 = arith.constant 0 : i32
    %c0_i32_1 = arith.constant 0 : i32
    return %c0_i32, %arg0, %c0_i32_0 : i32, i32, i32
  }
  func.func @transform_1(%arg0: i32) -> (i32, i32) {
    %c0_i32 = arith.constant 0 : i32
    %c0_i32_0 = arith.constant 0 : i32
    return %arg0, %c0_i32 : i32, i32
  }
  func.func @transform_2(%arg0: i32) -> (i32, i32) {
    %c0_i32 = arith.constant 0 : i32
    %c0_i32_0 = arith.constant 0 : i32
    return %arg0, %c0_i32 : i32, i32
  }
  func.func @transform_3(%arg0: i32) -> (i32, i32) {
    %c0_i32 = arith.constant 0 : i32
    %c0_i32_0 = arith.constant 0 : i32
    %c0_i32_1 = arith.constant 0 : i32
    return %c0_i32, %c0_i32_0 : i32, i32
  }
  func.func @transform_4(%arg0: i32) -> (i32, i32) {
    %c0_i32 = arith.constant 0 : i32
    %c0_i32_0 = arith.constant 0 : i32
    %c0_i32_1 = arith.constant 0 : i32
    return %c0_i32, %c0_i32_0 : i32, i32
  }
  func.func @transform_5(%arg0: i32) -> (i32, i32) {
    %c0_i32 = arith.constant 0 : i32
    %c0_i32_0 = arith.constant 0 : i32
    return %arg0, %c0_i32 : i32, i32
  }
}

module attributes {stable_mosaic.version = 14 : i64} {
  func.func @_final_body(%arg0: i32, %arg1: memref<2x1000x144xf32, #tpu.memory_space<vmem>>, %arg2: memref<1000x144xf32, #tpu.memory_space<vmem>>, %arg3: memref<1000x1xf32, #tpu.memory_space<vmem>>, %arg4: memref<1000x1xi32, #tpu.memory_space<vmem>>, %arg5: memref<1x144xf32, #tpu.memory_space<vmem>>, %arg6: memref<144x260xf32, #tpu.memory_space<vmem>>, %arg7: memref<1x260xf32, #tpu.memory_space<vmem>>, %arg8: memref<260x60xf32, #tpu.memory_space<vmem>>, %arg9: memref<1x60xf32, #tpu.memory_space<vmem>>, %arg10: memref<60x180xf32, #tpu.memory_space<vmem>>, %arg11: memref<1x180xf32, #tpu.memory_space<vmem>>, %arg12: memref<180x100xf32, #tpu.memory_space<vmem>>, %arg13: memref<1x100xf32, #tpu.memory_space<vmem>>, %arg14: memref<100x3xf32, #tpu.memory_space<vmem>>, %arg15: memref<1x3xf32, #tpu.memory_space<vmem>>, %arg16: memref<128x1xf32, #tpu.memory_space<vmem>>, %arg17: memref<128x1xf32, #tpu.memory_space<vmem>>, %arg18: memref<128x1xf32, #tpu.memory_space<vmem>>, %arg19: memref<128x1xf32, #tpu.memory_space<vmem>>, %arg20: memref<128x1xf32, #tpu.memory_space<vmem>>, %arg21: memref<128x144xf32, #tpu.memory_space<vmem>>) attributes {dimension_semantics = [#tpu.dimension_semantics<arbitrary>], iteration_bounds = array<i64: 10>, scalar_prefetch = 0 : i64, scratch_operands = 1 : i64, tpu.core_type = #tpu.core_type<tc>, window_params = [{transform_indices = @transform_0, window_bounds = array<i64: 2, 1000, 144>}, {transform_indices = @transform_1, window_bounds = array<i64: 1000, 144>}, {transform_indices = @transform_2, window_bounds = array<i64: 1000, 1>}, {transform_indices = @transform_3, window_bounds = array<i64: 1000, 1>}, {pipeline_mode = #tpu.pipeline_mode<synchronous>, transform_indices = @transform_4, window_bounds = array<i64: 1, 144>}, {pipeline_mode = #tpu.pipeline_mode<synchronous>, transform_indices = @transform_5, window_bounds = array<i64: 144, 260>}, {pipeline_mode = #tpu.pipeline_mode<synchronous>, transform_indices = @transform_6, window_bounds = array<i64: 1, 260>}, {pipeline_mode = #tpu.pipeline_mode<synchronous>, transform_indices = @transform_7, window_bounds = array<i64: 260, 60>}, {pipeline_mode = #tpu.pipeline_mode<synchronous>, transform_indices = @transform_8, window_bounds = array<i64: 1, 60>}, {pipeline_mode = #tpu.pipeline_mode<synchronous>, transform_indices = @transform_9, window_bounds = array<i64: 60, 180>}, {pipeline_mode = #tpu.pipeline_mode<synchronous>, transform_indices = @transform_10, window_bounds = array<i64: 1, 180>}, {pipeline_mode = #tpu.pipeline_mode<synchronous>, transform_indices = @transform_11, window_bounds = array<i64: 180, 100>}, {pipeline_mode = #tpu.pipeline_mode<synchronous>, transform_indices = @transform_12, window_bounds = array<i64: 1, 100>}, {pipeline_mode = #tpu.pipeline_mode<synchronous>, transform_indices = @transform_13, window_bounds = array<i64: 100, 3>}, {pipeline_mode = #tpu.pipeline_mode<synchronous>, transform_indices = @transform_14, window_bounds = array<i64: 1, 3>}, {pipeline_mode = #tpu.pipeline_mode<synchronous>, transform_indices = @transform_15, window_bounds = array<i64: 128, 1>}, {pipeline_mode = #tpu.pipeline_mode<synchronous>, transform_indices = @transform_16, window_bounds = array<i64: 128, 1>}, {pipeline_mode = #tpu.pipeline_mode<synchronous>, transform_indices = @transform_17, window_bounds = array<i64: 128, 1>}, {pipeline_mode = #tpu.pipeline_mode<synchronous>, transform_indices = @transform_18, window_bounds = array<i64: 128, 1>}, {pipeline_mode = #tpu.pipeline_mode<synchronous>, transform_indices = @transform_19, window_bounds = array<i64: 128, 1>}]} {
    %get3A = arith.constant 0 : index
    %get3A_0 = arith.constant 0 : index
    %get3A_1 = vector.load %arg3[%get3A, %get3A_0] : memref<1000x1xf32, #tpu.memory_space<vmem>>, vector<1000x1xf32>
    %get3A_2 = arith.constant 0 : index
    %get3A_3 = arith.constant 0 : index
    %get3A_4 = arith.constant 0 : index
    %get3A_5 = vector.load %arg1[%get3A_2, %get3A_3, %get3A_4] : memref<2x1000x144xf32, #tpu.memory_space<vmem>>, vector<1x1000x144xf32>
    %get3A_6 = vector.shape_cast %get3A_5 : vector<1x1000x144xf32> to vector<1000x144xf32>
    %get3A_7 = arith.constant 1 : index
    %get3A_8 = arith.constant 0 : index
    %get3A_9 = arith.constant 0 : index
    %get3A_10 = vector.load %arg1[%get3A_7, %get3A_8, %get3A_9] : memref<2x1000x144xf32, #tpu.memory_space<vmem>>, vector<1x1000x144xf32>
    %get3A_11 = vector.shape_cast %get3A_10 : vector<1x1000x144xf32> to vector<1000x144xf32>
    %add3A = arith.addf %get3A_6, %get3A_11 : vector<1000x144xf32>
    %get3A_12 = arith.constant 0 : index
    %get3A_13 = arith.constant 0 : index
    %get3A_14 = vector.load %arg2[%get3A_12, %get3A_13] : memref<1000x144xf32, #tpu.memory_space<vmem>>, vector<1000x144xf32>
    %add3A_15 = arith.addf %add3A, %get3A_14 : vector<1000x144xf32>
    %mul3A = vector.broadcast %get3A_1 : vector<1000x1xf32> to vector<1000x144xf32>
    %mul3A_16 = arith.mulf %add3A_15, %mul3A : vector<1000x144xf32>
    %get3A_17 = arith.constant 0 : index
    %get3A_18 = arith.constant 0 : index
    %get3A_19 = vector.load %arg5[%get3A_17, %get3A_18] : memref<1x144xf32, #tpu.memory_space<vmem>>, vector<1x144xf32>
    %add3A_20 = vector.broadcast %get3A_19 : vector<1x144xf32> to vector<1000x144xf32>
    %add3A_21 = arith.addf %mul3A_16, %add3A_20 : vector<1000x144xf32>
    %max3A = arith.constant 0.000000e+00 : f32
    %max3A_22 = vector.broadcast %max3A : f32 to vector<1000x144xf32>
    %max3A_23 = arith.maximumf %add3A_21, %max3A_22 : vector<1000x144xf32>
    %get3A_24 = arith.constant 0 : index
    %get3A_25 = arith.constant 0 : index
    %get3A_26 = vector.load %arg4[%get3A_24, %get3A_25] : memref<1000x1xi32, #tpu.memory_space<vmem>>, vector<1000x1xi32>
    %iota3A = tpu.iota {dimensions = array<i32: 1>} : vector<1000x128xi32>
    %eq3A = vector.broadcast %get3A_26 : vector<1000x1xi32> to vector<1000x128xi32>
    %eq3A_27 = arith.cmpi eq, %eq3A, %iota3A : vector<1000x128xi32>
    %convert_element_type3A = arith.extui %eq3A_27 : vector<1000x128xi1> to vector<1000x128xi32>
    %convert_element_type3A_28 = arith.sitofp %convert_element_type3A : vector<1000x128xi32> to vector<1000x128xf32>
    %dot_general3A = arith.constant dense<0.000000e+00> : vector<128x144xf32>
    %dot_general3A_29 = tpu.matmul %convert_element_type3A_28, %max3A_23, %dot_general3A {dimension_numbers = #tpu.dot_dimension_numbers<[0], [0], [1], [1], [0, 1, 1, 1], [], []>, transpose_lhs_hint = false} : vector<1000x128xf32>, vector<1000x144xf32>, vector<128x144xf32> -> vector<128x144xf32>
    %eq3A_30 = arith.constant 0 : i32
    %eq3A_31 = arith.cmpi eq, %arg0, %eq3A_30 : i32
    %convert_element_type3A_32 = arith.extui %eq3A_31 : i1 to i32
    %cond3A = arith.constant 0 : i32
    %cond3A_33 = arith.cmpi ne, %convert_element_type3A_32, %cond3A : i32
    scf.if %cond3A_33 {
      %swap3A = arith.constant 0 : index
      %swap3A_43 = arith.constant 0 : index
      %swap3A_44 = vector.load %arg21[%swap3A, %swap3A_43] : memref<128x144xf32, #tpu.memory_space<vmem>>, vector<128x144xf32>
      tpu.vector_store %arg21[%swap3A, %swap3A_43], %dot_general3A_29 {strides = array<i32>} : memref<128x144xf32, #tpu.memory_space<vmem>>, vector<128x144xf32>,
    } else {
    }
    %gt3A = arith.constant 0 : i32
    %gt3A_34 = arith.cmpi sgt, %arg0, %gt3A : i32
    %convert_element_type3A_35 = arith.extui %gt3A_34 : i1 to i32
    %cond3A_36 = arith.constant 0 : i32
    %cond3A_37 = arith.cmpi ne, %convert_element_type3A_35, %cond3A_36 : i32
    scf.if %cond3A_37 {
      %get3A_43 = arith.constant 0 : index
      %get3A_44 = arith.constant 0 : index
      %get3A_45 = vector.load %arg21[%get3A_43, %get3A_44] : memref<128x144xf32, #tpu.memory_space<vmem>>, vector<128x144xf32>
      %add3A_46 = arith.addf %get3A_45, %dot_general3A_29 : vector<128x144xf32>
      %swap3A = arith.constant 0 : index
      %swap3A_47 = arith.constant 0 : index
      %swap3A_48 = vector.load %arg21[%swap3A, %swap3A_47] : memref<128x144xf32, #tpu.memory_space<vmem>>, vector<128x144xf32>
      tpu.vector_store %arg21[%swap3A, %swap3A_47], %add3A_46 {strides = array<i32>} : memref<128x144xf32, #tpu.memory_space<vmem>>, vector<128x144xf32>,
    } else {
    }
    %eq3A_38 = arith.constant 9 : i32
    %eq3A_39 = arith.cmpi eq, %arg0, %eq3A_38 : i32
    %convert_element_type3A_40 = arith.extui %eq3A_39 : i1 to i32
    %cond3A_41 = arith.constant 0 : i32
    %cond3A_42 = arith.cmpi ne, %convert_element_type3A_40, %cond3A_41 : i32
    scf.if %cond3A_42 {
      %get3A_43 = arith.constant 0 : index
      %get3A_44 = arith.constant 0 : index
      %get3A_45 = vector.load %arg21[%get3A_43, %get3A_44] : memref<128x144xf32, #tpu.memory_space<vmem>>, vector<128x144xf32>
      %max3A_46 = arith.constant 0.000000e+00 : f32
      %max3A_47 = vector.broadcast %max3A_46 : f32 to vector<128x144xf32>
      %max3A_48 = arith.maximumf %get3A_45, %max3A_47 : vector<128x144xf32>
      %get3A_49 = arith.constant 0 : index
      %get3A_50 = arith.constant 0 : index
      %get3A_51 = vector.load %arg6[%get3A_49, %get3A_50] : memref<144x260xf32, #tpu.memory_space<vmem>>, vector<144x260xf32>
      %dot_general3A_52 = arith.constant dense<0.000000e+00> : vector<128x260xf32>
      %dot_general3A_53 = tpu.matmul %max3A_48, %get3A_51, %dot_general3A_52 {dimension_numbers = #tpu.dot_dimension_numbers<[1], [0], [0], [1], [0, 0, 1, 1], [], []>, transpose_lhs_hint = false} : vector<128x144xf32>, vector<144x260xf32>, vector<128x260xf32> -> vector<128x260xf32>
      %get3A_54 = arith.constant 0 : index
      %get3A_55 = arith.constant 0 : index
      %get3A_56 = vector.load %arg7[%get3A_54, %get3A_55] : memref<1x260xf32, #tpu.memory_space<vmem>>, vector<1x260xf32>
      %add3A_57 = vector.broadcast %get3A_56 : vector<1x260xf32> to vector<128x260xf32>
      %add3A_58 = arith.addf %dot_general3A_53, %add3A_57 : vector<128x260xf32>
      %max3A_59 = arith.constant 0.000000e+00 : f32
      %max3A_60 = vector.broadcast %max3A_59 : f32 to vector<128x260xf32>
      %max3A_61 = arith.maximumf %add3A_58, %max3A_60 : vector<128x260xf32>
      %get3A_62 = arith.constant 0 : index
      %get3A_63 = arith.constant 0 : index
      %get3A_64 = vector.load %arg8[%get3A_62, %get3A_63] : memref<260x60xf32, #tpu.memory_space<vmem>>, vector<260x60xf32>
      %dot_general3A_65 = arith.constant dense<0.000000e+00> : vector<128x60xf32>
      %dot_general3A_66 = tpu.matmul %max3A_61, %get3A_64, %dot_general3A_65 {dimension_numbers = #tpu.dot_dimension_numbers<[1], [0], [0], [1], [0, 0, 1, 1], [], []>, transpose_lhs_hint = false} : vector<128x260xf32>, vector<260x60xf32>, vector<128x60xf32> -> vector<128x60xf32>
      %get3A_67 = arith.constant 0 : index
      %get3A_68 = arith.constant 0 : index
      %get3A_69 = vector.load %arg9[%get3A_67, %get3A_68] : memref<1x60xf32, #tpu.memory_space<vmem>>, vector<1x60xf32>
      %add3A_70 = vector.broadcast %get3A_69 : vector<1x60xf32> to vector<128x60xf32>
      %add3A_71 = arith.addf %dot_general3A_66, %add3A_70 : vector<128x60xf32>
      %max3A_72 = arith.constant 0.000000e+00 : f32
      %max3A_73 = vector.broadcast %max3A_72 : f32 to vector<128x60xf32>
      %max3A_74 = arith.maximumf %add3A_71, %max3A_73 : vector<128x60xf32>
      %get3A_75 = arith.constant 0 : index
      %get3A_76 = arith.constant 0 : index
      %get3A_77 = vector.load %arg10[%get3A_75, %get3A_76] : memref<60x180xf32, #tpu.memory_space<vmem>>, vector<60x180xf32>
      %dot_general3A_78 = arith.constant dense<0.000000e+00> : vector<128x180xf32>
      %dot_general3A_79 = tpu.matmul %max3A_74, %get3A_77, %dot_general3A_78 {dimension_numbers = #tpu.dot_dimension_numbers<[1], [0], [0], [1], [0, 0, 1, 1], [], []>, transpose_lhs_hint = false} : vector<128x60xf32>, vector<60x180xf32>, vector<128x180xf32> -> vector<128x180xf32>
      %get3A_80 = arith.constant 0 : index
      %get3A_81 = arith.constant 0 : index
      %get3A_82 = vector.load %arg11[%get3A_80, %get3A_81] : memref<1x180xf32, #tpu.memory_space<vmem>>, vector<1x180xf32>
      %add3A_83 = vector.broadcast %get3A_82 : vector<1x180xf32> to vector<128x180xf32>
      %add3A_84 = arith.addf %dot_general3A_79, %add3A_83 : vector<128x180xf32>
      %max3A_85 = arith.constant 0.000000e+00 : f32
      %max3A_86 = vector.broadcast %max3A_85 : f32 to vector<128x180xf32>
      %max3A_87 = arith.maximumf %add3A_84, %max3A_86 : vector<128x180xf32>
      %get3A_88 = arith.constant 0 : index
      %get3A_89 = arith.constant 0 : index
      %get3A_90 = vector.load %arg12[%get3A_88, %get3A_89] : memref<180x100xf32, #tpu.memory_space<vmem>>, vector<180x100xf32>
      %dot_general3A_91 = arith.constant dense<0.000000e+00> : vector<128x100xf32>
      %dot_general3A_92 = tpu.matmul %max3A_87, %get3A_90, %dot_general3A_91 {dimension_numbers = #tpu.dot_dimension_numbers<[1], [0], [0], [1], [0, 0, 1, 1], [], []>, transpose_lhs_hint = false} : vector<128x180xf32>, vector<180x100xf32>, vector<128x100xf32> -> vector<128x100xf32>
      %get3A_93 = arith.constant 0 : index
      %get3A_94 = arith.constant 0 : index
      %get3A_95 = vector.load %arg13[%get3A_93, %get3A_94] : memref<1x100xf32, #tpu.memory_space<vmem>>, vector<1x100xf32>
      %add3A_96 = vector.broadcast %get3A_95 : vector<1x100xf32> to vector<128x100xf32>
      %add3A_97 = arith.addf %dot_general3A_92, %add3A_96 : vector<128x100xf32>
      %max3A_98 = arith.constant 0.000000e+00 : f32
      %max3A_99 = vector.broadcast %max3A_98 : f32 to vector<128x100xf32>
      %max3A_100 = arith.maximumf %add3A_97, %max3A_99 : vector<128x100xf32>
      %get3A_101 = arith.constant 0 : index
      %get3A_102 = arith.constant 0 : index
      %get3A_103 = vector.load %arg14[%get3A_101, %get3A_102] : memref<100x3xf32, #tpu.memory_space<vmem>>, vector<100x3xf32>
      %dot_general3A_104 = arith.constant dense<0.000000e+00> : vector<128x3xf32>
      %dot_general3A_105 = tpu.matmul %max3A_100, %get3A_103, %dot_general3A_104 {dimension_numbers = #tpu.dot_dimension_numbers<[1], [0], [0], [1], [0, 0, 1, 1], [], []>, transpose_lhs_hint = false} : vector<128x100xf32>, vector<100x3xf32>, vector<128x3xf32> -> vector<128x3xf32>
      %get3A_106 = arith.constant 0 : index
      %get3A_107 = arith.constant 0 : index
      %get3A_108 = vector.load %arg15[%get3A_106, %get3A_107] : memref<1x3xf32, #tpu.memory_space<vmem>>, vector<1x3xf32>
      %add3A_109 = vector.broadcast %get3A_108 : vector<1x3xf32> to vector<128x3xf32>
      %add3A_110 = arith.addf %dot_general3A_105, %add3A_109 : vector<128x3xf32>
      %slice3A = vector.extract_strided_slice %add3A_110 {offsets = [0, 0], sizes = [128, 1], strides = [1, 1]} : vector<128x3xf32> to vector<128x1xf32>
      %slice3A_111 = vector.extract_strided_slice %add3A_110 {offsets = [0, 1], sizes = [128, 1], strides = [1, 1]} : vector<128x3xf32> to vector<128x1xf32>
      %slice3A_112 = vector.extract_strided_slice %add3A_110 {offsets = [0, 2], sizes = [128, 1], strides = [1, 1]} : vector<128x3xf32> to vector<128x1xf32>
      %neg3A = arith.constant 0.000000e+00 : f32
      %neg3A_113 = vector.broadcast %neg3A : f32 to vector<128x1xf32>
      %neg3A_114 = arith.subf %neg3A_113, %slice3A : vector<128x1xf32>
      %exp3A = math.exp %neg3A_114 : vector<128x1xf32>
      %add3A_115 = arith.constant 1.000000e+00 : f32
      %add3A_116 = vector.broadcast %add3A_115 : f32 to vector<128x1xf32>
      %add3A_117 = arith.addf %add3A_116, %exp3A : vector<128x1xf32>
      %div3A = arith.constant 1.000000e+00 : f32
      %div3A_118 = vector.broadcast %div3A : f32 to vector<128x1xf32>
      %div3A_119 = arith.divf %div3A_118, %add3A_117 : vector<128x1xf32>
      %div3A_120 = arith.constant 1.000000e+01 : f32
      %div3A_121 = vector.broadcast %div3A_120 : f32 to vector<128x1xf32>
      %div3A_122 = arith.divf %div3A_119, %div3A_121 : vector<128x1xf32>
      %mul3A_123 = arith.constant 2.350000e+00 : f32
      %mul3A_124 = vector.broadcast %mul3A_123 : f32 to vector<128x1xf32>
      %mul3A_125 = arith.mulf %div3A_122, %mul3A_124 : vector<128x1xf32>
      %add3A_126 = arith.constant 1.000000e+00 : f32
      %add3A_127 = vector.broadcast %add3A_126 : f32 to vector<128x1xf32>
      %add3A_128 = arith.addf %add3A_127, %mul3A_125 : vector<128x1xf32>
      %mul3A_129 = arith.constant 2.000000e-01 : f32
      %mul3A_130 = vector.broadcast %mul3A_129 : f32 to vector<128x1xf32>
      %mul3A_131 = arith.mulf %mul3A_130, %add3A_128 : vector<128x1xf32>
      %get3A_132 = arith.constant 0 : index
      %get3A_133 = arith.constant 0 : index
      %get3A_134 = vector.load %arg16[%get3A_132, %get3A_133] : memref<128x1xf32, #tpu.memory_space<vmem>>, vector<128x1xf32>
      %add3A_135 = arith.constant 2.731500e+02 : f32
      %add3A_136 = vector.broadcast %add3A_135 : f32 to vector<128x1xf32>
      %add3A_137 = arith.addf %get3A_134, %add3A_136 : vector<128x1xf32>
      %mul3A_138 = arith.constant 62.3636703 : f32
      %mul3A_139 = vector.broadcast %mul3A_138 : f32 to vector<128x1xf32>
      %mul3A_140 = arith.mulf %mul3A_139, %add3A_137 : vector<128x1xf32>
      %div3A_141 = arith.divf %slice3A_111, %mul3A_140 : vector<128x1xf32>
      %div3A_142 = arith.divf %slice3A_112, %mul3A_140 : vector<128x1xf32>
      %neg3A_143 = arith.constant 0.000000e+00 : f32
      %neg3A_144 = vector.broadcast %neg3A_143 : f32 to vector<128x1xf32>
      %neg3A_145 = arith.subf %neg3A_144, %div3A_141 : vector<128x1xf32>
      %mul3A_146 = arith.mulf %neg3A_145, %mul3A_131 : vector<128x1xf32>
      %exp3A_147 = math.exp %mul3A_146 : vector<128x1xf32>
      %neg3A_148 = arith.constant 0.000000e+00 : f32
      %neg3A_149 = vector.broadcast %neg3A_148 : f32 to vector<128x1xf32>
      %neg3A_150 = arith.subf %neg3A_149, %div3A_142 : vector<128x1xf32>
      %mul3A_151 = arith.mulf %neg3A_150, %mul3A_131 : vector<128x1xf32>
      %exp3A_152 = math.exp %mul3A_151 : vector<128x1xf32>
      %get3A_153 = arith.constant 0 : index
      %get3A_154 = arith.constant 0 : index
      %get3A_155 = vector.load %arg17[%get3A_153, %get3A_154] : memref<128x1xf32, #tpu.memory_space<vmem>>, vector<128x1xf32>
      %get3A_156 = arith.constant 0 : index
      %get3A_157 = arith.constant 0 : index
      %get3A_158 = vector.load %arg18[%get3A_156, %get3A_157] : memref<128x1xf32, #tpu.memory_space<vmem>>, vector<128x1xf32>
      %mul3A_159 = arith.mulf %get3A_155, %exp3A_147 : vector<128x1xf32>
      %add3A_160 = arith.addf %get3A_158, %mul3A_159 : vector<128x1xf32>
      %mul3A_161 = arith.mulf %get3A_158, %exp3A_152 : vector<128x1xf32>
      %add3A_162 = arith.addf %get3A_155, %mul3A_161 : vector<128x1xf32>
      %div3A_163 = arith.divf %exp3A_147, %add3A_160 : vector<128x1xf32>
      %div3A_164 = arith.divf %exp3A_152, %add3A_162 : vector<128x1xf32>
      %mul3A_165 = arith.mulf %get3A_158, %get3A_158 : vector<128x1xf32>
      %mul3A_166 = arith.mulf %div3A_142, %div3A_164 : vector<128x1xf32>
      %mul3A_167 = arith.mulf %mul3A_166, %div3A_164 : vector<128x1xf32>
      %mul3A_168 = arith.mulf %div3A_141, %exp3A_147 : vector<128x1xf32>
      %mul3A_169 = arith.mulf %add3A_160, %add3A_160 : vector<128x1xf32>
      %div3A_170 = arith.divf %mul3A_168, %mul3A_169 : vector<128x1xf32>
      %add3A_171 = arith.addf %mul3A_167, %div3A_170 : vector<128x1xf32>
      %mul3A_172 = arith.mulf %mul3A_165, %add3A_171 : vector<128x1xf32>
      %swap3A = arith.constant 0 : index
      %swap3A_173 = arith.constant 0 : index
      %swap3A_174 = vector.load %arg19[%swap3A, %swap3A_173] : memref<128x1xf32, #tpu.memory_space<vmem>>, vector<128x1xf32>
      tpu.vector_store %arg19[%swap3A, %swap3A_173], %mul3A_172 {strides = array<i32>} : memref<128x1xf32, #tpu.memory_space<vmem>>, vector<128x1xf32>,
      %mul3A_175 = arith.mulf %get3A_155, %get3A_155 : vector<128x1xf32>
      %mul3A_176 = arith.mulf %div3A_141, %div3A_163 : vector<128x1xf32>
      %mul3A_177 = arith.mulf %mul3A_176, %div3A_163 : vector<128x1xf32>
      %mul3A_178 = arith.mulf %div3A_142, %exp3A_152 : vector<128x1xf32>
      %mul3A_179 = arith.mulf %add3A_162, %add3A_162 : vector<128x1xf32>
      %div3A_180 = arith.divf %mul3A_178, %mul3A_179 : vector<128x1xf32>
      %add3A_181 = arith.addf %mul3A_177, %div3A_180 : vector<128x1xf32>
      %mul3A_182 = arith.mulf %mul3A_175, %add3A_181 : vector<128x1xf32>
      %swap3A_183 = arith.constant 0 : index
      %swap3A_184 = arith.constant 0 : index
      %swap3A_185 = vector.load %arg20[%swap3A_183, %swap3A_184] : memref<128x1xf32, #tpu.memory_space<vmem>>, vector<128x1xf32>
      tpu.vector_store %arg20[%swap3A_183, %swap3A_184], %mul3A_182 {strides = array<i32>} : memref<128x1xf32, #tpu.memory_space<vmem>>, vector<128x1xf32>,
    } else {
    }
    return
  }
  func.func @transform_0(%arg0: i32) -> (i32, i32, i32) {
    %c0_i32 = arith.constant 0 : i32
    %c0_i32_0 = arith.constant 0 : i32
    %c0_i32_1 = arith.constant 0 : i32
    return %c0_i32, %arg0, %c0_i32_0 : i32, i32, i32
  }
  func.func @transform_1(%arg0: i32) -> (i32, i32) {
    %c0_i32 = arith.constant 0 : i32
    %c0_i32_0 = arith.constant 0 : i32
    return %arg0, %c0_i32 : i32, i32
  }
  func.func @transform_2(%arg0: i32) -> (i32, i32) {
    %c0_i32 = arith.constant 0 : i32
    %c0_i32_0 = arith.constant 0 : i32
    return %arg0, %c0_i32 : i32, i32
  }
  func.func @transform_3(%arg0: i32) -> (i32, i32) {
    %c0_i32 = arith.constant 0 : i32
    %c0_i32_0 = arith.constant 0 : i32
    return %arg0, %c0_i32 : i32, i32
  }
  func.func @transform_4(%arg0: i32) -> (i32, i32) {
    %c0_i32 = arith.constant 0 : i32
    %c0_i32_0 = arith.constant 0 : i32
    %c0_i32_1 = arith.constant 0 : i32
    return %c0_i32, %c0_i32_0 : i32, i32
  }
  func.func @transform_5(%arg0: i32) -> (i32, i32) {
    %c0_i32 = arith.constant 0 : i32
    %c0_i32_0 = arith.constant 0 : i32
    %c0_i32_1 = arith.constant 0 : i32
    return %c0_i32, %c0_i32_0 : i32, i32
  }
  func.func @transform_6(%arg0: i32) -> (i32, i32) {
    %c0_i32 = arith.constant 0 : i32
    %c0_i32_0 = arith.constant 0 : i32
    %c0_i32_1 = arith.constant 0 : i32
    return %c0_i32, %c0_i32_0 : i32, i32
  }
  func.func @transform_7(%arg0: i32) -> (i32, i32) {
    %c0_i32 = arith.constant 0 : i32
    %c0_i32_0 = arith.constant 0 : i32
    %c0_i32_1 = arith.constant 0 : i32
    return %c0_i32, %c0_i32_0 : i32, i32
  }
  func.func @transform_8(%arg0: i32) -> (i32, i32) {
    %c0_i32 = arith.constant 0 : i32
    %c0_i32_0 = arith.constant 0 : i32
    %c0_i32_1 = arith.constant 0 : i32
    return %c0_i32, %c0_i32_0 : i32, i32
  }
  func.func @transform_9(%arg0: i32) -> (i32, i32) {
    %c0_i32 = arith.constant 0 : i32
    %c0_i32_0 = arith.constant 0 : i32
    %c0_i32_1 = arith.constant 0 : i32
    return %c0_i32, %c0_i32_0 : i32, i32
  }
  func.func @transform_10(%arg0: i32) -> (i32, i32) {
    %c0_i32 = arith.constant 0 : i32
    %c0_i32_0 = arith.constant 0 : i32
    %c0_i32_1 = arith.constant 0 : i32
    return %c0_i32, %c0_i32_0 : i32, i32
  }
  func.func @transform_11(%arg0: i32) -> (i32, i32) {
    %c0_i32 = arith.constant 0 : i32
    %c0_i32_0 = arith.constant 0 : i32
    %c0_i32_1 = arith.constant 0 : i32
    return %c0_i32, %c0_i32_0 : i32, i32
  }
  func.func @transform_12(%arg0: i32) -> (i32, i32) {
    %c0_i32 = arith.constant 0 : i32
    %c0_i32_0 = arith.constant 0 : i32
    %c0_i32_1 = arith.constant 0 : i32
    return %c0_i32, %c0_i32_0 : i32, i32
  }
  func.func @transform_13(%arg0: i32) -> (i32, i32) {
    %c0_i32 = arith.constant 0 : i32
    %c0_i32_0 = arith.constant 0 : i32
    %c0_i32_1 = arith.constant 0 : i32
    return %c0_i32, %c0_i32_0 : i32, i32
  }
  func.func @transform_14(%arg0: i32) -> (i32, i32) {
    %c0_i32 = arith.constant 0 : i32
    %c0_i32_0 = arith.constant 0 : i32
    %c0_i32_1 = arith.constant 0 : i32
    return %c0_i32, %c0_i32_0 : i32, i32
  }
  func.func @transform_15(%arg0: i32) -> (i32, i32) {
    %c0_i32 = arith.constant 0 : i32
    %c0_i32_0 = arith.constant 0 : i32
    %c0_i32_1 = arith.constant 0 : i32
    return %c0_i32, %c0_i32_0 : i32, i32
  }
  func.func @transform_16(%arg0: i32) -> (i32, i32) {
    %c0_i32 = arith.constant 0 : i32
    %c0_i32_0 = arith.constant 0 : i32
    %c0_i32_1 = arith.constant 0 : i32
    return %c0_i32, %c0_i32_0 : i32, i32
  }
  func.func @transform_17(%arg0: i32) -> (i32, i32) {
    %c0_i32 = arith.constant 0 : i32
    %c0_i32_0 = arith.constant 0 : i32
    %c0_i32_1 = arith.constant 0 : i32
    return %c0_i32, %c0_i32_0 : i32, i32
  }
  func.func @transform_18(%arg0: i32) -> (i32, i32) {
    %c0_i32 = arith.constant 0 : i32
    %c0_i32_0 = arith.constant 0 : i32
    %c0_i32_1 = arith.constant 0 : i32
    return %c0_i32, %c0_i32_0 : i32, i32
  }
  func.func @transform_19(%arg0: i32) -> (i32, i32) {
    %c0_i32 = arith.constant 0 : i32
    %c0_i32_0 = arith.constant 0 : i32
    %c0_i32_1 = arith.constant 0 : i32
    return %c0_i32, %c0_i32_0 : i32, i32
  }
}

</mosaic_0001>

<sc_bundles>
// kernel: kernel.12.cloned.1.call-start
scs
__scs_entry_jumppad:
0x0: {  	(pc) =	sbr.rel $0x88, $3  }
0x1: {  	(tag) =	ssettag $0x0;
	lr =	simm.s32 $0x1  }
0x2: {  	[smem:$0x3F89] =	sst lr;
	_ =	strace $0xD0000000  }
0x3: {  	_ = 	snop  }
0x4: {  	_ = 	snop  }
0x5: {  	_ = 	snop  }
0x6: {  	_ = 	snop  }
0x7: {  	_ = 	snop  }
__scs_overlays_trampoline_lowered:
0x8: {  	[smem:$0x3F98] =	sst s0  }
0x9: {  	[smem:$0x3F99] =	sst s1  }
0xa: {  	[smem:$0x3F9A] =	sst s2  }
0xb: {  	[smem:$0x3F9B] =	sst s3  }
0xc: {  	[smem:$0x3F9C] =	sst s4  }
0xd: {  	[smem:$0x3F9D] =	sst s5  }
0xe: {  	[smem:$0x3F9E] =	sst s6  }
0xf: {  	[smem:$0x3F9F] =	sst s7  }
0x10: {  	[smem:$0x3FA0] =	sst s8  }
0x11: {  	[smem:$0x3FA1] =	sst s9;
	s0 =	simm.s32 @!p0 $0x0  }
0x12: {  	s1 =	sld [smem:$0x3F87];
	s0 =	simm.s32 @p0 $0x1  }
0x13: {  	[smem:$0x3FA2] =	sst s0;
	s0 =	simm.s32 @!p1 $0x0  }
0x14: {  	s2 =	sld [smem:$0x3F86];
	s0 =	simm.s32 @p1 $0x1  }
0x15: {  	[smem:$0x3FA3] =	sst s0;
	s0 =	simm.s32 @!p2 $0x0  }
0x16: {  	s3 =	sld [smem:$0x3FDB];
	s0 =	simm.s32 @p2 $0x1  }
0x17: {  	s4 =	simm.s32 $0x1BF5;
	[smem:$0x3FA5] =	sst s0  }
0x18: {  	s0 =	sld [smem:$0x3F88];
	_ =	swait.ge [sflag:s4], $0x0  }
0x19: {  	s7 =	sld [smem:$0x3F89]  }
0x1a: {  	s8 =	sadd.s32 $0xFFFFE003, lr  }
0x1b: {  	s9 =	sadd.s32 $0xFFFFFEF7, lr;
	s5 =	simm.s32 $0xFFFFFFFF;
	p2 =	slt.u32 s8, $0xFFFFF086  }
0x1c: {  	p1 =	slt.u32 s9, $0xF7A;
	s5 =	simm.s32 @!p2 $0x0  }
0x1d: {  	s5 =	simm.s32 @p1 $0x1;
	p0 =	seq.s32 s7, s2  }
0x1e: {  	s7 =	smul.u32 @!p0 $0xF7A, s2;
	p2 =	seq.s32 @!p0 s5, $0x0  }
0x1f: {  	s9 =	smul.u32 $0xF7A, s1;
	s8 =	simm.s32 @!p0 $0x1BF5;
	p2 =	por !p2, p0  }
0x20: {  	[sflag:s8] =	ssyncset.s32 @!p0 $0xFFFFF086;
	s6 =	sadd.s32 @!p0 s3, s7;
	s7 =	simm.s32 @!p0 $0x108  }
0x21: {  	s3 =	sadd.s32 s3, s9;
	s6 =	sadd.s32 @!p0 $0x88, s6;
	s7 =	simm.s32 @p2 $0x1082  }
0x22: {  	[simem:s7], [sflag:s8] =	dma.local @!p0 [hbm:s6], $0xF7A  }
0x23: {  	s9 =	sor.u32 $0xD0000000, s2;
	s6 =	simm.s32 $0x108;
	_ =	swait.ge @!p0 [sflag:s8], $0x0  }
0x24: {  	s3 =	sadd.s32 $0x88, s3;
	s6 =	simm.s32 @!p1 $0x1082;
	[sflag:s4] =	ssyncset.s32 $0xFFFFF086  }
0x25: {  	[simem:s6], [sflag:s4] =	dma.local [hbm:s3], $0xF7A  }
0x26: {  	[smem:$0x3F89] =	sst s1;
	(tag) =	ssettag s2;
	_ =	strace s9  }
0x27: {  	s1 =	sld [smem:$0x3F99]  }
0x28: {  	s2 =	sld [smem:$0x3F9A]  }
0x29: {  	s4 =	sld [smem:$0x3F9C]  }
0x2a: {  	p0 =	seq.s32 s5, $0x0;
	s5 =	sld [smem:$0x3F9D]  }
0x2b: {  	s6 =	sld [smem:$0x3F9E]  }
0x2c: {  	s7 =	sld [smem:$0x3F9F]  }
0x2d: {  	s3 =	simm.s32 $0x108;
	s8 =	sld [smem:$0x3FA0]  }
0x2e: {  	s3 =	simm.s32 @!p0 $0x1082;
	s9 =	sld [smem:$0x3FA1]  }
0x2f: {  	lr =	sadd.s32 s0, s3;
	s0 =	sld [smem:$0x3F98]  }
0x30: {  	s3 =	sld [smem:$0x3F9B]  }
0x31: {  	[smem:$0x3FA4] =	sst s10  }
0x32: {  	s10 =	sld [smem:$0x3FA2];
	_ =	sdelay $0x3  }
0x33: {  	p0 =	seq.s32 s10, $0x1;
	s10 =	sld [smem:$0x3FA4];
	_ =	sdelay $0x3  }
0x34: {  	[smem:$0x3FA4] =	sst s10  }
0x35: {  	s10 =	sld [smem:$0x3FA3];
	_ =	sdelay $0x3  }
0x36: {  	p1 =	seq.s32 s10, $0x1;
	s10 =	sld [smem:$0x3FA4];
	_ =	sdelay $0x3  }
0x37: {  	[smem:$0x3FA4] =	sst s10  }
0x38: {  	s10 =	sld [smem:$0x3FA5]  }
0x39: {  	_ = 	snop;
	(pc) =	sbr.ind lr, $3  }
0x3a: {  	_ = 	snop  }
0x3b: {  	_ = 	snop  }
0x3c: {  	p2 =	seq.s32 s10, $0x1;
	s10 =	sld [smem:$0x3FA4]  }
0x3d: {  	_ =	shalt  }
0x3e: {  	_ =	shalt  }
0x3f: {  	_ =	shalt  }
0x40: {  	_ =	shalt  }
0x41: {  	_ =	shalt  }
0x42: {  	_ =	shalt  }
0x43: {  	_ =	shalt  }
0x44: {  	_ =	shalt  }
0x45: {  	_ =	shalt  }
0x46: {  	_ =	shalt  }
0x47: {  	_ =	shalt  }
0x48: {  	_ =	shalt  }
0x49: {  	_ =	shalt  }
0x4a: {  	_ =	shalt  }
0x4b: {  	_ =	shalt  }
0x4c: {  	_ =	shalt  }
0x4d: {  	_ =	shalt  }
0x4e: {  	_ =	shalt  }
0x4f: {  	_ =	shalt  }
0x50: {  	_ =	shalt  }
0x51: {  	_ =	shalt  }
0x52: {  	_ =	shalt  }
0x53: {  	_ =	shalt  }
0x54: {  	_ =	shalt  }
0x55: {  	_ =	shalt  }
0x56: {  	_ =	shalt  }
0x57: {  	_ =	shalt  }
0x58: {  	_ =	shalt  }
0x59: {  	_ =	shalt  }
0x5a: {  	_ =	shalt  }
0x5b: {  	_ =	shalt  }
0x5c: {  	_ =	shalt  }
0x5d: {  	_ =	shalt  }
0x5e: {  	_ =	shalt  }
0x5f: {  	_ =	shalt  }
0x60: {  	_ =	shalt  }
0x61: {  	_ =	shalt  }
0x62: {  	_ =	shalt  }
0x63: {  	_ =	shalt  }
0x64: {  	_ =	shalt  }
0x65: {  	_ =	shalt  }
0x66: {  	_ =	shalt  }
0x67: {  	_ =	shalt  }
0x68: {  	_ =	shalt  }
0x69: {  	_ =	shalt  }
0x6a: {  	_ =	shalt  }
0x6b: {  	_ =	shalt  }
0x6c: {  	_ =	shalt  }
0x6d: {  	_ =	shalt  }
0x6e: {  	_ =	shalt  }
0x6f: {  	_ =	shalt  }
0x70: {  	_ =	shalt  }
0x71: {  	_ =	shalt  }
0x72: {  	_ =	shalt  }
0x73: {  	_ =	shalt  }
0x74: {  	_ =	shalt  }
0x75: {  	_ =	shalt  }
0x76: {  	_ =	shalt  }
0x77: {  	_ =	shalt  }
0x78: {  	_ =	shalt  }
0x79: {  	_ =	shalt  }
0x7a: {  	_ =	shalt  }
0x7b: {  	_ =	shalt  }
0x7c: {  	_ =	shalt  }
0x7d: {  	_ =	shalt  }
0x7e: {  	_ =	shalt  }
0x7f: {  	_ =	shalt  }
0x80: {  	_ =	shalt  }
0x81: {  	_ =	shalt  }
0x82: {  	_ =	shalt  }
0x83: {  	_ =	shalt  }
0x84: {  	_ =	shalt  }
0x85: {  	_ =	shalt  }
0x86: {  	_ =	shalt  }
0x87: {  	_ =	shalt  }
.Lfunc_end0:
.L_simem_size_0:
called_computation_lowered:
.L_overlay_start_0:
0x88: {  	s2 =	sld [smem:$0x3FD9]  }
0x89: {  	s3 =	sld [smem:$0x3FFE];
	_ =	sdelay $0x1  }
0x8a: {  	s1 =	srdreg.scid  }
0x8b: {  	s0 =	sand.u32 $0x1, s1  }
0x8c: {  	s16 =	sshll.u32 s0, $0xA;
	s2 =	sadd.s32 s3, s2  }
0x8d: {  	s2 =	sadd.s32 s2, s16  }
0x8e: {  	[smem:$0x3FB0] =	sst s2  }
0x8f: {  	_ = 	snop  }
0x90: {  	(tm) =	ssettm $0x1  }
0x91: {  	s17 =	sld [smem:$0x3FFB];
	_ =	sdelay $0x3  }
0x92: {  	_ =	strace s17  }
0x93: {  	s2 =	sld [smem:$0x3FFC];
	_ =	sdelay $0x3  }
0x94: {  	_ =	strace s2  }
0x95: {  	s2 =	sld [smem:$0x3FFD];
	_ =	sdelay $0x3  }
0x96: {  	_ =	strace s2  }
0x97: {  	_ =	strace $0x8FFFFFFF  }
0x98: {  	s18 =	sld [smem:$0x3FDB];
	_ =	sdelay $0x1  }
0x99: {  	s19 =	simm.s32 $_scs_section_size  }
0x9a: {  	s4 =	simm.s32 $_size__tile_overlayer_lowered;
	s5 =	simm.s32 $_tile_overlayer_lowered  }
0x9b: {  	s22 =	simm.s32 $0x1BFF;
	s21 =	sshll.u32 s5, $0x1;
	s2 =	sadd.s32 s19, s18  }
0x9c: {  	s6 =	simm.s32 $0x0;
	s20 =	sshll.u32 s4, $0x1;
	s4 =	sadd.s32 s21, s2  }
0x9d: {  	[timem:s6], [sflag:s22] =	dma.local [hbm:s4], s20  }
0x9e: {  	_ =	swait.ge [sflag:s22], s20  }
0x9f: {  	s3 =	ssub.s32 $0x0, s20;
	[sflag:s22] =	ssyncset.done $0x0  }
0xa0: {  	[sflag:s22] =	ssyncadd.s32 s3;
	_ =	sdelay $0x1  }
0xa1: {  	s23 =	simm.s32 $0x1B8B  }
0xa2: {  	_ =	swait.ge [sflag:s23], $0x1  }
0xa3: {  	[sflag:s23] =	ssyncset.done $0x0  }
0xa4: {  	s25 =	simm.s32 $0x1B8E;
	s24 =	sld [smem:$0x3FFE];
	[sflag:s23] =	ssyncadd.s32 $0xFFFFFFFF  }
0xa5: {  	s26 =	simm.s32 $execute0_lowered;
	[smem:$0x3FD2] =	sst s25  }
0xa6: {  	s4 =	sshll.u32 s26, $0x1;
	_ =	strace $0x80000046;
	[dreg:$0x1] =	wrdreg $0xFFFFFFFF  }
0xa7: {  	s28 =	simm.s32 $_size_execute0_lowered;
	s2 =	sadd.s32 s2, s4;
	[dreg:$0x0] =	wrdreg $0x0  }
0xa8: {  	s4 =	sshll.u32 s28, $0x1;
	[dreg:$0x2] =	wrdreg s2  }
0xa9: {  	[dreg:$0x3] =	wrdreg s4  }
0xaa: {  	[dreg:$0x4] =	wrdreg $0xC0  }
0xab: {  	_ =	task [dreg:s6], $0x5FFFF  }
0xac: {  	[dreg:$0x1] =	wrdreg $0xFFFFFFFF  }
0xad: {  	[dreg:$0x0] =	wrdreg $0x60  }
0xae: {  	[dreg:$0x2] =	wrdreg s24  }
0xaf: {  	[dreg:$0x3] =	wrdreg $0xA200  }
0xb0: {  	[dreg:$0x4] =	wrdreg $0x9  }
0xb1: {  	_ =	task.clear_ibuf [dreg:s6], $0x5FFFF;
	_ =	strace $0x90000046  }
0xb2: {  	s29 =	simm.s32 $0x9;
	_ =	strace $0x80000048  }
0xb3: {  	_ =	swait.ge [sflag:s29], $0x1  }
0xb4: {  	[sflag:s29] =	ssyncadd.s32 $0xFFFFFFFF  }
0xb5: {  	_ =	strace $0x90000048  }
0xb6: {  	_ =	sfence  }
0xb7: {  	s30 =	sld [smem:$0x0];
	_ =	sdelay $0x2  }
0xb8: {  	s31 =	sshll.u32 s1, $0xD;
	s1 =	sshrl.u32 s1, $0x2  }
0xb9: {  	s3 =	sand.u32 $0x4000, s31;
	s1 =	sadd.s32 s1, s30  }
0xba: {  	s0 =	sor.u32 s3, s0;
	s1 =	sshll.u32 s1, $0x11  }
0xbb: {  	s0 =	sor.u32 s1, s0  }
0xbc: {  	s0 =	sadd.s32 $0x8F2B, s0  }
0xbd: {  	[sflag:s0] =	ssyncadd.remote.s32 $0x1  }
0xbe: {  	_ =	sfence.sel $0xFFFF  }
0xbf: {  	[dreg:$0x0] =	wrdreg $0xFFFFFFFF;
	(pc) =	sbr.abs _section_cstart, $3  }
0xc0: {  	[dreg:$0x1] =	wrdreg $0xFFFFFFFF  }
0xc1: {  	_ =	task.clear_ibuf [dreg:s6], $0x2FFFF;
	_ =	strace $0x9FFFFFFF  }
0xc2: {  	(tm) =	ssettm $0x7FFFFFFF  }
0xc3: {  	_ =	shalt  }
tec
execute0_lowered:
.L_overlay_start_1:
0x0: {  	(tag) =	ssettag $0x1  }
0x1: {  	s1 =	srdreg.scid;
	s5 =	rddreg [dreg:$0x0]  }
0x2: {  	s0 =	simm.s32 $0x0;
	s25 =	stileid.u32;
	s6 =	sand.u32 $0x1, s1  }
0x3: {  	[smem:$0x7FF] =	sst s0;
	s13 =	sor.u32 $0x20, s25;
	s9 =	smul.u32 $0x27100, s6  }
0x4: {  	s19 =	sshll.u32 s25, $0x1;
	s16 =	sor.u32 $0x40, s25;
	s3 =	smul.u32 $0x500, s13  }
0x5: {  	s1 =	ssub.s32 $0x2, s6;
	s11 =	sor.u32 s6, s19;
	s19 =	smul.u32 $0x500, s16  }
0x6: {  	s7 =	sadd.s32 $0x18C00, s5;
	s6 =	smul.u32 $0x4E20, s6;
	s2 =	sshrl.u32 s1, $0x1  }
0x7: {  	s12 =	sor.u32 $0x10, s25;
	s8 =	ssub.s32 s1, s2;
	s1 =	smul.u32 $0x500, s25  }
0x8: {  	s15 =	sor.u32 $0x30, s25;
	s17 =	sor.u32 $0x50, s25;
	s2 =	smul.u32 $0x500, s12  }
0x9: {  	s18 =	sor.u32 $0x60, s25;
	s16 =	smul.u32 $0x1400, s16;
	s20 =	sadd.s32 s9, s3  }
0xa: {  	s23 =	sadd.s32 s9, s19;
	s4 =	sadd.s32 s9, s1;
	s10 =	sadd.s32 s9, s2  }
0xb: {  	s8 =	smax.u32 s8, $0x1;
	s14 =	sshrl.u32 s4, $0x3;
	s10 =	sshrl.u32 s10, $0x3  }
0xc: {  	s4 =	smul.u32 $0x500, s15;
	s14 =	sadd.s32 s7, s14;
	s10 =	sadd.s32 s7, s10  }
0xd: {  	[dreg:$0x4] =	wrdreg s10;
	s10 =	sshrl.u32 s20, $0x3;
	s20 =	smul.u32 $0x500, s17  }
0xe: {  	[dreg:$0x3] =	wrdreg s14;
	s21 =	sadd.s32 s9, s4;
	s17 =	smul.u32 $0x1400, s17  }
0xf: {  	s10 =	sadd.s32 s7, s10;
	s22 =	sshrl.u32 s21, $0x3;
	s21 =	smul.u32 $0x500, s18  }
0x10: {  	s18 =	smul.u32 $0x1400, s18;
	[dreg:$0x5] =	wrdreg s10;
	s10 =	sadd.s32 s7, s22  }
0x11: {  	s22 =	sor.u32 $0x70, s25;
	s24 =	sadd.s32 s9, s20;
	[dreg:$0x6] =	wrdreg s10  }
0x12: {  	s10 =	sshrl.u32 s23, $0x3;
	s14 =	sshrl.u32 s24, $0x3;
	s23 =	sadd.s32 s9, s21  }
0x13: {  	s24 =	smul.u32 $0x500, s22;
	s10 =	sadd.s32 s7, s10;
	s26 =	sadd.s32 s7, s14  }
0x14: {  	s14 =	sshrl.u32 s23, $0x3;
	s23 =	smul.u32 $0x9C40, s25;
	[dreg:$0x7] =	wrdreg s10  }
0x15: {  	p0 =	sgt.u32 s22, $0x7C;
	[dreg:$0x8] =	wrdreg s26;
	s26 =	smul.u32 $0x4E20, s11  }
0x16: {  	s10 =	sadd.s32 s7, s14;
	s9 =	sadd.s32 s9, s24;
	s11 =	smul.u32 $0x1400, s13  }
0x17: {  	s14 =	sadd.s32 $0x18A00, s5;
	s13 =	smul.u32 $0x1400, s15;
	[dreg:$0x9] =	wrdreg s10  }
0x18: {  	s9 =	sshrl.u32 s9, $0x3;
	s10 =	rddreg [dreg:$0x1];
	s6 =	sadd.s32 s6, s23  }
0x19: {  	s7 =	sadd.s32 s7, s9;
	s9 =	smul.u32 $0x1400, s12;
	s12 =	sadd.s32 $0x4E00, s5  }
0x1a: {  	s23 =	sshrl.u32 s26, $0x3;
	s26 =	smul.u32 $0x1400, s25;
	s11 =	sshrl.u32 s11, $0x2  }
0x1b: {  	s25 =	smul.u32 $0x1400, s22;
	s1 =	sadd.s32 s1, s10;
	s2 =	sadd.s32 s2, s10  }
0x1c: {  	s3 =	sadd.s32 s3, s10;
	s4 =	sadd.s32 s4, s10;
	s19 =	sadd.s32 s19, s10  }
0x1d: {  	s20 =	sadd.s32 s20, s10;
	s21 =	sadd.s32 s21, s10;
	s22 =	sadd.s32 s24, s10  }
0x1e: {  	[dreg:$0xa] =	wrdreg s7;
	s23 =	sadd.s32 s12, s23;
	s11 =	sadd.s32 s11, s10  }
0x1f: {  	s1 =	sshrl.u32 s1, $0x3;
	s29 =	sshrl.u32 s2, $0x3;
	s30 =	sshrl.u32 s3, $0x3  }
0x20: {  	s31 =	sshrl.u32 s4, $0x3;
	s2 =	sshrl.u32 s21, $0x3;
	s3 =	sshrl.u32 @!p0 s22, $0x3  }
0x21: {  	s21 =	simm.s32 $0x0;
	_ =	strace $0x80000047;
	[dreg:$0xb] =	wrdreg s14  }
0x22: {  	s14 =	sadd.s32 $0x18800, s5;
	[dreg:$0xc] =	wrdreg s8;
	s7 =	sshrl.u32 s26, $0x2  }
0x23: {  	s15 =	sshrl.u32 s9, $0x2;
	s5 =	sshrl.u32 s13, $0x2;
	s9 =	sshrl.u32 s16, $0x2  }
0x24: {  	s13 =	sshrl.u32 s17, $0x2;
	s16 =	sshrl.u32 s25, $0x2;
	s26 =	sadd.s32 $0x180, s6  }
0x25: {  	s11 =	sshrl.u32 s11, $0x3;
	[dreg:$0x15] =	wrdreg s1;
	s1 =	sshrl.u32 s20, $0x3  }
0x26: {  	s4 =	sadd.s32 $0x10, s23;
	s28 =	smov.u32 s23;
	s20 =	simm.s32 $0x10  }
0x27: {  	s7 =	sadd.s32 s7, s10;
	s8 =	sadd.s32 s15, s10;
	s5 =	sadd.s32 s5, s10  }
0x28: {  	s9 =	sadd.s32 s9, s10;
	s15 =	sshrl.u32 s18, $0x2;
	s13 =	sadd.s32 s13, s10  }
0x29: {  	s16 =	sadd.s32 s16, s10;
	s17 =	sshrl.u32 s26, $0x3;
	s18 =	sadd.s32 $0x100, s6  }
0x2a: {  	[dreg:$0xf] =	wrdreg s11;
	s6 =	simm.s32 $0x80;
	s7 =	sshrl.u32 s7, $0x3  }
0x2b: {  	s11 =	simm.s32 $0x220;
	s8 =	sshrl.u32 s8, $0x3;
	[dreg:$0xd] =	wrdreg s7  }
0x2c: {  	s15 =	sadd.s32 s15, s10;
	s5 =	sshrl.u32 s5, $0x3;
	[dreg:$0xe] =	wrdreg s8  }
0x2d: {  	s17 =	sadd.s32 s17, s12;
	s24 =	sshrl.u32 s9, $0x3;
	[dreg:$0x10] =	wrdreg s5  }
0x2e: {  	s25 =	sshrl.u32 s13, $0x3;
	s9 =	sshrl.u32 s19, $0x3;
	[dreg:$0x11] =	wrdreg s24  }
0x2f: {  	s13 =	simm.s32 $0x3;
	s19 =	simm.s32 $0x180;
	[dreg:$0x12] =	wrdreg s25  }
0x30: {  	s26 =	sshrl.u32 s15, $0x3;
	s5 =	sshrl.u32 @!p0 s16, $0x3;
	s7 =	simm.s32 $0x2710  }
0x31: {  	s8 =	simm.s32 $0x100;
	s16 =	simm.s32 $0x1;
	[dreg:$0x13] =	wrdreg s26  }
0x32: {  	s15 =	simm.s32 $0x2;
	[dreg:$0x14] =	wrdreg s5;
	s5 =	sadd.s32 $0x4E0, s23  }
.LBB2_1:
0x33: {  	[tilespmem:s0], [sflag:$0x1] =	stream.strided.gather [hbm4b:s28+s6], $0x100, s7, s6, $0x38;
	[tilespmem:$0x3130] =	vst v63  }
0x34: {  	_ = 	snop  }
0x35: {  	[tilespmem:s8], [sflag:$0x2] =	stream.strided.gather [hbm4b:s4+s6], $0x100, s7, s6, $0x38;
	[tilespmem:$0x3130] =	vst v63  }
0x36: {  	s22 =	rddreg [dreg:$0xb]  }
0x37: {  	[tilespmem:s11], [sflag:$0x3] =	stream.linear.gather [hbm4b:s22+s0], $0x800, $0x38;
	[tilespmem:$0x3130] =	vst v63  }
0x38: {  	s25 =	stileid.u32;
	_ =	swait.ge [sflag:s13], $0x800  }
0x39: {  	s22 =	sshll.u32 s25, $0x6;
	[sflag:s13] =	ssyncset.done $0x0  }
0x3a: {  	s22 =	sor.u32 $0x1C03, s22;
	s23 =	rddreg [dreg:$0xd];
	[sflag:s13] =	ssyncadd.s32 $0xFFFFF800  }
0x3b: {  	[spmem:s23], [sflag:s22] =	dma.local [hbm:s14], $0xA0  }
0x3c: {  	_ =	swait.ge [sflag:s13], $0xA0  }
0x3d: {  	[sflag:s13] =	ssyncset.done $0x0  }
0x3e: {  	s26 =	rddreg [dreg:$0xe];
	[sflag:s13] =	ssyncadd.s32 $0xFFFFFF60  }
0x3f: {  	[spmem:s26], [sflag:s22] =	dma.local [hbm:s14], $0xA0  }
0x40: {  	_ =	swait.ge [sflag:s13], $0xA0  }
0x41: {  	[sflag:s13] =	ssyncset.done $0x0  }
0x42: {  	s24 =	rddreg [dreg:$0xf];
	[sflag:s13] =	ssyncadd.s32 $0xFFFFFF60  }
0x43: {  	[spmem:s24], [sflag:s22] =	dma.local [hbm:s14], $0xA0  }
0x44: {  	_ =	swait.ge [sflag:s13], $0xA0  }
0x45: {  	[sflag:s13] =	ssyncset.done $0x0  }
0x46: {  	s25 =	rddreg [dreg:$0x10];
	[sflag:s13] =	ssyncadd.s32 $0xFFFFFF60  }
0x47: {  	[spmem:s25], [sflag:s22] =	dma.local [hbm:s14], $0xA0  }
0x48: {  	_ =	swait.ge [sflag:s13], $0xA0  }
0x49: {  	[sflag:s13] =	ssyncset.done $0x0  }
0x4a: {  	s26 =	rddreg [dreg:$0x11];
	[sflag:s13] =	ssyncadd.s32 $0xFFFFFF60  }
0x4b: {  	[spmem:s26], [sflag:s22] =	dma.local [hbm:s14], $0xA0  }
0x4c: {  	_ =	swait.ge [sflag:s13], $0xA0  }
0x4d: {  	[sflag:s13] =	ssyncset.done $0x0  }
0x4e: {  	s24 =	rddreg [dreg:$0x12];
	[sflag:s13] =	ssyncadd.s32 $0xFFFFFF60  }
0x4f: {  	[spmem:s24], [sflag:s22] =	dma.local [hbm:s14], $0xA0  }
0x50: {  	_ =	swait.ge [sflag:s13], $0xA0  }
0x51: {  	[sflag:s13] =	ssyncset.done $0x0  }
0x52: {  	s25 =	rddreg [dreg:$0x13];
	[sflag:s13] =	ssyncadd.s32 $0xFFFFFF60  }
0x53: {  	[spmem:s25], [sflag:s22] =	dma.local [hbm:s14], $0xA0  }
0x54: {  	_ =	swait.ge [sflag:s13], $0xA0  }
0x55: {  	[sflag:s13] =	ssyncset.done $0x0  }
0x56: {  	s23 =	rddreg [dreg:$0x14];
	[sflag:s13] =	ssyncadd.s32 $0xFFFFFF60  }
0x57: {  	[spmem:s23], [sflag:s22] =	dma.local @!p0 [hbm:s14], $0xA0  }
0x58: {  	s23 =	simm.s32 @!p0 $0x3  }
0x59: {  	_ =	swait.ge @!p0 [sflag:s23], $0xA0  }
0x5a: {  	[sflag:s23] =	ssyncset.done @!p0 $0x0  }
0x5b: {  	[sflag:s23] =	ssyncadd.s32 @!p0 $0xFFFFFF60  }
0x5c: {  	[bflag:$0x0] =	sbarrier.arrive $0xFFFF  }
0x5d: {  	_ =	swait.ge [sflag:s16], $0x100  }
0x5e: {  	[sflag:s16] =	ssyncset.done $0x0  }
0x5f: {  	[sflag:s16] =	ssyncadd.s32 $0xFFFFFF00  }
0x60: {  	[spmem:s10] =	stream.indirect.scatter.add.f32 [tilespmem:s11], [sflag:$0x3], $0x10, s6, s6, $0xb8;
	[tilespmem:$0x3130] =	vst v63  }
0x61: {  	_ =	swait.ge [sflag:s13], $0x800  }
0x62: {  	s26 =	sshrl.u32 s18, $0x3;
	[sflag:s13] =	ssyncset.done $0x0  }
0x63: {  	s23 =	sadd.s32 s12, s26;
	[sflag:s13] =	ssyncadd.s32 $0xFFFFF800  }
0x64: {  	[tilespmem:s0], [sflag:$0x1] =	stream.strided.gather [hbm4b:s23+s6], $0x100, s7, s6, $0x38;
	[tilespmem:$0x3130] =	vst v63  }
0x65: {  	_ =	swait.ge [sflag:s15], $0x100  }
0x66: {  	[sflag:s15] =	ssyncset.done $0x0  }
0x67: {  	[sflag:s15] =	ssyncadd.s32 $0xFFFFFF00  }
0x68: {  	[spmem:s10] =	stream.indirect.scatter.add.f32 [tilespmem:s11], [sflag:$0x3], $0x10, s19, s6, $0xb8;
	[tilespmem:$0x3130] =	vst v63  }
0x69: {  	_ =	swait.ge [sflag:s13], $0x800  }
0x6a: {  	s24 =	sadd.s32 $0x100, s18;
	[sflag:s13] =	ssyncset.done $0x0  }
0x6b: {  	s25 =	sadd.s32 $0x0, s17;
	s23 =	simm.s32 $0x20;
	[sflag:s13] =	ssyncadd.s32 $0xFFFFF800  }
.LBB2_2:
0x6c: {  	[tilespmem:s8], [sflag:$0x2] =	stream.strided.gather [hbm4b:s25+s6], $0x100, s7, s6, $0x38;
	[tilespmem:$0x3130] =	vst v63  }
0x6d: {  	s25 =	smov.u32 s23  }
0x6e: {  	p1 =	sne.s32 s23, $0x4A0;
	s23 =	sadd.s32 $0x20, s23;
	_ =	swait.ge [sflag:s16], $0x100  }
0x6f: {  	[sflag:s16] =	ssyncset.done $0x0  }
0x70: {  	[sflag:s16] =	ssyncadd.s32 $0xFFFFFF00  }
0x71: {  	[spmem:s10] =	stream.indirect.scatter.add.f32 [tilespmem:s11], [sflag:$0x3], $0x10, s6, s6, $0xb8;
	[tilespmem:$0x3130] =	vst v63  }
0x72: {  	_ =	swait.ge [sflag:s13], $0x800  }
0x73: {  	s26 =	sshrl.u32 s24, $0x3;
	[sflag:s13] =	ssyncset.done $0x0  }
0x74: {  	s26 =	sadd.s32 s12, s26;
	[sflag:s13] =	ssyncadd.s32 $0xFFFFF800  }
0x75: {  	[tilespmem:s0], [sflag:$0x1] =	stream.strided.gather [hbm4b:s26+s6], $0x100, s7, s6, $0x38;
	[tilespmem:$0x3130] =	vst v63  }
0x76: {  	_ =	swait.ge [sflag:s15], $0x100  }
0x77: {  	[sflag:s15] =	ssyncset.done $0x0  }
.Ltmp0:
0x78: {  	[sflag:s15] =	ssyncadd.s32 $0xFFFFFF00;
	(pc) =	sbr.rel @p1 .LBB2_2-.Ltmp0, $4  }
0x79: {  	[spmem:s10] =	stream.indirect.scatter.add.f32 [tilespmem:s11], [sflag:$0x3], $0x10, s19, s6, $0xb8;
	[tilespmem:$0x3130] =	vst v63  }
0x7a: {  	_ =	swait.ge [sflag:s13], $0x800  }
0x7b: {  	[sflag:s13] =	ssyncset.done $0x0  }
0x7c: {  	s24 =	sadd.s32 $0x100, s24;
	s25 =	sadd.s32 s25, s17;
	[sflag:s13] =	ssyncadd.s32 $0xFFFFF800  }
0x7d: {  	[tilespmem:s8], [sflag:$0x2] =	stream.strided.gather [hbm4b:s25+s6], $0x100, s7, s6, $0x38;
	[tilespmem:$0x3130] =	vst v63  }
0x7e: {  	_ =	swait.ge [sflag:s16], $0x100  }
0x7f: {  	[sflag:s16] =	ssyncset.done $0x0  }
0x80: {  	[sflag:s16] =	ssyncadd.s32 $0xFFFFFF00  }
0x81: {  	[spmem:s10] =	stream.indirect.scatter.add.f32 [tilespmem:s11], [sflag:$0x3], $0x10, s6, s6, $0xb8;
	[tilespmem:$0x3130] =	vst v63  }
0x82: {  	_ =	swait.ge [sflag:s13], $0x800  }
0x83: {  	[sflag:s13] =	ssyncset.done $0x0  }
0x84: {  	[sflag:s13] =	ssyncadd.s32 $0xFFFFF800  }
0x85: {  	_ =	swait.ge [sflag:s15], $0x100  }
0x86: {  	[sflag:s15] =	ssyncset.done $0x0  }
0x87: {  	[sflag:s15] =	ssyncadd.s32 $0xFFFFFF00  }
0x88: {  	[spmem:s10] =	stream.indirect.scatter.add.f32 [tilespmem:s11], [sflag:$0x3], $0x10, s19, s6, $0xb8;
	[tilespmem:$0x3130] =	vst v63  }
0x89: {  	_ =	swait.ge [sflag:s13], $0x800  }
0x8a: {  	[sflag:s13] =	ssyncset.done $0x0  }
0x8b: {  	s23 =	simm.s32 $0x200;
	[sflag:s13] =	ssyncadd.s32 $0xFFFFF800  }
0x8c: {  	[tilespmem:s23], [sflag:$0x3] =	stream.strided.gather [hbm4b:s5+s20], $0x20, s7, s20, $0x38;
	[tilespmem:$0x3130] =	vst v63  }
0x8d: {  	_ =	swait.ge [sflag:s13], $0x20  }
0x8e: {  	[sflag:s13] =	ssyncset.done $0x0  }
0x8f: {  	s24 =	simm.s32 $0x210;
	[sflag:s13] =	ssyncadd.s32 $0xFFFFFFE0  }
0x90: {  	[spmem:s10] =	stream.indirect.scatter.add.f32 [tilespmem:s11], [sflag:$0x3], $0x10, s24, s20, $0xb8;
	[tilespmem:$0x3130] =	vst v63  }
0x91: {  	_ =	swait.ge [sflag:s13], $0x100  }
0x92: {  	[sflag:s13] =	ssyncset.done $0x0  }
0x93: {  	[sflag:s13] =	ssyncadd.s32 $0xFFFFFF00  }
0x94: {  	[bflag:$0x0] =	sbarrier.arrive $0xFFFF  }
0x95: {  	s25 =	rddreg [dreg:$0x3]  }
0x96: {  	s24 =	rddreg [dreg:$0x15]  }
0x97: {  	[hbm:s25], [sflag:s22] =	dma.local [spmem:s24], $0xA0  }
0x98: {  	_ =	swait.ge [sflag:s13], $0xA0  }
0x99: {  	[sflag:s13] =	ssyncset.done $0x0  }
0x9a: {  	s26 =	rddreg [dreg:$0x4];
	[sflag:s13] =	ssyncadd.s32 $0xFFFFFF60  }
0x9b: {  	[hbm:s26], [sflag:s22] =	dma.local [spmem:s29], $0xA0  }
0x9c: {  	_ =	swait.ge [sflag:s13], $0xA0  }
0x9d: {  	[sflag:s13] =	ssyncset.done $0x0  }
0x9e: {  	s24 =	rddreg [dreg:$0x5];
	[sflag:s13] =	ssyncadd.s32 $0xFFFFFF60  }
0x9f: {  	[hbm:s24], [sflag:s22] =	dma.local [spmem:s30], $0xA0  }
0xa0: {  	_ =	swait.ge [sflag:s13], $0xA0  }
0xa1: {  	[sflag:s13] =	ssyncset.done $0x0  }
0xa2: {  	s25 =	rddreg [dreg:$0x6];
	[sflag:s13] =	ssyncadd.s32 $0xFFFFFF60  }
0xa3: {  	[hbm:s25], [sflag:s22] =	dma.local [spmem:s31], $0xA0  }
0xa4: {  	_ =	swait.ge [sflag:s13], $0xA0  }
0xa5: {  	[sflag:s13] =	ssyncset.done $0x0  }
0xa6: {  	s26 =	rddreg [dreg:$0x7];
	[sflag:s13] =	ssyncadd.s32 $0xFFFFFF60  }
0xa7: {  	[hbm:s26], [sflag:s22] =	dma.local [spmem:s9], $0xA0  }
0xa8: {  	_ =	swait.ge [sflag:s13], $0xA0  }
0xa9: {  	[sflag:s13] =	ssyncset.done $0x0  }
0xaa: {  	s24 =	rddreg [dreg:$0x8];
	[sflag:s13] =	ssyncadd.s32 $0xFFFFFF60  }
0xab: {  	[hbm:s24], [sflag:s22] =	dma.local [spmem:s1], $0xA0  }
0xac: {  	_ =	swait.ge [sflag:s13], $0xA0  }
0xad: {  	[sflag:s13] =	ssyncset.done $0x0  }
0xae: {  	s25 =	rddreg [dreg:$0x9];
	[sflag:s13] =	ssyncadd.s32 $0xFFFFFF60  }
0xaf: {  	[hbm:s25], [sflag:s22] =	dma.local [spmem:s2], $0xA0  }
0xb0: {  	_ =	swait.ge [sflag:s13], $0xA0  }
0xb1: {  	[sflag:s13] =	ssyncset.done $0x0  }
0xb2: {  	s23 =	rddreg [dreg:$0xa];
	[sflag:s13] =	ssyncadd.s32 $0xFFFFFF60  }
0xb3: {  	[hbm:s23], [sflag:s22] =	dma.local @!p0 [spmem:s3], $0xA0  }
0xb4: {  	s22 =	simm.s32 @!p0 $0x3  }
0xb5: {  	_ =	swait.ge @!p0 [sflag:s22], $0xA0  }
0xb6: {  	s21 =	sadd.s32 $0x1, s21;
	s26 =	rddreg [dreg:$0xc]  }
0xb7: {  	p1 =	sne.s32 s21, s26  }
.Ltmp1:
0xb8: {  	_ = 	snop;
	(pc) =	sbr.rel @p1 .LBB2_1-.Ltmp1, $3  }
0xb9: {  	_ =	sdelay $0x1  }
0xba: {  	[sflag:s22] =	ssyncset.done @!p0 $0x0  }
0xbb: {  	[sflag:s22] =	ssyncadd.s32 @!p0 $0xFFFFFF60  }
0xbc: {  	_ =	sfence.sel $0x180000  }
0xbd: {  	[bflag:$0x0] =	sbarrier.arrive $0xFFFF  }
0xbe: {  	_ =	strace $0x90000047  }
0xbf: {  	s0 =	stileid.u32;
	[bflag:$0x2] =	sbarrier.arrive $0xFFFF  }
0xc0: {  	p0 =	sne.s32 s0, $0x0;
	s0 =	rddreg [dreg:$0x2]  }
0xc1: {  	s0 =	sadd.s32 @!p0 $0x100000, s0  }
0xc2: {  	[sflag:s0] =	ssyncadd.tile.s32 @!p0 $0x1;
	_ =	shalt  }
.Lfunc_end2:
_tile_overlayer_lowered:
.L_overlay_start_2:
0xc3: {  	(tag) =	ssettag $0x2  }
0xc4: {  	s0 =	rddreg [dreg:$0x0];
	s2 =	stileid.u32  }
0xc5: {  	s1 =	rddreg [dreg:$0x1];
	p0 =	sne.s32 s2, $0x0  }
0xc6: {  	s3 =	rddreg [dreg:$0x2];
	[bflag:$0x3] =	sbarrier.arrive $0xFFFF;
	s2 =	simm.s32 @!p0 $0x1C03  }
0xc7: {  	[timem:s3], [sflag:s2] =	dma.local @!p0 [hbm:s0], s1  }
0xc8: {  	s0 =	simm.s32 @!p0 $0x3  }
0xc9: {  	_ =	swait.ge @!p0 [sflag:s0], s1  }
0xca: {  	s1 =	ssub.s32 @!p0 $0x0, s1;
	[sflag:s0] =	ssyncset.done @!p0 $0x0  }
0xcb: {  	[sflag:s0] =	ssyncadd.s32 @!p0 s1  }
0xcc: {  	[bflag:$0x3] =	sbarrier.arrive $0xFFFF  }
0xcd: {  	_ =	shalt  }

// kernel: kernel.15.cloned.1.call-start
scs
__scs_entry_jumppad:
0x0: {  	(pc) =	sbr.rel $0x88, $3  }
0x1: {  	(tag) =	ssettag $0x0;
	lr =	simm.s32 $0x1  }
0x2: {  	[smem:$0x3F89] =	sst lr;
	_ =	strace $0xD0000000  }
0x3: {  	_ = 	snop  }
0x4: {  	_ = 	snop  }
0x5: {  	_ = 	snop  }
0x6: {  	_ = 	snop  }
0x7: {  	_ = 	snop  }
__scs_overlays_trampoline_lowered:
0x8: {  	[smem:$0x3F98] =	sst s0  }
0x9: {  	[smem:$0x3F99] =	sst s1  }
0xa: {  	[smem:$0x3F9A] =	sst s2  }
0xb: {  	[smem:$0x3F9B] =	sst s3  }
0xc: {  	[smem:$0x3F9C] =	sst s4  }
0xd: {  	[smem:$0x3F9D] =	sst s5  }
0xe: {  	[smem:$0x3F9E] =	sst s6  }
0xf: {  	[smem:$0x3F9F] =	sst s7  }
0x10: {  	[smem:$0x3FA0] =	sst s8  }
0x11: {  	[smem:$0x3FA1] =	sst s9;
	s0 =	simm.s32 @!p0 $0x0  }
0x12: {  	s1 =	sld [smem:$0x3F87];
	s0 =	simm.s32 @p0 $0x1  }
0x13: {  	[smem:$0x3FA2] =	sst s0;
	s0 =	simm.s32 @!p1 $0x0  }
0x14: {  	s2 =	sld [smem:$0x3F86];
	s0 =	simm.s32 @p1 $0x1  }
0x15: {  	[smem:$0x3FA3] =	sst s0;
	s0 =	simm.s32 @!p2 $0x0  }
0x16: {  	s3 =	sld [smem:$0x3FDB];
	s0 =	simm.s32 @p2 $0x1  }
0x17: {  	s4 =	simm.s32 $0x1BF5;
	[smem:$0x3FA5] =	sst s0  }
0x18: {  	s0 =	sld [smem:$0x3F88];
	_ =	swait.ge [sflag:s4], $0x0  }
0x19: {  	s7 =	sld [smem:$0x3F89]  }
0x1a: {  	s8 =	sadd.s32 $0xFFFFE003, lr  }
0x1b: {  	s9 =	sadd.s32 $0xFFFFFEF7, lr;
	s5 =	simm.s32 $0xFFFFFFFF;
	p2 =	slt.u32 s8, $0xFFFFF086  }
0x1c: {  	p1 =	slt.u32 s9, $0xF7A;
	s5 =	simm.s32 @!p2 $0x0  }
0x1d: {  	s5 =	simm.s32 @p1 $0x1;
	p0 =	seq.s32 s7, s2  }
0x1e: {  	s7 =	smul.u32 @!p0 $0xF7A, s2;
	p2 =	seq.s32 @!p0 s5, $0x0  }
0x1f: {  	s9 =	smul.u32 $0xF7A, s1;
	s8 =	simm.s32 @!p0 $0x1BF5;
	p2 =	por !p2, p0  }
0x20: {  	[sflag:s8] =	ssyncset.s32 @!p0 $0xFFFFF086;
	s6 =	sadd.s32 @!p0 s3, s7;
	s7 =	simm.s32 @!p0 $0x108  }
0x21: {  	s3 =	sadd.s32 s3, s9;
	s6 =	sadd.s32 @!p0 $0x88, s6;
	s7 =	simm.s32 @p2 $0x1082  }
0x22: {  	[simem:s7], [sflag:s8] =	dma.local @!p0 [hbm:s6], $0xF7A  }
0x23: {  	s9 =	sor.u32 $0xD0000000, s2;
	s6 =	simm.s32 $0x108;
	_ =	swait.ge @!p0 [sflag:s8], $0x0  }
0x24: {  	s3 =	sadd.s32 $0x88, s3;
	s6 =	simm.s32 @!p1 $0x1082;
	[sflag:s4] =	ssyncset.s32 $0xFFFFF086  }
0x25: {  	[simem:s6], [sflag:s4] =	dma.local [hbm:s3], $0xF7A  }
0x26: {  	[smem:$0x3F89] =	sst s1;
	(tag) =	ssettag s2;
	_ =	strace s9  }
0x27: {  	s1 =	sld [smem:$0x3F99]  }
0x28: {  	s2 =	sld [smem:$0x3F9A]  }
0x29: {  	s4 =	sld [smem:$0x3F9C]  }
0x2a: {  	p0 =	seq.s32 s5, $0x0;
	s5 =	sld [smem:$0x3F9D]  }
0x2b: {  	s6 =	sld [smem:$0x3F9E]  }
0x2c: {  	s7 =	sld [smem:$0x3F9F]  }
0x2d: {  	s3 =	simm.s32 $0x108;
	s8 =	sld [smem:$0x3FA0]  }
0x2e: {  	s3 =	simm.s32 @!p0 $0x1082;
	s9 =	sld [smem:$0x3FA1]  }
0x2f: {  	lr =	sadd.s32 s0, s3;
	s0 =	sld [smem:$0x3F98]  }
0x30: {  	s3 =	sld [smem:$0x3F9B]  }
0x31: {  	[smem:$0x3FA4] =	sst s10  }
0x32: {  	s10 =	sld [smem:$0x3FA2];
	_ =	sdelay $0x3  }
0x33: {  	p0 =	seq.s32 s10, $0x1;
	s10 =	sld [smem:$0x3FA4];
	_ =	sdelay $0x3  }
0x34: {  	[smem:$0x3FA4] =	sst s10  }
0x35: {  	s10 =	sld [smem:$0x3FA3];
	_ =	sdelay $0x3  }
0x36: {  	p1 =	seq.s32 s10, $0x1;
	s10 =	sld [smem:$0x3FA4];
	_ =	sdelay $0x3  }
0x37: {  	[smem:$0x3FA4] =	sst s10  }
0x38: {  	s10 =	sld [smem:$0x3FA5]  }
0x39: {  	_ = 	snop;
	(pc) =	sbr.ind lr, $3  }
0x3a: {  	_ = 	snop  }
0x3b: {  	_ = 	snop  }
0x3c: {  	p2 =	seq.s32 s10, $0x1;
	s10 =	sld [smem:$0x3FA4]  }
0x3d: {  	_ =	shalt  }
0x3e: {  	_ =	shalt  }
0x3f: {  	_ =	shalt  }
0x40: {  	_ =	shalt  }
0x41: {  	_ =	shalt  }
0x42: {  	_ =	shalt  }
0x43: {  	_ =	shalt  }
0x44: {  	_ =	shalt  }
0x45: {  	_ =	shalt  }
0x46: {  	_ =	shalt  }
0x47: {  	_ =	shalt  }
0x48: {  	_ =	shalt  }
0x49: {  	_ =	shalt  }
0x4a: {  	_ =	shalt  }
0x4b: {  	_ =	shalt  }
0x4c: {  	_ =	shalt  }
0x4d: {  	_ =	shalt  }
0x4e: {  	_ =	shalt  }
0x4f: {  	_ =	shalt  }
0x50: {  	_ =	shalt  }
0x51: {  	_ =	shalt  }
0x52: {  	_ =	shalt  }
0x53: {  	_ =	shalt  }
0x54: {  	_ =	shalt  }
0x55: {  	_ =	shalt  }
0x56: {  	_ =	shalt  }
0x57: {  	_ =	shalt  }
0x58: {  	_ =	shalt  }
0x59: {  	_ =	shalt  }
0x5a: {  	_ =	shalt  }
0x5b: {  	_ =	shalt  }
0x5c: {  	_ =	shalt  }
0x5d: {  	_ =	shalt  }
0x5e: {  	_ =	shalt  }
0x5f: {  	_ =	shalt  }
0x60: {  	_ =	shalt  }
0x61: {  	_ =	shalt  }
0x62: {  	_ =	shalt  }
0x63: {  	_ =	shalt  }
0x64: {  	_ =	shalt  }
0x65: {  	_ =	shalt  }
0x66: {  	_ =	shalt  }
0x67: {  	_ =	shalt  }
0x68: {  	_ =	shalt  }
0x69: {  	_ =	shalt  }
0x6a: {  	_ =	shalt  }
0x6b: {  	_ =	shalt  }
0x6c: {  	_ =	shalt  }
0x6d: {  	_ =	shalt  }
0x6e: {  	_ =	shalt  }
0x6f: {  	_ =	shalt  }
0x70: {  	_ =	shalt  }
0x71: {  	_ =	shalt  }
0x72: {  	_ =	shalt  }
0x73: {  	_ =	shalt  }
0x74: {  	_ =	shalt  }
0x75: {  	_ =	shalt  }
0x76: {  	_ =	shalt  }
0x77: {  	_ =	shalt  }
0x78: {  	_ =	shalt  }
0x79: {  	_ =	shalt  }
0x7a: {  	_ =	shalt  }
0x7b: {  	_ =	shalt  }
0x7c: {  	_ =	shalt  }
0x7d: {  	_ =	shalt  }
0x7e: {  	_ =	shalt  }
0x7f: {  	_ =	shalt  }
0x80: {  	_ =	shalt  }
0x81: {  	_ =	shalt  }
0x82: {  	_ =	shalt  }
0x83: {  	_ =	shalt  }
0x84: {  	_ =	shalt  }
0x85: {  	_ =	shalt  }
0x86: {  	_ =	shalt  }
0x87: {  	_ =	shalt  }
.Lfunc_end0:
.L_simem_size_0:
called_computation.1_lowered:
.L_overlay_start_0:
0x88: {  	s2 =	sld [smem:$0x3FD9]  }
0x89: {  	s3 =	sld [smem:$0x3FFE];
	_ =	sdelay $0x1  }
0x8a: {  	s1 =	srdreg.scid  }
0x8b: {  	s0 =	sand.u32 $0x1, s1  }
0x8c: {  	s16 =	sshll.u32 s0, $0xA;
	s2 =	sadd.s32 s3, s2  }
0x8d: {  	s2 =	sadd.s32 s2, s16  }
0x8e: {  	[smem:$0x3FB0] =	sst s2  }
0x8f: {  	_ = 	snop  }
0x90: {  	(tm) =	ssettm $0x1  }
0x91: {  	s17 =	sld [smem:$0x3FFB];
	_ =	sdelay $0x3  }
0x92: {  	_ =	strace s17  }
0x93: {  	s2 =	sld [smem:$0x3FFC];
	_ =	sdelay $0x3  }
0x94: {  	_ =	strace s2  }
0x95: {  	s2 =	sld [smem:$0x3FFD];
	_ =	sdelay $0x3  }
0x96: {  	_ =	strace s2  }
0x97: {  	_ =	strace $0x8FFFFFFF  }
0x98: {  	s18 =	sld [smem:$0x3FDB];
	_ =	sdelay $0x1  }
0x99: {  	s19 =	simm.s32 $_scs_section_size  }
0x9a: {  	s4 =	simm.s32 $_size__tile_overlayer_lowered;
	s5 =	simm.s32 $_tile_overlayer_lowered  }
0x9b: {  	s22 =	simm.s32 $0x1BFF;
	s21 =	sshll.u32 s5, $0x1;
	s2 =	sadd.s32 s19, s18  }
0x9c: {  	s6 =	simm.s32 $0x0;
	s20 =	sshll.u32 s4, $0x1;
	s4 =	sadd.s32 s21, s2  }
0x9d: {  	[timem:s6], [sflag:s22] =	dma.local [hbm:s4], s20  }
0x9e: {  	_ =	swait.ge [sflag:s22], s20  }
0x9f: {  	s3 =	ssub.s32 $0x0, s20;
	[sflag:s22] =	ssyncset.done $0x0  }
0xa0: {  	[sflag:s22] =	ssyncadd.s32 s3;
	_ =	sdelay $0x1  }
0xa1: {  	s23 =	simm.s32 $0x1B8B  }
0xa2: {  	_ =	swait.ge [sflag:s23], $0x1  }
0xa3: {  	[sflag:s23] =	ssyncset.done $0x0  }
0xa4: {  	s25 =	simm.s32 $0x1B8E;
	s24 =	sld [smem:$0x3FFE];
	[sflag:s23] =	ssyncadd.s32 $0xFFFFFFFF  }
0xa5: {  	s26 =	simm.s32 $execute0_lowered;
	[smem:$0x3FD2] =	sst s25  }
0xa6: {  	s4 =	sshll.u32 s26, $0x1;
	_ =	strace $0x80000049;
	[dreg:$0x1] =	wrdreg $0xFFFFFFFF  }
0xa7: {  	s28 =	simm.s32 $_size_execute0_lowered;
	s2 =	sadd.s32 s2, s4;
	[dreg:$0x0] =	wrdreg $0x0  }
0xa8: {  	s4 =	sshll.u32 s28, $0x1;
	[dreg:$0x2] =	wrdreg s2  }
0xa9: {  	[dreg:$0x3] =	wrdreg s4  }
0xaa: {  	[dreg:$0x4] =	wrdreg $0xC0  }
0xab: {  	_ =	task [dreg:s6], $0x5FFFF  }
0xac: {  	[dreg:$0x1] =	wrdreg $0xFFFFFFFF  }
0xad: {  	[dreg:$0x0] =	wrdreg $0x60  }
0xae: {  	[dreg:$0x2] =	wrdreg s24  }
0xaf: {  	[dreg:$0x3] =	wrdreg $0x79200  }
0xb0: {  	[dreg:$0x4] =	wrdreg $0x9  }
0xb1: {  	_ =	task.clear_ibuf [dreg:s6], $0x5FFFF;
	_ =	strace $0x90000049  }
0xb2: {  	s29 =	simm.s32 $0x9;
	_ =	strace $0x8000004B  }
0xb3: {  	_ =	swait.ge [sflag:s29], $0x1  }
0xb4: {  	[sflag:s29] =	ssyncadd.s32 $0xFFFFFFFF  }
0xb5: {  	_ =	strace $0x9000004B  }
0xb6: {  	_ =	sfence  }
0xb7: {  	s30 =	sld [smem:$0x0];
	_ =	sdelay $0x2  }
0xb8: {  	s31 =	sshll.u32 s1, $0xD;
	s1 =	sshrl.u32 s1, $0x2  }
0xb9: {  	s3 =	sand.u32 $0x4000, s31;
	s1 =	sadd.s32 s1, s30  }
0xba: {  	s0 =	sor.u32 s3, s0;
	s1 =	sshll.u32 s1, $0x11  }
0xbb: {  	s0 =	sor.u32 s1, s0  }
0xbc: {  	s0 =	sadd.s32 $0x8F2B, s0  }
0xbd: {  	[sflag:s0] =	ssyncadd.remote.s32 $0x1  }
0xbe: {  	_ =	sfence.sel $0xFFFF  }
0xbf: {  	[dreg:$0x0] =	wrdreg $0xFFFFFFFF;
	(pc) =	sbr.abs _section_cstart, $3  }
0xc0: {  	[dreg:$0x1] =	wrdreg $0xFFFFFFFF  }
0xc1: {  	_ =	task.clear_ibuf [dreg:s6], $0x2FFFF;
	_ =	strace $0x9FFFFFFF  }
0xc2: {  	(tm) =	ssettm $0x7FFFFFFF  }
0xc3: {  	_ =	shalt  }
tec
execute0_lowered:
.L_overlay_start_1:
0x0: {  	(tag) =	ssettag $0x1  }
0x1: {  	s0 =	srdreg.scid;
	s7 =	rddreg [dreg:$0x0];
	s1 =	simm.s32 $0x0  }
0x2: {  	s25 =	stileid.u32;
	s6 =	sand.u32 $0x1, s0;
	[smem:$0x7FF] =	sst s1  }
0x3: {  	s8 =	sadd.s32 $0x62400, s7;
	s14 =	sor.u32 $0x20, s25;
	s9 =	smul.u32 $0x111700, s6  }
0x4: {  	s26 =	sshll.u32 s25, $0x1;
	s17 =	sor.u32 $0x50, s25;
	s3 =	smul.u32 $0x2300, s14  }
0x5: {  	s12 =	sor.u32 $0x10, s25;
	s19 =	sor.u32 $0x70, s25;
	s22 =	smul.u32 $0x2300, s17  }
0x6: {  	s15 =	sor.u32 $0x30, s25;
	s0 =	ssub.s32 $0x2, s6;
	s23 =	smul.u32 $0x2300, s19  }
0x7: {  	s11 =	sor.u32 s6, s26;
	s6 =	smul.u32 $0x4E20, s6;
	s2 =	sshrl.u32 s0, $0x1  }
0x8: {  	s16 =	sor.u32 $0x40, s25;
	s10 =	ssub.s32 s0, s2;
	s0 =	smul.u32 $0x2300, s25  }
0x9: {  	s18 =	sor.u32 $0x60, s25;
	s2 =	smul.u32 $0x2300, s12;
	s20 =	sadd.s32 s9, s3  }
0xa: {  	p0 =	sgt.u32 s19, $0x7C;
	s31 =	sadd.s32 s9, s22;
	s20 =	sshrl.u32 s20, $0x3  }
0xb: {  	s10 =	smax.u32 s10, $0x1;
	s4 =	sadd.s32 s9, s0;
	s13 =	sadd.s32 s9, s2  }
0xc: {  	s28 =	sadd.s32 s8, s20;
	s20 =	sshrl.u32 s31, $0x3;
	s31 =	smul.u32 $0x8C00, s25  }
0xd: {  	s5 =	sshrl.u32 s4, $0x3;
	s4 =	smul.u32 $0x2300, s15;
	s13 =	sshrl.u32 s13, $0x3  }
0xe: {  	[dreg:$0x5] =	wrdreg s28;
	s20 =	sadd.s32 s8, s20;
	s28 =	smul.u32 $0x4E20, s11  }
0xf: {  	s5 =	sadd.s32 s8, s5;
	s13 =	sadd.s32 s8, s13;
	[dreg:$0x8] =	wrdreg s20  }
0x10: {  	[dreg:$0x3] =	wrdreg s5;
	s21 =	sadd.s32 s9, s4;
	s5 =	smul.u32 $0x2300, s16  }
0x11: {  	s11 =	simm.s32 $0x220;
	[dreg:$0x4] =	wrdreg s13;
	s21 =	sshrl.u32 s21, $0x3  }
0x12: {  	s29 =	sadd.s32 s8, s21;
	s30 =	sadd.s32 s9, s5;
	s21 =	smul.u32 $0x2300, s18  }
0x13: {  	[dreg:$0x6] =	wrdreg s29;
	s13 =	sshrl.u32 s30, $0x3;
	s29 =	smul.u32 $0x8C00, s12  }
0x14: {  	s12 =	sadd.s32 $0x3FA00, s7;
	s13 =	sadd.s32 s8, s13;
	s24 =	sadd.s32 s9, s21  }
0x15: {  	[dreg:$0x7] =	wrdreg s13;
	s13 =	sshrl.u32 s24, $0x3;
	s24 =	smul.u32 $0x9C40, s25  }
0x16: {  	s9 =	sadd.s32 s9, s23;
	s25 =	sshrl.u32 s29, $0x2;
	s29 =	smul.u32 $0x8C00, s16  }
0x17: {  	s26 =	sshrl.u32 s9, $0x3;
	s9 =	rddreg [dreg:$0x1];
	s16 =	smul.u32 $0x8C00, s19  }
0x18: {  	s13 =	sadd.s32 s8, s13;
	s8 =	sadd.s32 s8, s26;
	s26 =	smul.u32 $0x8C00, s15  }
0x19: {  	s30 =	sshrl.u32 s28, $0x3;
	s28 =	sadd.s32 s25, s9;
	s15 =	smul.u32 $0x8C00, s18  }
0x1a: {  	s0 =	sadd.s32 s0, s9;
	s2 =	sadd.s32 s2, s9;
	s3 =	sadd.s32 s3, s9  }
0x1b: {  	s4 =	sadd.s32 s4, s9;
	s5 =	sadd.s32 s5, s9;
	[dreg:$0x9] =	wrdreg s13  }
0x1c: {  	s22 =	sadd.s32 s22, s9;
	[dreg:$0xa] =	wrdreg s8;
	s6 =	sadd.s32 s6, s24  }
0x1d: {  	s13 =	sadd.s32 $0x4E00, s7;
	s7 =	sadd.s32 $0x61E00, s7;
	s24 =	smul.u32 $0x8C00, s14  }
0x1e: {  	s8 =	sshrl.u32 s31, $0x2;
	s31 =	smul.u32 $0x8C00, s17;
	s18 =	sshrl.u32 s16, $0x2  }
0x1f: {  	s0 =	sshrl.u32 s0, $0x3;
	_ =	strace $0x8000004A;
	[dreg:$0xb] =	wrdreg s7  }
0x20: {  	s16 =	simm.s32 $0x1;
	s20 =	sadd.s32 s13, s30;
	[dreg:$0xc] =	wrdreg s10  }
0x21: {  	s8 =	sadd.s32 s8, s9;
	[dreg:$0xe] =	wrdreg s28;
	s30 =	sshrl.u32 s26, $0x2  }
0x22: {  	s19 =	sadd.s32 $0x180, s6;
	s26 =	sadd.s32 $0x100, s6;
	[dreg:$0x15] =	wrdreg s0  }
0x23: {  	s28 =	sshrl.u32 s2, $0x3;
	s0 =	sshrl.u32 s22, $0x3;
	s6 =	simm.s32 $0x80  }
0x24: {  	s10 =	simm.s32 $0x100;
	s22 =	simm.s32 $0x200;
	[dreg:$0xd] =	wrdreg s8  }
0x25: {  	s7 =	sshrl.u32 s24, $0x2;
	s14 =	sadd.s32 s30, s9;
	s8 =	sshrl.u32 s29, $0x2  }
0x26: {  	s17 =	sshrl.u32 s31, $0x2;
	s24 =	sadd.s32 s21, s9;
	[dreg:$0x16] =	wrdreg s28  }
0x27: {  	s29 =	sshrl.u32 s3, $0x3;
	s30 =	sshrl.u32 s4, $0x3;
	[dreg:$0x10] =	wrdreg s14  }
0x28: {  	s31 =	sshrl.u32 s5, $0x3;
	s4 =	sadd.s32 $0x10, s20;
	[dreg:$0x17] =	wrdreg s29  }
0x29: {  	s5 =	sadd.s32 $0x4E0, s20;
	s21 =	simm.s32 $0x10;
	[dreg:$0x18] =	wrdreg s30  }
0x2a: {  	s7 =	sadd.s32 s7, s9;
	s8 =	sadd.s32 s8, s9;
	[dreg:$0x19] =	wrdreg s31  }
0x2b: {  	s14 =	sadd.s32 s23, s9;
	s2 =	sshrl.u32 s24, $0x3;
	[dreg:$0xf] =	wrdreg s7  }
0x2c: {  	s23 =	simm.s32 $0x7220;
	s24 =	simm.s32 $0x0;
	[dreg:$0x11] =	wrdreg s8  }
0x2d: {  	s7 =	sshrl.u32 s15, $0x2;
	s8 =	sadd.s32 s17, s9;
	s3 =	sshrl.u32 @!p0 s14, $0x3  }
0x2e: {  	s14 =	simm.s32 $0x5;
	s17 =	simm.s32 $0x3;
	s15 =	simm.s32 $0x180  }
0x2f: {  	[dreg:$0x12] =	wrdreg s8;
	s7 =	sadd.s32 s7, s9;
	s8 =	smov.u32 s20  }
0x30: {  	s20 =	simm.s32 $0x4;
	[dreg:$0x13] =	wrdreg s7;
	s7 =	sadd.s32 s18, s9  }
0x31: {  	s18 =	simm.s32 $0x2;
	[dreg:$0x14] =	wrdreg s7;
	s7 =	sshrl.u32 s19, $0x3  }
0x32: {  	s19 =	simm.s32 $0x3A20;
	s25 =	sadd.s32 s7, s13;
	s7 =	simm.s32 $0x2710  }
.LBB2_1:
0x33: {  	[tilespmem:s1], [sflag:$0x1] =	stream.strided.gather [hbm4b:s8+s6], $0x100, s7, s6, $0x38;
	[tilespmem:$0x18A90] =	vst v63  }
0x34: {  	_ = 	snop  }
0x35: {  	[tilespmem:s10], [sflag:$0x2] =	stream.strided.gather [hbm4b:s4+s6], $0x100, s7, s6, $0x38;
	[tilespmem:$0x18A90] =	vst v63  }
0x36: {  	s28 =	rddreg [dreg:$0xb]  }
0x37: {  	[tilespmem:s11], [sflag:$0x5] =	stream.linear.gather [hbm4b:s28+s1], $0x2300, $0x38;
	[tilespmem:$0x18A90] =	vst v63  }
0x38: {  	_ =	swait.ge [sflag:s14], $0x2300  }
0x39: {  	[sflag:s14] =	ssyncset.done $0x0  }
0x3a: {  	s28 =	rddreg [dreg:$0xd];
	[sflag:s14] =	ssyncadd.s32 $0xFFFFDD00  }
0x3b: {  	[spmem:s28] =	stream.linear.scatter [tilespmem:s11], [sflag:$0x5], $0x2300, $0x38;
	[tilespmem:$0x18A90] =	vst v63  }
0x3c: {  	_ =	swait.ge [sflag:s14], $0x2300  }
0x3d: {  	[sflag:s14] =	ssyncset.done $0x0  }
0x3e: {  	s28 =	rddreg [dreg:$0xe];
	[sflag:s14] =	ssyncadd.s32 $0xFFFFDD00  }
0x3f: {  	[spmem:s28] =	stream.linear.scatter [tilespmem:s11], [sflag:$0x5], $0x2300, $0x38;
	[tilespmem:$0x18A90] =	vst v63  }
0x40: {  	_ =	swait.ge [sflag:s14], $0x2300  }
0x41: {  	[sflag:s14] =	ssyncset.done $0x0  }
0x42: {  	s28 =	rddreg [dreg:$0xf];
	[sflag:s14] =	ssyncadd.s32 $0xFFFFDD00  }
0x43: {  	[spmem:s28] =	stream.linear.scatter [tilespmem:s11], [sflag:$0x5], $0x2300, $0x38;
	[tilespmem:$0x18A90] =	vst v63  }
0x44: {  	_ =	swait.ge [sflag:s14], $0x2300  }
0x45: {  	[sflag:s14] =	ssyncset.done $0x0  }
0x46: {  	s28 =	rddreg [dreg:$0x10];
	[sflag:s14] =	ssyncadd.s32 $0xFFFFDD00  }
0x47: {  	[spmem:s28] =	stream.linear.scatter [tilespmem:s11], [sflag:$0x5], $0x2300, $0x38;
	[tilespmem:$0x18A90] =	vst v63  }
0x48: {  	_ =	swait.ge [sflag:s14], $0x2300  }
0x49: {  	[sflag:s14] =	ssyncset.done $0x0  }
0x4a: {  	s28 =	rddreg [dreg:$0x11];
	[sflag:s14] =	ssyncadd.s32 $0xFFFFDD00  }
0x4b: {  	[spmem:s28] =	stream.linear.scatter [tilespmem:s11], [sflag:$0x5], $0x2300, $0x38;
	[tilespmem:$0x18A90] =	vst v63  }
0x4c: {  	_ =	swait.ge [sflag:s14], $0x2300  }
0x4d: {  	[sflag:s14] =	ssyncset.done $0x0  }
0x4e: {  	s28 =	rddreg [dreg:$0x12];
	[sflag:s14] =	ssyncadd.s32 $0xFFFFDD00  }
0x4f: {  	[spmem:s28] =	stream.linear.scatter [tilespmem:s11], [sflag:$0x5], $0x2300, $0x38;
	[tilespmem:$0x18A90] =	vst v63  }
0x50: {  	_ =	swait.ge [sflag:s14], $0x2300  }
0x51: {  	[sflag:s14] =	ssyncset.done $0x0  }
0x52: {  	s28 =	rddreg [dreg:$0x13];
	[sflag:s14] =	ssyncadd.s32 $0xFFFFDD00  }
0x53: {  	[spmem:s28] =	stream.linear.scatter [tilespmem:s11], [sflag:$0x5], $0x2300, $0x38;
	[tilespmem:$0x18A90] =	vst v63  }
0x54: {  	_ =	swait.ge [sflag:s14], $0x2300  }
0x55: {  	[sflag:s14] =	ssyncset.done $0x0  }
0x56: {  	s28 =	simm.s32 @!p0 $0x220;
	s29 =	rddreg [dreg:$0x14];
	[sflag:s14] =	ssyncadd.s32 $0xFFFFDD00  }
0x57: {  	[spmem:s29] =	stream.linear.scatter @!p0 [tilespmem:s28], [sflag:$0x5], $0x2300, $0x38;
	[tilespmem:$0x18A90] =	vst v63  }
0x58: {  	s28 =	simm.s32 @!p0 $0x5  }
0x59: {  	_ =	swait.ge @!p0 [sflag:s28], $0x2300  }
0x5a: {  	[sflag:s28] =	ssyncset.done @!p0 $0x0  }
0x5b: {  	[sflag:s28] =	ssyncadd.s32 @!p0 $0xFFFFDD00  }
0x5c: {  	[bflag:$0x0] =	sbarrier.arrive $0xFFFF  }
0x5d: {  	_ =	swait.ge [sflag:s16], $0x100  }
0x5e: {  	[sflag:s16] =	ssyncset.done $0x0  }
0x5f: {  	[sflag:s16] =	ssyncadd.s32 $0xFFFFFF00  }
0x60: {  	[tilespmem:s11], [sflag:$0x3] =	stream.indirect.gather [hbm4b:s12+s6], $0x70, s1, s6, $0xb8;
	[tilespmem:$0x18A90] =	vst v63  }
0x61: {  	_ =	swait.ge [sflag:s17], $0x3800  }
0x62: {  	[sflag:s17] =	ssyncset.done $0x0  }
0x63: {  	[sflag:s17] =	ssyncadd.s32 $0xFFFFC800  }
0x64: {  	_ =	swait.ge [sflag:s18], $0x100  }
0x65: {  	[sflag:s18] =	ssyncset.done $0x0  }
0x66: {  	[sflag:s18] =	ssyncadd.s32 $0xFFFFFF00  }
0x67: {  	[tilespmem:s19], [sflag:$0x4] =	stream.indirect.gather [hbm4b:s12+s6], $0x70, s10, s6, $0xb8;
	[tilespmem:$0x18A90] =	vst v63  }
0x68: {  	_ = 	snop  }
0x69: {  	[spmem:s9] =	stream.indirect.scatter.add.f32 [tilespmem:s11], [sflag:$0x5], $0x70, s6, s6, $0xb8;
	[tilespmem:$0x18A90] =	vst v63  }
0x6a: {  	_ =	swait.ge [sflag:s14], $0x3800  }
0x6b: {  	s28 =	sshrl.u32 s26, $0x3;
	[sflag:s14] =	ssyncset.done $0x0  }
0x6c: {  	s28 =	sadd.s32 s13, s28;
	[sflag:s14] =	ssyncadd.s32 $0xFFFFC800  }
0x6d: {  	[tilespmem:s1], [sflag:$0x1] =	stream.strided.gather [hbm4b:s28+s6], $0x100, s7, s6, $0x38;
	[tilespmem:$0x18A90] =	vst v63  }
0x6e: {  	_ =	swait.ge [sflag:s20], $0x3800  }
0x6f: {  	[sflag:s20] =	ssyncset.done $0x0  }
0x70: {  	[sflag:s20] =	ssyncadd.s32 $0xFFFFC800  }
0x71: {  	_ =	swait.ge [sflag:s16], $0x100  }
0x72: {  	[sflag:s16] =	ssyncset.done $0x0  }
0x73: {  	[sflag:s16] =	ssyncadd.s32 $0xFFFFFF00  }
0x74: {  	[tilespmem:s11], [sflag:$0x3] =	stream.indirect.gather [hbm4b:s12+s6], $0x70, s1, s6, $0xb8;
	[tilespmem:$0x18A90] =	vst v63  }
0x75: {  	_ = 	snop  }
0x76: {  	[spmem:s9] =	stream.indirect.scatter.add.f32 [tilespmem:s19], [sflag:$0x5], $0x70, s15, s6, $0xb8;
	[tilespmem:$0x18A90] =	vst v63  }
0x77: {  	_ =	swait.ge [sflag:s14], $0x3800  }
0x78: {  	s30 =	sadd.s32 $0x0, s25;
	[sflag:s14] =	ssyncset.done $0x0  }
0x79: {  	s29 =	sadd.s32 $0x100, s26;
	s28 =	simm.s32 $0x20;
	[sflag:s14] =	ssyncadd.s32 $0xFFFFC800  }
.LBB2_2:
0x7a: {  	[tilespmem:s10], [sflag:$0x2] =	stream.strided.gather [hbm4b:s30+s6], $0x100, s7, s6, $0x38;
	[tilespmem:$0x18A90] =	vst v63  }
0x7b: {  	s30 =	smov.u32 s28  }
0x7c: {  	p1 =	sne.s32 s28, $0x4A0;
	s28 =	sadd.s32 $0x20, s28;
	_ =	swait.ge [sflag:s17], $0x3800  }
0x7d: {  	[sflag:s17] =	ssyncset.done $0x0  }
0x7e: {  	[sflag:s17] =	ssyncadd.s32 $0xFFFFC800  }
0x7f: {  	_ =	swait.ge [sflag:s18], $0x100  }
0x80: {  	[sflag:s18] =	ssyncset.done $0x0  }
0x81: {  	[sflag:s18] =	ssyncadd.s32 $0xFFFFFF00  }
0x82: {  	[tilespmem:s19], [sflag:$0x4] =	stream.indirect.gather [hbm4b:s12+s6], $0x70, s10, s6, $0xb8;
	[tilespmem:$0x18A90] =	vst v63  }
0x83: {  	_ = 	snop  }
0x84: {  	[spmem:s9] =	stream.indirect.scatter.add.f32 [tilespmem:s11], [sflag:$0x5], $0x70, s6, s6, $0xb8;
	[tilespmem:$0x18A90] =	vst v63  }
0x85: {  	_ =	swait.ge [sflag:s14], $0x3800  }
0x86: {  	s31 =	sshrl.u32 s29, $0x3;
	[sflag:s14] =	ssyncset.done $0x0  }
0x87: {  	s31 =	sadd.s32 s13, s31;
	[sflag:s14] =	ssyncadd.s32 $0xFFFFC800  }
0x88: {  	[tilespmem:s1], [sflag:$0x1] =	stream.strided.gather [hbm4b:s31+s6], $0x100, s7, s6, $0x38;
	[tilespmem:$0x18A90] =	vst v63  }
0x89: {  	_ =	swait.ge [sflag:s20], $0x3800  }
0x8a: {  	[sflag:s20] =	ssyncset.done $0x0  }
0x8b: {  	[sflag:s20] =	ssyncadd.s32 $0xFFFFC800  }
0x8c: {  	_ =	swait.ge [sflag:s16], $0x100  }
0x8d: {  	[sflag:s16] =	ssyncset.done $0x0  }
0x8e: {  	[sflag:s16] =	ssyncadd.s32 $0xFFFFFF00  }
0x8f: {  	[tilespmem:s11], [sflag:$0x3] =	stream.indirect.gather [hbm4b:s12+s6], $0x70, s1, s6, $0xb8;
	[tilespmem:$0x18A90] =	vst v63  }
.Ltmp0:
0x90: {  	(pc) =	sbr.rel @p1 .LBB2_2-.Ltmp0, $4  }
0x91: {  	[spmem:s9] =	stream.indirect.scatter.add.f32 [tilespmem:s19], [sflag:$0x5], $0x70, s15, s6, $0xb8;
	[tilespmem:$0x18A90] =	vst v63  }
0x92: {  	_ =	swait.ge [sflag:s14], $0x3800  }
0x93: {  	[sflag:s14] =	ssyncset.done $0x0  }
0x94: {  	s29 =	sadd.s32 $0x100, s29;
	s30 =	sadd.s32 s30, s25;
	[sflag:s14] =	ssyncadd.s32 $0xFFFFC800  }
0x95: {  	[tilespmem:s10], [sflag:$0x2] =	stream.strided.gather [hbm4b:s30+s6], $0x100, s7, s6, $0x38;
	[tilespmem:$0x18A90] =	vst v63  }
0x96: {  	_ =	swait.ge [sflag:s17], $0x3800  }
0x97: {  	[sflag:s17] =	ssyncset.done $0x0  }
0x98: {  	[sflag:s17] =	ssyncadd.s32 $0xFFFFC800  }
0x99: {  	_ =	swait.ge [sflag:s18], $0x100  }
0x9a: {  	[sflag:s18] =	ssyncset.done $0x0  }
0x9b: {  	[sflag:s18] =	ssyncadd.s32 $0xFFFFFF00  }
0x9c: {  	[tilespmem:s19], [sflag:$0x4] =	stream.indirect.gather [hbm4b:s12+s6], $0x70, s10, s6, $0xb8;
	[tilespmem:$0x18A90] =	vst v63  }
0x9d: {  	_ = 	snop  }
0x9e: {  	[spmem:s9] =	stream.indirect.scatter.add.f32 [tilespmem:s11], [sflag:$0x5], $0x70, s6, s6, $0xb8;
	[tilespmem:$0x18A90] =	vst v63  }
0x9f: {  	_ =	swait.ge [sflag:s14], $0x3800  }
0xa0: {  	[sflag:s14] =	ssyncset.done $0x0  }
0xa1: {  	[sflag:s14] =	ssyncadd.s32 $0xFFFFC800  }
0xa2: {  	[tilespmem:s22], [sflag:$0x5] =	stream.strided.gather [hbm4b:s5+s21], $0x20, s7, s21, $0x38;
	[tilespmem:$0x18A90] =	vst v63  }
0xa3: {  	_ =	swait.ge [sflag:s14], $0x20  }
0xa4: {  	[sflag:s14] =	ssyncset.done $0x0  }
0xa5: {  	[sflag:s14] =	ssyncadd.s32 $0xFFFFFFE0  }
0xa6: {  	_ =	swait.ge [sflag:s20], $0x3800  }
0xa7: {  	[sflag:s20] =	ssyncset.done $0x0  }
0xa8: {  	[sflag:s20] =	ssyncadd.s32 $0xFFFFC800  }
0xa9: {  	[tilespmem:s23], [sflag:$0x3] =	stream.indirect.gather [hbm4b:s12+s21], $0x70, s22, s21, $0xb8;
	[tilespmem:$0x18A90] =	vst v63  }
0xaa: {  	_ = 	snop  }
0xab: {  	[spmem:s9] =	stream.indirect.scatter.add.f32 [tilespmem:s19], [sflag:$0x5], $0x70, s15, s6, $0xb8;
	[tilespmem:$0x18A90] =	vst v63  }
0xac: {  	_ =	swait.ge [sflag:s14], $0x3800  }
0xad: {  	[sflag:s14] =	ssyncset.done $0x0  }
0xae: {  	[sflag:s14] =	ssyncadd.s32 $0xFFFFC800  }
0xaf: {  	_ =	swait.ge [sflag:s17], $0x700  }
0xb0: {  	[sflag:s17] =	ssyncset.done $0x0  }
0xb1: {  	s28 =	simm.s32 $0x210;
	[sflag:s17] =	ssyncadd.s32 $0xFFFFF900  }
0xb2: {  	[spmem:s9] =	stream.indirect.scatter.add.f32 [tilespmem:s23], [sflag:$0x5], $0x70, s28, s21, $0xb8;
	[tilespmem:$0x18A90] =	vst v63  }
0xb3: {  	_ =	swait.ge [sflag:s14], $0x700  }
0xb4: {  	[sflag:s14] =	ssyncset.done $0x0  }
0xb5: {  	[sflag:s14] =	ssyncadd.s32 $0xFFFFF900  }
0xb6: {  	s30 =	stileid.u32;
	[bflag:$0x0] =	sbarrier.arrive $0xFFFF  }
0xb7: {  	s28 =	sshll.u32 s30, $0x6;
	s29 =	rddreg [dreg:$0x3]  }
0xb8: {  	s28 =	sor.u32 $0x1C05, s28;
	s31 =	rddreg [dreg:$0x15]  }
0xb9: {  	[hbm:s29], [sflag:s28] =	dma.local [spmem:s31], $0x460  }
0xba: {  	_ =	swait.ge [sflag:s14], $0x460  }
0xbb: {  	[sflag:s14] =	ssyncset.done $0x0;
	s29 =	rddreg [dreg:$0x4]  }
0xbc: {  	s31 =	rddreg [dreg:$0x16];
	[sflag:s14] =	ssyncadd.s32 $0xFFFFFBA0  }
0xbd: {  	[hbm:s29], [sflag:s28] =	dma.local [spmem:s31], $0x460  }
0xbe: {  	_ =	swait.ge [sflag:s14], $0x460  }
0xbf: {  	[sflag:s14] =	ssyncset.done $0x0;
	s29 =	rddreg [dreg:$0x5]  }
0xc0: {  	s31 =	rddreg [dreg:$0x17];
	[sflag:s14] =	ssyncadd.s32 $0xFFFFFBA0  }
0xc1: {  	[hbm:s29], [sflag:s28] =	dma.local [spmem:s31], $0x460  }
0xc2: {  	_ =	swait.ge [sflag:s14], $0x460  }
0xc3: {  	[sflag:s14] =	ssyncset.done $0x0;
	s29 =	rddreg [dreg:$0x6]  }
0xc4: {  	s31 =	rddreg [dreg:$0x18];
	[sflag:s14] =	ssyncadd.s32 $0xFFFFFBA0  }
0xc5: {  	[hbm:s29], [sflag:s28] =	dma.local [spmem:s31], $0x460  }
0xc6: {  	_ =	swait.ge [sflag:s14], $0x460  }
0xc7: {  	[sflag:s14] =	ssyncset.done $0x0;
	s29 =	rddreg [dreg:$0x7]  }
0xc8: {  	s31 =	rddreg [dreg:$0x19];
	[sflag:s14] =	ssyncadd.s32 $0xFFFFFBA0  }
0xc9: {  	[hbm:s29], [sflag:s28] =	dma.local [spmem:s31], $0x460  }
0xca: {  	_ =	swait.ge [sflag:s14], $0x460  }
0xcb: {  	[sflag:s14] =	ssyncset.done $0x0  }
0xcc: {  	s31 =	rddreg [dreg:$0x8];
	[sflag:s14] =	ssyncadd.s32 $0xFFFFFBA0  }
0xcd: {  	[hbm:s31], [sflag:s28] =	dma.local [spmem:s0], $0x460  }
0xce: {  	_ =	swait.ge [sflag:s14], $0x460  }
0xcf: {  	[sflag:s14] =	ssyncset.done $0x0  }
0xd0: {  	s30 =	rddreg [dreg:$0x9];
	[sflag:s14] =	ssyncadd.s32 $0xFFFFFBA0  }
0xd1: {  	[hbm:s30], [sflag:s28] =	dma.local [spmem:s2], $0x460  }
0xd2: {  	_ =	swait.ge [sflag:s14], $0x460  }
0xd3: {  	[sflag:s14] =	ssyncset.done $0x0  }
0xd4: {  	s29 =	rddreg [dreg:$0xa];
	[sflag:s14] =	ssyncadd.s32 $0xFFFFFBA0  }
0xd5: {  	[hbm:s29], [sflag:s28] =	dma.local @!p0 [spmem:s3], $0x460  }
0xd6: {  	s28 =	simm.s32 @!p0 $0x5  }
0xd7: {  	_ =	swait.ge @!p0 [sflag:s28], $0x460  }
0xd8: {  	s24 =	sadd.s32 $0x1, s24;
	s31 =	rddreg [dreg:$0xc]  }
0xd9: {  	p1 =	sne.s32 s24, s31  }
.Ltmp1:
0xda: {  	_ = 	snop;
	(pc) =	sbr.rel @p1 .LBB2_1-.Ltmp1, $3  }
0xdb: {  	_ =	sdelay $0x1  }
0xdc: {  	[sflag:s28] =	ssyncset.done @!p0 $0x0  }
0xdd: {  	[sflag:s28] =	ssyncadd.s32 @!p0 $0xFFFFFBA0  }
0xde: {  	_ =	sfence.sel $0x180000  }
0xdf: {  	[bflag:$0x0] =	sbarrier.arrive $0xFFFF  }
0xe0: {  	_ =	strace $0x9000004A  }
0xe1: {  	s0 =	stileid.u32;
	[bflag:$0x2] =	sbarrier.arrive $0xFFFF  }
0xe2: {  	p0 =	sne.s32 s0, $0x0;
	s0 =	rddreg [dreg:$0x2]  }
0xe3: {  	s0 =	sadd.s32 @!p0 $0x100000, s0  }
0xe4: {  	[sflag:s0] =	ssyncadd.tile.s32 @!p0 $0x1;
	_ =	shalt  }
.Lfunc_end2:
_tile_overlayer_lowered:
.L_overlay_start_2:
0xe5: {  	(tag) =	ssettag $0x2  }
0xe6: {  	s0 =	rddreg [dreg:$0x0];
	s2 =	stileid.u32  }
0xe7: {  	s1 =	rddreg [dreg:$0x1];
	p0 =	sne.s32 s2, $0x0  }
0xe8: {  	s3 =	rddreg [dreg:$0x2];
	[bflag:$0x3] =	sbarrier.arrive $0xFFFF;
	s2 =	simm.s32 @!p0 $0x1C05  }
0xe9: {  	[timem:s3], [sflag:s2] =	dma.local @!p0 [hbm:s0], s1  }
0xea: {  	s0 =	simm.s32 @!p0 $0x5  }
0xeb: {  	_ =	swait.ge @!p0 [sflag:s0], s1  }
0xec: {  	s1 =	ssub.s32 @!p0 $0x0, s1;
	[sflag:s0] =	ssyncset.done @!p0 $0x0  }
0xed: {  	[sflag:s0] =	ssyncadd.s32 @!p0 s1  }
0xee: {  	[bflag:$0x3] =	sbarrier.arrive $0xFFFF  }
0xef: {  	_ =	shalt  }

// kernel: kernel.18.cloned.1.call-start
scs
__scs_entry_jumppad:
0x0: {  	(pc) =	sbr.rel $0x88, $3  }
0x1: {  	(tag) =	ssettag $0x0;
	lr =	simm.s32 $0x1  }
0x2: {  	[smem:$0x3F89] =	sst lr;
	_ =	strace $0xD0000000  }
0x3: {  	_ = 	snop  }
0x4: {  	_ = 	snop  }
0x5: {  	_ = 	snop  }
0x6: {  	_ = 	snop  }
0x7: {  	_ = 	snop  }
__scs_overlays_trampoline_lowered:
0x8: {  	[smem:$0x3F98] =	sst s0  }
0x9: {  	[smem:$0x3F99] =	sst s1  }
0xa: {  	[smem:$0x3F9A] =	sst s2  }
0xb: {  	[smem:$0x3F9B] =	sst s3  }
0xc: {  	[smem:$0x3F9C] =	sst s4  }
0xd: {  	[smem:$0x3F9D] =	sst s5  }
0xe: {  	[smem:$0x3F9E] =	sst s6  }
0xf: {  	[smem:$0x3F9F] =	sst s7  }
0x10: {  	[smem:$0x3FA0] =	sst s8  }
0x11: {  	[smem:$0x3FA1] =	sst s9;
	s0 =	simm.s32 @!p0 $0x0  }
0x12: {  	s1 =	sld [smem:$0x3F87];
	s0 =	simm.s32 @p0 $0x1  }
0x13: {  	[smem:$0x3FA2] =	sst s0;
	s0 =	simm.s32 @!p1 $0x0  }
0x14: {  	s2 =	sld [smem:$0x3F86];
	s0 =	simm.s32 @p1 $0x1  }
0x15: {  	[smem:$0x3FA3] =	sst s0;
	s0 =	simm.s32 @!p2 $0x0  }
0x16: {  	s3 =	sld [smem:$0x3FDB];
	s0 =	simm.s32 @p2 $0x1  }
0x17: {  	s4 =	simm.s32 $0x1BF5;
	[smem:$0x3FA5] =	sst s0  }
0x18: {  	s0 =	sld [smem:$0x3F88];
	_ =	swait.ge [sflag:s4], $0x0  }
0x19: {  	s7 =	sld [smem:$0x3F89]  }
0x1a: {  	s8 =	sadd.s32 $0xFFFFE003, lr  }
0x1b: {  	s9 =	sadd.s32 $0xFFFFFEF7, lr;
	s5 =	simm.s32 $0xFFFFFFFF;
	p2 =	slt.u32 s8, $0xFFFFF086  }
0x1c: {  	p1 =	slt.u32 s9, $0xF7A;
	s5 =	simm.s32 @!p2 $0x0  }
0x1d: {  	s5 =	simm.s32 @p1 $0x1;
	p0 =	seq.s32 s7, s2  }
0x1e: {  	s7 =	smul.u32 @!p0 $0xF7A, s2;
	p2 =	seq.s32 @!p0 s5, $0x0  }
0x1f: {  	s9 =	smul.u32 $0xF7A, s1;
	s8 =	simm.s32 @!p0 $0x1BF5;
	p2 =	por !p2, p0  }
0x20: {  	[sflag:s8] =	ssyncset.s32 @!p0 $0xFFFFF086;
	s6 =	sadd.s32 @!p0 s3, s7;
	s7 =	simm.s32 @!p0 $0x108  }
0x21: {  	s3 =	sadd.s32 s3, s9;
	s6 =	sadd.s32 @!p0 $0x88, s6;
	s7 =	simm.s32 @p2 $0x1082  }
0x22: {  	[simem:s7], [sflag:s8] =	dma.local @!p0 [hbm:s6], $0xF7A  }
0x23: {  	s9 =	sor.u32 $0xD0000000, s2;
	s6 =	simm.s32 $0x108;
	_ =	swait.ge @!p0 [sflag:s8], $0x0  }
0x24: {  	s3 =	sadd.s32 $0x88, s3;
	s6 =	simm.s32 @!p1 $0x1082;
	[sflag:s4] =	ssyncset.s32 $0xFFFFF086  }
0x25: {  	[simem:s6], [sflag:s4] =	dma.local [hbm:s3], $0xF7A  }
0x26: {  	[smem:$0x3F89] =	sst s1;
	(tag) =	ssettag s2;
	_ =	strace s9  }
0x27: {  	s1 =	sld [smem:$0x3F99]  }
0x28: {  	s2 =	sld [smem:$0x3F9A]  }
0x29: {  	s4 =	sld [smem:$0x3F9C]  }
0x2a: {  	p0 =	seq.s32 s5, $0x0;
	s5 =	sld [smem:$0x3F9D]  }
0x2b: {  	s6 =	sld [smem:$0x3F9E]  }
0x2c: {  	s7 =	sld [smem:$0x3F9F]  }
0x2d: {  	s3 =	simm.s32 $0x108;
	s8 =	sld [smem:$0x3FA0]  }
0x2e: {  	s3 =	simm.s32 @!p0 $0x1082;
	s9 =	sld [smem:$0x3FA1]  }
0x2f: {  	lr =	sadd.s32 s0, s3;
	s0 =	sld [smem:$0x3F98]  }
0x30: {  	s3 =	sld [smem:$0x3F9B]  }
0x31: {  	[smem:$0x3FA4] =	sst s10  }
0x32: {  	s10 =	sld [smem:$0x3FA2];
	_ =	sdelay $0x3  }
0x33: {  	p0 =	seq.s32 s10, $0x1;
	s10 =	sld [smem:$0x3FA4];
	_ =	sdelay $0x3  }
0x34: {  	[smem:$0x3FA4] =	sst s10  }
0x35: {  	s10 =	sld [smem:$0x3FA3];
	_ =	sdelay $0x3  }
0x36: {  	p1 =	seq.s32 s10, $0x1;
	s10 =	sld [smem:$0x3FA4];
	_ =	sdelay $0x3  }
0x37: {  	[smem:$0x3FA4] =	sst s10  }
0x38: {  	s10 =	sld [smem:$0x3FA5]  }
0x39: {  	_ = 	snop;
	(pc) =	sbr.ind lr, $3  }
0x3a: {  	_ = 	snop  }
0x3b: {  	_ = 	snop  }
0x3c: {  	p2 =	seq.s32 s10, $0x1;
	s10 =	sld [smem:$0x3FA4]  }
0x3d: {  	_ =	shalt  }
0x3e: {  	_ =	shalt  }
0x3f: {  	_ =	shalt  }
0x40: {  	_ =	shalt  }
0x41: {  	_ =	shalt  }
0x42: {  	_ =	shalt  }
0x43: {  	_ =	shalt  }
0x44: {  	_ =	shalt  }
0x45: {  	_ =	shalt  }
0x46: {  	_ =	shalt  }
0x47: {  	_ =	shalt  }
0x48: {  	_ =	shalt  }
0x49: {  	_ =	shalt  }
0x4a: {  	_ =	shalt  }
0x4b: {  	_ =	shalt  }
0x4c: {  	_ =	shalt  }
0x4d: {  	_ =	shalt  }
0x4e: {  	_ =	shalt  }
0x4f: {  	_ =	shalt  }
0x50: {  	_ =	shalt  }
0x51: {  	_ =	shalt  }
0x52: {  	_ =	shalt  }
0x53: {  	_ =	shalt  }
0x54: {  	_ =	shalt  }
0x55: {  	_ =	shalt  }
0x56: {  	_ =	shalt  }
0x57: {  	_ =	shalt  }
0x58: {  	_ =	shalt  }
0x59: {  	_ =	shalt  }
0x5a: {  	_ =	shalt  }
0x5b: {  	_ =	shalt  }
0x5c: {  	_ =	shalt  }
0x5d: {  	_ =	shalt  }
0x5e: {  	_ =	shalt  }
0x5f: {  	_ =	shalt  }
0x60: {  	_ =	shalt  }
0x61: {  	_ =	shalt  }
0x62: {  	_ =	shalt  }
0x63: {  	_ =	shalt  }
0x64: {  	_ =	shalt  }
0x65: {  	_ =	shalt  }
0x66: {  	_ =	shalt  }
0x67: {  	_ =	shalt  }
0x68: {  	_ =	shalt  }
0x69: {  	_ =	shalt  }
0x6a: {  	_ =	shalt  }
0x6b: {  	_ =	shalt  }
0x6c: {  	_ =	shalt  }
0x6d: {  	_ =	shalt  }
0x6e: {  	_ =	shalt  }
0x6f: {  	_ =	shalt  }
0x70: {  	_ =	shalt  }
0x71: {  	_ =	shalt  }
0x72: {  	_ =	shalt  }
0x73: {  	_ =	shalt  }
0x74: {  	_ =	shalt  }
0x75: {  	_ =	shalt  }
0x76: {  	_ =	shalt  }
0x77: {  	_ =	shalt  }
0x78: {  	_ =	shalt  }
0x79: {  	_ =	shalt  }
0x7a: {  	_ =	shalt  }
0x7b: {  	_ =	shalt  }
0x7c: {  	_ =	shalt  }
0x7d: {  	_ =	shalt  }
0x7e: {  	_ =	shalt  }
0x7f: {  	_ =	shalt  }
0x80: {  	_ =	shalt  }
0x81: {  	_ =	shalt  }
0x82: {  	_ =	shalt  }
0x83: {  	_ =	shalt  }
0x84: {  	_ =	shalt  }
0x85: {  	_ =	shalt  }
0x86: {  	_ =	shalt  }
0x87: {  	_ =	shalt  }
.Lfunc_end0:
.L_simem_size_0:
called_computation.2_lowered:
.L_overlay_start_0:
0x88: {  	s2 =	sld [smem:$0x3FD9]  }
0x89: {  	s3 =	sld [smem:$0x3FFE];
	_ =	sdelay $0x1  }
0x8a: {  	s1 =	srdreg.scid  }
0x8b: {  	s0 =	sand.u32 $0x1, s1  }
0x8c: {  	s16 =	sshll.u32 s0, $0xA;
	s2 =	sadd.s32 s3, s2  }
0x8d: {  	s2 =	sadd.s32 s2, s16  }
0x8e: {  	[smem:$0x3FB0] =	sst s2  }
0x8f: {  	_ = 	snop  }
0x90: {  	(tm) =	ssettm $0x1  }
0x91: {  	s17 =	sld [smem:$0x3FFB];
	_ =	sdelay $0x3  }
0x92: {  	_ =	strace s17  }
0x93: {  	s2 =	sld [smem:$0x3FFC];
	_ =	sdelay $0x3  }
0x94: {  	_ =	strace s2  }
0x95: {  	s2 =	sld [smem:$0x3FFD];
	_ =	sdelay $0x3  }
0x96: {  	_ =	strace s2  }
0x97: {  	_ =	strace $0x8FFFFFFF  }
0x98: {  	s18 =	sld [smem:$0x3FDB];
	_ =	sdelay $0x1  }
0x99: {  	s19 =	simm.s32 $_scs_section_size  }
0x9a: {  	s4 =	simm.s32 $_size__tile_overlayer_lowered;
	s5 =	simm.s32 $_tile_overlayer_lowered  }
0x9b: {  	s22 =	simm.s32 $0x1BFF;
	s21 =	sshll.u32 s5, $0x1;
	s2 =	sadd.s32 s19, s18  }
0x9c: {  	s6 =	simm.s32 $0x0;
	s20 =	sshll.u32 s4, $0x1;
	s4 =	sadd.s32 s21, s2  }
0x9d: {  	[timem:s6], [sflag:s22] =	dma.local [hbm:s4], s20  }
0x9e: {  	_ =	swait.ge [sflag:s22], s20  }
0x9f: {  	s3 =	ssub.s32 $0x0, s20;
	[sflag:s22] =	ssyncset.done $0x0  }
0xa0: {  	[sflag:s22] =	ssyncadd.s32 s3;
	_ =	sdelay $0x1  }
0xa1: {  	s23 =	simm.s32 $0x1B8B  }
0xa2: {  	_ =	swait.ge [sflag:s23], $0x1  }
0xa3: {  	[sflag:s23] =	ssyncset.done $0x0  }
0xa4: {  	s25 =	simm.s32 $0x1B8E;
	s24 =	sld [smem:$0x3FFE];
	[sflag:s23] =	ssyncadd.s32 $0xFFFFFFFF  }
0xa5: {  	s26 =	simm.s32 $execute0_lowered;
	[smem:$0x3FD2] =	sst s25  }
0xa6: {  	s4 =	sshll.u32 s26, $0x1;
	_ =	strace $0x8000004C;
	[dreg:$0x1] =	wrdreg $0xFFFFFFFF  }
0xa7: {  	s28 =	simm.s32 $_size_execute0_lowered;
	s2 =	sadd.s32 s2, s4;
	[dreg:$0x0] =	wrdreg $0x0  }
0xa8: {  	s4 =	sshll.u32 s28, $0x1;
	[dreg:$0x2] =	wrdreg s2  }
0xa9: {  	[dreg:$0x3] =	wrdreg s4  }
0xaa: {  	[dreg:$0x4] =	wrdreg $0xC0  }
0xab: {  	_ =	task [dreg:s6], $0x5FFFF  }
0xac: {  	[dreg:$0x1] =	wrdreg $0xFFFFFFFF  }
0xad: {  	[dreg:$0x0] =	wrdreg $0x60  }
0xae: {  	[dreg:$0x2] =	wrdreg s24  }
0xaf: {  	[dreg:$0x3] =	wrdreg $0x79200  }
0xb0: {  	[dreg:$0x4] =	wrdreg $0x9  }
0xb1: {  	_ =	task.clear_ibuf [dreg:s6], $0x5FFFF;
	_ =	strace $0x9000004C  }
0xb2: {  	s29 =	simm.s32 $0x9;
	_ =	strace $0x8000004E  }
0xb3: {  	_ =	swait.ge [sflag:s29], $0x1  }
0xb4: {  	[sflag:s29] =	ssyncadd.s32 $0xFFFFFFFF  }
0xb5: {  	_ =	strace $0x9000004E  }
0xb6: {  	_ =	sfence  }
0xb7: {  	s30 =	sld [smem:$0x0];
	_ =	sdelay $0x2  }
0xb8: {  	s31 =	sshll.u32 s1, $0xD;
	s1 =	sshrl.u32 s1, $0x2  }
0xb9: {  	s3 =	sand.u32 $0x4000, s31;
	s1 =	sadd.s32 s1, s30  }
0xba: {  	s0 =	sor.u32 s3, s0;
	s1 =	sshll.u32 s1, $0x11  }
0xbb: {  	s0 =	sor.u32 s1, s0  }
0xbc: {  	s0 =	sadd.s32 $0x8F2B, s0  }
0xbd: {  	[sflag:s0] =	ssyncadd.remote.s32 $0x1  }
0xbe: {  	_ =	sfence.sel $0xFFFF  }
0xbf: {  	[dreg:$0x0] =	wrdreg $0xFFFFFFFF;
	(pc) =	sbr.abs _section_cstart, $3  }
0xc0: {  	[dreg:$0x1] =	wrdreg $0xFFFFFFFF  }
0xc1: {  	_ =	task.clear_ibuf [dreg:s6], $0x2FFFF;
	_ =	strace $0x9FFFFFFF  }
0xc2: {  	(tm) =	ssettm $0x7FFFFFFF  }
0xc3: {  	_ =	shalt  }
tec
execute0_lowered:
.L_overlay_start_1:
0x0: {  	(tag) =	ssettag $0x1  }
0x1: {  	s0 =	srdreg.scid;
	s7 =	rddreg [dreg:$0x0];
	s1 =	simm.s32 $0x0  }
0x2: {  	s25 =	stileid.u32;
	s6 =	sand.u32 $0x1, s0;
	[smem:$0x7FF] =	sst s1  }
0x3: {  	s8 =	sadd.s32 $0x62400, s7;
	s14 =	sor.u32 $0x20, s25;
	s9 =	smul.u32 $0x111700, s6  }
0x4: {  	s26 =	sshll.u32 s25, $0x1;
	s17 =	sor.u32 $0x50, s25;
	s3 =	smul.u32 $0x2300, s14  }
0x5: {  	s12 =	sor.u32 $0x10, s25;
	s19 =	sor.u32 $0x70, s25;
	s22 =	smul.u32 $0x2300, s17  }
0x6: {  	s15 =	sor.u32 $0x30, s25;
	s0 =	ssub.s32 $0x2, s6;
	s23 =	smul.u32 $0x2300, s19  }
0x7: {  	s11 =	sor.u32 s6, s26;
	s6 =	smul.u32 $0x4E20, s6;
	s2 =	sshrl.u32 s0, $0x1  }
0x8: {  	s16 =	sor.u32 $0x40, s25;
	s10 =	ssub.s32 s0, s2;
	s0 =	smul.u32 $0x2300, s25  }
0x9: {  	s18 =	sor.u32 $0x60, s25;
	s2 =	smul.u32 $0x2300, s12;
	s20 =	sadd.s32 s9, s3  }
0xa: {  	p0 =	sgt.u32 s19, $0x7C;
	s31 =	sadd.s32 s9, s22;
	s20 =	sshrl.u32 s20, $0x3  }
0xb: {  	s10 =	smax.u32 s10, $0x1;
	s4 =	sadd.s32 s9, s0;
	s13 =	sadd.s32 s9, s2  }
0xc: {  	s28 =	sadd.s32 s8, s20;
	s20 =	sshrl.u32 s31, $0x3;
	s31 =	smul.u32 $0x8C00, s25  }
0xd: {  	s5 =	sshrl.u32 s4, $0x3;
	s4 =	smul.u32 $0x2300, s15;
	s13 =	sshrl.u32 s13, $0x3  }
0xe: {  	[dreg:$0x5] =	wrdreg s28;
	s20 =	sadd.s32 s8, s20;
	s28 =	smul.u32 $0x4E20, s11  }
0xf: {  	s5 =	sadd.s32 s8, s5;
	s13 =	sadd.s32 s8, s13;
	[dreg:$0x8] =	wrdreg s20  }
0x10: {  	[dreg:$0x3] =	wrdreg s5;
	s21 =	sadd.s32 s9, s4;
	s5 =	smul.u32 $0x2300, s16  }
0x11: {  	s11 =	simm.s32 $0x220;
	[dreg:$0x4] =	wrdreg s13;
	s21 =	sshrl.u32 s21, $0x3  }
0x12: {  	s29 =	sadd.s32 s8, s21;
	s30 =	sadd.s32 s9, s5;
	s21 =	smul.u32 $0x2300, s18  }
0x13: {  	[dreg:$0x6] =	wrdreg s29;
	s13 =	sshrl.u32 s30, $0x3;
	s29 =	smul.u32 $0x8C00, s12  }
0x14: {  	s12 =	sadd.s32 $0x3FA00, s7;
	s13 =	sadd.s32 s8, s13;
	s24 =	sadd.s32 s9, s21  }
0x15: {  	[dreg:$0x7] =	wrdreg s13;
	s13 =	sshrl.u32 s24, $0x3;
	s24 =	smul.u32 $0x9C40, s25  }
0x16: {  	s9 =	sadd.s32 s9, s23;
	s25 =	sshrl.u32 s29, $0x2;
	s29 =	smul.u32 $0x8C00, s16  }
0x17: {  	s26 =	sshrl.u32 s9, $0x3;
	s9 =	rddreg [dreg:$0x1];
	s16 =	smul.u32 $0x8C00, s19  }
0x18: {  	s13 =	sadd.s32 s8, s13;
	s8 =	sadd.s32 s8, s26;
	s26 =	smul.u32 $0x8C00, s15  }
0x19: {  	s30 =	sshrl.u32 s28, $0x3;
	s28 =	sadd.s32 s25, s9;
	s15 =	smul.u32 $0x8C00, s18  }
0x1a: {  	s0 =	sadd.s32 s0, s9;
	s2 =	sadd.s32 s2, s9;
	s3 =	sadd.s32 s3, s9  }
0x1b: {  	s4 =	sadd.s32 s4, s9;
	s5 =	sadd.s32 s5, s9;
	[dreg:$0x9] =	wrdreg s13  }
0x1c: {  	s22 =	sadd.s32 s22, s9;
	[dreg:$0xa] =	wrdreg s8;
	s6 =	sadd.s32 s6, s24  }
0x1d: {  	s13 =	sadd.s32 $0x4E00, s7;
	s7 =	sadd.s32 $0x61E00, s7;
	s24 =	smul.u32 $0x8C00, s14  }
0x1e: {  	s8 =	sshrl.u32 s31, $0x2;
	s31 =	smul.u32 $0x8C00, s17;
	s18 =	sshrl.u32 s16, $0x2  }
0x1f: {  	s0 =	sshrl.u32 s0, $0x3;
	_ =	strace $0x8000004D;
	[dreg:$0xb] =	wrdreg s7  }
0x20: {  	s16 =	simm.s32 $0x1;
	s20 =	sadd.s32 s13, s30;
	[dreg:$0xc] =	wrdreg s10  }
0x21: {  	s8 =	sadd.s32 s8, s9;
	[dreg:$0xe] =	wrdreg s28;
	s30 =	sshrl.u32 s26, $0x2  }
0x22: {  	s19 =	sadd.s32 $0x180, s6;
	s26 =	sadd.s32 $0x100, s6;
	[dreg:$0x15] =	wrdreg s0  }
0x23: {  	s28 =	sshrl.u32 s2, $0x3;
	s0 =	sshrl.u32 s22, $0x3;
	s6 =	simm.s32 $0x80  }
0x24: {  	s10 =	simm.s32 $0x100;
	s22 =	simm.s32 $0x200;
	[dreg:$0xd] =	wrdreg s8  }
0x25: {  	s7 =	sshrl.u32 s24, $0x2;
	s14 =	sadd.s32 s30, s9;
	s8 =	sshrl.u32 s29, $0x2  }
0x26: {  	s17 =	sshrl.u32 s31, $0x2;
	s24 =	sadd.s32 s21, s9;
	[dreg:$0x16] =	wrdreg s28  }
0x27: {  	s29 =	sshrl.u32 s3, $0x3;
	s30 =	sshrl.u32 s4, $0x3;
	[dreg:$0x10] =	wrdreg s14  }
0x28: {  	s31 =	sshrl.u32 s5, $0x3;
	s4 =	sadd.s32 $0x10, s20;
	[dreg:$0x17] =	wrdreg s29  }
0x29: {  	s5 =	sadd.s32 $0x4E0, s20;
	s21 =	simm.s32 $0x10;
	[dreg:$0x18] =	wrdreg s30  }
0x2a: {  	s7 =	sadd.s32 s7, s9;
	s8 =	sadd.s32 s8, s9;
	[dreg:$0x19] =	wrdreg s31  }
0x2b: {  	s14 =	sadd.s32 s23, s9;
	s2 =	sshrl.u32 s24, $0x3;
	[dreg:$0xf] =	wrdreg s7  }
0x2c: {  	s23 =	simm.s32 $0x7220;
	s24 =	simm.s32 $0x0;
	[dreg:$0x11] =	wrdreg s8  }
0x2d: {  	s7 =	sshrl.u32 s15, $0x2;
	s8 =	sadd.s32 s17, s9;
	s3 =	sshrl.u32 @!p0 s14, $0x3  }
0x2e: {  	s14 =	simm.s32 $0x5;
	s17 =	simm.s32 $0x3;
	s15 =	simm.s32 $0x180  }
0x2f: {  	[dreg:$0x12] =	wrdreg s8;
	s7 =	sadd.s32 s7, s9;
	s8 =	smov.u32 s20  }
0x30: {  	s20 =	simm.s32 $0x4;
	[dreg:$0x13] =	wrdreg s7;
	s7 =	sadd.s32 s18, s9  }
0x31: {  	s18 =	simm.s32 $0x2;
	[dreg:$0x14] =	wrdreg s7;
	s7 =	sshrl.u32 s19, $0x3  }
0x32: {  	s19 =	simm.s32 $0x3A20;
	s25 =	sadd.s32 s7, s13;
	s7 =	simm.s32 $0x2710  }
.LBB2_1:
0x33: {  	[tilespmem:s1], [sflag:$0x1] =	stream.strided.gather [hbm4b:s8+s6], $0x100, s7, s6, $0x38;
	[tilespmem:$0x18A90] =	vst v63  }
0x34: {  	_ = 	snop  }
0x35: {  	[tilespmem:s10], [sflag:$0x2] =	stream.strided.gather [hbm4b:s4+s6], $0x100, s7, s6, $0x38;
	[tilespmem:$0x18A90] =	vst v63  }
0x36: {  	s28 =	rddreg [dreg:$0xb]  }
0x37: {  	[tilespmem:s11], [sflag:$0x5] =	stream.linear.gather [hbm4b:s28+s1], $0x2300, $0x38;
	[tilespmem:$0x18A90] =	vst v63  }
0x38: {  	_ =	swait.ge [sflag:s14], $0x2300  }
0x39: {  	[sflag:s14] =	ssyncset.done $0x0  }
0x3a: {  	s28 =	rddreg [dreg:$0xd];
	[sflag:s14] =	ssyncadd.s32 $0xFFFFDD00  }
0x3b: {  	[spmem:s28] =	stream.linear.scatter [tilespmem:s11], [sflag:$0x5], $0x2300, $0x38;
	[tilespmem:$0x18A90] =	vst v63  }
0x3c: {  	_ =	swait.ge [sflag:s14], $0x2300  }
0x3d: {  	[sflag:s14] =	ssyncset.done $0x0  }
0x3e: {  	s28 =	rddreg [dreg:$0xe];
	[sflag:s14] =	ssyncadd.s32 $0xFFFFDD00  }
0x3f: {  	[spmem:s28] =	stream.linear.scatter [tilespmem:s11], [sflag:$0x5], $0x2300, $0x38;
	[tilespmem:$0x18A90] =	vst v63  }
0x40: {  	_ =	swait.ge [sflag:s14], $0x2300  }
0x41: {  	[sflag:s14] =	ssyncset.done $0x0  }
0x42: {  	s28 =	rddreg [dreg:$0xf];
	[sflag:s14] =	ssyncadd.s32 $0xFFFFDD00  }
0x43: {  	[spmem:s28] =	stream.linear.scatter [tilespmem:s11], [sflag:$0x5], $0x2300, $0x38;
	[tilespmem:$0x18A90] =	vst v63  }
0x44: {  	_ =	swait.ge [sflag:s14], $0x2300  }
0x45: {  	[sflag:s14] =	ssyncset.done $0x0  }
0x46: {  	s28 =	rddreg [dreg:$0x10];
	[sflag:s14] =	ssyncadd.s32 $0xFFFFDD00  }
0x47: {  	[spmem:s28] =	stream.linear.scatter [tilespmem:s11], [sflag:$0x5], $0x2300, $0x38;
	[tilespmem:$0x18A90] =	vst v63  }
0x48: {  	_ =	swait.ge [sflag:s14], $0x2300  }
0x49: {  	[sflag:s14] =	ssyncset.done $0x0  }
0x4a: {  	s28 =	rddreg [dreg:$0x11];
	[sflag:s14] =	ssyncadd.s32 $0xFFFFDD00  }
0x4b: {  	[spmem:s28] =	stream.linear.scatter [tilespmem:s11], [sflag:$0x5], $0x2300, $0x38;
	[tilespmem:$0x18A90] =	vst v63  }
0x4c: {  	_ =	swait.ge [sflag:s14], $0x2300  }
0x4d: {  	[sflag:s14] =	ssyncset.done $0x0  }
0x4e: {  	s28 =	rddreg [dreg:$0x12];
	[sflag:s14] =	ssyncadd.s32 $0xFFFFDD00  }
0x4f: {  	[spmem:s28] =	stream.linear.scatter [tilespmem:s11], [sflag:$0x5], $0x2300, $0x38;
	[tilespmem:$0x18A90] =	vst v63  }
0x50: {  	_ =	swait.ge [sflag:s14], $0x2300  }
0x51: {  	[sflag:s14] =	ssyncset.done $0x0  }
0x52: {  	s28 =	rddreg [dreg:$0x13];
	[sflag:s14] =	ssyncadd.s32 $0xFFFFDD00  }
0x53: {  	[spmem:s28] =	stream.linear.scatter [tilespmem:s11], [sflag:$0x5], $0x2300, $0x38;
	[tilespmem:$0x18A90] =	vst v63  }
0x54: {  	_ =	swait.ge [sflag:s14], $0x2300  }
0x55: {  	[sflag:s14] =	ssyncset.done $0x0  }
0x56: {  	s28 =	simm.s32 @!p0 $0x220;
	s29 =	rddreg [dreg:$0x14];
	[sflag:s14] =	ssyncadd.s32 $0xFFFFDD00  }
0x57: {  	[spmem:s29] =	stream.linear.scatter @!p0 [tilespmem:s28], [sflag:$0x5], $0x2300, $0x38;
	[tilespmem:$0x18A90] =	vst v63  }
0x58: {  	s28 =	simm.s32 @!p0 $0x5  }
0x59: {  	_ =	swait.ge @!p0 [sflag:s28], $0x2300  }
0x5a: {  	[sflag:s28] =	ssyncset.done @!p0 $0x0  }
0x5b: {  	[sflag:s28] =	ssyncadd.s32 @!p0 $0xFFFFDD00  }
0x5c: {  	[bflag:$0x0] =	sbarrier.arrive $0xFFFF  }
0x5d: {  	_ =	swait.ge [sflag:s16], $0x100  }
0x5e: {  	[sflag:s16] =	ssyncset.done $0x0  }
0x5f: {  	[sflag:s16] =	ssyncadd.s32 $0xFFFFFF00  }
0x60: {  	[tilespmem:s11], [sflag:$0x3] =	stream.indirect.gather [hbm4b:s12+s6], $0x70, s1, s6, $0xb8;
	[tilespmem:$0x18A90] =	vst v63  }
0x61: {  	_ =	swait.ge [sflag:s17], $0x3800  }
0x62: {  	[sflag:s17] =	ssyncset.done $0x0  }
0x63: {  	[sflag:s17] =	ssyncadd.s32 $0xFFFFC800  }
0x64: {  	_ =	swait.ge [sflag:s18], $0x100  }
0x65: {  	[sflag:s18] =	ssyncset.done $0x0  }
0x66: {  	[sflag:s18] =	ssyncadd.s32 $0xFFFFFF00  }
0x67: {  	[tilespmem:s19], [sflag:$0x4] =	stream.indirect.gather [hbm4b:s12+s6], $0x70, s10, s6, $0xb8;
	[tilespmem:$0x18A90] =	vst v63  }
0x68: {  	_ = 	snop  }
0x69: {  	[spmem:s9] =	stream.indirect.scatter.add.f32 [tilespmem:s11], [sflag:$0x5], $0x70, s6, s6, $0xb8;
	[tilespmem:$0x18A90] =	vst v63  }
0x6a: {  	_ =	swait.ge [sflag:s14], $0x3800  }
0x6b: {  	s28 =	sshrl.u32 s26, $0x3;
	[sflag:s14] =	ssyncset.done $0x0  }
0x6c: {  	s28 =	sadd.s32 s13, s28;
	[sflag:s14] =	ssyncadd.s32 $0xFFFFC800  }
0x6d: {  	[tilespmem:s1], [sflag:$0x1] =	stream.strided.gather [hbm4b:s28+s6], $0x100, s7, s6, $0x38;
	[tilespmem:$0x18A90] =	vst v63  }
0x6e: {  	_ =	swait.ge [sflag:s20], $0x3800  }
0x6f: {  	[sflag:s20] =	ssyncset.done $0x0  }
0x70: {  	[sflag:s20] =	ssyncadd.s32 $0xFFFFC800  }
0x71: {  	_ =	swait.ge [sflag:s16], $0x100  }
0x72: {  	[sflag:s16] =	ssyncset.done $0x0  }
0x73: {  	[sflag:s16] =	ssyncadd.s32 $0xFFFFFF00  }
0x74: {  	[tilespmem:s11], [sflag:$0x3] =	stream.indirect.gather [hbm4b:s12+s6], $0x70, s1, s6, $0xb8;
	[tilespmem:$0x18A90] =	vst v63  }
0x75: {  	_ = 	snop  }
0x76: {  	[spmem:s9] =	stream.indirect.scatter.add.f32 [tilespmem:s19], [sflag:$0x5], $0x70, s15, s6, $0xb8;
	[tilespmem:$0x18A90] =	vst v63  }
0x77: {  	_ =	swait.ge [sflag:s14], $0x3800  }
0x78: {  	s30 =	sadd.s32 $0x0, s25;
	[sflag:s14] =	ssyncset.done $0x0  }
0x79: {  	s29 =	sadd.s32 $0x100, s26;
	s28 =	simm.s32 $0x20;
	[sflag:s14] =	ssyncadd.s32 $0xFFFFC800  }
.LBB2_2:
0x7a: {  	[tilespmem:s10], [sflag:$0x2] =	stream.strided.gather [hbm4b:s30+s6], $0x100, s7, s6, $0x38;
	[tilespmem:$0x18A90] =	vst v63  }
0x7b: {  	s30 =	smov.u32 s28  }
0x7c: {  	p1 =	sne.s32 s28, $0x4A0;
	s28 =	sadd.s32 $0x20, s28;
	_ =	swait.ge [sflag:s17], $0x3800  }
0x7d: {  	[sflag:s17] =	ssyncset.done $0x0  }
0x7e: {  	[sflag:s17] =	ssyncadd.s32 $0xFFFFC800  }
0x7f: {  	_ =	swait.ge [sflag:s18], $0x100  }
0x80: {  	[sflag:s18] =	ssyncset.done $0x0  }
0x81: {  	[sflag:s18] =	ssyncadd.s32 $0xFFFFFF00  }
0x82: {  	[tilespmem:s19], [sflag:$0x4] =	stream.indirect.gather [hbm4b:s12+s6], $0x70, s10, s6, $0xb8;
	[tilespmem:$0x18A90] =	vst v63  }
0x83: {  	_ = 	snop  }
0x84: {  	[spmem:s9] =	stream.indirect.scatter.add.f32 [tilespmem:s11], [sflag:$0x5], $0x70, s6, s6, $0xb8;
	[tilespmem:$0x18A90] =	vst v63  }
0x85: {  	_ =	swait.ge [sflag:s14], $0x3800  }
0x86: {  	s31 =	sshrl.u32 s29, $0x3;
	[sflag:s14] =	ssyncset.done $0x0  }
0x87: {  	s31 =	sadd.s32 s13, s31;
	[sflag:s14] =	ssyncadd.s32 $0xFFFFC800  }
0x88: {  	[tilespmem:s1], [sflag:$0x1] =	stream.strided.gather [hbm4b:s31+s6], $0x100, s7, s6, $0x38;
	[tilespmem:$0x18A90] =	vst v63  }
0x89: {  	_ =	swait.ge [sflag:s20], $0x3800  }
0x8a: {  	[sflag:s20] =	ssyncset.done $0x0  }
0x8b: {  	[sflag:s20] =	ssyncadd.s32 $0xFFFFC800  }
0x8c: {  	_ =	swait.ge [sflag:s16], $0x100  }
0x8d: {  	[sflag:s16] =	ssyncset.done $0x0  }
0x8e: {  	[sflag:s16] =	ssyncadd.s32 $0xFFFFFF00  }
0x8f: {  	[tilespmem:s11], [sflag:$0x3] =	stream.indirect.gather [hbm4b:s12+s6], $0x70, s1, s6, $0xb8;
	[tilespmem:$0x18A90] =	vst v63  }
.Ltmp0:
0x90: {  	(pc) =	sbr.rel @p1 .LBB2_2-.Ltmp0, $4  }
0x91: {  	[spmem:s9] =	stream.indirect.scatter.add.f32 [tilespmem:s19], [sflag:$0x5], $0x70, s15, s6, $0xb8;
	[tilespmem:$0x18A90] =	vst v63  }
0x92: {  	_ =	swait.ge [sflag:s14], $0x3800  }
0x93: {  	[sflag:s14] =	ssyncset.done $0x0  }
0x94: {  	s29 =	sadd.s32 $0x100, s29;
	s30 =	sadd.s32 s30, s25;
	[sflag:s14] =	ssyncadd.s32 $0xFFFFC800  }
0x95: {  	[tilespmem:s10], [sflag:$0x2] =	stream.strided.gather [hbm4b:s30+s6], $0x100, s7, s6, $0x38;
	[tilespmem:$0x18A90] =	vst v63  }
0x96: {  	_ =	swait.ge [sflag:s17], $0x3800  }
0x97: {  	[sflag:s17] =	ssyncset.done $0x0  }
0x98: {  	[sflag:s17] =	ssyncadd.s32 $0xFFFFC800  }
0x99: {  	_ =	swait.ge [sflag:s18], $0x100  }
0x9a: {  	[sflag:s18] =	ssyncset.done $0x0  }
0x9b: {  	[sflag:s18] =	ssyncadd.s32 $0xFFFFFF00  }
0x9c: {  	[tilespmem:s19], [sflag:$0x4] =	stream.indirect.gather [hbm4b:s12+s6], $0x70, s10, s6, $0xb8;
	[tilespmem:$0x18A90] =	vst v63  }
0x9d: {  	_ = 	snop  }
0x9e: {  	[spmem:s9] =	stream.indirect.scatter.add.f32 [tilespmem:s11], [sflag:$0x5], $0x70, s6, s6, $0xb8;
	[tilespmem:$0x18A90] =	vst v63  }
0x9f: {  	_ =	swait.ge [sflag:s14], $0x3800  }
0xa0: {  	[sflag:s14] =	ssyncset.done $0x0  }
0xa1: {  	[sflag:s14] =	ssyncadd.s32 $0xFFFFC800  }
0xa2: {  	[tilespmem:s22], [sflag:$0x5] =	stream.strided.gather [hbm4b:s5+s21], $0x20, s7, s21, $0x38;
	[tilespmem:$0x18A90] =	vst v63  }
0xa3: {  	_ =	swait.ge [sflag:s14], $0x20  }
0xa4: {  	[sflag:s14] =	ssyncset.done $0x0  }
0xa5: {  	[sflag:s14] =	ssyncadd.s32 $0xFFFFFFE0  }
0xa6: {  	_ =	swait.ge [sflag:s20], $0x3800  }
0xa7: {  	[sflag:s20] =	ssyncset.done $0x0  }
0xa8: {  	[sflag:s20] =	ssyncadd.s32 $0xFFFFC800  }
0xa9: {  	[tilespmem:s23], [sflag:$0x3] =	stream.indirect.gather [hbm4b:s12+s21], $0x70, s22, s21, $0xb8;
	[tilespmem:$0x18A90] =	vst v63  }
0xaa: {  	_ = 	snop  }
0xab: {  	[spmem:s9] =	stream.indirect.scatter.add.f32 [tilespmem:s19], [sflag:$0x5], $0x70, s15, s6, $0xb8;
	[tilespmem:$0x18A90] =	vst v63  }
0xac: {  	_ =	swait.ge [sflag:s14], $0x3800  }
0xad: {  	[sflag:s14] =	ssyncset.done $0x0  }
0xae: {  	[sflag:s14] =	ssyncadd.s32 $0xFFFFC800  }
0xaf: {  	_ =	swait.ge [sflag:s17], $0x700  }
0xb0: {  	[sflag:s17] =	ssyncset.done $0x0  }
0xb1: {  	s28 =	simm.s32 $0x210;
	[sflag:s17] =	ssyncadd.s32 $0xFFFFF900  }
0xb2: {  	[spmem:s9] =	stream.indirect.scatter.add.f32 [tilespmem:s23], [sflag:$0x5], $0x70, s28, s21, $0xb8;
	[tilespmem:$0x18A90] =	vst v63  }
0xb3: {  	_ =	swait.ge [sflag:s14], $0x700  }
0xb4: {  	[sflag:s14] =	ssyncset.done $0x0  }
0xb5: {  	[sflag:s14] =	ssyncadd.s32 $0xFFFFF900  }
0xb6: {  	s30 =	stileid.u32;
	[bflag:$0x0] =	sbarrier.arrive $0xFFFF  }
0xb7: {  	s28 =	sshll.u32 s30, $0x6;
	s29 =	rddreg [dreg:$0x3]  }
0xb8: {  	s28 =	sor.u32 $0x1C05, s28;
	s31 =	rddreg [dreg:$0x15]  }
0xb9: {  	[hbm:s29], [sflag:s28] =	dma.local [spmem:s31], $0x460  }
0xba: {  	_ =	swait.ge [sflag:s14], $0x460  }
0xbb: {  	[sflag:s14] =	ssyncset.done $0x0;
	s29 =	rddreg [dreg:$0x4]  }
0xbc: {  	s31 =	rddreg [dreg:$0x16];
	[sflag:s14] =	ssyncadd.s32 $0xFFFFFBA0  }
0xbd: {  	[hbm:s29], [sflag:s28] =	dma.local [spmem:s31], $0x460  }
0xbe: {  	_ =	swait.ge [sflag:s14], $0x460  }
0xbf: {  	[sflag:s14] =	ssyncset.done $0x0;
	s29 =	rddreg [dreg:$0x5]  }
0xc0: {  	s31 =	rddreg [dreg:$0x17];
	[sflag:s14] =	ssyncadd.s32 $0xFFFFFBA0  }
0xc1: {  	[hbm:s29], [sflag:s28] =	dma.local [spmem:s31], $0x460  }
0xc2: {  	_ =	swait.ge [sflag:s14], $0x460  }
0xc3: {  	[sflag:s14] =	ssyncset.done $0x0;
	s29 =	rddreg [dreg:$0x6]  }
0xc4: {  	s31 =	rddreg [dreg:$0x18];
	[sflag:s14] =	ssyncadd.s32 $0xFFFFFBA0  }
0xc5: {  	[hbm:s29], [sflag:s28] =	dma.local [spmem:s31], $0x460  }
0xc6: {  	_ =	swait.ge [sflag:s14], $0x460  }
0xc7: {  	[sflag:s14] =	ssyncset.done $0x0;
	s29 =	rddreg [dreg:$0x7]  }
0xc8: {  	s31 =	rddreg [dreg:$0x19];
	[sflag:s14] =	ssyncadd.s32 $0xFFFFFBA0  }
0xc9: {  	[hbm:s29], [sflag:s28] =	dma.local [spmem:s31], $0x460  }
0xca: {  	_ =	swait.ge [sflag:s14], $0x460  }
0xcb: {  	[sflag:s14] =	ssyncset.done $0x0  }
0xcc: {  	s31 =	rddreg [dreg:$0x8];
	[sflag:s14] =	ssyncadd.s32 $0xFFFFFBA0  }
0xcd: {  	[hbm:s31], [sflag:s28] =	dma.local [spmem:s0], $0x460  }
0xce: {  	_ =	swait.ge [sflag:s14], $0x460  }
0xcf: {  	[sflag:s14] =	ssyncset.done $0x0  }
0xd0: {  	s30 =	rddreg [dreg:$0x9];
	[sflag:s14] =	ssyncadd.s32 $0xFFFFFBA0  }
0xd1: {  	[hbm:s30], [sflag:s28] =	dma.local [spmem:s2], $0x460  }
0xd2: {  	_ =	swait.ge [sflag:s14], $0x460  }
0xd3: {  	[sflag:s14] =	ssyncset.done $0x0  }
0xd4: {  	s29 =	rddreg [dreg:$0xa];
	[sflag:s14] =	ssyncadd.s32 $0xFFFFFBA0  }
0xd5: {  	[hbm:s29], [sflag:s28] =	dma.local @!p0 [spmem:s3], $0x460  }
0xd6: {  	s28 =	simm.s32 @!p0 $0x5  }
0xd7: {  	_ =	swait.ge @!p0 [sflag:s28], $0x460  }
0xd8: {  	s24 =	sadd.s32 $0x1, s24;
	s31 =	rddreg [dreg:$0xc]  }
0xd9: {  	p1 =	sne.s32 s24, s31  }
.Ltmp1:
0xda: {  	_ = 	snop;
	(pc) =	sbr.rel @p1 .LBB2_1-.Ltmp1, $3  }
0xdb: {  	_ =	sdelay $0x1  }
0xdc: {  	[sflag:s28] =	ssyncset.done @!p0 $0x0  }
0xdd: {  	[sflag:s28] =	ssyncadd.s32 @!p0 $0xFFFFFBA0  }
0xde: {  	_ =	sfence.sel $0x180000  }
0xdf: {  	[bflag:$0x0] =	sbarrier.arrive $0xFFFF  }
0xe0: {  	_ =	strace $0x9000004D  }
0xe1: {  	s0 =	stileid.u32;
	[bflag:$0x2] =	sbarrier.arrive $0xFFFF  }
0xe2: {  	p0 =	sne.s32 s0, $0x0;
	s0 =	rddreg [dreg:$0x2]  }
0xe3: {  	s0 =	sadd.s32 @!p0 $0x100000, s0  }
0xe4: {  	[sflag:s0] =	ssyncadd.tile.s32 @!p0 $0x1;
	_ =	shalt  }
.Lfunc_end2:
_tile_overlayer_lowered:
.L_overlay_start_2:
0xe5: {  	(tag) =	ssettag $0x2  }
0xe6: {  	s0 =	rddreg [dreg:$0x0];
	s2 =	stileid.u32  }
0xe7: {  	s1 =	rddreg [dreg:$0x1];
	p0 =	sne.s32 s2, $0x0  }
0xe8: {  	s3 =	rddreg [dreg:$0x2];
	[bflag:$0x3] =	sbarrier.arrive $0xFFFF;
	s2 =	simm.s32 @!p0 $0x1C05  }
0xe9: {  	[timem:s3], [sflag:s2] =	dma.local @!p0 [hbm:s0], s1  }
0xea: {  	s0 =	simm.s32 @!p0 $0x5  }
0xeb: {  	_ =	swait.ge @!p0 [sflag:s0], s1  }
0xec: {  	s1 =	ssub.s32 @!p0 $0x0, s1;
	[sflag:s0] =	ssyncset.done @!p0 $0x0  }
0xed: {  	[sflag:s0] =	ssyncadd.s32 @!p0 s1  }
0xee: {  	[bflag:$0x3] =	sbarrier.arrive $0xFFFF  }
0xef: {  	_ =	shalt  }

// kernel: kernel.21.cloned.1.call-start
scs
__scs_entry_jumppad:
0x0: {  	(pc) =	sbr.rel $0x88, $3  }
0x1: {  	(tag) =	ssettag $0x0;
	lr =	simm.s32 $0x1  }
0x2: {  	[smem:$0x3F89] =	sst lr;
	_ =	strace $0xD0000000  }
0x3: {  	_ = 	snop  }
0x4: {  	_ = 	snop  }
0x5: {  	_ = 	snop  }
0x6: {  	_ = 	snop  }
0x7: {  	_ = 	snop  }
__scs_overlays_trampoline_lowered:
0x8: {  	[smem:$0x3F98] =	sst s0  }
0x9: {  	[smem:$0x3F99] =	sst s1  }
0xa: {  	[smem:$0x3F9A] =	sst s2  }
0xb: {  	[smem:$0x3F9B] =	sst s3  }
0xc: {  	[smem:$0x3F9C] =	sst s4  }
0xd: {  	[smem:$0x3F9D] =	sst s5  }
0xe: {  	[smem:$0x3F9E] =	sst s6  }
0xf: {  	[smem:$0x3F9F] =	sst s7  }
0x10: {  	[smem:$0x3FA0] =	sst s8  }
0x11: {  	[smem:$0x3FA1] =	sst s9;
	s0 =	simm.s32 @!p0 $0x0  }
0x12: {  	s1 =	sld [smem:$0x3F87];
	s0 =	simm.s32 @p0 $0x1  }
0x13: {  	[smem:$0x3FA2] =	sst s0;
	s0 =	simm.s32 @!p1 $0x0  }
0x14: {  	s2 =	sld [smem:$0x3F86];
	s0 =	simm.s32 @p1 $0x1  }
0x15: {  	[smem:$0x3FA3] =	sst s0;
	s0 =	simm.s32 @!p2 $0x0  }
0x16: {  	s3 =	sld [smem:$0x3FDB];
	s0 =	simm.s32 @p2 $0x1  }
0x17: {  	s4 =	simm.s32 $0x1BF5;
	[smem:$0x3FA5] =	sst s0  }
0x18: {  	s0 =	sld [smem:$0x3F88];
	_ =	swait.ge [sflag:s4], $0x0  }
0x19: {  	s7 =	sld [smem:$0x3F89]  }
0x1a: {  	s8 =	sadd.s32 $0xFFFFE003, lr  }
0x1b: {  	s9 =	sadd.s32 $0xFFFFFEF7, lr;
	s5 =	simm.s32 $0xFFFFFFFF;
	p2 =	slt.u32 s8, $0xFFFFF086  }
0x1c: {  	p1 =	slt.u32 s9, $0xF7A;
	s5 =	simm.s32 @!p2 $0x0  }
0x1d: {  	s5 =	simm.s32 @p1 $0x1;
	p0 =	seq.s32 s7, s2  }
0x1e: {  	s7 =	smul.u32 @!p0 $0xF7A, s2;
	p2 =	seq.s32 @!p0 s5, $0x0  }
0x1f: {  	s9 =	smul.u32 $0xF7A, s1;
	s8 =	simm.s32 @!p0 $0x1BF5;
	p2 =	por !p2, p0  }
0x20: {  	[sflag:s8] =	ssyncset.s32 @!p0 $0xFFFFF086;
	s6 =	sadd.s32 @!p0 s3, s7;
	s7 =	simm.s32 @!p0 $0x108  }
0x21: {  	s3 =	sadd.s32 s3, s9;
	s6 =	sadd.s32 @!p0 $0x88, s6;
	s7 =	simm.s32 @p2 $0x1082  }
0x22: {  	[simem:s7], [sflag:s8] =	dma.local @!p0 [hbm:s6], $0xF7A  }
0x23: {  	s9 =	sor.u32 $0xD0000000, s2;
	s6 =	simm.s32 $0x108;
	_ =	swait.ge @!p0 [sflag:s8], $0x0  }
0x24: {  	s3 =	sadd.s32 $0x88, s3;
	s6 =	simm.s32 @!p1 $0x1082;
	[sflag:s4] =	ssyncset.s32 $0xFFFFF086  }
0x25: {  	[simem:s6], [sflag:s4] =	dma.local [hbm:s3], $0xF7A  }
0x26: {  	[smem:$0x3F89] =	sst s1;
	(tag) =	ssettag s2;
	_ =	strace s9  }
0x27: {  	s1 =	sld [smem:$0x3F99]  }
0x28: {  	s2 =	sld [smem:$0x3F9A]  }
0x29: {  	s4 =	sld [smem:$0x3F9C]  }
0x2a: {  	p0 =	seq.s32 s5, $0x0;
	s5 =	sld [smem:$0x3F9D]  }
0x2b: {  	s6 =	sld [smem:$0x3F9E]  }
0x2c: {  	s7 =	sld [smem:$0x3F9F]  }
0x2d: {  	s3 =	simm.s32 $0x108;
	s8 =	sld [smem:$0x3FA0]  }
0x2e: {  	s3 =	simm.s32 @!p0 $0x1082;
	s9 =	sld [smem:$0x3FA1]  }
0x2f: {  	lr =	sadd.s32 s0, s3;
	s0 =	sld [smem:$0x3F98]  }
0x30: {  	s3 =	sld [smem:$0x3F9B]  }
0x31: {  	[smem:$0x3FA4] =	sst s10  }
0x32: {  	s10 =	sld [smem:$0x3FA2];
	_ =	sdelay $0x3  }
0x33: {  	p0 =	seq.s32 s10, $0x1;
	s10 =	sld [smem:$0x3FA4];
	_ =	sdelay $0x3  }
0x34: {  	[smem:$0x3FA4] =	sst s10  }
0x35: {  	s10 =	sld [smem:$0x3FA3];
	_ =	sdelay $0x3  }
0x36: {  	p1 =	seq.s32 s10, $0x1;
	s10 =	sld [smem:$0x3FA4];
	_ =	sdelay $0x3  }
0x37: {  	[smem:$0x3FA4] =	sst s10  }
0x38: {  	s10 =	sld [smem:$0x3FA5]  }
0x39: {  	_ = 	snop;
	(pc) =	sbr.ind lr, $3  }
0x3a: {  	_ = 	snop  }
0x3b: {  	_ = 	snop  }
0x3c: {  	p2 =	seq.s32 s10, $0x1;
	s10 =	sld [smem:$0x3FA4]  }
0x3d: {  	_ =	shalt  }
0x3e: {  	_ =	shalt  }
0x3f: {  	_ =	shalt  }
0x40: {  	_ =	shalt  }
0x41: {  	_ =	shalt  }
0x42: {  	_ =	shalt  }
0x43: {  	_ =	shalt  }
0x44: {  	_ =	shalt  }
0x45: {  	_ =	shalt  }
0x46: {  	_ =	shalt  }
0x47: {  	_ =	shalt  }
0x48: {  	_ =	shalt  }
0x49: {  	_ =	shalt  }
0x4a: {  	_ =	shalt  }
0x4b: {  	_ =	shalt  }
0x4c: {  	_ =	shalt  }
0x4d: {  	_ =	shalt  }
0x4e: {  	_ =	shalt  }
0x4f: {  	_ =	shalt  }
0x50: {  	_ =	shalt  }
0x51: {  	_ =	shalt  }
0x52: {  	_ =	shalt  }
0x53: {  	_ =	shalt  }
0x54: {  	_ =	shalt  }
0x55: {  	_ =	shalt  }
0x56: {  	_ =	shalt  }
0x57: {  	_ =	shalt  }
0x58: {  	_ =	shalt  }
0x59: {  	_ =	shalt  }
0x5a: {  	_ =	shalt  }
0x5b: {  	_ =	shalt  }
0x5c: {  	_ =	shalt  }
0x5d: {  	_ =	shalt  }
0x5e: {  	_ =	shalt  }
0x5f: {  	_ =	shalt  }
0x60: {  	_ =	shalt  }
0x61: {  	_ =	shalt  }
0x62: {  	_ =	shalt  }
0x63: {  	_ =	shalt  }
0x64: {  	_ =	shalt  }
0x65: {  	_ =	shalt  }
0x66: {  	_ =	shalt  }
0x67: {  	_ =	shalt  }
0x68: {  	_ =	shalt  }
0x69: {  	_ =	shalt  }
0x6a: {  	_ =	shalt  }
0x6b: {  	_ =	shalt  }
0x6c: {  	_ =	shalt  }
0x6d: {  	_ =	shalt  }
0x6e: {  	_ =	shalt  }
0x6f: {  	_ =	shalt  }
0x70: {  	_ =	shalt  }
0x71: {  	_ =	shalt  }
0x72: {  	_ =	shalt  }
0x73: {  	_ =	shalt  }
0x74: {  	_ =	shalt  }
0x75: {  	_ =	shalt  }
0x76: {  	_ =	shalt  }
0x77: {  	_ =	shalt  }
0x78: {  	_ =	shalt  }
0x79: {  	_ =	shalt  }
0x7a: {  	_ =	shalt  }
0x7b: {  	_ =	shalt  }
0x7c: {  	_ =	shalt  }
0x7d: {  	_ =	shalt  }
0x7e: {  	_ =	shalt  }
0x7f: {  	_ =	shalt  }
0x80: {  	_ =	shalt  }
0x81: {  	_ =	shalt  }
0x82: {  	_ =	shalt  }
0x83: {  	_ =	shalt  }
0x84: {  	_ =	shalt  }
0x85: {  	_ =	shalt  }
0x86: {  	_ =	shalt  }
0x87: {  	_ =	shalt  }
.Lfunc_end0:
.L_simem_size_0:
called_computation.3_lowered:
.L_overlay_start_0:
0x88: {  	s2 =	sld [smem:$0x3FD9]  }
0x89: {  	s3 =	sld [smem:$0x3FFE];
	_ =	sdelay $0x1  }
0x8a: {  	s1 =	srdreg.scid  }
0x8b: {  	s0 =	sand.u32 $0x1, s1  }
0x8c: {  	s16 =	sshll.u32 s0, $0xA;
	s2 =	sadd.s32 s3, s2  }
0x8d: {  	s2 =	sadd.s32 s2, s16  }
0x8e: {  	[smem:$0x3FB0] =	sst s2  }
0x8f: {  	_ = 	snop  }
0x90: {  	(tm) =	ssettm $0x1  }
0x91: {  	s17 =	sld [smem:$0x3FFB];
	_ =	sdelay $0x3  }
0x92: {  	_ =	strace s17  }
0x93: {  	s2 =	sld [smem:$0x3FFC];
	_ =	sdelay $0x3  }
0x94: {  	_ =	strace s2  }
0x95: {  	s2 =	sld [smem:$0x3FFD];
	_ =	sdelay $0x3  }
0x96: {  	_ =	strace s2  }
0x97: {  	_ =	strace $0x8FFFFFFF  }
0x98: {  	s18 =	sld [smem:$0x3FDB];
	_ =	sdelay $0x1  }
0x99: {  	s19 =	simm.s32 $_scs_section_size  }
0x9a: {  	s4 =	simm.s32 $_size__tile_overlayer_lowered;
	s5 =	simm.s32 $_tile_overlayer_lowered  }
0x9b: {  	s22 =	simm.s32 $0x1BFF;
	s21 =	sshll.u32 s5, $0x1;
	s2 =	sadd.s32 s19, s18  }
0x9c: {  	s6 =	simm.s32 $0x0;
	s20 =	sshll.u32 s4, $0x1;
	s4 =	sadd.s32 s21, s2  }
0x9d: {  	[timem:s6], [sflag:s22] =	dma.local [hbm:s4], s20  }
0x9e: {  	_ =	swait.ge [sflag:s22], s20  }
0x9f: {  	s3 =	ssub.s32 $0x0, s20;
	[sflag:s22] =	ssyncset.done $0x0  }
0xa0: {  	[sflag:s22] =	ssyncadd.s32 s3;
	_ =	sdelay $0x1  }
0xa1: {  	s23 =	simm.s32 $0x1B8B  }
0xa2: {  	_ =	swait.ge [sflag:s23], $0x1  }
0xa3: {  	[sflag:s23] =	ssyncset.done $0x0  }
0xa4: {  	s25 =	simm.s32 $0x1B8E;
	s24 =	sld [smem:$0x3FFE];
	[sflag:s23] =	ssyncadd.s32 $0xFFFFFFFF  }
0xa5: {  	s26 =	simm.s32 $execute0_lowered;
	[smem:$0x3FD2] =	sst s25  }
0xa6: {  	s4 =	sshll.u32 s26, $0x1;
	_ =	strace $0x8000004F;
	[dreg:$0x1] =	wrdreg $0xFFFFFFFF  }
0xa7: {  	s28 =	simm.s32 $_size_execute0_lowered;
	s2 =	sadd.s32 s2, s4;
	[dreg:$0x0] =	wrdreg $0x0  }
0xa8: {  	s4 =	sshll.u32 s28, $0x1;
	[dreg:$0x2] =	wrdreg s2  }
0xa9: {  	[dreg:$0x3] =	wrdreg s4  }
0xaa: {  	[dreg:$0x4] =	wrdreg $0xC0  }
0xab: {  	_ =	task [dreg:s6], $0x5FFFF  }
0xac: {  	[dreg:$0x1] =	wrdreg $0xFFFFFFFF  }
0xad: {  	[dreg:$0x0] =	wrdreg $0x60  }
0xae: {  	[dreg:$0x2] =	wrdreg s24  }
0xaf: {  	[dreg:$0x3] =	wrdreg $0x9B200  }
0xb0: {  	[dreg:$0x4] =	wrdreg $0x9  }
0xb1: {  	_ =	task.clear_ibuf [dreg:s6], $0x5FFFF;
	_ =	strace $0x9000004F  }
0xb2: {  	s29 =	simm.s32 $0x9;
	_ =	strace $0x80000051  }
0xb3: {  	_ =	swait.ge [sflag:s29], $0x1  }
0xb4: {  	[sflag:s29] =	ssyncadd.s32 $0xFFFFFFFF  }
0xb5: {  	_ =	strace $0x90000051  }
0xb6: {  	_ =	sfence  }
0xb7: {  	s30 =	sld [smem:$0x0];
	_ =	sdelay $0x2  }
0xb8: {  	s31 =	sshll.u32 s1, $0xD;
	s1 =	sshrl.u32 s1, $0x2  }
0xb9: {  	s3 =	sand.u32 $0x4000, s31;
	s1 =	sadd.s32 s1, s30  }
0xba: {  	s0 =	sor.u32 s3, s0;
	s1 =	sshll.u32 s1, $0x11  }
0xbb: {  	s0 =	sor.u32 s1, s0  }
0xbc: {  	s0 =	sadd.s32 $0x8F2B, s0  }
0xbd: {  	[sflag:s0] =	ssyncadd.remote.s32 $0x1  }
0xbe: {  	_ =	sfence.sel $0xFFFF  }
0xbf: {  	[dreg:$0x0] =	wrdreg $0xFFFFFFFF;
	(pc) =	sbr.abs _section_cstart, $3  }
0xc0: {  	[dreg:$0x1] =	wrdreg $0xFFFFFFFF  }
0xc1: {  	_ =	task.clear_ibuf [dreg:s6], $0x2FFFF;
	_ =	strace $0x9FFFFFFF  }
0xc2: {  	(tm) =	ssettm $0x7FFFFFFF  }
0xc3: {  	_ =	shalt  }
tec
execute0_lowered:
.L_overlay_start_1:
0x0: {  	(tag) =	ssettag $0x1  }
0x1: {  	s0 =	srdreg.scid;
	s7 =	rddreg [dreg:$0x0];
	s1 =	simm.s32 $0x0  }
0x2: {  	s25 =	stileid.u32;
	s6 =	sand.u32 $0x1, s0;
	[smem:$0x7FF] =	sst s1  }
0x3: {  	s8 =	sadd.s32 $0xBA200, s7;
	s14 =	sor.u32 $0x20, s25;
	s9 =	smul.u32 $0x15F900, s6  }
0x4: {  	s26 =	sshll.u32 s25, $0x1;
	s17 =	sor.u32 $0x50, s25;
	s3 =	smul.u32 $0x2D00, s14  }
0x5: {  	s12 =	sor.u32 $0x10, s25;
	s19 =	sor.u32 $0x70, s25;
	s22 =	smul.u32 $0x2D00, s17  }
0x6: {  	s15 =	sor.u32 $0x30, s25;
	s0 =	ssub.s32 $0x2, s6;
	s23 =	smul.u32 $0x2D00, s19  }
0x7: {  	s11 =	sor.u32 s6, s26;
	s6 =	smul.u32 $0x4E20, s6;
	s2 =	sshrl.u32 s0, $0x1  }
0x8: {  	s16 =	sor.u32 $0x40, s25;
	s10 =	ssub.s32 s0, s2;
	s0 =	smul.u32 $0x2D00, s25  }
0x9: {  	s18 =	sor.u32 $0x60, s25;
	s2 =	smul.u32 $0x2D00, s12;
	s20 =	sadd.s32 s9, s3  }
0xa: {  	p0 =	sgt.u32 s19, $0x7C;
	s31 =	sadd.s32 s9, s22;
	s20 =	sshrl.u32 s20, $0x3  }
0xb: {  	s10 =	smax.u32 s10, $0x1;
	s4 =	sadd.s32 s9, s0;
	s13 =	sadd.s32 s9, s2  }
0xc: {  	s28 =	sadd.s32 s8, s20;
	s20 =	sshrl.u32 s31, $0x3;
	s31 =	smul.u32 $0xB400, s25  }
0xd: {  	s5 =	sshrl.u32 s4, $0x3;
	s4 =	smul.u32 $0x2D00, s15;
	s13 =	sshrl.u32 s13, $0x3  }
0xe: {  	[dreg:$0x5] =	wrdreg s28;
	s20 =	sadd.s32 s8, s20;
	s28 =	smul.u32 $0x4E20, s11  }
0xf: {  	s5 =	sadd.s32 s8, s5;
	s13 =	sadd.s32 s8, s13;
	[dreg:$0x8] =	wrdreg s20  }
0x10: {  	[dreg:$0x3] =	wrdreg s5;
	s21 =	sadd.s32 s9, s4;
	s5 =	smul.u32 $0x2D00, s16  }
0x11: {  	s11 =	simm.s32 $0x220;
	[dreg:$0x4] =	wrdreg s13;
	s21 =	sshrl.u32 s21, $0x3  }
0x12: {  	s29 =	sadd.s32 s8, s21;
	s30 =	sadd.s32 s9, s5;
	s21 =	smul.u32 $0x2D00, s18  }
0x13: {  	[dreg:$0x6] =	wrdreg s29;
	s13 =	sshrl.u32 s30, $0x3;
	s29 =	smul.u32 $0xB400, s12  }
0x14: {  	s12 =	sadd.s32 $0x8DC00, s7;
	s13 =	sadd.s32 s8, s13;
	s24 =	sadd.s32 s9, s21  }
0x15: {  	[dreg:$0x7] =	wrdreg s13;
	s13 =	sshrl.u32 s24, $0x3;
	s24 =	smul.u32 $0x9C40, s25  }
0x16: {  	s9 =	sadd.s32 s9, s23;
	s25 =	sshrl.u32 s29, $0x2;
	s29 =	smul.u32 $0xB400, s16  }
0x17: {  	s26 =	sshrl.u32 s9, $0x3;
	s9 =	rddreg [dreg:$0x1];
	s16 =	smul.u32 $0xB400, s19  }
0x18: {  	s13 =	sadd.s32 s8, s13;
	s8 =	sadd.s32 s8, s26;
	s26 =	smul.u32 $0xB400, s15  }
0x19: {  	s30 =	sshrl.u32 s28, $0x3;
	s28 =	sadd.s32 s25, s9;
	s15 =	smul.u32 $0xB400, s18  }
0x1a: {  	s0 =	sadd.s32 s0, s9;
	s2 =	sadd.s32 s2, s9;
	s3 =	sadd.s32 s3, s9  }
0x1b: {  	s4 =	sadd.s32 s4, s9;
	s5 =	sadd.s32 s5, s9;
	[dreg:$0x9] =	wrdreg s13  }
0x1c: {  	s22 =	sadd.s32 s22, s9;
	[dreg:$0xa] =	wrdreg s8;
	s6 =	sadd.s32 s6, s24  }
0x1d: {  	s13 =	sadd.s32 $0x4E00, s7;
	s7 =	sadd.s32 $0xB9C00, s7;
	s24 =	smul.u32 $0xB400, s14  }
0x1e: {  	s8 =	sshrl.u32 s31, $0x2;
	s31 =	smul.u32 $0xB400, s17;
	s18 =	sshrl.u32 s16, $0x2  }
0x1f: {  	s0 =	sshrl.u32 s0, $0x3;
	_ =	strace $0x80000050;
	[dreg:$0xb] =	wrdreg s7  }
0x20: {  	s16 =	simm.s32 $0x1;
	s20 =	sadd.s32 s13, s30;
	[dreg:$0xc] =	wrdreg s10  }
0x21: {  	s8 =	sadd.s32 s8, s9;
	[dreg:$0xe] =	wrdreg s28;
	s30 =	sshrl.u32 s26, $0x2  }
0x22: {  	s19 =	sadd.s32 $0x180, s6;
	s26 =	sadd.s32 $0x100, s6;
	[dreg:$0x15] =	wrdreg s0  }
0x23: {  	s28 =	sshrl.u32 s2, $0x3;
	s0 =	sshrl.u32 s22, $0x3;
	s6 =	simm.s32 $0x80  }
0x24: {  	s10 =	simm.s32 $0x100;
	s22 =	simm.s32 $0x200;
	[dreg:$0xd] =	wrdreg s8  }
0x25: {  	s7 =	sshrl.u32 s24, $0x2;
	s14 =	sadd.s32 s30, s9;
	s8 =	sshrl.u32 s29, $0x2  }
0x26: {  	s17 =	sshrl.u32 s31, $0x2;
	s24 =	sadd.s32 s21, s9;
	[dreg:$0x16] =	wrdreg s28  }
0x27: {  	s29 =	sshrl.u32 s3, $0x3;
	s30 =	sshrl.u32 s4, $0x3;
	[dreg:$0x10] =	wrdreg s14  }
0x28: {  	s31 =	sshrl.u32 s5, $0x3;
	s4 =	sadd.s32 $0x10, s20;
	[dreg:$0x17] =	wrdreg s29  }
0x29: {  	s5 =	sadd.s32 $0x4E0, s20;
	s21 =	simm.s32 $0x10;
	[dreg:$0x18] =	wrdreg s30  }
0x2a: {  	s7 =	sadd.s32 s7, s9;
	s8 =	sadd.s32 s8, s9;
	[dreg:$0x19] =	wrdreg s31  }
0x2b: {  	s14 =	sadd.s32 s23, s9;
	s2 =	sshrl.u32 s24, $0x3;
	[dreg:$0xf] =	wrdreg s7  }
0x2c: {  	s23 =	simm.s32 $0x9220;
	s24 =	simm.s32 $0x0;
	[dreg:$0x11] =	wrdreg s8  }
0x2d: {  	s7 =	sshrl.u32 s15, $0x2;
	s8 =	sadd.s32 s17, s9;
	s3 =	sshrl.u32 @!p0 s14, $0x3  }
0x2e: {  	s14 =	simm.s32 $0x5;
	s17 =	simm.s32 $0x3;
	s15 =	simm.s32 $0x180  }
0x2f: {  	[dreg:$0x12] =	wrdreg s8;
	s7 =	sadd.s32 s7, s9;
	s8 =	smov.u32 s20  }
0x30: {  	s20 =	simm.s32 $0x4;
	[dreg:$0x13] =	wrdreg s7;
	s7 =	sadd.s32 s18, s9  }
0x31: {  	s18 =	simm.s32 $0x2;
	[dreg:$0x14] =	wrdreg s7;
	s7 =	sshrl.u32 s19, $0x3  }
0x32: {  	s19 =	simm.s32 $0x4A20;
	s25 =	sadd.s32 s7, s13;
	s7 =	simm.s32 $0x2710  }
.LBB2_1:
0x33: {  	[tilespmem:s1], [sflag:$0x1] =	stream.strided.gather [hbm4b:s8+s6], $0x100, s7, s6, $0x38;
	[tilespmem:$0x1FAB0] =	vst v63  }
0x34: {  	_ = 	snop  }
0x35: {  	[tilespmem:s10], [sflag:$0x2] =	stream.strided.gather [hbm4b:s4+s6], $0x100, s7, s6, $0x38;
	[tilespmem:$0x1FAB0] =	vst v63  }
0x36: {  	s28 =	rddreg [dreg:$0xb]  }
0x37: {  	[tilespmem:s11], [sflag:$0x5] =	stream.linear.gather [hbm4b:s28+s1], $0x2D00, $0x38;
	[tilespmem:$0x1FAB0] =	vst v63  }
0x38: {  	_ =	swait.ge [sflag:s14], $0x2D00  }
0x39: {  	[sflag:s14] =	ssyncset.done $0x0  }
0x3a: {  	s28 =	rddreg [dreg:$0xd];
	[sflag:s14] =	ssyncadd.s32 $0xFFFFD300  }
0x3b: {  	[spmem:s28] =	stream.linear.scatter [tilespmem:s11], [sflag:$0x5], $0x2D00, $0x38;
	[tilespmem:$0x1FAB0] =	vst v63  }
0x3c: {  	_ =	swait.ge [sflag:s14], $0x2D00  }
0x3d: {  	[sflag:s14] =	ssyncset.done $0x0  }
0x3e: {  	s28 =	rddreg [dreg:$0xe];
	[sflag:s14] =	ssyncadd.s32 $0xFFFFD300  }
0x3f: {  	[spmem:s28] =	stream.linear.scatter [tilespmem:s11], [sflag:$0x5], $0x2D00, $0x38;
	[tilespmem:$0x1FAB0] =	vst v63  }
0x40: {  	_ =	swait.ge [sflag:s14], $0x2D00  }
0x41: {  	[sflag:s14] =	ssyncset.done $0x0  }
0x42: {  	s28 =	rddreg [dreg:$0xf];
	[sflag:s14] =	ssyncadd.s32 $0xFFFFD300  }
0x43: {  	[spmem:s28] =	stream.linear.scatter [tilespmem:s11], [sflag:$0x5], $0x2D00, $0x38;
	[tilespmem:$0x1FAB0] =	vst v63  }
0x44: {  	_ =	swait.ge [sflag:s14], $0x2D00  }
0x45: {  	[sflag:s14] =	ssyncset.done $0x0  }
0x46: {  	s28 =	rddreg [dreg:$0x10];
	[sflag:s14] =	ssyncadd.s32 $0xFFFFD300  }
0x47: {  	[spmem:s28] =	stream.linear.scatter [tilespmem:s11], [sflag:$0x5], $0x2D00, $0x38;
	[tilespmem:$0x1FAB0] =	vst v63  }
0x48: {  	_ =	swait.ge [sflag:s14], $0x2D00  }
0x49: {  	[sflag:s14] =	ssyncset.done $0x0  }
0x4a: {  	s28 =	rddreg [dreg:$0x11];
	[sflag:s14] =	ssyncadd.s32 $0xFFFFD300  }
0x4b: {  	[spmem:s28] =	stream.linear.scatter [tilespmem:s11], [sflag:$0x5], $0x2D00, $0x38;
	[tilespmem:$0x1FAB0] =	vst v63  }
0x4c: {  	_ =	swait.ge [sflag:s14], $0x2D00  }
0x4d: {  	[sflag:s14] =	ssyncset.done $0x0  }
0x4e: {  	s28 =	rddreg [dreg:$0x12];
	[sflag:s14] =	ssyncadd.s32 $0xFFFFD300  }
0x4f: {  	[spmem:s28] =	stream.linear.scatter [tilespmem:s11], [sflag:$0x5], $0x2D00, $0x38;
	[tilespmem:$0x1FAB0] =	vst v63  }
0x50: {  	_ =	swait.ge [sflag:s14], $0x2D00  }
0x51: {  	[sflag:s14] =	ssyncset.done $0x0  }
0x52: {  	s28 =	rddreg [dreg:$0x13];
	[sflag:s14] =	ssyncadd.s32 $0xFFFFD300  }
0x53: {  	[spmem:s28] =	stream.linear.scatter [tilespmem:s11], [sflag:$0x5], $0x2D00, $0x38;
	[tilespmem:$0x1FAB0] =	vst v63  }
0x54: {  	_ =	swait.ge [sflag:s14], $0x2D00  }
0x55: {  	[sflag:s14] =	ssyncset.done $0x0  }
0x56: {  	s28 =	simm.s32 @!p0 $0x220;
	s29 =	rddreg [dreg:$0x14];
	[sflag:s14] =	ssyncadd.s32 $0xFFFFD300  }
0x57: {  	[spmem:s29] =	stream.linear.scatter @!p0 [tilespmem:s28], [sflag:$0x5], $0x2D00, $0x38;
	[tilespmem:$0x1FAB0] =	vst v63  }
0x58: {  	s28 =	simm.s32 @!p0 $0x5  }
0x59: {  	_ =	swait.ge @!p0 [sflag:s28], $0x2D00  }
0x5a: {  	[sflag:s28] =	ssyncset.done @!p0 $0x0  }
0x5b: {  	[sflag:s28] =	ssyncadd.s32 @!p0 $0xFFFFD300  }
0x5c: {  	[bflag:$0x0] =	sbarrier.arrive $0xFFFF  }
0x5d: {  	_ =	swait.ge [sflag:s16], $0x100  }
0x5e: {  	[sflag:s16] =	ssyncset.done $0x0  }
0x5f: {  	[sflag:s16] =	ssyncadd.s32 $0xFFFFFF00  }
0x60: {  	[tilespmem:s11], [sflag:$0x3] =	stream.indirect.gather [hbm4b:s12+s6], $0x90, s1, s6, $0xb8;
	[tilespmem:$0x1FAB0] =	vst v63  }
0x61: {  	_ =	swait.ge [sflag:s17], $0x4800  }
0x62: {  	[sflag:s17] =	ssyncset.done $0x0  }
0x63: {  	[sflag:s17] =	ssyncadd.s32 $0xFFFFB800  }
0x64: {  	_ =	swait.ge [sflag:s18], $0x100  }
0x65: {  	[sflag:s18] =	ssyncset.done $0x0  }
0x66: {  	[sflag:s18] =	ssyncadd.s32 $0xFFFFFF00  }
0x67: {  	[tilespmem:s19], [sflag:$0x4] =	stream.indirect.gather [hbm4b:s12+s6], $0x90, s10, s6, $0xb8;
	[tilespmem:$0x1FAB0] =	vst v63  }
0x68: {  	_ = 	snop  }
0x69: {  	[spmem:s9] =	stream.indirect.scatter.add.f32 [tilespmem:s11], [sflag:$0x5], $0x90, s6, s6, $0xb8;
	[tilespmem:$0x1FAB0] =	vst v63  }
0x6a: {  	_ =	swait.ge [sflag:s14], $0x4800  }
0x6b: {  	s28 =	sshrl.u32 s26, $0x3;
	[sflag:s14] =	ssyncset.done $0x0  }
0x6c: {  	s28 =	sadd.s32 s13, s28;
	[sflag:s14] =	ssyncadd.s32 $0xFFFFB800  }
0x6d: {  	[tilespmem:s1], [sflag:$0x1] =	stream.strided.gather [hbm4b:s28+s6], $0x100, s7, s6, $0x38;
	[tilespmem:$0x1FAB0] =	vst v63  }
0x6e: {  	_ =	swait.ge [sflag:s20], $0x4800  }
0x6f: {  	[sflag:s20] =	ssyncset.done $0x0  }
0x70: {  	[sflag:s20] =	ssyncadd.s32 $0xFFFFB800  }
0x71: {  	_ =	swait.ge [sflag:s16], $0x100  }
0x72: {  	[sflag:s16] =	ssyncset.done $0x0  }
0x73: {  	[sflag:s16] =	ssyncadd.s32 $0xFFFFFF00  }
0x74: {  	[tilespmem:s11], [sflag:$0x3] =	stream.indirect.gather [hbm4b:s12+s6], $0x90, s1, s6, $0xb8;
	[tilespmem:$0x1FAB0] =	vst v63  }
0x75: {  	_ = 	snop  }
0x76: {  	[spmem:s9] =	stream.indirect.scatter.add.f32 [tilespmem:s19], [sflag:$0x5], $0x90, s15, s6, $0xb8;
	[tilespmem:$0x1FAB0] =	vst v63  }
0x77: {  	_ =	swait.ge [sflag:s14], $0x4800  }
0x78: {  	s30 =	sadd.s32 $0x0, s25;
	[sflag:s14] =	ssyncset.done $0x0  }
0x79: {  	s29 =	sadd.s32 $0x100, s26;
	s28 =	simm.s32 $0x20;
	[sflag:s14] =	ssyncadd.s32 $0xFFFFB800  }
.LBB2_2:
0x7a: {  	[tilespmem:s10], [sflag:$0x2] =	stream.strided.gather [hbm4b:s30+s6], $0x100, s7, s6, $0x38;
	[tilespmem:$0x1FAB0] =	vst v63  }
0x7b: {  	s30 =	smov.u32 s28  }
0x7c: {  	p1 =	sne.s32 s28, $0x4A0;
	s28 =	sadd.s32 $0x20, s28;
	_ =	swait.ge [sflag:s17], $0x4800  }
0x7d: {  	[sflag:s17] =	ssyncset.done $0x0  }
0x7e: {  	[sflag:s17] =	ssyncadd.s32 $0xFFFFB800  }
0x7f: {  	_ =	swait.ge [sflag:s18], $0x100  }
0x80: {  	[sflag:s18] =	ssyncset.done $0x0  }
0x81: {  	[sflag:s18] =	ssyncadd.s32 $0xFFFFFF00  }
0x82: {  	[tilespmem:s19], [sflag:$0x4] =	stream.indirect.gather [hbm4b:s12+s6], $0x90, s10, s6, $0xb8;
	[tilespmem:$0x1FAB0] =	vst v63  }
0x83: {  	_ = 	snop  }
0x84: {  	[spmem:s9] =	stream.indirect.scatter.add.f32 [tilespmem:s11], [sflag:$0x5], $0x90, s6, s6, $0xb8;
	[tilespmem:$0x1FAB0] =	vst v63  }
0x85: {  	_ =	swait.ge [sflag:s14], $0x4800  }
0x86: {  	s31 =	sshrl.u32 s29, $0x3;
	[sflag:s14] =	ssyncset.done $0x0  }
0x87: {  	s31 =	sadd.s32 s13, s31;
	[sflag:s14] =	ssyncadd.s32 $0xFFFFB800  }
0x88: {  	[tilespmem:s1], [sflag:$0x1] =	stream.strided.gather [hbm4b:s31+s6], $0x100, s7, s6, $0x38;
	[tilespmem:$0x1FAB0] =	vst v63  }
0x89: {  	_ =	swait.ge [sflag:s20], $0x4800  }
0x8a: {  	[sflag:s20] =	ssyncset.done $0x0  }
0x8b: {  	[sflag:s20] =	ssyncadd.s32 $0xFFFFB800  }
0x8c: {  	_ =	swait.ge [sflag:s16], $0x100  }
0x8d: {  	[sflag:s16] =	ssyncset.done $0x0  }
0x8e: {  	[sflag:s16] =	ssyncadd.s32 $0xFFFFFF00  }
0x8f: {  	[tilespmem:s11], [sflag:$0x3] =	stream.indirect.gather [hbm4b:s12+s6], $0x90, s1, s6, $0xb8;
	[tilespmem:$0x1FAB0] =	vst v63  }
.Ltmp0:
0x90: {  	(pc) =	sbr.rel @p1 .LBB2_2-.Ltmp0, $4  }
0x91: {  	[spmem:s9] =	stream.indirect.scatter.add.f32 [tilespmem:s19], [sflag:$0x5], $0x90, s15, s6, $0xb8;
	[tilespmem:$0x1FAB0] =	vst v63  }
0x92: {  	_ =	swait.ge [sflag:s14], $0x4800  }
0x93: {  	[sflag:s14] =	ssyncset.done $0x0  }
0x94: {  	s29 =	sadd.s32 $0x100, s29;
	s30 =	sadd.s32 s30, s25;
	[sflag:s14] =	ssyncadd.s32 $0xFFFFB800  }
0x95: {  	[tilespmem:s10], [sflag:$0x2] =	stream.strided.gather [hbm4b:s30+s6], $0x100, s7, s6, $0x38;
	[tilespmem:$0x1FAB0] =	vst v63  }
0x96: {  	_ =	swait.ge [sflag:s17], $0x4800  }
0x97: {  	[sflag:s17] =	ssyncset.done $0x0  }
0x98: {  	[sflag:s17] =	ssyncadd.s32 $0xFFFFB800  }
0x99: {  	_ =	swait.ge [sflag:s18], $0x100  }
0x9a: {  	[sflag:s18] =	ssyncset.done $0x0  }
0x9b: {  	[sflag:s18] =	ssyncadd.s32 $0xFFFFFF00  }
0x9c: {  	[tilespmem:s19], [sflag:$0x4] =	stream.indirect.gather [hbm4b:s12+s6], $0x90, s10, s6, $0xb8;
	[tilespmem:$0x1FAB0] =	vst v63  }
0x9d: {  	_ = 	snop  }
0x9e: {  	[spmem:s9] =	stream.indirect.scatter.add.f32 [tilespmem:s11], [sflag:$0x5], $0x90, s6, s6, $0xb8;
	[tilespmem:$0x1FAB0] =	vst v63  }
0x9f: {  	_ =	swait.ge [sflag:s14], $0x4800  }
0xa0: {  	[sflag:s14] =	ssyncset.done $0x0  }
0xa1: {  	[sflag:s14] =	ssyncadd.s32 $0xFFFFB800  }
0xa2: {  	[tilespmem:s22], [sflag:$0x5] =	stream.strided.gather [hbm4b:s5+s21], $0x20, s7, s21, $0x38;
	[tilespmem:$0x1FAB0] =	vst v63  }
0xa3: {  	_ =	swait.ge [sflag:s14], $0x20  }
0xa4: {  	[sflag:s14] =	ssyncset.done $0x0  }
0xa5: {  	[sflag:s14] =	ssyncadd.s32 $0xFFFFFFE0  }
0xa6: {  	_ =	swait.ge [sflag:s20], $0x4800  }
0xa7: {  	[sflag:s20] =	ssyncset.done $0x0  }
0xa8: {  	[sflag:s20] =	ssyncadd.s32 $0xFFFFB800  }
0xa9: {  	[tilespmem:s23], [sflag:$0x3] =	stream.indirect.gather [hbm4b:s12+s21], $0x90, s22, s21, $0xb8;
	[tilespmem:$0x1FAB0] =	vst v63  }
0xaa: {  	_ = 	snop  }
0xab: {  	[spmem:s9] =	stream.indirect.scatter.add.f32 [tilespmem:s19], [sflag:$0x5], $0x90, s15, s6, $0xb8;
	[tilespmem:$0x1FAB0] =	vst v63  }
0xac: {  	_ =	swait.ge [sflag:s14], $0x4800  }
0xad: {  	[sflag:s14] =	ssyncset.done $0x0  }
0xae: {  	[sflag:s14] =	ssyncadd.s32 $0xFFFFB800  }
0xaf: {  	_ =	swait.ge [sflag:s17], $0x900  }
0xb0: {  	[sflag:s17] =	ssyncset.done $0x0  }
0xb1: {  	s28 =	simm.s32 $0x210;
	[sflag:s17] =	ssyncadd.s32 $0xFFFFF700  }
0xb2: {  	[spmem:s9] =	stream.indirect.scatter.add.f32 [tilespmem:s23], [sflag:$0x5], $0x90, s28, s21, $0xb8;
	[tilespmem:$0x1FAB0] =	vst v63  }
0xb3: {  	_ =	swait.ge [sflag:s14], $0x900  }
0xb4: {  	[sflag:s14] =	ssyncset.done $0x0  }
0xb5: {  	[sflag:s14] =	ssyncadd.s32 $0xFFFFF700  }
0xb6: {  	s30 =	stileid.u32;
	[bflag:$0x0] =	sbarrier.arrive $0xFFFF  }
0xb7: {  	s28 =	sshll.u32 s30, $0x6;
	s29 =	rddreg [dreg:$0x3]  }
0xb8: {  	s28 =	sor.u32 $0x1C05, s28;
	s31 =	rddreg [dreg:$0x15]  }
0xb9: {  	[hbm:s29], [sflag:s28] =	dma.local [spmem:s31], $0x5A0  }
0xba: {  	_ =	swait.ge [sflag:s14], $0x5A0  }
0xbb: {  	[sflag:s14] =	ssyncset.done $0x0;
	s29 =	rddreg [dreg:$0x4]  }
0xbc: {  	s31 =	rddreg [dreg:$0x16];
	[sflag:s14] =	ssyncadd.s32 $0xFFFFFA60  }
0xbd: {  	[hbm:s29], [sflag:s28] =	dma.local [spmem:s31], $0x5A0  }
0xbe: {  	_ =	swait.ge [sflag:s14], $0x5A0  }
0xbf: {  	[sflag:s14] =	ssyncset.done $0x0;
	s29 =	rddreg [dreg:$0x5]  }
0xc0: {  	s31 =	rddreg [dreg:$0x17];
	[sflag:s14] =	ssyncadd.s32 $0xFFFFFA60  }
0xc1: {  	[hbm:s29], [sflag:s28] =	dma.local [spmem:s31], $0x5A0  }
0xc2: {  	_ =	swait.ge [sflag:s14], $0x5A0  }
0xc3: {  	[sflag:s14] =	ssyncset.done $0x0;
	s29 =	rddreg [dreg:$0x6]  }
0xc4: {  	s31 =	rddreg [dreg:$0x18];
	[sflag:s14] =	ssyncadd.s32 $0xFFFFFA60  }
0xc5: {  	[hbm:s29], [sflag:s28] =	dma.local [spmem:s31], $0x5A0  }
0xc6: {  	_ =	swait.ge [sflag:s14], $0x5A0  }
0xc7: {  	[sflag:s14] =	ssyncset.done $0x0;
	s29 =	rddreg [dreg:$0x7]  }
0xc8: {  	s31 =	rddreg [dreg:$0x19];
	[sflag:s14] =	ssyncadd.s32 $0xFFFFFA60  }
0xc9: {  	[hbm:s29], [sflag:s28] =	dma.local [spmem:s31], $0x5A0  }
0xca: {  	_ =	swait.ge [sflag:s14], $0x5A0  }
0xcb: {  	[sflag:s14] =	ssyncset.done $0x0  }
0xcc: {  	s31 =	rddreg [dreg:$0x8];
	[sflag:s14] =	ssyncadd.s32 $0xFFFFFA60  }
0xcd: {  	[hbm:s31], [sflag:s28] =	dma.local [spmem:s0], $0x5A0  }
0xce: {  	_ =	swait.ge [sflag:s14], $0x5A0  }
0xcf: {  	[sflag:s14] =	ssyncset.done $0x0  }
0xd0: {  	s30 =	rddreg [dreg:$0x9];
	[sflag:s14] =	ssyncadd.s32 $0xFFFFFA60  }
0xd1: {  	[hbm:s30], [sflag:s28] =	dma.local [spmem:s2], $0x5A0  }
0xd2: {  	_ =	swait.ge [sflag:s14], $0x5A0  }
0xd3: {  	[sflag:s14] =	ssyncset.done $0x0  }
0xd4: {  	s29 =	rddreg [dreg:$0xa];
	[sflag:s14] =	ssyncadd.s32 $0xFFFFFA60  }
0xd5: {  	[hbm:s29], [sflag:s28] =	dma.local @!p0 [spmem:s3], $0x5A0  }
0xd6: {  	s28 =	simm.s32 @!p0 $0x5  }
0xd7: {  	_ =	swait.ge @!p0 [sflag:s28], $0x5A0  }
0xd8: {  	s24 =	sadd.s32 $0x1, s24;
	s31 =	rddreg [dreg:$0xc]  }
0xd9: {  	p1 =	sne.s32 s24, s31  }
.Ltmp1:
0xda: {  	_ = 	snop;
	(pc) =	sbr.rel @p1 .LBB2_1-.Ltmp1, $3  }
0xdb: {  	_ =	sdelay $0x1  }
0xdc: {  	[sflag:s28] =	ssyncset.done @!p0 $0x0  }
0xdd: {  	[sflag:s28] =	ssyncadd.s32 @!p0 $0xFFFFFA60  }
0xde: {  	_ =	sfence.sel $0x180000  }
0xdf: {  	[bflag:$0x0] =	sbarrier.arrive $0xFFFF  }
0xe0: {  	_ =	strace $0x90000050  }
0xe1: {  	s0 =	stileid.u32;
	[bflag:$0x2] =	sbarrier.arrive $0xFFFF  }
0xe2: {  	p0 =	sne.s32 s0, $0x0;
	s0 =	rddreg [dreg:$0x2]  }
0xe3: {  	s0 =	sadd.s32 @!p0 $0x100000, s0  }
0xe4: {  	[sflag:s0] =	ssyncadd.tile.s32 @!p0 $0x1;
	_ =	shalt  }
.Lfunc_end2:
_tile_overlayer_lowered:
.L_overlay_start_2:
0xe5: {  	(tag) =	ssettag $0x2  }
0xe6: {  	s0 =	rddreg [dreg:$0x0];
	s2 =	stileid.u32  }
0xe7: {  	s1 =	rddreg [dreg:$0x1];
	p0 =	sne.s32 s2, $0x0  }
0xe8: {  	s3 =	rddreg [dreg:$0x2];
	[bflag:$0x3] =	sbarrier.arrive $0xFFFF;
	s2 =	simm.s32 @!p0 $0x1C05  }
0xe9: {  	[timem:s3], [sflag:s2] =	dma.local @!p0 [hbm:s0], s1  }
0xea: {  	s0 =	simm.s32 @!p0 $0x5  }
0xeb: {  	_ =	swait.ge @!p0 [sflag:s0], s1  }
0xec: {  	s1 =	ssub.s32 @!p0 $0x0, s1;
	[sflag:s0] =	ssyncset.done @!p0 $0x0  }
0xed: {  	[sflag:s0] =	ssyncadd.s32 @!p0 s1  }
0xee: {  	[bflag:$0x3] =	sbarrier.arrive $0xFFFF  }
0xef: {  	_ =	shalt  }

// kernel: kernel.24.cloned.1.call-start
scs
__scs_entry_jumppad:
0x0: {  	(pc) =	sbr.rel $0x88, $3  }
0x1: {  	(tag) =	ssettag $0x0;
	lr =	simm.s32 $0x1  }
0x2: {  	[smem:$0x3F89] =	sst lr;
	_ =	strace $0xD0000000  }
0x3: {  	_ = 	snop  }
0x4: {  	_ = 	snop  }
0x5: {  	_ = 	snop  }
0x6: {  	_ = 	snop  }
0x7: {  	_ = 	snop  }
__scs_overlays_trampoline_lowered:
0x8: {  	[smem:$0x3F98] =	sst s0  }
0x9: {  	[smem:$0x3F99] =	sst s1  }
0xa: {  	[smem:$0x3F9A] =	sst s2  }
0xb: {  	[smem:$0x3F9B] =	sst s3  }
0xc: {  	[smem:$0x3F9C] =	sst s4  }
0xd: {  	[smem:$0x3F9D] =	sst s5  }
0xe: {  	[smem:$0x3F9E] =	sst s6  }
0xf: {  	[smem:$0x3F9F] =	sst s7  }
0x10: {  	[smem:$0x3FA0] =	sst s8  }
0x11: {  	[smem:$0x3FA1] =	sst s9;
	s0 =	simm.s32 @!p0 $0x0  }
0x12: {  	s1 =	sld [smem:$0x3F87];
	s0 =	simm.s32 @p0 $0x1  }
0x13: {  	[smem:$0x3FA2] =	sst s0;
	s0 =	simm.s32 @!p1 $0x0  }
0x14: {  	s2 =	sld [smem:$0x3F86];
	s0 =	simm.s32 @p1 $0x1  }
0x15: {  	[smem:$0x3FA3] =	sst s0;
	s0 =	simm.s32 @!p2 $0x0  }
0x16: {  	s3 =	sld [smem:$0x3FDB];
	s0 =	simm.s32 @p2 $0x1  }
0x17: {  	s4 =	simm.s32 $0x1BF5;
	[smem:$0x3FA5] =	sst s0  }
0x18: {  	s0 =	sld [smem:$0x3F88];
	_ =	swait.ge [sflag:s4], $0x0  }
0x19: {  	s7 =	sld [smem:$0x3F89]  }
0x1a: {  	s8 =	sadd.s32 $0xFFFFE003, lr  }
0x1b: {  	s9 =	sadd.s32 $0xFFFFFEF7, lr;
	s5 =	simm.s32 $0xFFFFFFFF;
	p2 =	slt.u32 s8, $0xFFFFF086  }
0x1c: {  	p1 =	slt.u32 s9, $0xF7A;
	s5 =	simm.s32 @!p2 $0x0  }
0x1d: {  	s5 =	simm.s32 @p1 $0x1;
	p0 =	seq.s32 s7, s2  }
0x1e: {  	s7 =	smul.u32 @!p0 $0xF7A, s2;
	p2 =	seq.s32 @!p0 s5, $0x0  }
0x1f: {  	s9 =	smul.u32 $0xF7A, s1;
	s8 =	simm.s32 @!p0 $0x1BF5;
	p2 =	por !p2, p0  }
0x20: {  	[sflag:s8] =	ssyncset.s32 @!p0 $0xFFFFF086;
	s6 =	sadd.s32 @!p0 s3, s7;
	s7 =	simm.s32 @!p0 $0x108  }
0x21: {  	s3 =	sadd.s32 s3, s9;
	s6 =	sadd.s32 @!p0 $0x88, s6;
	s7 =	simm.s32 @p2 $0x1082  }
0x22: {  	[simem:s7], [sflag:s8] =	dma.local @!p0 [hbm:s6], $0xF7A  }
0x23: {  	s9 =	sor.u32 $0xD0000000, s2;
	s6 =	simm.s32 $0x108;
	_ =	swait.ge @!p0 [sflag:s8], $0x0  }
0x24: {  	s3 =	sadd.s32 $0x88, s3;
	s6 =	simm.s32 @!p1 $0x1082;
	[sflag:s4] =	ssyncset.s32 $0xFFFFF086  }
0x25: {  	[simem:s6], [sflag:s4] =	dma.local [hbm:s3], $0xF7A  }
0x26: {  	[smem:$0x3F89] =	sst s1;
	(tag) =	ssettag s2;
	_ =	strace s9  }
0x27: {  	s1 =	sld [smem:$0x3F99]  }
0x28: {  	s2 =	sld [smem:$0x3F9A]  }
0x29: {  	s4 =	sld [smem:$0x3F9C]  }
0x2a: {  	p0 =	seq.s32 s5, $0x0;
	s5 =	sld [smem:$0x3F9D]  }
0x2b: {  	s6 =	sld [smem:$0x3F9E]  }
0x2c: {  	s7 =	sld [smem:$0x3F9F]  }
0x2d: {  	s3 =	simm.s32 $0x108;
	s8 =	sld [smem:$0x3FA0]  }
0x2e: {  	s3 =	simm.s32 @!p0 $0x1082;
	s9 =	sld [smem:$0x3FA1]  }
0x2f: {  	lr =	sadd.s32 s0, s3;
	s0 =	sld [smem:$0x3F98]  }
0x30: {  	s3 =	sld [smem:$0x3F9B]  }
0x31: {  	[smem:$0x3FA4] =	sst s10  }
0x32: {  	s10 =	sld [smem:$0x3FA2];
	_ =	sdelay $0x3  }
0x33: {  	p0 =	seq.s32 s10, $0x1;
	s10 =	sld [smem:$0x3FA4];
	_ =	sdelay $0x3  }
0x34: {  	[smem:$0x3FA4] =	sst s10  }
0x35: {  	s10 =	sld [smem:$0x3FA3];
	_ =	sdelay $0x3  }
0x36: {  	p1 =	seq.s32 s10, $0x1;
	s10 =	sld [smem:$0x3FA4];
	_ =	sdelay $0x3  }
0x37: {  	[smem:$0x3FA4] =	sst s10  }
0x38: {  	s10 =	sld [smem:$0x3FA5]  }
0x39: {  	_ = 	snop;
	(pc) =	sbr.ind lr, $3  }
0x3a: {  	_ = 	snop  }
0x3b: {  	_ = 	snop  }
0x3c: {  	p2 =	seq.s32 s10, $0x1;
	s10 =	sld [smem:$0x3FA4]  }
0x3d: {  	_ =	shalt  }
0x3e: {  	_ =	shalt  }
0x3f: {  	_ =	shalt  }
0x40: {  	_ =	shalt  }
0x41: {  	_ =	shalt  }
0x42: {  	_ =	shalt  }
0x43: {  	_ =	shalt  }
0x44: {  	_ =	shalt  }
0x45: {  	_ =	shalt  }
0x46: {  	_ =	shalt  }
0x47: {  	_ =	shalt  }
0x48: {  	_ =	shalt  }
0x49: {  	_ =	shalt  }
0x4a: {  	_ =	shalt  }
0x4b: {  	_ =	shalt  }
0x4c: {  	_ =	shalt  }
0x4d: {  	_ =	shalt  }
0x4e: {  	_ =	shalt  }
0x4f: {  	_ =	shalt  }
0x50: {  	_ =	shalt  }
0x51: {  	_ =	shalt  }
0x52: {  	_ =	shalt  }
0x53: {  	_ =	shalt  }
0x54: {  	_ =	shalt  }
0x55: {  	_ =	shalt  }
0x56: {  	_ =	shalt  }
0x57: {  	_ =	shalt  }
0x58: {  	_ =	shalt  }
0x59: {  	_ =	shalt  }
0x5a: {  	_ =	shalt  }
0x5b: {  	_ =	shalt  }
0x5c: {  	_ =	shalt  }
0x5d: {  	_ =	shalt  }
0x5e: {  	_ =	shalt  }
0x5f: {  	_ =	shalt  }
0x60: {  	_ =	shalt  }
0x61: {  	_ =	shalt  }
0x62: {  	_ =	shalt  }
0x63: {  	_ =	shalt  }
0x64: {  	_ =	shalt  }
0x65: {  	_ =	shalt  }
0x66: {  	_ =	shalt  }
0x67: {  	_ =	shalt  }
0x68: {  	_ =	shalt  }
0x69: {  	_ =	shalt  }
0x6a: {  	_ =	shalt  }
0x6b: {  	_ =	shalt  }
0x6c: {  	_ =	shalt  }
0x6d: {  	_ =	shalt  }
0x6e: {  	_ =	shalt  }
0x6f: {  	_ =	shalt  }
0x70: {  	_ =	shalt  }
0x71: {  	_ =	shalt  }
0x72: {  	_ =	shalt  }
0x73: {  	_ =	shalt  }
0x74: {  	_ =	shalt  }
0x75: {  	_ =	shalt  }
0x76: {  	_ =	shalt  }
0x77: {  	_ =	shalt  }
0x78: {  	_ =	shalt  }
0x79: {  	_ =	shalt  }
0x7a: {  	_ =	shalt  }
0x7b: {  	_ =	shalt  }
0x7c: {  	_ =	shalt  }
0x7d: {  	_ =	shalt  }
0x7e: {  	_ =	shalt  }
0x7f: {  	_ =	shalt  }
0x80: {  	_ =	shalt  }
0x81: {  	_ =	shalt  }
0x82: {  	_ =	shalt  }
0x83: {  	_ =	shalt  }
0x84: {  	_ =	shalt  }
0x85: {  	_ =	shalt  }
0x86: {  	_ =	shalt  }
0x87: {  	_ =	shalt  }
.Lfunc_end0:
.L_simem_size_0:
called_computation.4_lowered:
.L_overlay_start_0:
0x88: {  	s2 =	sld [smem:$0x3FD9]  }
0x89: {  	s3 =	sld [smem:$0x3FFE];
	_ =	sdelay $0x1  }
0x8a: {  	s1 =	srdreg.scid  }
0x8b: {  	s0 =	sand.u32 $0x1, s1  }
0x8c: {  	s16 =	sshll.u32 s0, $0xA;
	s2 =	sadd.s32 s3, s2  }
0x8d: {  	s2 =	sadd.s32 s2, s16  }
0x8e: {  	[smem:$0x3FB0] =	sst s2  }
0x8f: {  	_ = 	snop  }
0x90: {  	(tm) =	ssettm $0x1  }
0x91: {  	s17 =	sld [smem:$0x3FFB];
	_ =	sdelay $0x3  }
0x92: {  	_ =	strace s17  }
0x93: {  	s2 =	sld [smem:$0x3FFC];
	_ =	sdelay $0x3  }
0x94: {  	_ =	strace s2  }
0x95: {  	s2 =	sld [smem:$0x3FFD];
	_ =	sdelay $0x3  }
0x96: {  	_ =	strace s2  }
0x97: {  	_ =	strace $0x8FFFFFFF  }
0x98: {  	s18 =	sld [smem:$0x3FDB];
	_ =	sdelay $0x1  }
0x99: {  	s19 =	simm.s32 $_scs_section_size  }
0x9a: {  	s4 =	simm.s32 $_size__tile_overlayer_lowered;
	s5 =	simm.s32 $_tile_overlayer_lowered  }
0x9b: {  	s22 =	simm.s32 $0x1BFF;
	s21 =	sshll.u32 s5, $0x1;
	s2 =	sadd.s32 s19, s18  }
0x9c: {  	s6 =	simm.s32 $0x0;
	s20 =	sshll.u32 s4, $0x1;
	s4 =	sadd.s32 s21, s2  }
0x9d: {  	[timem:s6], [sflag:s22] =	dma.local [hbm:s4], s20  }
0x9e: {  	_ =	swait.ge [sflag:s22], s20  }
0x9f: {  	s3 =	ssub.s32 $0x0, s20;
	[sflag:s22] =	ssyncset.done $0x0  }
0xa0: {  	[sflag:s22] =	ssyncadd.s32 s3;
	_ =	sdelay $0x1  }
0xa1: {  	s23 =	simm.s32 $0x1B8B  }
0xa2: {  	_ =	swait.ge [sflag:s23], $0x1  }
0xa3: {  	[sflag:s23] =	ssyncset.done $0x0  }
0xa4: {  	s25 =	simm.s32 $0x1B8E;
	s24 =	sld [smem:$0x3FFE];
	[sflag:s23] =	ssyncadd.s32 $0xFFFFFFFF  }
0xa5: {  	s26 =	simm.s32 $execute0_lowered;
	[smem:$0x3FD2] =	sst s25  }
0xa6: {  	s4 =	sshll.u32 s26, $0x1;
	_ =	strace $0x80000052;
	[dreg:$0x1] =	wrdreg $0xFFFFFFFF  }
0xa7: {  	s28 =	simm.s32 $_size_execute0_lowered;
	s2 =	sadd.s32 s2, s4;
	[dreg:$0x0] =	wrdreg $0x0  }
0xa8: {  	s4 =	sshll.u32 s28, $0x1;
	[dreg:$0x2] =	wrdreg s2  }
0xa9: {  	[dreg:$0x3] =	wrdreg s4  }
0xaa: {  	[dreg:$0x4] =	wrdreg $0xC0  }
0xab: {  	_ =	task [dreg:s6], $0x5FFFF  }
0xac: {  	[dreg:$0x1] =	wrdreg $0xFFFFFFFF  }
0xad: {  	[dreg:$0x0] =	wrdreg $0x60  }
0xae: {  	[dreg:$0x2] =	wrdreg s24  }
0xaf: {  	[dreg:$0x3] =	wrdreg $0x9B200  }
0xb0: {  	[dreg:$0x4] =	wrdreg $0x9  }
0xb1: {  	_ =	task.clear_ibuf [dreg:s6], $0x5FFFF;
	_ =	strace $0x90000052  }
0xb2: {  	s29 =	simm.s32 $0x9;
	_ =	strace $0x80000054  }
0xb3: {  	_ =	swait.ge [sflag:s29], $0x1  }
0xb4: {  	[sflag:s29] =	ssyncadd.s32 $0xFFFFFFFF  }
0xb5: {  	_ =	strace $0x90000054  }
0xb6: {  	_ =	sfence  }
0xb7: {  	s30 =	sld [smem:$0x0];
	_ =	sdelay $0x2  }
0xb8: {  	s31 =	sshll.u32 s1, $0xD;
	s1 =	sshrl.u32 s1, $0x2  }
0xb9: {  	s3 =	sand.u32 $0x4000, s31;
	s1 =	sadd.s32 s1, s30  }
0xba: {  	s0 =	sor.u32 s3, s0;
	s1 =	sshll.u32 s1, $0x11  }
0xbb: {  	s0 =	sor.u32 s1, s0  }
0xbc: {  	s0 =	sadd.s32 $0x8F2B, s0  }
0xbd: {  	[sflag:s0] =	ssyncadd.remote.s32 $0x1  }
0xbe: {  	_ =	sfence.sel $0xFFFF  }
0xbf: {  	[dreg:$0x0] =	wrdreg $0xFFFFFFFF;
	(pc) =	sbr.abs _section_cstart, $3  }
0xc0: {  	[dreg:$0x1] =	wrdreg $0xFFFFFFFF  }
0xc1: {  	_ =	task.clear_ibuf [dreg:s6], $0x2FFFF;
	_ =	strace $0x9FFFFFFF  }
0xc2: {  	(tm) =	ssettm $0x7FFFFFFF  }
0xc3: {  	_ =	shalt  }
tec
execute0_lowered:
.L_overlay_start_1:
0x0: {  	(tag) =	ssettag $0x1  }
0x1: {  	s0 =	srdreg.scid;
	s7 =	rddreg [dreg:$0x0];
	s1 =	simm.s32 $0x0  }
0x2: {  	s25 =	stileid.u32;
	s6 =	sand.u32 $0x1, s0;
	[smem:$0x7FF] =	sst s1  }
0x3: {  	s8 =	sadd.s32 $0x44800, s7;
	s14 =	sor.u32 $0x20, s25;
	s9 =	smul.u32 $0x15F900, s6  }
0x4: {  	s26 =	sshll.u32 s25, $0x1;
	s17 =	sor.u32 $0x50, s25;
	s3 =	smul.u32 $0x2D00, s14  }
0x5: {  	s12 =	sor.u32 $0x10, s25;
	s19 =	sor.u32 $0x70, s25;
	s22 =	smul.u32 $0x2D00, s17  }
0x6: {  	s15 =	sor.u32 $0x30, s25;
	s0 =	ssub.s32 $0x2, s6;
	s23 =	smul.u32 $0x2D00, s19  }
0x7: {  	s11 =	sor.u32 s6, s26;
	s6 =	smul.u32 $0x4E20, s6;
	s2 =	sshrl.u32 s0, $0x1  }
0x8: {  	s16 =	sor.u32 $0x40, s25;
	s10 =	ssub.s32 s0, s2;
	s0 =	smul.u32 $0x2D00, s25  }
0x9: {  	s18 =	sor.u32 $0x60, s25;
	s2 =	smul.u32 $0x2D00, s12;
	s20 =	sadd.s32 s9, s3  }
0xa: {  	p0 =	sgt.u32 s19, $0x7C;
	s31 =	sadd.s32 s9, s22;
	s20 =	sshrl.u32 s20, $0x3  }
0xb: {  	s10 =	smax.u32 s10, $0x1;
	s4 =	sadd.s32 s9, s0;
	s13 =	sadd.s32 s9, s2  }
0xc: {  	s28 =	sadd.s32 s8, s20;
	s20 =	sshrl.u32 s31, $0x3;
	s31 =	smul.u32 $0xB400, s25  }
0xd: {  	s5 =	sshrl.u32 s4, $0x3;
	s4 =	smul.u32 $0x2D00, s15;
	s13 =	sshrl.u32 s13, $0x3  }
0xe: {  	[dreg:$0x5] =	wrdreg s28;
	s20 =	sadd.s32 s8, s20;
	s28 =	smul.u32 $0x4E20, s11  }
0xf: {  	s5 =	sadd.s32 s8, s5;
	s13 =	sadd.s32 s8, s13;
	[dreg:$0x8] =	wrdreg s20  }
0x10: {  	[dreg:$0x3] =	wrdreg s5;
	s21 =	sadd.s32 s9, s4;
	s5 =	smul.u32 $0x2D00, s16  }
0x11: {  	s11 =	simm.s32 $0x220;
	[dreg:$0x4] =	wrdreg s13;
	s21 =	sshrl.u32 s21, $0x3  }
0x12: {  	s29 =	sadd.s32 s8, s21;
	s30 =	sadd.s32 s9, s5;
	s21 =	smul.u32 $0x2D00, s18  }
0x13: {  	[dreg:$0x6] =	wrdreg s29;
	s13 =	sshrl.u32 s30, $0x3;
	s29 =	smul.u32 $0xB400, s12  }
0x14: {  	s12 =	sadd.s32 $0x18800, s7;
	s13 =	sadd.s32 s8, s13;
	s24 =	sadd.s32 s9, s21  }
0x15: {  	[dreg:$0x7] =	wrdreg s13;
	s13 =	sshrl.u32 s24, $0x3;
	s24 =	smul.u32 $0x9C40, s25  }
0x16: {  	s9 =	sadd.s32 s9, s23;
	s25 =	sshrl.u32 s29, $0x2;
	s29 =	smul.u32 $0xB400, s16  }
0x17: {  	s26 =	sshrl.u32 s9, $0x3;
	s9 =	rddreg [dreg:$0x1];
	s16 =	smul.u32 $0xB400, s19  }
0x18: {  	s13 =	sadd.s32 s8, s13;
	s8 =	sadd.s32 s8, s26;
	s26 =	smul.u32 $0xB400, s15  }
0x19: {  	s30 =	sshrl.u32 s28, $0x3;
	s28 =	sadd.s32 s25, s9;
	s15 =	smul.u32 $0xB400, s18  }
0x1a: {  	s0 =	sadd.s32 s0, s9;
	s2 =	sadd.s32 s2, s9;
	s3 =	sadd.s32 s3, s9  }
0x1b: {  	s4 =	sadd.s32 s4, s9;
	s5 =	sadd.s32 s5, s9;
	[dreg:$0x9] =	wrdreg s13  }
0x1c: {  	s22 =	sadd.s32 s22, s9;
	[dreg:$0xa] =	wrdreg s8;
	s6 =	sadd.s32 s6, s24  }
0x1d: {  	s13 =	sadd.s32 $0x4E00, s7;
	s7 =	sadd.s32 $0xB9C00, s7;
	s24 =	smul.u32 $0xB400, s14  }
0x1e: {  	s8 =	sshrl.u32 s31, $0x2;
	s31 =	smul.u32 $0xB400, s17;
	s18 =	sshrl.u32 s16, $0x2  }
0x1f: {  	s0 =	sshrl.u32 s0, $0x3;
	_ =	strace $0x80000053;
	[dreg:$0xb] =	wrdreg s7  }
0x20: {  	s16 =	simm.s32 $0x1;
	s20 =	sadd.s32 s13, s30;
	[dreg:$0xc] =	wrdreg s10  }
0x21: {  	s8 =	sadd.s32 s8, s9;
	[dreg:$0xe] =	wrdreg s28;
	s30 =	sshrl.u32 s26, $0x2  }
0x22: {  	s19 =	sadd.s32 $0x180, s6;
	s26 =	sadd.s32 $0x100, s6;
	[dreg:$0x15] =	wrdreg s0  }
0x23: {  	s28 =	sshrl.u32 s2, $0x3;
	s0 =	sshrl.u32 s22, $0x3;
	s6 =	simm.s32 $0x80  }
0x24: {  	s10 =	simm.s32 $0x100;
	s22 =	simm.s32 $0x200;
	[dreg:$0xd] =	wrdreg s8  }
0x25: {  	s7 =	sshrl.u32 s24, $0x2;
	s14 =	sadd.s32 s30, s9;
	s8 =	sshrl.u32 s29, $0x2  }
0x26: {  	s17 =	sshrl.u32 s31, $0x2;
	s24 =	sadd.s32 s21, s9;
	[dreg:$0x16] =	wrdreg s28  }
0x27: {  	s29 =	sshrl.u32 s3, $0x3;
	s30 =	sshrl.u32 s4, $0x3;
	[dreg:$0x10] =	wrdreg s14  }
0x28: {  	s31 =	sshrl.u32 s5, $0x3;
	s4 =	sadd.s32 $0x10, s20;
	[dreg:$0x17] =	wrdreg s29  }
0x29: {  	s5 =	sadd.s32 $0x4E0, s20;
	s21 =	simm.s32 $0x10;
	[dreg:$0x18] =	wrdreg s30  }
0x2a: {  	s7 =	sadd.s32 s7, s9;
	s8 =	sadd.s32 s8, s9;
	[dreg:$0x19] =	wrdreg s31  }
0x2b: {  	s14 =	sadd.s32 s23, s9;
	s2 =	sshrl.u32 s24, $0x3;
	[dreg:$0xf] =	wrdreg s7  }
0x2c: {  	s23 =	simm.s32 $0x9220;
	s24 =	simm.s32 $0x0;
	[dreg:$0x11] =	wrdreg s8  }
0x2d: {  	s7 =	sshrl.u32 s15, $0x2;
	s8 =	sadd.s32 s17, s9;
	s3 =	sshrl.u32 @!p0 s14, $0x3  }
0x2e: {  	s14 =	simm.s32 $0x5;
	s17 =	simm.s32 $0x3;
	s15 =	simm.s32 $0x180  }
0x2f: {  	[dreg:$0x12] =	wrdreg s8;
	s7 =	sadd.s32 s7, s9;
	s8 =	smov.u32 s20  }
0x30: {  	s20 =	simm.s32 $0x4;
	[dreg:$0x13] =	wrdreg s7;
	s7 =	sadd.s32 s18, s9  }
0x31: {  	s18 =	simm.s32 $0x2;
	[dreg:$0x14] =	wrdreg s7;
	s7 =	sshrl.u32 s19, $0x3  }
0x32: {  	s19 =	simm.s32 $0x4A20;
	s25 =	sadd.s32 s7, s13;
	s7 =	simm.s32 $0x2710  }
.LBB2_1:
0x33: {  	[tilespmem:s1], [sflag:$0x1] =	stream.strided.gather [hbm4b:s8+s6], $0x100, s7, s6, $0x38;
	[tilespmem:$0x1FAB0] =	vst v63  }
0x34: {  	_ = 	snop  }
0x35: {  	[tilespmem:s10], [sflag:$0x2] =	stream.strided.gather [hbm4b:s4+s6], $0x100, s7, s6, $0x38;
	[tilespmem:$0x1FAB0] =	vst v63  }
0x36: {  	s28 =	rddreg [dreg:$0xb]  }
0x37: {  	[tilespmem:s11], [sflag:$0x5] =	stream.linear.gather [hbm4b:s28+s1], $0x2D00, $0x38;
	[tilespmem:$0x1FAB0] =	vst v63  }
0x38: {  	_ =	swait.ge [sflag:s14], $0x2D00  }
0x39: {  	[sflag:s14] =	ssyncset.done $0x0  }
0x3a: {  	s28 =	rddreg [dreg:$0xd];
	[sflag:s14] =	ssyncadd.s32 $0xFFFFD300  }
0x3b: {  	[spmem:s28] =	stream.linear.scatter [tilespmem:s11], [sflag:$0x5], $0x2D00, $0x38;
	[tilespmem:$0x1FAB0] =	vst v63  }
0x3c: {  	_ =	swait.ge [sflag:s14], $0x2D00  }
0x3d: {  	[sflag:s14] =	ssyncset.done $0x0  }
0x3e: {  	s28 =	rddreg [dreg:$0xe];
	[sflag:s14] =	ssyncadd.s32 $0xFFFFD300  }
0x3f: {  	[spmem:s28] =	stream.linear.scatter [tilespmem:s11], [sflag:$0x5], $0x2D00, $0x38;
	[tilespmem:$0x1FAB0] =	vst v63  }
0x40: {  	_ =	swait.ge [sflag:s14], $0x2D00  }
0x41: {  	[sflag:s14] =	ssyncset.done $0x0  }
0x42: {  	s28 =	rddreg [dreg:$0xf];
	[sflag:s14] =	ssyncadd.s32 $0xFFFFD300  }
0x43: {  	[spmem:s28] =	stream.linear.scatter [tilespmem:s11], [sflag:$0x5], $0x2D00, $0x38;
	[tilespmem:$0x1FAB0] =	vst v63  }
0x44: {  	_ =	swait.ge [sflag:s14], $0x2D00  }
0x45: {  	[sflag:s14] =	ssyncset.done $0x0  }
0x46: {  	s28 =	rddreg [dreg:$0x10];
	[sflag:s14] =	ssyncadd.s32 $0xFFFFD300  }
0x47: {  	[spmem:s28] =	stream.linear.scatter [tilespmem:s11], [sflag:$0x5], $0x2D00, $0x38;
	[tilespmem:$0x1FAB0] =	vst v63  }
0x48: {  	_ =	swait.ge [sflag:s14], $0x2D00  }
0x49: {  	[sflag:s14] =	ssyncset.done $0x0  }
0x4a: {  	s28 =	rddreg [dreg:$0x11];
	[sflag:s14] =	ssyncadd.s32 $0xFFFFD300  }
0x4b: {  	[spmem:s28] =	stream.linear.scatter [tilespmem:s11], [sflag:$0x5], $0x2D00, $0x38;
	[tilespmem:$0x1FAB0] =	vst v63  }
0x4c: {  	_ =	swait.ge [sflag:s14], $0x2D00  }
0x4d: {  	[sflag:s14] =	ssyncset.done $0x0  }
0x4e: {  	s28 =	rddreg [dreg:$0x12];
	[sflag:s14] =	ssyncadd.s32 $0xFFFFD300  }
0x4f: {  	[spmem:s28] =	stream.linear.scatter [tilespmem:s11], [sflag:$0x5], $0x2D00, $0x38;
	[tilespmem:$0x1FAB0] =	vst v63  }
0x50: {  	_ =	swait.ge [sflag:s14], $0x2D00  }
0x51: {  	[sflag:s14] =	ssyncset.done $0x0  }
0x52: {  	s28 =	rddreg [dreg:$0x13];
	[sflag:s14] =	ssyncadd.s32 $0xFFFFD300  }
0x53: {  	[spmem:s28] =	stream.linear.scatter [tilespmem:s11], [sflag:$0x5], $0x2D00, $0x38;
	[tilespmem:$0x1FAB0] =	vst v63  }
0x54: {  	_ =	swait.ge [sflag:s14], $0x2D00  }
0x55: {  	[sflag:s14] =	ssyncset.done $0x0  }
0x56: {  	s28 =	simm.s32 @!p0 $0x220;
	s29 =	rddreg [dreg:$0x14];
	[sflag:s14] =	ssyncadd.s32 $0xFFFFD300  }
0x57: {  	[spmem:s29] =	stream.linear.scatter @!p0 [tilespmem:s28], [sflag:$0x5], $0x2D00, $0x38;
	[tilespmem:$0x1FAB0] =	vst v63  }
0x58: {  	s28 =	simm.s32 @!p0 $0x5  }
0x59: {  	_ =	swait.ge @!p0 [sflag:s28], $0x2D00  }
0x5a: {  	[sflag:s28] =	ssyncset.done @!p0 $0x0  }
0x5b: {  	[sflag:s28] =	ssyncadd.s32 @!p0 $0xFFFFD300  }
0x5c: {  	[bflag:$0x0] =	sbarrier.arrive $0xFFFF  }
0x5d: {  	_ =	swait.ge [sflag:s16], $0x100  }
0x5e: {  	[sflag:s16] =	ssyncset.done $0x0  }
0x5f: {  	[sflag:s16] =	ssyncadd.s32 $0xFFFFFF00  }
0x60: {  	[tilespmem:s11], [sflag:$0x3] =	stream.indirect.gather [hbm4b:s12+s6], $0x90, s1, s6, $0xb8;
	[tilespmem:$0x1FAB0] =	vst v63  }
0x61: {  	_ =	swait.ge [sflag:s17], $0x4800  }
0x62: {  	[sflag:s17] =	ssyncset.done $0x0  }
0x63: {  	[sflag:s17] =	ssyncadd.s32 $0xFFFFB800  }
0x64: {  	_ =	swait.ge [sflag:s18], $0x100  }
0x65: {  	[sflag:s18] =	ssyncset.done $0x0  }
0x66: {  	[sflag:s18] =	ssyncadd.s32 $0xFFFFFF00  }
0x67: {  	[tilespmem:s19], [sflag:$0x4] =	stream.indirect.gather [hbm4b:s12+s6], $0x90, s10, s6, $0xb8;
	[tilespmem:$0x1FAB0] =	vst v63  }
0x68: {  	_ = 	snop  }
0x69: {  	[spmem:s9] =	stream.indirect.scatter.add.f32 [tilespmem:s11], [sflag:$0x5], $0x90, s6, s6, $0xb8;
	[tilespmem:$0x1FAB0] =	vst v63  }
0x6a: {  	_ =	swait.ge [sflag:s14], $0x4800  }
0x6b: {  	s28 =	sshrl.u32 s26, $0x3;
	[sflag:s14] =	ssyncset.done $0x0  }
0x6c: {  	s28 =	sadd.s32 s13, s28;
	[sflag:s14] =	ssyncadd.s32 $0xFFFFB800  }
0x6d: {  	[tilespmem:s1], [sflag:$0x1] =	stream.strided.gather [hbm4b:s28+s6], $0x100, s7, s6, $0x38;
	[tilespmem:$0x1FAB0] =	vst v63  }
0x6e: {  	_ =	swait.ge [sflag:s20], $0x4800  }
0x6f: {  	[sflag:s20] =	ssyncset.done $0x0  }
0x70: {  	[sflag:s20] =	ssyncadd.s32 $0xFFFFB800  }
0x71: {  	_ =	swait.ge [sflag:s16], $0x100  }
0x72: {  	[sflag:s16] =	ssyncset.done $0x0  }
0x73: {  	[sflag:s16] =	ssyncadd.s32 $0xFFFFFF00  }
0x74: {  	[tilespmem:s11], [sflag:$0x3] =	stream.indirect.gather [hbm4b:s12+s6], $0x90, s1, s6, $0xb8;
	[tilespmem:$0x1FAB0] =	vst v63  }
0x75: {  	_ = 	snop  }
0x76: {  	[spmem:s9] =	stream.indirect.scatter.add.f32 [tilespmem:s19], [sflag:$0x5], $0x90, s15, s6, $0xb8;
	[tilespmem:$0x1FAB0] =	vst v63  }
0x77: {  	_ =	swait.ge [sflag:s14], $0x4800  }
0x78: {  	s30 =	sadd.s32 $0x0, s25;
	[sflag:s14] =	ssyncset.done $0x0  }
0x79: {  	s29 =	sadd.s32 $0x100, s26;
	s28 =	simm.s32 $0x20;
	[sflag:s14] =	ssyncadd.s32 $0xFFFFB800  }
.LBB2_2:
0x7a: {  	[tilespmem:s10], [sflag:$0x2] =	stream.strided.gather [hbm4b:s30+s6], $0x100, s7, s6, $0x38;
	[tilespmem:$0x1FAB0] =	vst v63  }
0x7b: {  	s30 =	smov.u32 s28  }
0x7c: {  	p1 =	sne.s32 s28, $0x4A0;
	s28 =	sadd.s32 $0x20, s28;
	_ =	swait.ge [sflag:s17], $0x4800  }
0x7d: {  	[sflag:s17] =	ssyncset.done $0x0  }
0x7e: {  	[sflag:s17] =	ssyncadd.s32 $0xFFFFB800  }
0x7f: {  	_ =	swait.ge [sflag:s18], $0x100  }
0x80: {  	[sflag:s18] =	ssyncset.done $0x0  }
0x81: {  	[sflag:s18] =	ssyncadd.s32 $0xFFFFFF00  }
0x82: {  	[tilespmem:s19], [sflag:$0x4] =	stream.indirect.gather [hbm4b:s12+s6], $0x90, s10, s6, $0xb8;
	[tilespmem:$0x1FAB0] =	vst v63  }
0x83: {  	_ = 	snop  }
0x84: {  	[spmem:s9] =	stream.indirect.scatter.add.f32 [tilespmem:s11], [sflag:$0x5], $0x90, s6, s6, $0xb8;
	[tilespmem:$0x1FAB0] =	vst v63  }
0x85: {  	_ =	swait.ge [sflag:s14], $0x4800  }
0x86: {  	s31 =	sshrl.u32 s29, $0x3;
	[sflag:s14] =	ssyncset.done $0x0  }
0x87: {  	s31 =	sadd.s32 s13, s31;
	[sflag:s14] =	ssyncadd.s32 $0xFFFFB800  }
0x88: {  	[tilespmem:s1], [sflag:$0x1] =	stream.strided.gather [hbm4b:s31+s6], $0x100, s7, s6, $0x38;
	[tilespmem:$0x1FAB0] =	vst v63  }
0x89: {  	_ =	swait.ge [sflag:s20], $0x4800  }
0x8a: {  	[sflag:s20] =	ssyncset.done $0x0  }
0x8b: {  	[sflag:s20] =	ssyncadd.s32 $0xFFFFB800  }
0x8c: {  	_ =	swait.ge [sflag:s16], $0x100  }
0x8d: {  	[sflag:s16] =	ssyncset.done $0x0  }
0x8e: {  	[sflag:s16] =	ssyncadd.s32 $0xFFFFFF00  }
0x8f: {  	[tilespmem:s11], [sflag:$0x3] =	stream.indirect.gather [hbm4b:s12+s6], $0x90, s1, s6, $0xb8;
	[tilespmem:$0x1FAB0] =	vst v63  }
.Ltmp0:
0x90: {  	(pc) =	sbr.rel @p1 .LBB2_2-.Ltmp0, $4  }
0x91: {  	[spmem:s9] =	stream.indirect.scatter.add.f32 [tilespmem:s19], [sflag:$0x5], $0x90, s15, s6, $0xb8;
	[tilespmem:$0x1FAB0] =	vst v63  }
0x92: {  	_ =	swait.ge [sflag:s14], $0x4800  }
0x93: {  	[sflag:s14] =	ssyncset.done $0x0  }
0x94: {  	s29 =	sadd.s32 $0x100, s29;
	s30 =	sadd.s32 s30, s25;
	[sflag:s14] =	ssyncadd.s32 $0xFFFFB800  }
0x95: {  	[tilespmem:s10], [sflag:$0x2] =	stream.strided.gather [hbm4b:s30+s6], $0x100, s7, s6, $0x38;
	[tilespmem:$0x1FAB0] =	vst v63  }
0x96: {  	_ =	swait.ge [sflag:s17], $0x4800  }
0x97: {  	[sflag:s17] =	ssyncset.done $0x0  }
0x98: {  	[sflag:s17] =	ssyncadd.s32 $0xFFFFB800  }
0x99: {  	_ =	swait.ge [sflag:s18], $0x100  }
0x9a: {  	[sflag:s18] =	ssyncset.done $0x0  }
0x9b: {  	[sflag:s18] =	ssyncadd.s32 $0xFFFFFF00  }
0x9c: {  	[tilespmem:s19], [sflag:$0x4] =	stream.indirect.gather [hbm4b:s12+s6], $0x90, s10, s6, $0xb8;
	[tilespmem:$0x1FAB0] =	vst v63  }
0x9d: {  	_ = 	snop  }
0x9e: {  	[spmem:s9] =	stream.indirect.scatter.add.f32 [tilespmem:s11], [sflag:$0x5], $0x90, s6, s6, $0xb8;
	[tilespmem:$0x1FAB0] =	vst v63  }
0x9f: {  	_ =	swait.ge [sflag:s14], $0x4800  }
0xa0: {  	[sflag:s14] =	ssyncset.done $0x0  }
0xa1: {  	[sflag:s14] =	ssyncadd.s32 $0xFFFFB800  }
0xa2: {  	[tilespmem:s22], [sflag:$0x5] =	stream.strided.gather [hbm4b:s5+s21], $0x20, s7, s21, $0x38;
	[tilespmem:$0x1FAB0] =	vst v63  }
0xa3: {  	_ =	swait.ge [sflag:s14], $0x20  }
0xa4: {  	[sflag:s14] =	ssyncset.done $0x0  }
0xa5: {  	[sflag:s14] =	ssyncadd.s32 $0xFFFFFFE0  }
0xa6: {  	_ =	swait.ge [sflag:s20], $0x4800  }
0xa7: {  	[sflag:s20] =	ssyncset.done $0x0  }
0xa8: {  	[sflag:s20] =	ssyncadd.s32 $0xFFFFB800  }
0xa9: {  	[tilespmem:s23], [sflag:$0x3] =	stream.indirect.gather [hbm4b:s12+s21], $0x90, s22, s21, $0xb8;
	[tilespmem:$0x1FAB0] =	vst v63  }
0xaa: {  	_ = 	snop  }
0xab: {  	[spmem:s9] =	stream.indirect.scatter.add.f32 [tilespmem:s19], [sflag:$0x5], $0x90, s15, s6, $0xb8;
	[tilespmem:$0x1FAB0] =	vst v63  }
0xac: {  	_ =	swait.ge [sflag:s14], $0x4800  }
0xad: {  	[sflag:s14] =	ssyncset.done $0x0  }
0xae: {  	[sflag:s14] =	ssyncadd.s32 $0xFFFFB800  }
0xaf: {  	_ =	swait.ge [sflag:s17], $0x900  }
0xb0: {  	[sflag:s17] =	ssyncset.done $0x0  }
0xb1: {  	s28 =	simm.s32 $0x210;
	[sflag:s17] =	ssyncadd.s32 $0xFFFFF700  }
0xb2: {  	[spmem:s9] =	stream.indirect.scatter.add.f32 [tilespmem:s23], [sflag:$0x5], $0x90, s28, s21, $0xb8;
	[tilespmem:$0x1FAB0] =	vst v63  }
0xb3: {  	_ =	swait.ge [sflag:s14], $0x900  }
0xb4: {  	[sflag:s14] =	ssyncset.done $0x0  }
0xb5: {  	[sflag:s14] =	ssyncadd.s32 $0xFFFFF700  }
0xb6: {  	s30 =	stileid.u32;
	[bflag:$0x0] =	sbarrier.arrive $0xFFFF  }
0xb7: {  	s28 =	sshll.u32 s30, $0x6;
	s29 =	rddreg [dreg:$0x3]  }
0xb8: {  	s28 =	sor.u32 $0x1C05, s28;
	s31 =	rddreg [dreg:$0x15]  }
0xb9: {  	[hbm:s29], [sflag:s28] =	dma.local [spmem:s31], $0x5A0  }
0xba: {  	_ =	swait.ge [sflag:s14], $0x5A0  }
0xbb: {  	[sflag:s14] =	ssyncset.done $0x0;
	s29 =	rddreg [dreg:$0x4]  }
0xbc: {  	s31 =	rddreg [dreg:$0x16];
	[sflag:s14] =	ssyncadd.s32 $0xFFFFFA60  }
0xbd: {  	[hbm:s29], [sflag:s28] =	dma.local [spmem:s31], $0x5A0  }
0xbe: {  	_ =	swait.ge [sflag:s14], $0x5A0  }
0xbf: {  	[sflag:s14] =	ssyncset.done $0x0;
	s29 =	rddreg [dreg:$0x5]  }
0xc0: {  	s31 =	rddreg [dreg:$0x17];
	[sflag:s14] =	ssyncadd.s32 $0xFFFFFA60  }
0xc1: {  	[hbm:s29], [sflag:s28] =	dma.local [spmem:s31], $0x5A0  }
0xc2: {  	_ =	swait.ge [sflag:s14], $0x5A0  }
0xc3: {  	[sflag:s14] =	ssyncset.done $0x0;
	s29 =	rddreg [dreg:$0x6]  }
0xc4: {  	s31 =	rddreg [dreg:$0x18];
	[sflag:s14] =	ssyncadd.s32 $0xFFFFFA60  }
0xc5: {  	[hbm:s29], [sflag:s28] =	dma.local [spmem:s31], $0x5A0  }
0xc6: {  	_ =	swait.ge [sflag:s14], $0x5A0  }
0xc7: {  	[sflag:s14] =	ssyncset.done $0x0;
	s29 =	rddreg [dreg:$0x7]  }
0xc8: {  	s31 =	rddreg [dreg:$0x19];
	[sflag:s14] =	ssyncadd.s32 $0xFFFFFA60  }
0xc9: {  	[hbm:s29], [sflag:s28] =	dma.local [spmem:s31], $0x5A0  }
0xca: {  	_ =	swait.ge [sflag:s14], $0x5A0  }
0xcb: {  	[sflag:s14] =	ssyncset.done $0x0  }
0xcc: {  	s31 =	rddreg [dreg:$0x8];
	[sflag:s14] =	ssyncadd.s32 $0xFFFFFA60  }
0xcd: {  	[hbm:s31], [sflag:s28] =	dma.local [spmem:s0], $0x5A0  }
0xce: {  	_ =	swait.ge [sflag:s14], $0x5A0  }
0xcf: {  	[sflag:s14] =	ssyncset.done $0x0  }
0xd0: {  	s30 =	rddreg [dreg:$0x9];
	[sflag:s14] =	ssyncadd.s32 $0xFFFFFA60  }
0xd1: {  	[hbm:s30], [sflag:s28] =	dma.local [spmem:s2], $0x5A0  }
0xd2: {  	_ =	swait.ge [sflag:s14], $0x5A0  }
0xd3: {  	[sflag:s14] =	ssyncset.done $0x0  }
0xd4: {  	s29 =	rddreg [dreg:$0xa];
	[sflag:s14] =	ssyncadd.s32 $0xFFFFFA60  }
0xd5: {  	[hbm:s29], [sflag:s28] =	dma.local @!p0 [spmem:s3], $0x5A0  }
0xd6: {  	s28 =	simm.s32 @!p0 $0x5  }
0xd7: {  	_ =	swait.ge @!p0 [sflag:s28], $0x5A0  }
0xd8: {  	s24 =	sadd.s32 $0x1, s24;
	s31 =	rddreg [dreg:$0xc]  }
0xd9: {  	p1 =	sne.s32 s24, s31  }
.Ltmp1:
0xda: {  	_ = 	snop;
	(pc) =	sbr.rel @p1 .LBB2_1-.Ltmp1, $3  }
0xdb: {  	_ =	sdelay $0x1  }
0xdc: {  	[sflag:s28] =	ssyncset.done @!p0 $0x0  }
0xdd: {  	[sflag:s28] =	ssyncadd.s32 @!p0 $0xFFFFFA60  }
0xde: {  	_ =	sfence.sel $0x180000  }
0xdf: {  	[bflag:$0x0] =	sbarrier.arrive $0xFFFF  }
0xe0: {  	_ =	strace $0x90000053  }
0xe1: {  	s0 =	stileid.u32;
	[bflag:$0x2] =	sbarrier.arrive $0xFFFF  }
0xe2: {  	p0 =	sne.s32 s0, $0x0;
	s0 =	rddreg [dreg:$0x2]  }
0xe3: {  	s0 =	sadd.s32 @!p0 $0x100000, s0  }
0xe4: {  	[sflag:s0] =	ssyncadd.tile.s32 @!p0 $0x1;
	_ =	shalt  }
.Lfunc_end2:
_tile_overlayer_lowered:
.L_overlay_start_2:
0xe5: {  	(tag) =	ssettag $0x2  }
0xe6: {  	s0 =	rddreg [dreg:$0x0];
	s2 =	stileid.u32  }
0xe7: {  	s1 =	rddreg [dreg:$0x1];
	p0 =	sne.s32 s2, $0x0  }
0xe8: {  	s3 =	rddreg [dreg:$0x2];
	[bflag:$0x3] =	sbarrier.arrive $0xFFFF;
	s2 =	simm.s32 @!p0 $0x1C05  }
0xe9: {  	[timem:s3], [sflag:s2] =	dma.local @!p0 [hbm:s0], s1  }
0xea: {  	s0 =	simm.s32 @!p0 $0x5  }
0xeb: {  	_ =	swait.ge @!p0 [sflag:s0], s1  }
0xec: {  	s1 =	ssub.s32 @!p0 $0x0, s1;
	[sflag:s0] =	ssyncset.done @!p0 $0x0  }
0xed: {  	[sflag:s0] =	ssyncadd.s32 @!p0 s1  }
0xee: {  	[bflag:$0x3] =	sbarrier.arrive $0xFFFF  }
0xef: {  	_ =	shalt  }

</sc_bundles>
